<compile_context>
chip_gen: v7x
topology: tpu7x:2x2x1
jax: 0.10.2.dev20260603
libtpu: 0.0.44.dev20260713+nightly
codegen_flags: <defaults>
</compile_context>

<pallas_src>
import functools

import jax
import jax.numpy as jnp
from jax import lax
from jax.experimental import pallas as pl
from jax.experimental.pallas import tpu as pltpu
from jax.experimental.pallas import tpu_sc as plsc

N = 10000
F = 128
E = 320000
E_H = E // 2
NTILES = 32
EPT = E_H // NTILES
CHUNK = 40
NCHUNK = EPT // CHUNK
GCHUNK = 128
GNCHUNK = EPT // GCHUNK
GTAIL = EPT - GNCHUNK * GCHUNK
NPAD = 10240
RPS = NPAD // 16
_EPS = 1e-5

BN = 2000
BE = 5000


def _gn(x, g, b):
    m = jnp.mean(x, axis=-1, keepdims=True)
    ms = jnp.mean(x * x, axis=-1, keepdims=True)
    v = ms - m * m
    return (x - m) * lax.rsqrt(v + _EPS) * g + b


def _bdot(a, b):
    return jnp.dot(a, b, preferred_element_type=jnp.float32)




def _node_pre_body(x_ref, wq, bq, gq, hq, wc1q, wc1w, wagt,
                   qc_ref, wc_ref, ob_ref):
    x = x_ref[...]
    q = _bdot(x, wq[...]) + bq[...]
    q = jnp.maximum(_gn(q, gq[...], hq[...]), 0.0)
    qc_ref[...] = _bdot(q, wc1q[...])
    wc_ref[...] = _bdot(x, wc1w[...])
    ob_ref[...] = _bdot(x, wagt[...])


_blk = lambda shape: pl.BlockSpec(shape, lambda i: (0, 0))
_row = lambda b: pl.BlockSpec((b, F), lambda i: (i, 0))

_node_pre = pl.pallas_call(
    _node_pre_body,
    grid=(N // BN,),
    in_specs=[_row(BN), _blk((F, F)), _blk((1, F)), _blk((1, F)), _blk((1, F)),
              _blk((F, F)), _blk((F, F)), _blk((F, F))],
    out_specs=[_row(BN), _row(BN), _row(BN)],
    out_shape=[jax.ShapeDtypeStruct((N, F), jnp.float32)] * 3,
)


def _edge_body(d2_ref, qg_ref, wg_ref, wd1, bd1, gd1, hd1, wd2, bd2, gd2, hd2,
               wc1d, bc1, gc1, hc1, wc2, c_ref):
    d2 = d2_ref[...]
    h = _bdot(d2, wd1[...]) + bd1[...]
    h = jnp.maximum(_gn(h, gd1[...], hd1[...]), 0.0)
    h = _bdot(h, wd2[...]) + bd2[...]
    h = jnp.maximum(_gn(h, gd2[...], hd2[...]), 0.0)
    e = _bdot(h, wc1d[...]) + qg_ref[...] + wg_ref[...] + bc1[...]
    e = jnp.maximum(_gn(e, gc1[...], hc1[...]), 0.0)
    c_ref[...] = _bdot(e, wc2[...])


_edge_tc = pl.pallas_call(
    _edge_body,
    grid=(E_H // BE,),
    in_specs=[pl.BlockSpec((BE, 2), lambda i: (i, 0)), _row(BE), _row(BE),
              _blk((2, F)), _blk((1, F)), _blk((1, F)), _blk((1, F)),
              _blk((F, F)), _blk((1, F)), _blk((1, F)), _blk((1, F)),
              _blk((F, F)), _blk((1, F)), _blk((1, F)), _blk((1, F)),
              _blk((F, F))],
    out_specs=_row(BE),
    out_shape=jax.ShapeDtypeStruct((E_H, F), jnp.float32),
)


def _node_post_body(ob_ref, a0_ref, a1_ref, a2_ref, a3_ref, res_ref,
                    gng, gnb, wl, bl, gl, hl, out_ref):
    o = (ob_ref[...] + a0_ref[...] + a1_ref[...]
         + a2_ref[...] + a3_ref[...])
    o = jnp.maximum(_gn(o, gng[...], gnb[...]), 0.0)
    o = _bdot(o, wl[...]) + bl[...]
    o = _gn(o, gl[...], hl[...])
    out_ref[...] = jnp.maximum(o + res_ref[...], 0.0)


_node_post = pl.pallas_call(
    _node_post_body,
    grid=(N // BN,),
    in_specs=[_row(BN), _row(BN), _row(BN), _row(BN), _row(BN), _row(BN),
              _blk((1, F)), _blk((1, F)), _blk((F, F)), _blk((1, F)),
              _blk((1, F)), _blk((1, F))],
    out_specs=_row(BN),
    out_shape=jax.ShapeDtypeStruct((N, F), jnp.float32),
)


_sc_mesh = plsc.VectorSubcoreMesh(core_axis_name="c", subcore_axis_name="s")
_sc_params = pltpu.CompilerParams(needs_layout_passes=False)


def _gather_scratch(with_d2):
    s = []
    if with_d2:
        s += [pltpu.VMEM((2 * N,), jnp.float32),
              pltpu.VMEM((2 * EPT,), jnp.float32)]
    s += [pltpu.VMEM((EPT,), jnp.int32),
          pltpu.VMEM((EPT,), jnp.int32),
          pltpu.VMEM((GCHUNK, F), jnp.float32),
          pltpu.VMEM((GCHUNK, F), jnp.float32),
          pltpu.VMEM((GCHUNK, F), jnp.float32),
          pltpu.VMEM((GCHUNK, F), jnp.float32)]
    s += [pltpu.SemaphoreType.DMA] * 8
    return s


def _gather_pipeline(base, h1, w1, qc, wc, qg_out, wg_out, bq, bw, sgq, sgw,
                     swq, sww, mid_work):
    def gather(tbl, idx1, cj, buf, sem):
        pltpu.async_copy(tbl.at[idx1.at[pl.ds(cj * GCHUNK, GCHUNK)]], buf, sem)

    def wait_gather(tbl, idx1, cj, buf, sem):
        pltpu.make_async_copy(tbl.at[idx1.at[pl.ds(cj * GCHUNK, GCHUNK)]],
                              buf, sem).wait()

    def write(out, cj, buf, sem):
        pltpu.async_copy(buf, out.at[pl.ds(base + cj * GCHUNK, GCHUNK), :],
                         sem)

    def wait_write(out, cj, buf, sem):
        pltpu.make_async_copy(buf,
                              out.at[pl.ds(base + cj * GCHUNK, GCHUNK), :],
                              sem).wait()

    for b in range(2):
        gather(qc, h1, b, bq[b], sgq[b])
        gather(wc, w1, b, bw[b], sgw[b])

    mid_work()

    def pair(i, carry):
        j = i * 2
        for b in range(2):
            cj = j + b
            wait_gather(qc, h1, cj, bq[b], sgq[b])
            write(qg_out, cj, bq[b], swq[b])
            wait_gather(wc, w1, cj, bw[b], sgw[b])
            write(wg_out, cj, bw[b], sww[b])
        for b in range(2):
            cj = j + 2 + b

            @pl.when(cj < GNCHUNK)
            def _issue(cj=cj, b=b):
                wait_write(qg_out, cj, bq[b], swq[b])
                gather(qc, h1, cj, bq[b], sgq[b])
                wait_write(wg_out, cj, bw[b], sww[b])
                gather(wc, w1, cj, bw[b], sgw[b])

        return carry

    lax.fori_loop(0, (GNCHUNK - 1) // 2, pair, 0)

    last = GNCHUNK - 1
    wait_gather(qc, h1, last, bq[0], sgq[0])
    write(qg_out, last, bq[0], swq[0])
    wait_gather(wc, w1, last, bw[0], sgw[0])
    write(wg_out, last, bw[0], sww[0])
    wait_write(qg_out, last, bq[0], swq[0])
    wait_write(wg_out, last, bw[0], sww[0])
    wait_write(qg_out, last - 1, bq[1], swq[1])
    wait_write(wg_out, last - 1, bw[1], sww[1])

    toff = EPT - GTAIL
    bqs = bq[0].at[pl.ds(0, GTAIL), :]
    bws = bw[0].at[pl.ds(0, GTAIL), :]
    pltpu.async_copy(qc.at[h1.at[pl.ds(toff, GTAIL)]], bqs, sgq[0])
    pltpu.async_copy(wc.at[w1.at[pl.ds(toff, GTAIL)]], bws, sgw[0])
    pltpu.make_async_copy(qc.at[h1.at[pl.ds(toff, GTAIL)]], bqs, sgq[0]).wait()
    pltpu.make_async_copy(wc.at[w1.at[pl.ds(toff, GTAIL)]], bws, sgw[0]).wait()
    pltpu.sync_copy(bqs, qg_out.at[pl.ds(base + toff, GTAIL), :])
    pltpu.sync_copy(bws, wg_out.at[pl.ds(base + toff, GTAIL), :])


@functools.partial(
    pl.kernel, mesh=_sc_mesh, compiler_params=_sc_params,
    out_type=[jax.ShapeDtypeStruct((2 * E_H,), jnp.float32),
              jax.ShapeDtypeStruct((E_H, F), jnp.float32),
              jax.ShapeDtypeStruct((E_H, F), jnp.float32)],
    scratch_types=_gather_scratch(True),
)
def _sc_gather_d2(hif, wif, ctrs, qc, wc, d2_out, qg_out, wg_out,
                  ctrs_v, d2_v, h1, w1, bq0, bq1, bw0, bw1,
                  sgq0, sgq1, sgw0, sgw1, swq0, swq1, sww0, sww1):
    w = lax.axis_index("c") * 16 + lax.axis_index("s")
    base = w * EPT
    pltpu.sync_copy(hif.at[pl.ds(base, EPT)], h1)
    pltpu.sync_copy(wif.at[pl.ds(base, EPT)], w1)

    def mid_work():
        pltpu.sync_copy(ctrs, ctrs_v)
        iota16 = lax.iota(jnp.int32, 16)
        one16 = jnp.full((16,), 1, jnp.int32)

        def d2_body(g, carry):
            h16 = 2 * h1[pl.ds(g * 16, 16)]
            w16 = 2 * w1[pl.ds(g * 16, 16)]
            xh = plsc.load_gather(ctrs_v, [h16])
            yh = plsc.load_gather(ctrs_v, [h16 + one16])
            xw = plsc.load_gather(ctrs_v, [w16])
            yw = plsc.load_gather(ctrs_v, [w16 + one16])
            r16 = 2 * (g * 16 + iota16)
            plsc.store_scatter(d2_v, [r16], xh - xw)
            plsc.store_scatter(d2_v, [r16 + one16], yh - yw)
            return carry

        lax.fori_loop(0, EPT // 16, d2_body, 0)
        pltpu.sync_copy(d2_v, d2_out.at[pl.ds(2 * base, 2 * EPT)])

    _gather_pipeline(base, h1, w1, qc, wc, qg_out, wg_out,
                     [bq0, bq1], [bw0, bw1], [sgq0, sgq1], [sgw0, sgw1],
                     [swq0, swq1], [sww0, sww1], mid_work)


@functools.partial(
    pl.kernel, mesh=_sc_mesh, compiler_params=_sc_params,
    out_type=[jax.ShapeDtypeStruct((E_H, F), jnp.float32),
              jax.ShapeDtypeStruct((E_H, F), jnp.float32)],
    scratch_types=_gather_scratch(False),
)
def _sc_gather_qw(hif, wif, qc, wc, qg_out, wg_out,
                  h1, w1, bq0, bq1, bw0, bw1,
                  sgq0, sgq1, sgw0, sgw1, swq0, swq1, sww0, sww1):
    w = lax.axis_index("c") * 16 + lax.axis_index("s")
    base = w * EPT
    pltpu.sync_copy(hif.at[pl.ds(base, EPT)], h1)
    pltpu.sync_copy(wif.at[pl.ds(base, EPT)], w1)
    _gather_pipeline(base, h1, w1, qc, wc, qg_out, wg_out,
                     [bq0, bq1], [bw0, bw1], [sgq0, sgq1], [sgw0, sgw1],
                     [swq0, swq1], [sww0, sww1], lambda: None)


@functools.partial(
    pl.kernel, mesh=_sc_mesh, compiler_params=_sc_params,
    out_type=jax.ShapeDtypeStruct((2, NPAD, F), jnp.float32),
    scratch_types=[pltpu.VMEM((NCHUNK, CHUNK), jnp.int32),
                   pltpu.VMEM((CHUNK, F), jnp.float32),
                   pltpu.VMEM((CHUNK, F), jnp.float32),
                   pltpu.VMEM_SHARED((NPAD, F), jnp.float32),
                   pltpu.SemaphoreType.DMA,
                   pltpu.SemaphoreType.DMA],
)
def _sc_scatter(hi3, c_in, zeros_nf, acc_out, h2, rb0, rb1, acc_sh, s0, s1):
    cid = lax.axis_index("c")
    sid = lax.axis_index("s")
    w = cid * 16 + sid
    bufs = [rb0, rb1]
    sems = [s0, s1]

    def load(cj, b):
        pltpu.async_copy(c_in.at[pl.ds(w * EPT + cj * CHUNK, CHUNK), :],
                         bufs[b], sems[b])

    def wait_load(cj, b):
        pltpu.make_async_copy(c_in.at[pl.ds(w * EPT + cj * CHUNK, CHUNK), :],
                              bufs[b], sems[b]).wait()

    load(0, 0)
    pltpu.sync_copy(zeros_nf.at[pl.ds(sid * RPS, RPS), :],
                    acc_sh.at[pl.ds(sid * RPS, RPS), :])
    pltpu.sync_copy(hi3.at[w], h2)
    plsc.subcore_barrier()

    def pair(i, carry):
        j = i * 2
        for b in range(2):
            cj = j + b

            @pl.when(cj + 1 < NCHUNK)
            def _prefetch(cj=cj, b=b):
                load(cj + 1, 1 - b)

            wait_load(cj, b)
            pltpu.sync_copy(bufs[b], acc_sh.at[h2.at[cj]], add=True)
        return carry

    lax.fori_loop(0, (NCHUNK - 1) // 2, pair, 0)
    last = NCHUNK - 1
    wait_load(last, 0)
    pltpu.sync_copy(bufs[0], acc_sh.at[h2.at[last]], add=True)
    plsc.subcore_barrier()
    pltpu.sync_copy(acc_sh.at[pl.ds(sid * RPS, RPS), :],
                    acc_out.at[cid, pl.ds(sid * RPS, RPS), :])


def kernel(actors, actor_ctrs, edge_index, params):
    hi = edge_index[0].astype(jnp.int32)
    wi = edge_index[1].astype(jnp.int32)
    hih = [hi[:E_H], hi[E_H:]]
    wih = [wi[:E_H], wi[E_H:]]
    hi3h = [h.reshape(NTILES, NCHUNK, CHUNK) for h in hih]
    ctrs = actor_ctrs.astype(jnp.float32).reshape(-1)
    zeros_nf = jnp.zeros((NPAD, F), jnp.float32)

    x = actors
    d2h = [None, None]
    for p in params:
        r = lambda v: v.reshape(1, F)
        qc, wcv, ob = _node_pre(x, p['Wq'], r(p['bq']), r(p['gq']),
                                r(p['hq']), p['Wc1'][F:2 * F],
                                p['Wc1'][2 * F:3 * F], p['Wagt'])
        gath = []
        for s in range(2):
            if d2h[s] is None:
                d2h[s], qg, wg = _sc_gather_d2(hih[s], wih[s], ctrs, qc, wcv)
            else:
                qg, wg = _sc_gather_qw(hih[s], wih[s], qc, wcv)
            gath.append((qg, wg))
        accs = []
        for s in range(2):
            qg, wg = gath[s]
            c = _edge_tc(d2h[s].reshape(E_H, 2), qg, wg,
                         p['Wd1'], r(p['bd1']), r(p['gd1']), r(p['hd1']),
                         p['Wd2'], r(p['bd2']), r(p['gd2']), r(p['hd2']),
                         p['Wc1'][0:F], r(p['bc1']), r(p['gc1']), r(p['hc1']),
                         p['Wc2'])
            accs.append(_sc_scatter(hi3h[s], c, zeros_nf))
        x = _node_post(ob, accs[0][0], accs[0][1], accs[1][0], accs[1][1], x,
                       r(p['gn_g']), r(p['gn_b']),
                       p['Wl'], r(p['bl']), r(p['gl']), r(p['hl']))
    return x

# --- scband reference (transcript-rebuilt; emitter-appended) ---
"""Pipeline reference for scband-lane-gcn-84275848282231 (READ-ONLY COPY).

The authoritative reference and input builder live on the scoring server;
editing this copy changes nothing except your own understanding.
"""

import jax, jax.numpy as jnp
import numpy as np

N_NODES = 10000
N_FEAT = 128
N_EDGES = 320000


def _gn(x, g, b, eps=1e-5):
    # GroupNorm with ng=1 over the channel dim (per-row normalization)
    m = jnp.mean(x, axis=-1, keepdims=True)
    v = jnp.var(x, axis=-1, keepdims=True)
    return (x - m) / jnp.sqrt(v + eps) * g + b


def _make_att_params(key, n):
    ks = jax.random.split(key, 7)
    def lin(k, fi, fo):
        return jax.random.normal(k, (fi, fo), dtype=jnp.float32) * (1.0 / np.sqrt(fi))
    z = lambda: jnp.zeros((n,), jnp.float32)
    o = lambda: jnp.ones((n,), jnp.float32)
    return {
        'Wd1': lin(ks[0], 2, n),   'bd1': z(), 'gd1': o(), 'hd1': z(),
        'Wd2': lin(ks[1], n, n),   'bd2': z(), 'gd2': o(), 'hd2': z(),
        'Wq':  lin(ks[2], n, n),   'bq':  z(), 'gq':  o(), 'hq':  z(),
        'Wc1': lin(ks[3], 3 * n, n), 'bc1': z(), 'gc1': o(), 'hc1': z(),
        'Wc2': lin(ks[4], n, n),
        'Wagt': lin(ks[5], n, n),
        'gn_g': o(), 'gn_b': z(),
        'Wl': lin(ks[6], n, n), 'bl': z(), 'gl': o(), 'hl': z(),
    }


def _att(agts, ctrs, hi, wi, p):
    # LaneGCN spatial attention (Att) layer: gather neighbor feats by edge,
    # mix with relative-position embedding, scatter-add back to dst nodes.
    res = agts
    d = ctrs[hi] - ctrs[wi]
    d = jax.nn.relu(_gn(d @ p['Wd1'] + p['bd1'], p['gd1'], p['hd1']))
    d = jax.nn.relu(_gn(d @ p['Wd2'] + p['bd2'], p['gd2'], p['hd2']))
    q = jax.nn.relu(_gn(agts[hi] @ p['Wq'] + p['bq'], p['gq'], p['hq']))
    c = jnp.concatenate([d, q, agts[wi]], axis=1)
    c = jax.nn.relu(_gn(c @ p['Wc1'] + p['bc1'], p['gc1'], p['hc1']))
    c = c @ p['Wc2']
    out = agts @ p['Wagt']
    out = out.at[hi].add(c)
    out = jax.nn.relu(_gn(out, p['gn_g'], p['gn_b']))
    out = _gn(out @ p['Wl'] + p['bl'], p['gl'], p['hl'])
    out = jax.nn.relu(out + res)
    return out


def setup_inputs(seed: int = 0) -> dict:
    key = jax.random.key(seed)
    k1, k2, k3, k4, k5 = jax.random.split(key, 5)
    actors = jax.random.normal(k1, (N_NODES, N_FEAT), dtype=jnp.float32)
    actor_ctrs = jax.random.normal(k2, (N_NODES, 2), dtype=jnp.float32) * 50.0
    edge_index = jax.random.randint(k3, (2, N_EDGES), 0, N_NODES)
    params = [_make_att_params(k4, N_FEAT), _make_att_params(k5, N_FEAT)]
    return {'actors': actors, 'actor_ctrs': actor_ctrs, 'edge_index': edge_index, 'params': params}


def reference(actors, actor_ctrs, edge_index, params):
    hi = edge_index[0]
    wi = edge_index[1]
    x = actors
    for p in params:
        x = _att(x, actor_ctrs, hi, wi, p)
    return x

if __name__ == "__main__":
    import jax
    _d = setup_inputs()
    print(jax.jit(kernel)(*tuple(_d.values())))

</pallas_src>

<mosaic_0001>
#map = affine_map<(d0, d1) -> (0)>
#map1 = affine_map<(d0, d1) -> (0, 0)>
module attributes {stable_mosaic.version = 14 : i64} {
  func.func @_sc_gather_d2(%arg0: i32, %arg1: i32, %arg2: memref<160000xi32, #tpu.memory_space<hbm>>, %arg3: memref<160000xi32, #tpu.memory_space<hbm>>, %arg4: memref<20000xf32, #tpu.memory_space<hbm>>, %arg5: memref<10000x128xf32, #tpu.memory_space<hbm>>, %arg6: memref<10000x128xf32, #tpu.memory_space<hbm>>, %arg7: memref<320000xf32, #tpu.memory_space<hbm>>, %arg8: memref<160000x128xf32, #tpu.memory_space<hbm>>, %arg9: memref<160000x128xf32, #tpu.memory_space<hbm>>, %arg10: memref<20000xf32, #tpu.memory_space<vmem>>, %arg11: memref<10000xf32, #tpu.memory_space<vmem>>, %arg12: memref<5000xi32, #tpu.memory_space<vmem>>, %arg13: memref<5000xi32, #tpu.memory_space<vmem>>, %arg14: memref<128x128xf32, #tpu.memory_space<vmem>>, %arg15: memref<128x128xf32, #tpu.memory_space<vmem>>, %arg16: memref<128x128xf32, #tpu.memory_space<vmem>>, %arg17: memref<128x128xf32, #tpu.memory_space<vmem>>, %arg18: memref<!tpu.dma_semaphore, #tpu.memory_space<semaphore_mem>>, %arg19: memref<!tpu.dma_semaphore, #tpu.memory_space<semaphore_mem>>, %arg20: memref<!tpu.dma_semaphore, #tpu.memory_space<semaphore_mem>>, %arg21: memref<!tpu.dma_semaphore, #tpu.memory_space<semaphore_mem>>, %arg22: memref<!tpu.dma_semaphore, #tpu.memory_space<semaphore_mem>>, %arg23: memref<!tpu.dma_semaphore, #tpu.memory_space<semaphore_mem>>, %arg24: memref<!tpu.dma_semaphore, #tpu.memory_space<semaphore_mem>>, %arg25: memref<!tpu.dma_semaphore, #tpu.memory_space<semaphore_mem>>) attributes {dimension_semantics = [#tpu.dimension_semantics<core_parallel>, #tpu.dimension_semantics<subcore_parallel>], iteration_bounds = array<i64: 2, 16>, scalar_prefetch = 0 : i64, scratch_operands = 16 : i64, tpu.core_type = #tpu.core_type<sc_vector_subcore>, window_params = [{transform_indices = #map}, {transform_indices = #map}, {transform_indices = #map}, {transform_indices = #map1}, {transform_indices = #map1}, {transform_indices = #map}, {transform_indices = #map1}, {transform_indices = #map1}]} {
    %mul3A = arith.constant 16 : i32
    %mul3A_0 = arith.muli %arg0, %mul3A : i32
    %add3A = arith.addi %mul3A_0, %arg1 : i32
    %mul3A_1 = arith.constant 5000 : i32
    %mul3A_2 = arith.muli %add3A, %mul3A_1 : i32
    "tpu.region"() ({
      %run_scoped3A = tpu.sem_alloc : memref<!tpu.dma_semaphore, #tpu.memory_space<semaphore_mem>>
      %dma_start3A_117 = tpu.memref_slice %arg2[%mul3A_2] : memref<160000xi32, #tpu.memory_space<hbm>> -> memref<5000xi32, #tpu.memory_space<hbm>>
      %dma_start3A_118 = tpu.memref_slice %arg2[%mul3A_2] : memref<160000xi32, #tpu.memory_space<hbm>> -> memref<5000xi32, #tpu.memory_space<hbm>>
      tpu.enqueue_dma source(%dma_start3A_118 : memref<5000xi32, #tpu.memory_space<hbm>>) target(%arg12 : memref<5000xi32, #tpu.memory_space<vmem>>) target_semaphore(%run_scoped3A : memref<!tpu.dma_semaphore, #tpu.memory_space<semaphore_mem>>)
      %dma_wait3A_119 = tpu.memref_slice %arg2[%mul3A_2] : memref<160000xi32, #tpu.memory_space<hbm>> -> memref<5000xi32, #tpu.memory_space<hbm>>
      %dma_wait3A_120 = tpu.memref_slice %arg2[%mul3A_2] : memref<160000xi32, #tpu.memory_space<hbm>> -> memref<5000xi32, #tpu.memory_space<hbm>>
      tpu.wait_dma2 semaphore(%run_scoped3A : memref<!tpu.dma_semaphore, #tpu.memory_space<semaphore_mem>>) src(%dma_wait3A_120 : memref<5000xi32, #tpu.memory_space<hbm>>) dst(%arg12 : memref<5000xi32, #tpu.memory_space<vmem>>)
      tpu.yield
    }) : () -> ()
    "tpu.region"() ({
      %run_scoped3A = tpu.sem_alloc : memref<!tpu.dma_semaphore, #tpu.memory_space<semaphore_mem>>
      %dma_start3A_117 = tpu.memref_slice %arg3[%mul3A_2] : memref<160000xi32, #tpu.memory_space<hbm>> -> memref<5000xi32, #tpu.memory_space<hbm>>
      %dma_start3A_118 = tpu.memref_slice %arg3[%mul3A_2] : memref<160000xi32, #tpu.memory_space<hbm>> -> memref<5000xi32, #tpu.memory_space<hbm>>
      tpu.enqueue_dma source(%dma_start3A_118 : memref<5000xi32, #tpu.memory_space<hbm>>) target(%arg13 : memref<5000xi32, #tpu.memory_space<vmem>>) target_semaphore(%run_scoped3A : memref<!tpu.dma_semaphore, #tpu.memory_space<semaphore_mem>>)
      %dma_wait3A_119 = tpu.memref_slice %arg3[%mul3A_2] : memref<160000xi32, #tpu.memory_space<hbm>> -> memref<5000xi32, #tpu.memory_space<hbm>>
      %dma_wait3A_120 = tpu.memref_slice %arg3[%mul3A_2] : memref<160000xi32, #tpu.memory_space<hbm>> -> memref<5000xi32, #tpu.memory_space<hbm>>
      tpu.wait_dma2 semaphore(%run_scoped3A : memref<!tpu.dma_semaphore, #tpu.memory_space<semaphore_mem>>) src(%dma_wait3A_120 : memref<5000xi32, #tpu.memory_space<hbm>>) dst(%arg13 : memref<5000xi32, #tpu.memory_space<vmem>>)
      tpu.yield
    }) : () -> ()
    %dma_start3A = arith.constant 0 : i32
    %dma_start3A_3 = tpu.memref_slice %arg12[%dma_start3A] : memref<5000xi32, #tpu.memory_space<vmem>> -> memref<128xi32, #tpu.memory_space<vmem>>
    %dma_start3A_4 = arith.constant 0 : i32
    %dma_start3A_5 = arith.constant 0 : i32
    %dma_start3A_6 = tpu.memref_slice %arg5[%dma_start3A_4, %dma_start3A_5] : memref<10000x128xf32, #tpu.memory_space<hbm>> -> memref<10000x128xf32, #tpu.memory_space<hbm>>
    tpu.enqueue_indirect_dma source(%dma_start3A_6 : memref<10000x128xf32, #tpu.memory_space<hbm>>) target(%arg14 : memref<128x128xf32, #tpu.memory_space<vmem>>) offsets(%dma_start3A_3 : memref<128xi32, #tpu.memory_space<vmem>>) semaphore(%arg18 : memref<!tpu.dma_semaphore, #tpu.memory_space<semaphore_mem>>)
    %dma_start3A_7 = arith.constant 0 : i32
    %dma_start3A_8 = tpu.memref_slice %arg13[%dma_start3A_7] : memref<5000xi32, #tpu.memory_space<vmem>> -> memref<128xi32, #tpu.memory_space<vmem>>
    %dma_start3A_9 = arith.constant 0 : i32
    %dma_start3A_10 = arith.constant 0 : i32
    %dma_start3A_11 = tpu.memref_slice %arg6[%dma_start3A_9, %dma_start3A_10] : memref<10000x128xf32, #tpu.memory_space<hbm>> -> memref<10000x128xf32, #tpu.memory_space<hbm>>
    tpu.enqueue_indirect_dma source(%dma_start3A_11 : memref<10000x128xf32, #tpu.memory_space<hbm>>) target(%arg16 : memref<128x128xf32, #tpu.memory_space<vmem>>) offsets(%dma_start3A_8 : memref<128xi32, #tpu.memory_space<vmem>>) semaphore(%arg20 : memref<!tpu.dma_semaphore, #tpu.memory_space<semaphore_mem>>)
    %dma_start3A_12 = arith.constant 128 : i32
    %dma_start3A_13 = tpu.memref_slice %arg12[%dma_start3A_12] : memref<5000xi32, #tpu.memory_space<vmem>> -> memref<128xi32, #tpu.memory_space<vmem>>
    %dma_start3A_14 = arith.constant 0 : i32
    %dma_start3A_15 = arith.constant 0 : i32
    %dma_start3A_16 = tpu.memref_slice %arg5[%dma_start3A_14, %dma_start3A_15] : memref<10000x128xf32, #tpu.memory_space<hbm>> -> memref<10000x128xf32, #tpu.memory_space<hbm>>
    tpu.enqueue_indirect_dma source(%dma_start3A_16 : memref<10000x128xf32, #tpu.memory_space<hbm>>) target(%arg15 : memref<128x128xf32, #tpu.memory_space<vmem>>) offsets(%dma_start3A_13 : memref<128xi32, #tpu.memory_space<vmem>>) semaphore(%arg19 : memref<!tpu.dma_semaphore, #tpu.memory_space<semaphore_mem>>)
    %dma_start3A_17 = arith.constant 128 : i32
    %dma_start3A_18 = tpu.memref_slice %arg13[%dma_start3A_17] : memref<5000xi32, #tpu.memory_space<vmem>> -> memref<128xi32, #tpu.memory_space<vmem>>
    %dma_start3A_19 = arith.constant 0 : i32
    %dma_start3A_20 = arith.constant 0 : i32
    %dma_start3A_21 = tpu.memref_slice %arg6[%dma_start3A_19, %dma_start3A_20] : memref<10000x128xf32, #tpu.memory_space<hbm>> -> memref<10000x128xf32, #tpu.memory_space<hbm>>
    tpu.enqueue_indirect_dma source(%dma_start3A_21 : memref<10000x128xf32, #tpu.memory_space<hbm>>) target(%arg17 : memref<128x128xf32, #tpu.memory_space<vmem>>) offsets(%dma_start3A_18 : memref<128xi32, #tpu.memory_space<vmem>>) semaphore(%arg21 : memref<!tpu.dma_semaphore, #tpu.memory_space<semaphore_mem>>)
    "tpu.region"() ({
      %run_scoped3A = tpu.sem_alloc : memref<!tpu.dma_semaphore, #tpu.memory_space<semaphore_mem>>
      tpu.enqueue_dma source(%arg4 : memref<20000xf32, #tpu.memory_space<hbm>>) target(%arg10 : memref<20000xf32, #tpu.memory_space<vmem>>) target_semaphore(%run_scoped3A : memref<!tpu.dma_semaphore, #tpu.memory_space<semaphore_mem>>)
      tpu.wait_dma2 semaphore(%run_scoped3A : memref<!tpu.dma_semaphore, #tpu.memory_space<semaphore_mem>>) src(%arg4 : memref<20000xf32, #tpu.memory_space<hbm>>) dst(%arg10 : memref<20000xf32, #tpu.memory_space<vmem>>)
      tpu.yield
    }) : () -> ()
    %iota3A = tpu.iota {dimensions = array<i32: 0>} : vector<16xi32>
    %broadcast_in_dim3A = arith.constant 1 : i32
    %broadcast_in_dim3A_22 = vector.broadcast %broadcast_in_dim3A : i32 to vector<16xi32>
    %scan3A = arith.constant 0 : i32
    %scan3A_23 = arith.constant 0 : i32
    %scan3A_24 = arith.constant 312 : i32
    %scan3A_25 = arith.addi %scan3A_23, %scan3A_24 : i32
    %scan3A_26 = arith.constant 1 : i32
    scf.for %scan3A_117 = %scan3A_23 to %scan3A_25 step %scan3A_26  : i32 {
      %mul3A_118 = arith.constant 16 : i32
      %mul3A_119 = arith.muli %scan3A_117, %mul3A_118 : i32
      %get3A = arith.index_cast %mul3A_119 : i32 to index
      %get3A_120 = tpu.vector_load %arg12[%get3A] {strides = array<i32>} : memref<5000xi32, #tpu.memory_space<vmem>>, vector<16xi32>,
      %mul3A_121 = arith.constant 2 : i32
      %mul3A_122 = vector.broadcast %mul3A_121 : i32 to vector<16xi32>
      %mul3A_123 = arith.muli %mul3A_122, %get3A_120 : vector<16xi32>
      %mul3A_124 = arith.constant 16 : i32
      %mul3A_125 = arith.muli %scan3A_117, %mul3A_124 : i32
      %get3A_126 = arith.index_cast %mul3A_125 : i32 to index
      %get3A_127 = tpu.vector_load %arg13[%get3A_126] {strides = array<i32>} : memref<5000xi32, #tpu.memory_space<vmem>>, vector<16xi32>,
      %mul3A_128 = arith.constant 2 : i32
      %mul3A_129 = vector.broadcast %mul3A_128 : i32 to vector<16xi32>
      %mul3A_130 = arith.muli %mul3A_129, %get3A_127 : vector<16xi32>
      %gather3A = tpu.vector_load_idx %arg10[%mul3A_123] : memref<20000xf32, #tpu.memory_space<vmem>>[vector<16xi32>], vector<16xf32>,
      %add3A_131 = arith.addi %mul3A_123, %broadcast_in_dim3A_22 : vector<16xi32>
      %gather3A_132 = tpu.vector_load_idx %arg10[%add3A_131] : memref<20000xf32, #tpu.memory_space<vmem>>[vector<16xi32>], vector<16xf32>,
      %gather3A_133 = tpu.vector_load_idx %arg10[%mul3A_130] : memref<20000xf32, #tpu.memory_space<vmem>>[vector<16xi32>], vector<16xf32>,
      %add3A_134 = arith.addi %mul3A_130, %broadcast_in_dim3A_22 : vector<16xi32>
      %gather3A_135 = tpu.vector_load_idx %arg10[%add3A_134] : memref<20000xf32, #tpu.memory_space<vmem>>[vector<16xi32>], vector<16xf32>,
      %mul3A_136 = arith.constant 16 : i32
      %mul3A_137 = arith.muli %scan3A_117, %mul3A_136 : i32
      %add3A_138 = vector.broadcast %mul3A_137 : i32 to vector<16xi32>
      %add3A_139 = arith.addi %add3A_138, %iota3A : vector<16xi32>
      %mul3A_140 = arith.constant 2 : i32
      %mul3A_141 = vector.broadcast %mul3A_140 : i32 to vector<16xi32>
      %mul3A_142 = arith.muli %mul3A_141, %add3A_139 : vector<16xi32>
      %sub3A = arith.subf %gather3A, %gather3A_133 : vector<16xf32>
      tpu.vector_store_idx %arg11[%mul3A_142], %sub3A : memref<10000xf32, #tpu.memory_space<vmem>>[vector<16xi32>], vector<16xf32>,
      %add3A_143 = arith.addi %mul3A_142, %broadcast_in_dim3A_22 : vector<16xi32>
      %sub3A_144 = arith.subf %gather3A_132, %gather3A_135 : vector<16xf32>
      tpu.vector_store_idx %arg11[%add3A_143], %sub3A_144 : memref<10000xf32, #tpu.memory_space<vmem>>[vector<16xi32>], vector<16xf32>,
    }
    %scan3A_27 = arith.constant 312 : i32
    %mul3A_28 = arith.constant 2 : i32
    %mul3A_29 = arith.muli %mul3A_28, %mul3A_2 : i32
    "tpu.region"() ({
      %run_scoped3A = tpu.sem_alloc : memref<!tpu.dma_semaphore, #tpu.memory_space<semaphore_mem>>
      %dma_start3A_117 = tpu.memref_slice %arg7[%mul3A_29] : memref<320000xf32, #tpu.memory_space<hbm>> -> memref<10000xf32, #tpu.memory_space<hbm>>
      %dma_start3A_118 = tpu.memref_slice %arg7[%mul3A_29] : memref<320000xf32, #tpu.memory_space<hbm>> -> memref<10000xf32, #tpu.memory_space<hbm>>
      tpu.enqueue_dma source(%arg11 : memref<10000xf32, #tpu.memory_space<vmem>>) target(%dma_start3A_118 : memref<10000xf32, #tpu.memory_space<hbm>>) target_semaphore(%run_scoped3A : memref<!tpu.dma_semaphore, #tpu.memory_space<semaphore_mem>>)
      %dma_wait3A_119 = tpu.memref_slice %arg7[%mul3A_29] : memref<320000xf32, #tpu.memory_space<hbm>> -> memref<10000xf32, #tpu.memory_space<hbm>>
      %dma_wait3A_120 = tpu.memref_slice %arg7[%mul3A_29] : memref<320000xf32, #tpu.memory_space<hbm>> -> memref<10000xf32, #tpu.memory_space<hbm>>
      tpu.wait_dma2 semaphore(%run_scoped3A : memref<!tpu.dma_semaphore, #tpu.memory_space<semaphore_mem>>) src(%arg11 : memref<10000xf32, #tpu.memory_space<vmem>>) dst(%dma_wait3A_120 : memref<10000xf32, #tpu.memory_space<hbm>>)
      tpu.yield
    }) : () -> ()
    %scan3A_30 = arith.constant 0 : i32
    %scan3A_31 = arith.constant 0 : i32
    %scan3A_32 = arith.constant 19 : i32
    %scan3A_33 = arith.addi %scan3A_31, %scan3A_32 : i32
    %scan3A_34 = arith.constant 1 : i32
    scf.for %scan3A_117 = %scan3A_31 to %scan3A_33 step %scan3A_34  : i32 {
      %mul3A_118 = arith.constant 2 : i32
      %mul3A_119 = arith.muli %scan3A_117, %mul3A_118 : i32
      %add3A_120 = arith.constant 0 : i32
      %add3A_121 = arith.addi %mul3A_119, %add3A_120 : i32
      %mul3A_122 = arith.constant 128 : i32
      %mul3A_123 = arith.muli %add3A_121, %mul3A_122 : i32
      %dma_wait3A_124 = tpu.memref_slice %arg12[%mul3A_123] : memref<5000xi32, #tpu.memory_space<vmem>> -> memref<128xi32, #tpu.memory_space<vmem>>
      %dma_wait3A_125 = arith.constant 0 : i32
      %dma_wait3A_126 = arith.constant 0 : i32
      %dma_wait3A_127 = tpu.memref_slice %arg5[%dma_wait3A_125, %dma_wait3A_126] : memref<10000x128xf32, #tpu.memory_space<hbm>> -> memref<10000x128xf32, #tpu.memory_space<hbm>>
      tpu.wait_indirect_dma semaphore(%arg18 : memref<!tpu.dma_semaphore, #tpu.memory_space<semaphore_mem>>) src(%dma_wait3A_127 : memref<10000x128xf32, #tpu.memory_space<hbm>>) dst(%arg14 : memref<128x128xf32, #tpu.memory_space<vmem>>)
      %mul3A_128 = arith.constant 128 : i32
      %mul3A_129 = arith.muli %add3A_121, %mul3A_128 : i32
      %add3A_130 = arith.addi %mul3A_2, %mul3A_129 : i32
      %dma_start3A_131 = arith.constant 0 : i32
      %dma_start3A_132 = tpu.memref_slice %arg8[%add3A_130, %dma_start3A_131] : memref<160000x128xf32, #tpu.memory_space<hbm>> -> memref<128x128xf32, #tpu.memory_space<hbm>>
      %dma_start3A_133 = arith.constant 0 : i32
      %dma_start3A_134 = tpu.memref_slice %arg8[%add3A_130, %dma_start3A_133] : memref<160000x128xf32, #tpu.memory_space<hbm>> -> memref<128x128xf32, #tpu.memory_space<hbm>>
      tpu.enqueue_dma source(%arg14 : memref<128x128xf32, #tpu.memory_space<vmem>>) target(%dma_start3A_134 : memref<128x128xf32, #tpu.memory_space<hbm>>) target_semaphore(%arg22 : memref<!tpu.dma_semaphore, #tpu.memory_space<semaphore_mem>>)
      %mul3A_135 = arith.constant 128 : i32
      %mul3A_136 = arith.muli %add3A_121, %mul3A_135 : i32
      %dma_wait3A_137 = tpu.memref_slice %arg13[%mul3A_136] : memref<5000xi32, #tpu.memory_space<vmem>> -> memref<128xi32, #tpu.memory_space<vmem>>
      %dma_wait3A_138 = arith.constant 0 : i32
      %dma_wait3A_139 = arith.constant 0 : i32
      %dma_wait3A_140 = tpu.memref_slice %arg6[%dma_wait3A_138, %dma_wait3A_139] : memref<10000x128xf32, #tpu.memory_space<hbm>> -> memref<10000x128xf32, #tpu.memory_space<hbm>>
      tpu.wait_indirect_dma semaphore(%arg20 : memref<!tpu.dma_semaphore, #tpu.memory_space<semaphore_mem>>) src(%dma_wait3A_140 : memref<10000x128xf32, #tpu.memory_space<hbm>>) dst(%arg16 : memref<128x128xf32, #tpu.memory_space<vmem>>)
      %mul3A_141 = arith.constant 128 : i32
      %mul3A_142 = arith.muli %add3A_121, %mul3A_141 : i32
      %add3A_143 = arith.addi %mul3A_2, %mul3A_142 : i32
      %dma_start3A_144 = arith.constant 0 : i32
      %dma_start3A_145 = tpu.memref_slice %arg9[%add3A_143, %dma_start3A_144] : memref<160000x128xf32, #tpu.memory_space<hbm>> -> memref<128x128xf32, #tpu.memory_space<hbm>>
      %dma_start3A_146 = arith.constant 0 : i32
      %dma_start3A_147 = tpu.memref_slice %arg9[%add3A_143, %dma_start3A_146] : memref<160000x128xf32, #tpu.memory_space<hbm>> -> memref<128x128xf32, #tpu.memory_space<hbm>>
      tpu.enqueue_dma source(%arg16 : memref<128x128xf32, #tpu.memory_space<vmem>>) target(%dma_start3A_147 : memref<128x128xf32, #tpu.memory_space<hbm>>) target_semaphore(%arg24 : memref<!tpu.dma_semaphore, #tpu.memory_space<semaphore_mem>>)
      %add3A_148 = arith.constant 1 : i32
      %add3A_149 = arith.addi %mul3A_119, %add3A_148 : i32
      %mul3A_150 = arith.constant 128 : i32
      %mul3A_151 = arith.muli %add3A_149, %mul3A_150 : i32
      %dma_wait3A_152 = tpu.memref_slice %arg12[%mul3A_151] : memref<5000xi32, #tpu.memory_space<vmem>> -> memref<128xi32, #tpu.memory_space<vmem>>
      %dma_wait3A_153 = arith.constant 0 : i32
      %dma_wait3A_154 = arith.constant 0 : i32
      %dma_wait3A_155 = tpu.memref_slice %arg5[%dma_wait3A_153, %dma_wait3A_154] : memref<10000x128xf32, #tpu.memory_space<hbm>> -> memref<10000x128xf32, #tpu.memory_space<hbm>>
      tpu.wait_indirect_dma semaphore(%arg19 : memref<!tpu.dma_semaphore, #tpu.memory_space<semaphore_mem>>) src(%dma_wait3A_155 : memref<10000x128xf32, #tpu.memory_space<hbm>>) dst(%arg15 : memref<128x128xf32, #tpu.memory_space<vmem>>)
      %mul3A_156 = arith.constant 128 : i32
      %mul3A_157 = arith.muli %add3A_149, %mul3A_156 : i32
      %add3A_158 = arith.addi %mul3A_2, %mul3A_157 : i32
      %dma_start3A_159 = arith.constant 0 : i32
      %dma_start3A_160 = tpu.memref_slice %arg8[%add3A_158, %dma_start3A_159] : memref<160000x128xf32, #tpu.memory_space<hbm>> -> memref<128x128xf32, #tpu.memory_space<hbm>>
      %dma_start3A_161 = arith.constant 0 : i32
      %dma_start3A_162 = tpu.memref_slice %arg8[%add3A_158, %dma_start3A_161] : memref<160000x128xf32, #tpu.memory_space<hbm>> -> memref<128x128xf32, #tpu.memory_space<hbm>>
      tpu.enqueue_dma source(%arg15 : memref<128x128xf32, #tpu.memory_space<vmem>>) target(%dma_start3A_162 : memref<128x128xf32, #tpu.memory_space<hbm>>) target_semaphore(%arg23 : memref<!tpu.dma_semaphore, #tpu.memory_space<semaphore_mem>>)
      %mul3A_163 = arith.constant 128 : i32
      %mul3A_164 = arith.muli %add3A_149, %mul3A_163 : i32
      %dma_wait3A_165 = tpu.memref_slice %arg13[%mul3A_164] : memref<5000xi32, #tpu.memory_space<vmem>> -> memref<128xi32, #tpu.memory_space<vmem>>
      %dma_wait3A_166 = arith.constant 0 : i32
      %dma_wait3A_167 = arith.constant 0 : i32
      %dma_wait3A_168 = tpu.memref_slice %arg6[%dma_wait3A_166, %dma_wait3A_167] : memref<10000x128xf32, #tpu.memory_space<hbm>> -> memref<10000x128xf32, #tpu.memory_space<hbm>>
      tpu.wait_indirect_dma semaphore(%arg21 : memref<!tpu.dma_semaphore, #tpu.memory_space<semaphore_mem>>) src(%dma_wait3A_168 : memref<10000x128xf32, #tpu.memory_space<hbm>>) dst(%arg17 : memref<128x128xf32, #tpu.memory_space<vmem>>)
      %mul3A_169 = arith.constant 128 : i32
      %mul3A_170 = arith.muli %add3A_149, %mul3A_169 : i32
      %add3A_171 = arith.addi %mul3A_2, %mul3A_170 : i32
      %dma_start3A_172 = arith.constant 0 : i32
      %dma_start3A_173 = tpu.memref_slice %arg9[%add3A_171, %dma_start3A_172] : memref<160000x128xf32, #tpu.memory_space<hbm>> -> memref<128x128xf32, #tpu.memory_space<hbm>>
      %dma_start3A_174 = arith.constant 0 : i32
      %dma_start3A_175 = tpu.memref_slice %arg9[%add3A_171, %dma_start3A_174] : memref<160000x128xf32, #tpu.memory_space<hbm>> -> memref<128x128xf32, #tpu.memory_space<hbm>>
      tpu.enqueue_dma source(%arg17 : memref<128x128xf32, #tpu.memory_space<vmem>>) target(%dma_start3A_175 : memref<128x128xf32, #tpu.memory_space<hbm>>) target_semaphore(%arg25 : memref<!tpu.dma_semaphore, #tpu.memory_space<semaphore_mem>>)
      %add3A_176 = arith.constant 2 : i32
      %add3A_177 = arith.addi %mul3A_119, %add3A_176 : i32
      %add3A_178 = arith.constant 0 : i32
      %add3A_179 = arith.addi %add3A_177, %add3A_178 : i32
      %lt3A = arith.constant 39 : i32
      %lt3A_180 = arith.cmpi slt, %add3A_179, %lt3A : i32
      %convert_element_type3A = arith.extui %lt3A_180 : i1 to i32
      %cond3A = arith.constant 0 : i32
      %cond3A_181 = arith.cmpi ne, %convert_element_type3A, %cond3A : i32
      scf.if %cond3A_181 {
        %mul3A_191 = arith.constant 128 : i32
        %mul3A_192 = arith.muli %add3A_179, %mul3A_191 : i32
        %add3A_193 = arith.addi %mul3A_2, %mul3A_192 : i32
        %dma_wait3A_194 = arith.constant 0 : i32
        %dma_wait3A_195 = tpu.memref_slice %arg8[%add3A_193, %dma_wait3A_194] : memref<160000x128xf32, #tpu.memory_space<hbm>> -> memref<128x128xf32, #tpu.memory_space<hbm>>
        %dma_wait3A_196 = arith.constant 0 : i32
        %dma_wait3A_197 = tpu.memref_slice %arg8[%add3A_193, %dma_wait3A_196] : memref<160000x128xf32, #tpu.memory_space<hbm>> -> memref<128x128xf32, #tpu.memory_space<hbm>>
        tpu.wait_dma2 semaphore(%arg22 : memref<!tpu.dma_semaphore, #tpu.memory_space<semaphore_mem>>) src(%arg14 : memref<128x128xf32, #tpu.memory_space<vmem>>) dst(%dma_wait3A_197 : memref<128x128xf32, #tpu.memory_space<hbm>>)
        %mul3A_198 = arith.constant 128 : i32
        %mul3A_199 = arith.muli %add3A_179, %mul3A_198 : i32
        %dma_start3A_200 = tpu.memref_slice %arg12[%mul3A_199] : memref<5000xi32, #tpu.memory_space<vmem>> -> memref<128xi32, #tpu.memory_space<vmem>>
        %dma_start3A_201 = arith.constant 0 : i32
        %dma_start3A_202 = arith.constant 0 : i32
        %dma_start3A_203 = tpu.memref_slice %arg5[%dma_start3A_201, %dma_start3A_202] : memref<10000x128xf32, #tpu.memory_space<hbm>> -> memref<10000x128xf32, #tpu.memory_space<hbm>>
        tpu.enqueue_indirect_dma source(%dma_start3A_203 : memref<10000x128xf32, #tpu.memory_space<hbm>>) target(%arg14 : memref<128x128xf32, #tpu.memory_space<vmem>>) offsets(%dma_start3A_200 : memref<128xi32, #tpu.memory_space<vmem>>) semaphore(%arg18 : memref<!tpu.dma_semaphore, #tpu.memory_space<semaphore_mem>>)
        %mul3A_204 = arith.constant 128 : i32
        %mul3A_205 = arith.muli %add3A_179, %mul3A_204 : i32
        %add3A_206 = arith.addi %mul3A_2, %mul3A_205 : i32
        %dma_wait3A_207 = arith.constant 0 : i32
        %dma_wait3A_208 = tpu.memref_slice %arg9[%add3A_206, %dma_wait3A_207] : memref<160000x128xf32, #tpu.memory_space<hbm>> -> memref<128x128xf32, #tpu.memory_space<hbm>>
        %dma_wait3A_209 = arith.constant 0 : i32
        %dma_wait3A_210 = tpu.memref_slice %arg9[%add3A_206, %dma_wait3A_209] : memref<160000x128xf32, #tpu.memory_space<hbm>> -> memref<128x128xf32, #tpu.memory_space<hbm>>
        tpu.wait_dma2 semaphore(%arg24 : memref<!tpu.dma_semaphore, #tpu.memory_space<semaphore_mem>>) src(%arg16 : memref<128x128xf32, #tpu.memory_space<vmem>>) dst(%dma_wait3A_210 : memref<128x128xf32, #tpu.memory_space<hbm>>)
        %mul3A_211 = arith.constant 128 : i32
        %mul3A_212 = arith.muli %add3A_179, %mul3A_211 : i32
        %dma_start3A_213 = tpu.memref_slice %arg13[%mul3A_212] : memref<5000xi32, #tpu.memory_space<vmem>> -> memref<128xi32, #tpu.memory_space<vmem>>
        %dma_start3A_214 = arith.constant 0 : i32
        %dma_start3A_215 = arith.constant 0 : i32
        %dma_start3A_216 = tpu.memref_slice %arg6[%dma_start3A_214, %dma_start3A_215] : memref<10000x128xf32, #tpu.memory_space<hbm>> -> memref<10000x128xf32, #tpu.memory_space<hbm>>
        tpu.enqueue_indirect_dma source(%dma_start3A_216 : memref<10000x128xf32, #tpu.memory_space<hbm>>) target(%arg16 : memref<128x128xf32, #tpu.memory_space<vmem>>) offsets(%dma_start3A_213 : memref<128xi32, #tpu.memory_space<vmem>>) semaphore(%arg20 : memref<!tpu.dma_semaphore, #tpu.memory_space<semaphore_mem>>)
      } else {
      }
      %add3A_182 = arith.constant 2 : i32
      %add3A_183 = arith.addi %mul3A_119, %add3A_182 : i32
      %add3A_184 = arith.constant 1 : i32
      %add3A_185 = arith.addi %add3A_183, %add3A_184 : i32
      %lt3A_186 = arith.constant 39 : i32
      %lt3A_187 = arith.cmpi slt, %add3A_185, %lt3A_186 : i32
      %convert_element_type3A_188 = arith.extui %lt3A_187 : i1 to i32
      %cond3A_189 = arith.constant 0 : i32
      %cond3A_190 = arith.cmpi ne, %convert_element_type3A_188, %cond3A_189 : i32
      scf.if %cond3A_190 {
        %mul3A_191 = arith.constant 128 : i32
        %mul3A_192 = arith.muli %add3A_185, %mul3A_191 : i32
        %add3A_193 = arith.addi %mul3A_2, %mul3A_192 : i32
        %dma_wait3A_194 = arith.constant 0 : i32
        %dma_wait3A_195 = tpu.memref_slice %arg8[%add3A_193, %dma_wait3A_194] : memref<160000x128xf32, #tpu.memory_space<hbm>> -> memref<128x128xf32, #tpu.memory_space<hbm>>
        %dma_wait3A_196 = arith.constant 0 : i32
        %dma_wait3A_197 = tpu.memref_slice %arg8[%add3A_193, %dma_wait3A_196] : memref<160000x128xf32, #tpu.memory_space<hbm>> -> memref<128x128xf32, #tpu.memory_space<hbm>>
        tpu.wait_dma2 semaphore(%arg23 : memref<!tpu.dma_semaphore, #tpu.memory_space<semaphore_mem>>) src(%arg15 : memref<128x128xf32, #tpu.memory_space<vmem>>) dst(%dma_wait3A_197 : memref<128x128xf32, #tpu.memory_space<hbm>>)
        %mul3A_198 = arith.constant 128 : i32
        %mul3A_199 = arith.muli %add3A_185, %mul3A_198 : i32
        %dma_start3A_200 = tpu.memref_slice %arg12[%mul3A_199] : memref<5000xi32, #tpu.memory_space<vmem>> -> memref<128xi32, #tpu.memory_space<vmem>>
        %dma_start3A_201 = arith.constant 0 : i32
        %dma_start3A_202 = arith.constant 0 : i32
        %dma_start3A_203 = tpu.memref_slice %arg5[%dma_start3A_201, %dma_start3A_202] : memref<10000x128xf32, #tpu.memory_space<hbm>> -> memref<10000x128xf32, #tpu.memory_space<hbm>>
        tpu.enqueue_indirect_dma source(%dma_start3A_203 : memref<10000x128xf32, #tpu.memory_space<hbm>>) target(%arg15 : memref<128x128xf32, #tpu.memory_space<vmem>>) offsets(%dma_start3A_200 : memref<128xi32, #tpu.memory_space<vmem>>) semaphore(%arg19 : memref<!tpu.dma_semaphore, #tpu.memory_space<semaphore_mem>>)
        %mul3A_204 = arith.constant 128 : i32
        %mul3A_205 = arith.muli %add3A_185, %mul3A_204 : i32
        %add3A_206 = arith.addi %mul3A_2, %mul3A_205 : i32
        %dma_wait3A_207 = arith.constant 0 : i32
        %dma_wait3A_208 = tpu.memref_slice %arg9[%add3A_206, %dma_wait3A_207] : memref<160000x128xf32, #tpu.memory_space<hbm>> -> memref<128x128xf32, #tpu.memory_space<hbm>>
        %dma_wait3A_209 = arith.constant 0 : i32
        %dma_wait3A_210 = tpu.memref_slice %arg9[%add3A_206, %dma_wait3A_209] : memref<160000x128xf32, #tpu.memory_space<hbm>> -> memref<128x128xf32, #tpu.memory_space<hbm>>
        tpu.wait_dma2 semaphore(%arg25 : memref<!tpu.dma_semaphore, #tpu.memory_space<semaphore_mem>>) src(%arg17 : memref<128x128xf32, #tpu.memory_space<vmem>>) dst(%dma_wait3A_210 : memref<128x128xf32, #tpu.memory_space<hbm>>)
        %mul3A_211 = arith.constant 128 : i32
        %mul3A_212 = arith.muli %add3A_185, %mul3A_211 : i32
        %dma_start3A_213 = tpu.memref_slice %arg13[%mul3A_212] : memref<5000xi32, #tpu.memory_space<vmem>> -> memref<128xi32, #tpu.memory_space<vmem>>
        %dma_start3A_214 = arith.constant 0 : i32
        %dma_start3A_215 = arith.constant 0 : i32
        %dma_start3A_216 = tpu.memref_slice %arg6[%dma_start3A_214, %dma_start3A_215] : memref<10000x128xf32, #tpu.memory_space<hbm>> -> memref<10000x128xf32, #tpu.memory_space<hbm>>
        tpu.enqueue_indirect_dma source(%dma_start3A_216 : memref<10000x128xf32, #tpu.memory_space<hbm>>) target(%arg17 : memref<128x128xf32, #tpu.memory_space<vmem>>) offsets(%dma_start3A_213 : memref<128xi32, #tpu.memory_space<vmem>>) semaphore(%arg21 : memref<!tpu.dma_semaphore, #tpu.memory_space<semaphore_mem>>)
      } else {
      }
    }
    %scan3A_35 = arith.constant 19 : i32
    %dma_wait3A = arith.constant 4864 : i32
    %dma_wait3A_36 = tpu.memref_slice %arg12[%dma_wait3A] : memref<5000xi32, #tpu.memory_space<vmem>> -> memref<128xi32, #tpu.memory_space<vmem>>
    %dma_wait3A_37 = arith.constant 0 : i32
    %dma_wait3A_38 = arith.constant 0 : i32
    %dma_wait3A_39 = tpu.memref_slice %arg5[%dma_wait3A_37, %dma_wait3A_38] : memref<10000x128xf32, #tpu.memory_space<hbm>> -> memref<10000x128xf32, #tpu.memory_space<hbm>>
    tpu.wait_indirect_dma semaphore(%arg18 : memref<!tpu.dma_semaphore, #tpu.memory_space<semaphore_mem>>) src(%dma_wait3A_39 : memref<10000x128xf32, #tpu.memory_space<hbm>>) dst(%arg14 : memref<128x128xf32, #tpu.memory_space<vmem>>)
    %add3A_40 = arith.constant 4864 : i32
    %add3A_41 = arith.addi %mul3A_2, %add3A_40 : i32
    %dma_start3A_42 = arith.constant 0 : i32
    %dma_start3A_43 = tpu.memref_slice %arg8[%add3A_41, %dma_start3A_42] : memref<160000x128xf32, #tpu.memory_space<hbm>> -> memref<128x128xf32, #tpu.memory_space<hbm>>
    %dma_start3A_44 = arith.constant 0 : i32
    %dma_start3A_45 = tpu.memref_slice %arg8[%add3A_41, %dma_start3A_44] : memref<160000x128xf32, #tpu.memory_space<hbm>> -> memref<128x128xf32, #tpu.memory_space<hbm>>
    tpu.enqueue_dma source(%arg14 : memref<128x128xf32, #tpu.memory_space<vmem>>) target(%dma_start3A_45 : memref<128x128xf32, #tpu.memory_space<hbm>>) target_semaphore(%arg22 : memref<!tpu.dma_semaphore, #tpu.memory_space<semaphore_mem>>)
    %dma_wait3A_46 = arith.constant 4864 : i32
    %dma_wait3A_47 = tpu.memref_slice %arg13[%dma_wait3A_46] : memref<5000xi32, #tpu.memory_space<vmem>> -> memref<128xi32, #tpu.memory_space<vmem>>
    %dma_wait3A_48 = arith.constant 0 : i32
    %dma_wait3A_49 = arith.constant 0 : i32
    %dma_wait3A_50 = tpu.memref_slice %arg6[%dma_wait3A_48, %dma_wait3A_49] : memref<10000x128xf32, #tpu.memory_space<hbm>> -> memref<10000x128xf32, #tpu.memory_space<hbm>>
    tpu.wait_indirect_dma semaphore(%arg20 : memref<!tpu.dma_semaphore, #tpu.memory_space<semaphore_mem>>) src(%dma_wait3A_50 : memref<10000x128xf32, #tpu.memory_space<hbm>>) dst(%arg16 : memref<128x128xf32, #tpu.memory_space<vmem>>)
    %add3A_51 = arith.constant 4864 : i32
    %add3A_52 = arith.addi %mul3A_2, %add3A_51 : i32
    %dma_start3A_53 = arith.constant 0 : i32
    %dma_start3A_54 = tpu.memref_slice %arg9[%add3A_52, %dma_start3A_53] : memref<160000x128xf32, #tpu.memory_space<hbm>> -> memref<128x128xf32, #tpu.memory_space<hbm>>
    %dma_start3A_55 = arith.constant 0 : i32
    %dma_start3A_56 = tpu.memref_slice %arg9[%add3A_52, %dma_start3A_55] : memref<160000x128xf32, #tpu.memory_space<hbm>> -> memref<128x128xf32, #tpu.memory_space<hbm>>
    tpu.enqueue_dma source(%arg16 : memref<128x128xf32, #tpu.memory_space<vmem>>) target(%dma_start3A_56 : memref<128x128xf32, #tpu.memory_space<hbm>>) target_semaphore(%arg24 : memref<!tpu.dma_semaphore, #tpu.memory_space<semaphore_mem>>)
    %add3A_57 = arith.constant 4864 : i32
    %add3A_58 = arith.addi %mul3A_2, %add3A_57 : i32
    %dma_wait3A_59 = arith.constant 0 : i32
    %dma_wait3A_60 = tpu.memref_slice %arg8[%add3A_58, %dma_wait3A_59] : memref<160000x128xf32, #tpu.memory_space<hbm>> -> memref<128x128xf32, #tpu.memory_space<hbm>>
    %dma_wait3A_61 = arith.constant 0 : i32
    %dma_wait3A_62 = tpu.memref_slice %arg8[%add3A_58, %dma_wait3A_61] : memref<160000x128xf32, #tpu.memory_space<hbm>> -> memref<128x128xf32, #tpu.memory_space<hbm>>
    tpu.wait_dma2 semaphore(%arg22 : memref<!tpu.dma_semaphore, #tpu.memory_space<semaphore_mem>>) src(%arg14 : memref<128x128xf32, #tpu.memory_space<vmem>>) dst(%dma_wait3A_62 : memref<128x128xf32, #tpu.memory_space<hbm>>)
    %add3A_63 = arith.constant 4864 : i32
    %add3A_64 = arith.addi %mul3A_2, %add3A_63 : i32
    %dma_wait3A_65 = arith.constant 0 : i32
    %dma_wait3A_66 = tpu.memref_slice %arg9[%add3A_64, %dma_wait3A_65] : memref<160000x128xf32, #tpu.memory_space<hbm>> -> memref<128x128xf32, #tpu.memory_space<hbm>>
    %dma_wait3A_67 = arith.constant 0 : i32
    %dma_wait3A_68 = tpu.memref_slice %arg9[%add3A_64, %dma_wait3A_67] : memref<160000x128xf32, #tpu.memory_space<hbm>> -> memref<128x128xf32, #tpu.memory_space<hbm>>
    tpu.wait_dma2 semaphore(%arg24 : memref<!tpu.dma_semaphore, #tpu.memory_space<semaphore_mem>>) src(%arg16 : memref<128x128xf32, #tpu.memory_space<vmem>>) dst(%dma_wait3A_68 : memref<128x128xf32, #tpu.memory_space<hbm>>)
    %add3A_69 = arith.constant 4736 : i32
    %add3A_70 = arith.addi %mul3A_2, %add3A_69 : i32
    %dma_wait3A_71 = arith.constant 0 : i32
    %dma_wait3A_72 = tpu.memref_slice %arg8[%add3A_70, %dma_wait3A_71] : memref<160000x128xf32, #tpu.memory_space<hbm>> -> memref<128x128xf32, #tpu.memory_space<hbm>>
    %dma_wait3A_73 = arith.constant 0 : i32
    %dma_wait3A_74 = tpu.memref_slice %arg8[%add3A_70, %dma_wait3A_73] : memref<160000x128xf32, #tpu.memory_space<hbm>> -> memref<128x128xf32, #tpu.memory_space<hbm>>
    tpu.wait_dma2 semaphore(%arg23 : memref<!tpu.dma_semaphore, #tpu.memory_space<semaphore_mem>>) src(%arg15 : memref<128x128xf32, #tpu.memory_space<vmem>>) dst(%dma_wait3A_74 : memref<128x128xf32, #tpu.memory_space<hbm>>)
    %add3A_75 = arith.constant 4736 : i32
    %add3A_76 = arith.addi %mul3A_2, %add3A_75 : i32
    %dma_wait3A_77 = arith.constant 0 : i32
    %dma_wait3A_78 = tpu.memref_slice %arg9[%add3A_76, %dma_wait3A_77] : memref<160000x128xf32, #tpu.memory_space<hbm>> -> memref<128x128xf32, #tpu.memory_space<hbm>>
    %dma_wait3A_79 = arith.constant 0 : i32
    %dma_wait3A_80 = tpu.memref_slice %arg9[%add3A_76, %dma_wait3A_79] : memref<160000x128xf32, #tpu.memory_space<hbm>> -> memref<128x128xf32, #tpu.memory_space<hbm>>
    tpu.wait_dma2 semaphore(%arg25 : memref<!tpu.dma_semaphore, #tpu.memory_space<semaphore_mem>>) src(%arg17 : memref<128x128xf32, #tpu.memory_space<vmem>>) dst(%dma_wait3A_80 : memref<128x128xf32, #tpu.memory_space<hbm>>)
    %dma_start3A_81 = arith.constant 0 : i32
    %dma_start3A_82 = arith.constant 0 : i32
    %dma_start3A_83 = tpu.memref_slice %arg14[%dma_start3A_81, %dma_start3A_82] : memref<128x128xf32, #tpu.memory_space<vmem>> -> memref<8x128xf32, #tpu.memory_space<vmem>>
    %dma_start3A_84 = arith.constant 4992 : i32
    %dma_start3A_85 = tpu.memref_slice %arg12[%dma_start3A_84] : memref<5000xi32, #tpu.memory_space<vmem>> -> memref<8xi32, #tpu.memory_space<vmem>>
    %dma_start3A_86 = arith.constant 0 : i32
    %dma_start3A_87 = arith.constant 0 : i32
    %dma_start3A_88 = tpu.memref_slice %arg5[%dma_start3A_86, %dma_start3A_87] : memref<10000x128xf32, #tpu.memory_space<hbm>> -> memref<10000x128xf32, #tpu.memory_space<hbm>>
    tpu.enqueue_indirect_dma source(%dma_start3A_88 : memref<10000x128xf32, #tpu.memory_space<hbm>>) target(%dma_start3A_83 : memref<8x128xf32, #tpu.memory_space<vmem>>) offsets(%dma_start3A_85 : memref<8xi32, #tpu.memory_space<vmem>>) semaphore(%arg18 : memref<!tpu.dma_semaphore, #tpu.memory_space<semaphore_mem>>)
    %dma_start3A_89 = arith.constant 0 : i32
    %dma_start3A_90 = arith.constant 0 : i32
    %dma_start3A_91 = tpu.memref_slice %arg16[%dma_start3A_89, %dma_start3A_90] : memref<128x128xf32, #tpu.memory_space<vmem>> -> memref<8x128xf32, #tpu.memory_space<vmem>>
    %dma_start3A_92 = arith.constant 4992 : i32
    %dma_start3A_93 = tpu.memref_slice %arg13[%dma_start3A_92] : memref<5000xi32, #tpu.memory_space<vmem>> -> memref<8xi32, #tpu.memory_space<vmem>>
    %dma_start3A_94 = arith.constant 0 : i32
    %dma_start3A_95 = arith.constant 0 : i32
    %dma_start3A_96 = tpu.memref_slice %arg6[%dma_start3A_94, %dma_start3A_95] : memref<10000x128xf32, #tpu.memory_space<hbm>> -> memref<10000x128xf32, #tpu.memory_space<hbm>>
    tpu.enqueue_indirect_dma source(%dma_start3A_96 : memref<10000x128xf32, #tpu.memory_space<hbm>>) target(%dma_start3A_91 : memref<8x128xf32, #tpu.memory_space<vmem>>) offsets(%dma_start3A_93 : memref<8xi32, #tpu.memory_space<vmem>>) semaphore(%arg20 : memref<!tpu.dma_semaphore, #tpu.memory_space<semaphore_mem>>)
    %dma_wait3A_97 = arith.constant 0 : i32
    %dma_wait3A_98 = arith.constant 0 : i32
    %dma_wait3A_99 = tpu.memref_slice %arg14[%dma_wait3A_97, %dma_wait3A_98] : memref<128x128xf32, #tpu.memory_space<vmem>> -> memref<8x128xf32, #tpu.memory_space<vmem>>
    %dma_wait3A_100 = arith.constant 4992 : i32
    %dma_wait3A_101 = tpu.memref_slice %arg12[%dma_wait3A_100] : memref<5000xi32, #tpu.memory_space<vmem>> -> memref<8xi32, #tpu.memory_space<vmem>>
    %dma_wait3A_102 = arith.constant 0 : i32
    %dma_wait3A_103 = arith.constant 0 : i32
    %dma_wait3A_104 = tpu.memref_slice %arg5[%dma_wait3A_102, %dma_wait3A_103] : memref<10000x128xf32, #tpu.memory_space<hbm>> -> memref<10000x128xf32, #tpu.memory_space<hbm>>
    tpu.wait_indirect_dma semaphore(%arg18 : memref<!tpu.dma_semaphore, #tpu.memory_space<semaphore_mem>>) src(%dma_wait3A_104 : memref<10000x128xf32, #tpu.memory_space<hbm>>) dst(%dma_wait3A_99 : memref<8x128xf32, #tpu.memory_space<vmem>>)
    %dma_wait3A_105 = arith.constant 0 : i32
    %dma_wait3A_106 = arith.constant 0 : i32
    %dma_wait3A_107 = tpu.memref_slice %arg16[%dma_wait3A_105, %dma_wait3A_106] : memref<128x128xf32, #tpu.memory_space<vmem>> -> memref<8x128xf32, #tpu.memory_space<vmem>>
    %dma_wait3A_108 = arith.constant 4992 : i32
    %dma_wait3A_109 = tpu.memref_slice %arg13[%dma_wait3A_108] : memref<5000xi32, #tpu.memory_space<vmem>> -> memref<8xi32, #tpu.memory_space<vmem>>
    %dma_wait3A_110 = arith.constant 0 : i32
    %dma_wait3A_111 = arith.constant 0 : i32
    %dma_wait3A_112 = tpu.memref_slice %arg6[%dma_wait3A_110, %dma_wait3A_111] : memref<10000x128xf32, #tpu.memory_space<hbm>> -> memref<10000x128xf32, #tpu.memory_space<hbm>>
    tpu.wait_indirect_dma semaphore(%arg20 : memref<!tpu.dma_semaphore, #tpu.memory_space<semaphore_mem>>) src(%dma_wait3A_112 : memref<10000x128xf32, #tpu.memory_space<hbm>>) dst(%dma_wait3A_107 : memref<8x128xf32, #tpu.memory_space<vmem>>)
    %add3A_113 = arith.constant 4992 : i32
    %add3A_114 = arith.addi %mul3A_2, %add3A_113 : i32
    "tpu.region"() ({
      %run_scoped3A = tpu.sem_alloc : memref<!tpu.dma_semaphore, #tpu.memory_space<semaphore_mem>>
      %dma_start3A_117 = arith.constant 0 : i32
      %dma_start3A_118 = arith.constant 0 : i32
      %dma_start3A_119 = tpu.memref_slice %arg14[%dma_start3A_117, %dma_start3A_118] : memref<128x128xf32, #tpu.memory_space<vmem>> -> memref<8x128xf32, #tpu.memory_space<vmem>>
      %dma_start3A_120 = arith.constant 0 : i32
      %dma_start3A_121 = tpu.memref_slice %arg8[%add3A_114, %dma_start3A_120] : memref<160000x128xf32, #tpu.memory_space<hbm>> -> memref<8x128xf32, #tpu.memory_space<hbm>>
      %dma_start3A_122 = arith.constant 0 : i32
      %dma_start3A_123 = tpu.memref_slice %arg8[%add3A_114, %dma_start3A_122] : memref<160000x128xf32, #tpu.memory_space<hbm>> -> memref<8x128xf32, #tpu.memory_space<hbm>>
      %dma_start3A_124 = arith.constant 0 : i32
      %dma_start3A_125 = arith.constant 0 : i32
      %dma_start3A_126 = tpu.memref_slice %arg14[%dma_start3A_124, %dma_start3A_125] : memref<128x128xf32, #tpu.memory_space<vmem>> -> memref<8x128xf32, #tpu.memory_space<vmem>>
      tpu.enqueue_dma source(%dma_start3A_126 : memref<8x128xf32, #tpu.memory_space<vmem>>) target(%dma_start3A_123 : memref<8x128xf32, #tpu.memory_space<hbm>>) target_semaphore(%run_scoped3A : memref<!tpu.dma_semaphore, #tpu.memory_space<semaphore_mem>>)
      %dma_wait3A_127 = arith.constant 0 : i32
      %dma_wait3A_128 = arith.constant 0 : i32
      %dma_wait3A_129 = tpu.memref_slice %arg14[%dma_wait3A_127, %dma_wait3A_128] : memref<128x128xf32, #tpu.memory_space<vmem>> -> memref<8x128xf32, #tpu.memory_space<vmem>>
      %dma_wait3A_130 = arith.constant 0 : i32
      %dma_wait3A_131 = tpu.memref_slice %arg8[%add3A_114, %dma_wait3A_130] : memref<160000x128xf32, #tpu.memory_space<hbm>> -> memref<8x128xf32, #tpu.memory_space<hbm>>
      %dma_wait3A_132 = arith.constant 0 : i32
      %dma_wait3A_133 = tpu.memref_slice %arg8[%add3A_114, %dma_wait3A_132] : memref<160000x128xf32, #tpu.memory_space<hbm>> -> memref<8x128xf32, #tpu.memory_space<hbm>>
      %dma_wait3A_134 = arith.constant 0 : i32
      %dma_wait3A_135 = arith.constant 0 : i32
      %dma_wait3A_136 = tpu.memref_slice %arg14[%dma_wait3A_134, %dma_wait3A_135] : memref<128x128xf32, #tpu.memory_space<vmem>> -> memref<8x128xf32, #tpu.memory_space<vmem>>
      tpu.wait_dma2 semaphore(%run_scoped3A : memref<!tpu.dma_semaphore, #tpu.memory_space<semaphore_mem>>) src(%dma_wait3A_136 : memref<8x128xf32, #tpu.memory_space<vmem>>) dst(%dma_wait3A_133 : memref<8x128xf32, #tpu.memory_space<hbm>>)
      tpu.yield
    }) : () -> ()
    %add3A_115 = arith.constant 4992 : i32
    %add3A_116 = arith.addi %mul3A_2, %add3A_115 : i32
    "tpu.region"() ({
      %run_scoped3A = tpu.sem_alloc : memref<!tpu.dma_semaphore, #tpu.memory_space<semaphore_mem>>
      %dma_start3A_117 = arith.constant 0 : i32
      %dma_start3A_118 = arith.constant 0 : i32
      %dma_start3A_119 = tpu.memref_slice %arg16[%dma_start3A_117, %dma_start3A_118] : memref<128x128xf32, #tpu.memory_space<vmem>> -> memref<8x128xf32, #tpu.memory_space<vmem>>
      %dma_start3A_120 = arith.constant 0 : i32
      %dma_start3A_121 = tpu.memref_slice %arg9[%add3A_116, %dma_start3A_120] : memref<160000x128xf32, #tpu.memory_space<hbm>> -> memref<8x128xf32, #tpu.memory_space<hbm>>
      %dma_start3A_122 = arith.constant 0 : i32
      %dma_start3A_123 = tpu.memref_slice %arg9[%add3A_116, %dma_start3A_122] : memref<160000x128xf32, #tpu.memory_space<hbm>> -> memref<8x128xf32, #tpu.memory_space<hbm>>
      %dma_start3A_124 = arith.constant 0 : i32
      %dma_start3A_125 = arith.constant 0 : i32
      %dma_start3A_126 = tpu.memref_slice %arg16[%dma_start3A_124, %dma_start3A_125] : memref<128x128xf32, #tpu.memory_space<vmem>> -> memref<8x128xf32, #tpu.memory_space<vmem>>
      tpu.enqueue_dma source(%dma_start3A_126 : memref<8x128xf32, #tpu.memory_space<vmem>>) target(%dma_start3A_123 : memref<8x128xf32, #tpu.memory_space<hbm>>) target_semaphore(%run_scoped3A : memref<!tpu.dma_semaphore, #tpu.memory_space<semaphore_mem>>)
      %dma_wait3A_127 = arith.constant 0 : i32
      %dma_wait3A_128 = arith.constant 0 : i32
      %dma_wait3A_129 = tpu.memref_slice %arg16[%dma_wait3A_127, %dma_wait3A_128] : memref<128x128xf32, #tpu.memory_space<vmem>> -> memref<8x128xf32, #tpu.memory_space<vmem>>
      %dma_wait3A_130 = arith.constant 0 : i32
      %dma_wait3A_131 = tpu.memref_slice %arg9[%add3A_116, %dma_wait3A_130] : memref<160000x128xf32, #tpu.memory_space<hbm>> -> memref<8x128xf32, #tpu.memory_space<hbm>>
      %dma_wait3A_132 = arith.constant 0 : i32
      %dma_wait3A_133 = tpu.memref_slice %arg9[%add3A_116, %dma_wait3A_132] : memref<160000x128xf32, #tpu.memory_space<hbm>> -> memref<8x128xf32, #tpu.memory_space<hbm>>
      %dma_wait3A_134 = arith.constant 0 : i32
      %dma_wait3A_135 = arith.constant 0 : i32
      %dma_wait3A_136 = tpu.memref_slice %arg16[%dma_wait3A_134, %dma_wait3A_135] : memref<128x128xf32, #tpu.memory_space<vmem>> -> memref<8x128xf32, #tpu.memory_space<vmem>>
      tpu.wait_dma2 semaphore(%run_scoped3A : memref<!tpu.dma_semaphore, #tpu.memory_space<semaphore_mem>>) src(%dma_wait3A_136 : memref<8x128xf32, #tpu.memory_space<vmem>>) dst(%dma_wait3A_133 : memref<8x128xf32, #tpu.memory_space<hbm>>)
      tpu.yield
    }) : () -> ()
    return
  }
}

#map = affine_map<(d0, d1) -> (0, 0, 0)>
#map1 = affine_map<(d0, d1) -> (0, 0)>
module attributes {stable_mosaic.version = 14 : i64} {
  func.func @_sc_scatter(%arg0: i32, %arg1: i32, %arg2: memref<32x125x40xi32, #tpu.memory_space<hbm>>, %arg3: memref<160000x128xf32, #tpu.memory_space<hbm>>, %arg4: memref<10240x128xf32, #tpu.memory_space<hbm>>, %arg5: memref<2x10240x128xf32, #tpu.memory_space<hbm>>, %arg6: memref<125x40xi32, #tpu.memory_space<vmem>>, %arg7: memref<40x128xf32, #tpu.memory_space<vmem>>, %arg8: memref<40x128xf32, #tpu.memory_space<vmem>>, %arg9: memref<10240x128xf32, #tpu.memory_space<vmem_shared>>, %arg10: memref<!tpu.dma_semaphore, #tpu.memory_space<semaphore_mem>>, %arg11: memref<!tpu.dma_semaphore, #tpu.memory_space<semaphore_mem>>) attributes {dimension_semantics = [#tpu.dimension_semantics<core_parallel>, #tpu.dimension_semantics<subcore_parallel>], iteration_bounds = array<i64: 2, 16>, scalar_prefetch = 0 : i64, scratch_operands = 6 : i64, tpu.core_type = #tpu.core_type<sc_vector_subcore>, window_params = [{transform_indices = #map}, {transform_indices = #map1}, {transform_indices = #map1}, {transform_indices = #map}]} {
    %mul3A = arith.constant 16 : i32
    %mul3A_0 = arith.muli %arg0, %mul3A : i32
    %add3A = arith.addi %mul3A_0, %arg1 : i32
    %mul3A_1 = arith.constant 5000 : i32
    %mul3A_2 = arith.muli %add3A, %mul3A_1 : i32
    %add3A_3 = arith.constant 0 : i32
    %add3A_4 = arith.addi %mul3A_2, %add3A_3 : i32
    %dma_start3A = arith.constant 0 : i32
    %dma_start3A_5 = tpu.memref_slice %arg3[%add3A_4, %dma_start3A] : memref<160000x128xf32, #tpu.memory_space<hbm>> -> memref<40x128xf32, #tpu.memory_space<hbm>>
    %dma_start3A_6 = arith.constant 0 : i32
    %dma_start3A_7 = tpu.memref_slice %arg3[%add3A_4, %dma_start3A_6] : memref<160000x128xf32, #tpu.memory_space<hbm>> -> memref<40x128xf32, #tpu.memory_space<hbm>>
    tpu.enqueue_dma source(%dma_start3A_7 : memref<40x128xf32, #tpu.memory_space<hbm>>) target(%arg7 : memref<40x128xf32, #tpu.memory_space<vmem>>) target_semaphore(%arg10 : memref<!tpu.dma_semaphore, #tpu.memory_space<semaphore_mem>>)
    %mul3A_8 = arith.constant 640 : i32
    %mul3A_9 = arith.muli %arg1, %mul3A_8 : i32
    %mul3A_10 = arith.constant 640 : i32
    %mul3A_11 = arith.muli %arg1, %mul3A_10 : i32
    "tpu.region"() ({
      %run_scoped3A_29 = tpu.sem_alloc : memref<!tpu.dma_semaphore, #tpu.memory_space<semaphore_mem>>
      %dma_start3A_30 = arith.constant 0 : i32
      %dma_start3A_31 = tpu.memref_slice %arg9[%mul3A_11, %dma_start3A_30] : memref<10240x128xf32, #tpu.memory_space<vmem_shared>> -> memref<640x128xf32, #tpu.memory_space<vmem_shared>>
      %dma_start3A_32 = arith.constant 0 : i32
      %dma_start3A_33 = tpu.memref_slice %arg4[%mul3A_9, %dma_start3A_32] : memref<10240x128xf32, #tpu.memory_space<hbm>> -> memref<640x128xf32, #tpu.memory_space<hbm>>
      tpu.enqueue_dma source(%dma_start3A_33 : memref<640x128xf32, #tpu.memory_space<hbm>>) target(%dma_start3A_31 : memref<640x128xf32, #tpu.memory_space<vmem_shared>>) target_semaphore(%run_scoped3A_29 : memref<!tpu.dma_semaphore, #tpu.memory_space<semaphore_mem>>)
      %dma_wait3A_34 = arith.constant 0 : i32
      %dma_wait3A_35 = tpu.memref_slice %arg9[%mul3A_11, %dma_wait3A_34] : memref<10240x128xf32, #tpu.memory_space<vmem_shared>> -> memref<640x128xf32, #tpu.memory_space<vmem_shared>>
      %dma_wait3A_36 = arith.constant 0 : i32
      %dma_wait3A_37 = tpu.memref_slice %arg4[%mul3A_9, %dma_wait3A_36] : memref<10240x128xf32, #tpu.memory_space<hbm>> -> memref<640x128xf32, #tpu.memory_space<hbm>>
      tpu.wait_dma2 semaphore(%run_scoped3A_29 : memref<!tpu.dma_semaphore, #tpu.memory_space<semaphore_mem>>) src(%dma_wait3A_37 : memref<640x128xf32, #tpu.memory_space<hbm>>) dst(%dma_wait3A_35 : memref<640x128xf32, #tpu.memory_space<vmem_shared>>)
      tpu.yield
    }) : () -> ()
    "tpu.region"() ({
      %run_scoped3A_29 = tpu.sem_alloc : memref<!tpu.dma_semaphore, #tpu.memory_space<semaphore_mem>>
      %dma_start3A_30 = arith.constant 0 : i32
      %dma_start3A_31 = arith.constant 0 : i32
      %dma_start3A_32 = tpu.memref_slice %arg2[%add3A, %dma_start3A_30, %dma_start3A_31] : memref<32x125x40xi32, #tpu.memory_space<hbm>> -> memref<1x125x40xi32, #tpu.memory_space<hbm>>
      %dma_start3A_33 = tpu.memref_squeeze %dma_start3A_32 : memref<1x125x40xi32, #tpu.memory_space<hbm>> -> memref<125x40xi32, #tpu.memory_space<hbm>>
      %dma_start3A_34 = arith.constant 0 : i32
      %dma_start3A_35 = arith.constant 0 : i32
      %dma_start3A_36 = tpu.memref_slice %arg2[%add3A, %dma_start3A_34, %dma_start3A_35] : memref<32x125x40xi32, #tpu.memory_space<hbm>> -> memref<1x125x40xi32, #tpu.memory_space<hbm>>
      %dma_start3A_37 = tpu.memref_squeeze %dma_start3A_36 : memref<1x125x40xi32, #tpu.memory_space<hbm>> -> memref<125x40xi32, #tpu.memory_space<hbm>>
      tpu.enqueue_dma source(%dma_start3A_37 : memref<125x40xi32, #tpu.memory_space<hbm>>) target(%arg6 : memref<125x40xi32, #tpu.memory_space<vmem>>) target_semaphore(%run_scoped3A_29 : memref<!tpu.dma_semaphore, #tpu.memory_space<semaphore_mem>>)
      %dma_wait3A_38 = arith.constant 0 : i32
      %dma_wait3A_39 = arith.constant 0 : i32
      %dma_wait3A_40 = tpu.memref_slice %arg2[%add3A, %dma_wait3A_38, %dma_wait3A_39] : memref<32x125x40xi32, #tpu.memory_space<hbm>> -> memref<1x125x40xi32, #tpu.memory_space<hbm>>
      %dma_wait3A_41 = tpu.memref_squeeze %dma_wait3A_40 : memref<1x125x40xi32, #tpu.memory_space<hbm>> -> memref<125x40xi32, #tpu.memory_space<hbm>>
      %dma_wait3A_42 = arith.constant 0 : i32
      %dma_wait3A_43 = arith.constant 0 : i32
      %dma_wait3A_44 = tpu.memref_slice %arg2[%add3A, %dma_wait3A_42, %dma_wait3A_43] : memref<32x125x40xi32, #tpu.memory_space<hbm>> -> memref<1x125x40xi32, #tpu.memory_space<hbm>>
      %dma_wait3A_45 = tpu.memref_squeeze %dma_wait3A_44 : memref<1x125x40xi32, #tpu.memory_space<hbm>> -> memref<125x40xi32, #tpu.memory_space<hbm>>
      tpu.wait_dma2 semaphore(%run_scoped3A_29 : memref<!tpu.dma_semaphore, #tpu.memory_space<semaphore_mem>>) src(%dma_wait3A_45 : memref<125x40xi32, #tpu.memory_space<hbm>>) dst(%arg6 : memref<125x40xi32, #tpu.memory_space<vmem>>)
      tpu.yield
    }) : () -> ()
    %barrier3A = arith.constant 0 : index
    tpu.barrier barrier_id(%barrier3A)
    %scan3A = arith.constant 0 : i32
    %scan3A_12 = arith.constant 0 : i32
    %scan3A_13 = arith.constant 62 : i32
    %scan3A_14 = arith.addi %scan3A_12, %scan3A_13 : i32
    %scan3A_15 = arith.constant 1 : i32
    scf.for %scan3A_29 = %scan3A_12 to %scan3A_14 step %scan3A_15  : i32 {
      %mul3A_30 = arith.constant 2 : i32
      %mul3A_31 = arith.muli %scan3A_29, %mul3A_30 : i32
      %add3A_32 = arith.constant 0 : i32
      %add3A_33 = arith.addi %mul3A_31, %add3A_32 : i32
      %add3A_34 = arith.constant 1 : i32
      %add3A_35 = arith.addi %add3A_33, %add3A_34 : i32
      %lt3A = arith.constant 125 : i32
      %lt3A_36 = arith.cmpi slt, %add3A_35, %lt3A : i32
      %convert_element_type3A = arith.extui %lt3A_36 : i1 to i32
      %cond3A = arith.constant 0 : i32
      %cond3A_37 = arith.cmpi ne, %convert_element_type3A, %cond3A : i32
      scf.if %cond3A_37 {
        %add3A_65 = arith.constant 1 : i32
        %add3A_66 = arith.addi %add3A_33, %add3A_65 : i32
        %mul3A_67 = arith.constant 5000 : i32
        %mul3A_68 = arith.muli %add3A, %mul3A_67 : i32
        %mul3A_69 = arith.constant 40 : i32
        %mul3A_70 = arith.muli %add3A_66, %mul3A_69 : i32
        %add3A_71 = arith.addi %mul3A_68, %mul3A_70 : i32
        %dma_start3A_72 = arith.constant 0 : i32
        %dma_start3A_73 = tpu.memref_slice %arg3[%add3A_71, %dma_start3A_72] : memref<160000x128xf32, #tpu.memory_space<hbm>> -> memref<40x128xf32, #tpu.memory_space<hbm>>
        %dma_start3A_74 = arith.constant 0 : i32
        %dma_start3A_75 = tpu.memref_slice %arg3[%add3A_71, %dma_start3A_74] : memref<160000x128xf32, #tpu.memory_space<hbm>> -> memref<40x128xf32, #tpu.memory_space<hbm>>
        tpu.enqueue_dma source(%dma_start3A_75 : memref<40x128xf32, #tpu.memory_space<hbm>>) target(%arg8 : memref<40x128xf32, #tpu.memory_space<vmem>>) target_semaphore(%arg11 : memref<!tpu.dma_semaphore, #tpu.memory_space<semaphore_mem>>)
      } else {
      }
      %mul3A_38 = arith.constant 5000 : i32
      %mul3A_39 = arith.muli %add3A, %mul3A_38 : i32
      %mul3A_40 = arith.constant 40 : i32
      %mul3A_41 = arith.muli %add3A_33, %mul3A_40 : i32
      %add3A_42 = arith.addi %mul3A_39, %mul3A_41 : i32
      %dma_wait3A_43 = arith.constant 0 : i32
      %dma_wait3A_44 = tpu.memref_slice %arg3[%add3A_42, %dma_wait3A_43] : memref<160000x128xf32, #tpu.memory_space<hbm>> -> memref<40x128xf32, #tpu.memory_space<hbm>>
      %dma_wait3A_45 = arith.constant 0 : i32
      %dma_wait3A_46 = tpu.memref_slice %arg3[%add3A_42, %dma_wait3A_45] : memref<160000x128xf32, #tpu.memory_space<hbm>> -> memref<40x128xf32, #tpu.memory_space<hbm>>
      tpu.wait_dma2 semaphore(%arg10 : memref<!tpu.dma_semaphore, #tpu.memory_space<semaphore_mem>>) src(%dma_wait3A_46 : memref<40x128xf32, #tpu.memory_space<hbm>>) dst(%arg7 : memref<40x128xf32, #tpu.memory_space<vmem>>)
      "tpu.region"() ({
        %run_scoped3A_65 = tpu.sem_alloc : memref<!tpu.dma_semaphore, #tpu.memory_space<semaphore_mem>>
        %dma_start3A_66 = arith.constant 0 : i32
        %dma_start3A_67 = tpu.memref_slice %arg6[%add3A_33, %dma_start3A_66] : memref<125x40xi32, #tpu.memory_space<vmem>> -> memref<1x40xi32, #tpu.memory_space<vmem>>
        %dma_start3A_68 = tpu.memref_squeeze %dma_start3A_67 : memref<1x40xi32, #tpu.memory_space<vmem>> -> memref<40xi32, #tpu.memory_space<vmem>>
        %dma_start3A_69 = arith.constant 0 : i32
        %dma_start3A_70 = arith.constant 0 : i32
        %dma_start3A_71 = tpu.memref_slice %arg9[%dma_start3A_69, %dma_start3A_70] : memref<10240x128xf32, #tpu.memory_space<vmem_shared>> -> memref<10240x128xf32, #tpu.memory_space<vmem_shared>>
        tpu.enqueue_indirect_dma source(%arg7 : memref<40x128xf32, #tpu.memory_space<vmem>>) target(%dma_start3A_71 : memref<10240x128xf32, #tpu.memory_space<vmem_shared>>) offsets(%dma_start3A_68 : memref<40xi32, #tpu.memory_space<vmem>>) semaphore(%run_scoped3A_65 : memref<!tpu.dma_semaphore, #tpu.memory_space<semaphore_mem>>) {add = true}
        %dma_wait3A_72 = arith.constant 0 : i32
        %dma_wait3A_73 = tpu.memref_slice %arg6[%add3A_33, %dma_wait3A_72] : memref<125x40xi32, #tpu.memory_space<vmem>> -> memref<1x40xi32, #tpu.memory_space<vmem>>
        %dma_wait3A_74 = tpu.memref_squeeze %dma_wait3A_73 : memref<1x40xi32, #tpu.memory_space<vmem>> -> memref<40xi32, #tpu.memory_space<vmem>>
        %dma_wait3A_75 = arith.constant 0 : i32
        %dma_wait3A_76 = arith.constant 0 : i32
        %dma_wait3A_77 = tpu.memref_slice %arg9[%dma_wait3A_75, %dma_wait3A_76] : memref<10240x128xf32, #tpu.memory_space<vmem_shared>> -> memref<10240x128xf32, #tpu.memory_space<vmem_shared>>
        tpu.wait_indirect_dma semaphore(%run_scoped3A_65 : memref<!tpu.dma_semaphore, #tpu.memory_space<semaphore_mem>>) src(%arg7 : memref<40x128xf32, #tpu.memory_space<vmem>>) dst(%dma_wait3A_77 : memref<10240x128xf32, #tpu.memory_space<vmem_shared>>)
        tpu.yield
      }) : () -> ()
      %add3A_47 = arith.constant 1 : i32
      %add3A_48 = arith.addi %mul3A_31, %add3A_47 : i32
      %add3A_49 = arith.constant 1 : i32
      %add3A_50 = arith.addi %add3A_48, %add3A_49 : i32
      %lt3A_51 = arith.constant 125 : i32
      %lt3A_52 = arith.cmpi slt, %add3A_50, %lt3A_51 : i32
      %convert_element_type3A_53 = arith.extui %lt3A_52 : i1 to i32
      %cond3A_54 = arith.constant 0 : i32
      %cond3A_55 = arith.cmpi ne, %convert_element_type3A_53, %cond3A_54 : i32
      scf.if %cond3A_55 {
        %add3A_65 = arith.constant 1 : i32
        %add3A_66 = arith.addi %add3A_48, %add3A_65 : i32
        %mul3A_67 = arith.constant 5000 : i32
        %mul3A_68 = arith.muli %add3A, %mul3A_67 : i32
        %mul3A_69 = arith.constant 40 : i32
        %mul3A_70 = arith.muli %add3A_66, %mul3A_69 : i32
        %add3A_71 = arith.addi %mul3A_68, %mul3A_70 : i32
        %dma_start3A_72 = arith.constant 0 : i32
        %dma_start3A_73 = tpu.memref_slice %arg3[%add3A_71, %dma_start3A_72] : memref<160000x128xf32, #tpu.memory_space<hbm>> -> memref<40x128xf32, #tpu.memory_space<hbm>>
        %dma_start3A_74 = arith.constant 0 : i32
        %dma_start3A_75 = tpu.memref_slice %arg3[%add3A_71, %dma_start3A_74] : memref<160000x128xf32, #tpu.memory_space<hbm>> -> memref<40x128xf32, #tpu.memory_space<hbm>>
        tpu.enqueue_dma source(%dma_start3A_75 : memref<40x128xf32, #tpu.memory_space<hbm>>) target(%arg7 : memref<40x128xf32, #tpu.memory_space<vmem>>) target_semaphore(%arg10 : memref<!tpu.dma_semaphore, #tpu.memory_space<semaphore_mem>>)
      } else {
      }
      %mul3A_56 = arith.constant 5000 : i32
      %mul3A_57 = arith.muli %add3A, %mul3A_56 : i32
      %mul3A_58 = arith.constant 40 : i32
      %mul3A_59 = arith.muli %add3A_48, %mul3A_58 : i32
      %add3A_60 = arith.addi %mul3A_57, %mul3A_59 : i32
      %dma_wait3A_61 = arith.constant 0 : i32
      %dma_wait3A_62 = tpu.memref_slice %arg3[%add3A_60, %dma_wait3A_61] : memref<160000x128xf32, #tpu.memory_space<hbm>> -> memref<40x128xf32, #tpu.memory_space<hbm>>
      %dma_wait3A_63 = arith.constant 0 : i32
      %dma_wait3A_64 = tpu.memref_slice %arg3[%add3A_60, %dma_wait3A_63] : memref<160000x128xf32, #tpu.memory_space<hbm>> -> memref<40x128xf32, #tpu.memory_space<hbm>>
      tpu.wait_dma2 semaphore(%arg11 : memref<!tpu.dma_semaphore, #tpu.memory_space<semaphore_mem>>) src(%dma_wait3A_64 : memref<40x128xf32, #tpu.memory_space<hbm>>) dst(%arg8 : memref<40x128xf32, #tpu.memory_space<vmem>>)
      "tpu.region"() ({
        %run_scoped3A_65 = tpu.sem_alloc : memref<!tpu.dma_semaphore, #tpu.memory_space<semaphore_mem>>
        %dma_start3A_66 = arith.constant 0 : i32
        %dma_start3A_67 = tpu.memref_slice %arg6[%add3A_48, %dma_start3A_66] : memref<125x40xi32, #tpu.memory_space<vmem>> -> memref<1x40xi32, #tpu.memory_space<vmem>>
        %dma_start3A_68 = tpu.memref_squeeze %dma_start3A_67 : memref<1x40xi32, #tpu.memory_space<vmem>> -> memref<40xi32, #tpu.memory_space<vmem>>
        %dma_start3A_69 = arith.constant 0 : i32
        %dma_start3A_70 = arith.constant 0 : i32
        %dma_start3A_71 = tpu.memref_slice %arg9[%dma_start3A_69, %dma_start3A_70] : memref<10240x128xf32, #tpu.memory_space<vmem_shared>> -> memref<10240x128xf32, #tpu.memory_space<vmem_shared>>
        tpu.enqueue_indirect_dma source(%arg8 : memref<40x128xf32, #tpu.memory_space<vmem>>) target(%dma_start3A_71 : memref<10240x128xf32, #tpu.memory_space<vmem_shared>>) offsets(%dma_start3A_68 : memref<40xi32, #tpu.memory_space<vmem>>) semaphore(%run_scoped3A_65 : memref<!tpu.dma_semaphore, #tpu.memory_space<semaphore_mem>>) {add = true}
        %dma_wait3A_72 = arith.constant 0 : i32
        %dma_wait3A_73 = tpu.memref_slice %arg6[%add3A_48, %dma_wait3A_72] : memref<125x40xi32, #tpu.memory_space<vmem>> -> memref<1x40xi32, #tpu.memory_space<vmem>>
        %dma_wait3A_74 = tpu.memref_squeeze %dma_wait3A_73 : memref<1x40xi32, #tpu.memory_space<vmem>> -> memref<40xi32, #tpu.memory_space<vmem>>
        %dma_wait3A_75 = arith.constant 0 : i32
        %dma_wait3A_76 = arith.constant 0 : i32
        %dma_wait3A_77 = tpu.memref_slice %arg9[%dma_wait3A_75, %dma_wait3A_76] : memref<10240x128xf32, #tpu.memory_space<vmem_shared>> -> memref<10240x128xf32, #tpu.memory_space<vmem_shared>>
        tpu.wait_indirect_dma semaphore(%run_scoped3A_65 : memref<!tpu.dma_semaphore, #tpu.memory_space<semaphore_mem>>) src(%arg8 : memref<40x128xf32, #tpu.memory_space<vmem>>) dst(%dma_wait3A_77 : memref<10240x128xf32, #tpu.memory_space<vmem_shared>>)
        tpu.yield
      }) : () -> ()
    }
    %scan3A_16 = arith.constant 62 : i32
    %mul3A_17 = arith.constant 5000 : i32
    %mul3A_18 = arith.muli %add3A, %mul3A_17 : i32
    %add3A_19 = arith.constant 4960 : i32
    %add3A_20 = arith.addi %mul3A_18, %add3A_19 : i32
    %dma_wait3A = arith.constant 0 : i32
    %dma_wait3A_21 = tpu.memref_slice %arg3[%add3A_20, %dma_wait3A] : memref<160000x128xf32, #tpu.memory_space<hbm>> -> memref<40x128xf32, #tpu.memory_space<hbm>>
    %dma_wait3A_22 = arith.constant 0 : i32
    %dma_wait3A_23 = tpu.memref_slice %arg3[%add3A_20, %dma_wait3A_22] : memref<160000x128xf32, #tpu.memory_space<hbm>> -> memref<40x128xf32, #tpu.memory_space<hbm>>
    tpu.wait_dma2 semaphore(%arg10 : memref<!tpu.dma_semaphore, #tpu.memory_space<semaphore_mem>>) src(%dma_wait3A_23 : memref<40x128xf32, #tpu.memory_space<hbm>>) dst(%arg7 : memref<40x128xf32, #tpu.memory_space<vmem>>)
    %run_scoped3A = arith.constant 124 : i32
    "tpu.region"() ({
      %run_scoped3A_29 = tpu.sem_alloc : memref<!tpu.dma_semaphore, #tpu.memory_space<semaphore_mem>>
      %dma_start3A_30 = arith.constant 0 : i32
      %dma_start3A_31 = tpu.memref_slice %arg6[%run_scoped3A, %dma_start3A_30] : memref<125x40xi32, #tpu.memory_space<vmem>> -> memref<1x40xi32, #tpu.memory_space<vmem>>
      %dma_start3A_32 = tpu.memref_squeeze %dma_start3A_31 : memref<1x40xi32, #tpu.memory_space<vmem>> -> memref<40xi32, #tpu.memory_space<vmem>>
      %dma_start3A_33 = arith.constant 0 : i32
      %dma_start3A_34 = arith.constant 0 : i32
      %dma_start3A_35 = tpu.memref_slice %arg9[%dma_start3A_33, %dma_start3A_34] : memref<10240x128xf32, #tpu.memory_space<vmem_shared>> -> memref<10240x128xf32, #tpu.memory_space<vmem_shared>>
      tpu.enqueue_indirect_dma source(%arg7 : memref<40x128xf32, #tpu.memory_space<vmem>>) target(%dma_start3A_35 : memref<10240x128xf32, #tpu.memory_space<vmem_shared>>) offsets(%dma_start3A_32 : memref<40xi32, #tpu.memory_space<vmem>>) semaphore(%run_scoped3A_29 : memref<!tpu.dma_semaphore, #tpu.memory_space<semaphore_mem>>) {add = true}
      %dma_wait3A_36 = arith.constant 0 : i32
      %dma_wait3A_37 = tpu.memref_slice %arg6[%run_scoped3A, %dma_wait3A_36] : memref<125x40xi32, #tpu.memory_space<vmem>> -> memref<1x40xi32, #tpu.memory_space<vmem>>
      %dma_wait3A_38 = tpu.memref_squeeze %dma_wait3A_37 : memref<1x40xi32, #tpu.memory_space<vmem>> -> memref<40xi32, #tpu.memory_space<vmem>>
      %dma_wait3A_39 = arith.constant 0 : i32
      %dma_wait3A_40 = arith.constant 0 : i32
      %dma_wait3A_41 = tpu.memref_slice %arg9[%dma_wait3A_39, %dma_wait3A_40] : memref<10240x128xf32, #tpu.memory_space<vmem_shared>> -> memref<10240x128xf32, #tpu.memory_space<vmem_shared>>
      tpu.wait_indirect_dma semaphore(%run_scoped3A_29 : memref<!tpu.dma_semaphore, #tpu.memory_space<semaphore_mem>>) src(%arg7 : memref<40x128xf32, #tpu.memory_space<vmem>>) dst(%dma_wait3A_41 : memref<10240x128xf32, #tpu.memory_space<vmem_shared>>)
      tpu.yield
    }) : () -> ()
    %barrier3A_24 = arith.constant 0 : index
    tpu.barrier barrier_id(%barrier3A_24)
    %mul3A_25 = arith.constant 640 : i32
    %mul3A_26 = arith.muli %arg1, %mul3A_25 : i32
    %mul3A_27 = arith.constant 640 : i32
    %mul3A_28 = arith.muli %arg1, %mul3A_27 : i32
    "tpu.region"() ({
      %run_scoped3A_29 = tpu.sem_alloc : memref<!tpu.dma_semaphore, #tpu.memory_space<semaphore_mem>>
      %dma_start3A_30 = arith.constant 0 : i32
      %dma_start3A_31 = tpu.memref_slice %arg5[%arg0, %mul3A_28, %dma_start3A_30] : memref<2x10240x128xf32, #tpu.memory_space<hbm>> -> memref<1x640x128xf32, #tpu.memory_space<hbm>>
      %dma_start3A_32 = tpu.memref_squeeze %dma_start3A_31 : memref<1x640x128xf32, #tpu.memory_space<hbm>> -> memref<640x128xf32, #tpu.memory_space<hbm>>
      %dma_start3A_33 = arith.constant 0 : i32
      %dma_start3A_34 = tpu.memref_slice %arg9[%mul3A_26, %dma_start3A_33] : memref<10240x128xf32, #tpu.memory_space<vmem_shared>> -> memref<640x128xf32, #tpu.memory_space<vmem_shared>>
      tpu.enqueue_dma source(%dma_start3A_34 : memref<640x128xf32, #tpu.memory_space<vmem_shared>>) target(%dma_start3A_32 : memref<640x128xf32, #tpu.memory_space<hbm>>) target_semaphore(%run_scoped3A_29 : memref<!tpu.dma_semaphore, #tpu.memory_space<semaphore_mem>>)
      %dma_wait3A_35 = arith.constant 0 : i32
      %dma_wait3A_36 = tpu.memref_slice %arg5[%arg0, %mul3A_28, %dma_wait3A_35] : memref<2x10240x128xf32, #tpu.memory_space<hbm>> -> memref<1x640x128xf32, #tpu.memory_space<hbm>>
      %dma_wait3A_37 = tpu.memref_squeeze %dma_wait3A_36 : memref<1x640x128xf32, #tpu.memory_space<hbm>> -> memref<640x128xf32, #tpu.memory_space<hbm>>
      %dma_wait3A_38 = arith.constant 0 : i32
      %dma_wait3A_39 = tpu.memref_slice %arg9[%mul3A_26, %dma_wait3A_38] : memref<10240x128xf32, #tpu.memory_space<vmem_shared>> -> memref<640x128xf32, #tpu.memory_space<vmem_shared>>
      tpu.wait_dma2 semaphore(%run_scoped3A_29 : memref<!tpu.dma_semaphore, #tpu.memory_space<semaphore_mem>>) src(%dma_wait3A_39 : memref<640x128xf32, #tpu.memory_space<vmem_shared>>) dst(%dma_wait3A_37 : memref<640x128xf32, #tpu.memory_space<hbm>>)
      tpu.yield
    }) : () -> ()
    return
  }
}

#map = affine_map<(d0, d1) -> (0)>
#map1 = affine_map<(d0, d1) -> (0, 0)>
module attributes {stable_mosaic.version = 14 : i64} {
  func.func @_sc_gather_d2(%arg0: i32, %arg1: i32, %arg2: memref<160000xi32, #tpu.memory_space<hbm>>, %arg3: memref<160000xi32, #tpu.memory_space<hbm>>, %arg4: memref<20000xf32, #tpu.memory_space<hbm>>, %arg5: memref<10000x128xf32, #tpu.memory_space<hbm>>, %arg6: memref<10000x128xf32, #tpu.memory_space<hbm>>, %arg7: memref<320000xf32, #tpu.memory_space<hbm>>, %arg8: memref<160000x128xf32, #tpu.memory_space<hbm>>, %arg9: memref<160000x128xf32, #tpu.memory_space<hbm>>, %arg10: memref<20000xf32, #tpu.memory_space<vmem>>, %arg11: memref<10000xf32, #tpu.memory_space<vmem>>, %arg12: memref<5000xi32, #tpu.memory_space<vmem>>, %arg13: memref<5000xi32, #tpu.memory_space<vmem>>, %arg14: memref<128x128xf32, #tpu.memory_space<vmem>>, %arg15: memref<128x128xf32, #tpu.memory_space<vmem>>, %arg16: memref<128x128xf32, #tpu.memory_space<vmem>>, %arg17: memref<128x128xf32, #tpu.memory_space<vmem>>, %arg18: memref<!tpu.dma_semaphore, #tpu.memory_space<semaphore_mem>>, %arg19: memref<!tpu.dma_semaphore, #tpu.memory_space<semaphore_mem>>, %arg20: memref<!tpu.dma_semaphore, #tpu.memory_space<semaphore_mem>>, %arg21: memref<!tpu.dma_semaphore, #tpu.memory_space<semaphore_mem>>, %arg22: memref<!tpu.dma_semaphore, #tpu.memory_space<semaphore_mem>>, %arg23: memref<!tpu.dma_semaphore, #tpu.memory_space<semaphore_mem>>, %arg24: memref<!tpu.dma_semaphore, #tpu.memory_space<semaphore_mem>>, %arg25: memref<!tpu.dma_semaphore, #tpu.memory_space<semaphore_mem>>) attributes {dimension_semantics = [#tpu.dimension_semantics<core_parallel>, #tpu.dimension_semantics<subcore_parallel>], iteration_bounds = array<i64: 2, 16>, scalar_prefetch = 0 : i64, scratch_operands = 16 : i64, tpu.core_type = #tpu.core_type<sc_vector_subcore>, window_params = [{transform_indices = #map}, {transform_indices = #map}, {transform_indices = #map}, {transform_indices = #map1}, {transform_indices = #map1}, {transform_indices = #map}, {transform_indices = #map1}, {transform_indices = #map1}]} {
    %mul3A = arith.constant 16 : i32
    %mul3A_0 = arith.muli %arg0, %mul3A : i32
    %add3A = arith.addi %mul3A_0, %arg1 : i32
    %mul3A_1 = arith.constant 5000 : i32
    %mul3A_2 = arith.muli %add3A, %mul3A_1 : i32
    "tpu.region"() ({
      %run_scoped3A = tpu.sem_alloc : memref<!tpu.dma_semaphore, #tpu.memory_space<semaphore_mem>>
      %dma_start3A_117 = tpu.memref_slice %arg2[%mul3A_2] : memref<160000xi32, #tpu.memory_space<hbm>> -> memref<5000xi32, #tpu.memory_space<hbm>>
      %dma_start3A_118 = tpu.memref_slice %arg2[%mul3A_2] : memref<160000xi32, #tpu.memory_space<hbm>> -> memref<5000xi32, #tpu.memory_space<hbm>>
      tpu.enqueue_dma source(%dma_start3A_118 : memref<5000xi32, #tpu.memory_space<hbm>>) target(%arg12 : memref<5000xi32, #tpu.memory_space<vmem>>) target_semaphore(%run_scoped3A : memref<!tpu.dma_semaphore, #tpu.memory_space<semaphore_mem>>)
      %dma_wait3A_119 = tpu.memref_slice %arg2[%mul3A_2] : memref<160000xi32, #tpu.memory_space<hbm>> -> memref<5000xi32, #tpu.memory_space<hbm>>
      %dma_wait3A_120 = tpu.memref_slice %arg2[%mul3A_2] : memref<160000xi32, #tpu.memory_space<hbm>> -> memref<5000xi32, #tpu.memory_space<hbm>>
      tpu.wait_dma2 semaphore(%run_scoped3A : memref<!tpu.dma_semaphore, #tpu.memory_space<semaphore_mem>>) src(%dma_wait3A_120 : memref<5000xi32, #tpu.memory_space<hbm>>) dst(%arg12 : memref<5000xi32, #tpu.memory_space<vmem>>)
      tpu.yield
    }) : () -> ()
    "tpu.region"() ({
      %run_scoped3A = tpu.sem_alloc : memref<!tpu.dma_semaphore, #tpu.memory_space<semaphore_mem>>
      %dma_start3A_117 = tpu.memref_slice %arg3[%mul3A_2] : memref<160000xi32, #tpu.memory_space<hbm>> -> memref<5000xi32, #tpu.memory_space<hbm>>
      %dma_start3A_118 = tpu.memref_slice %arg3[%mul3A_2] : memref<160000xi32, #tpu.memory_space<hbm>> -> memref<5000xi32, #tpu.memory_space<hbm>>
      tpu.enqueue_dma source(%dma_start3A_118 : memref<5000xi32, #tpu.memory_space<hbm>>) target(%arg13 : memref<5000xi32, #tpu.memory_space<vmem>>) target_semaphore(%run_scoped3A : memref<!tpu.dma_semaphore, #tpu.memory_space<semaphore_mem>>)
      %dma_wait3A_119 = tpu.memref_slice %arg3[%mul3A_2] : memref<160000xi32, #tpu.memory_space<hbm>> -> memref<5000xi32, #tpu.memory_space<hbm>>
      %dma_wait3A_120 = tpu.memref_slice %arg3[%mul3A_2] : memref<160000xi32, #tpu.memory_space<hbm>> -> memref<5000xi32, #tpu.memory_space<hbm>>
      tpu.wait_dma2 semaphore(%run_scoped3A : memref<!tpu.dma_semaphore, #tpu.memory_space<semaphore_mem>>) src(%dma_wait3A_120 : memref<5000xi32, #tpu.memory_space<hbm>>) dst(%arg13 : memref<5000xi32, #tpu.memory_space<vmem>>)
      tpu.yield
    }) : () -> ()
    %dma_start3A = arith.constant 0 : i32
    %dma_start3A_3 = tpu.memref_slice %arg12[%dma_start3A] : memref<5000xi32, #tpu.memory_space<vmem>> -> memref<128xi32, #tpu.memory_space<vmem>>
    %dma_start3A_4 = arith.constant 0 : i32
    %dma_start3A_5 = arith.constant 0 : i32
    %dma_start3A_6 = tpu.memref_slice %arg5[%dma_start3A_4, %dma_start3A_5] : memref<10000x128xf32, #tpu.memory_space<hbm>> -> memref<10000x128xf32, #tpu.memory_space<hbm>>
    tpu.enqueue_indirect_dma source(%dma_start3A_6 : memref<10000x128xf32, #tpu.memory_space<hbm>>) target(%arg14 : memref<128x128xf32, #tpu.memory_space<vmem>>) offsets(%dma_start3A_3 : memref<128xi32, #tpu.memory_space<vmem>>) semaphore(%arg18 : memref<!tpu.dma_semaphore, #tpu.memory_space<semaphore_mem>>)
    %dma_start3A_7 = arith.constant 0 : i32
    %dma_start3A_8 = tpu.memref_slice %arg13[%dma_start3A_7] : memref<5000xi32, #tpu.memory_space<vmem>> -> memref<128xi32, #tpu.memory_space<vmem>>
    %dma_start3A_9 = arith.constant 0 : i32
    %dma_start3A_10 = arith.constant 0 : i32
    %dma_start3A_11 = tpu.memref_slice %arg6[%dma_start3A_9, %dma_start3A_10] : memref<10000x128xf32, #tpu.memory_space<hbm>> -> memref<10000x128xf32, #tpu.memory_space<hbm>>
    tpu.enqueue_indirect_dma source(%dma_start3A_11 : memref<10000x128xf32, #tpu.memory_space<hbm>>) target(%arg16 : memref<128x128xf32, #tpu.memory_space<vmem>>) offsets(%dma_start3A_8 : memref<128xi32, #tpu.memory_space<vmem>>) semaphore(%arg20 : memref<!tpu.dma_semaphore, #tpu.memory_space<semaphore_mem>>)
    %dma_start3A_12 = arith.constant 128 : i32
    %dma_start3A_13 = tpu.memref_slice %arg12[%dma_start3A_12] : memref<5000xi32, #tpu.memory_space<vmem>> -> memref<128xi32, #tpu.memory_space<vmem>>
    %dma_start3A_14 = arith.constant 0 : i32
    %dma_start3A_15 = arith.constant 0 : i32
    %dma_start3A_16 = tpu.memref_slice %arg5[%dma_start3A_14, %dma_start3A_15] : memref<10000x128xf32, #tpu.memory_space<hbm>> -> memref<10000x128xf32, #tpu.memory_space<hbm>>
    tpu.enqueue_indirect_dma source(%dma_start3A_16 : memref<10000x128xf32, #tpu.memory_space<hbm>>) target(%arg15 : memref<128x128xf32, #tpu.memory_space<vmem>>) offsets(%dma_start3A_13 : memref<128xi32, #tpu.memory_space<vmem>>) semaphore(%arg19 : memref<!tpu.dma_semaphore, #tpu.memory_space<semaphore_mem>>)
    %dma_start3A_17 = arith.constant 128 : i32
    %dma_start3A_18 = tpu.memref_slice %arg13[%dma_start3A_17] : memref<5000xi32, #tpu.memory_space<vmem>> -> memref<128xi32, #tpu.memory_space<vmem>>
    %dma_start3A_19 = arith.constant 0 : i32
    %dma_start3A_20 = arith.constant 0 : i32
    %dma_start3A_21 = tpu.memref_slice %arg6[%dma_start3A_19, %dma_start3A_20] : memref<10000x128xf32, #tpu.memory_space<hbm>> -> memref<10000x128xf32, #tpu.memory_space<hbm>>
    tpu.enqueue_indirect_dma source(%dma_start3A_21 : memref<10000x128xf32, #tpu.memory_space<hbm>>) target(%arg17 : memref<128x128xf32, #tpu.memory_space<vmem>>) offsets(%dma_start3A_18 : memref<128xi32, #tpu.memory_space<vmem>>) semaphore(%arg21 : memref<!tpu.dma_semaphore, #tpu.memory_space<semaphore_mem>>)
    "tpu.region"() ({
      %run_scoped3A = tpu.sem_alloc : memref<!tpu.dma_semaphore, #tpu.memory_space<semaphore_mem>>
      tpu.enqueue_dma source(%arg4 : memref<20000xf32, #tpu.memory_space<hbm>>) target(%arg10 : memref<20000xf32, #tpu.memory_space<vmem>>) target_semaphore(%run_scoped3A : memref<!tpu.dma_semaphore, #tpu.memory_space<semaphore_mem>>)
      tpu.wait_dma2 semaphore(%run_scoped3A : memref<!tpu.dma_semaphore, #tpu.memory_space<semaphore_mem>>) src(%arg4 : memref<20000xf32, #tpu.memory_space<hbm>>) dst(%arg10 : memref<20000xf32, #tpu.memory_space<vmem>>)
      tpu.yield
    }) : () -> ()
    %iota3A = tpu.iota {dimensions = array<i32: 0>} : vector<16xi32>
    %broadcast_in_dim3A = arith.constant 1 : i32
    %broadcast_in_dim3A_22 = vector.broadcast %broadcast_in_dim3A : i32 to vector<16xi32>
    %scan3A = arith.constant 0 : i32
    %scan3A_23 = arith.constant 0 : i32
    %scan3A_24 = arith.constant 312 : i32
    %scan3A_25 = arith.addi %scan3A_23, %scan3A_24 : i32
    %scan3A_26 = arith.constant 1 : i32
    scf.for %scan3A_117 = %scan3A_23 to %scan3A_25 step %scan3A_26  : i32 {
      %mul3A_118 = arith.constant 16 : i32
      %mul3A_119 = arith.muli %scan3A_117, %mul3A_118 : i32
      %get3A = arith.index_cast %mul3A_119 : i32 to index
      %get3A_120 = tpu.vector_load %arg12[%get3A] {strides = array<i32>} : memref<5000xi32, #tpu.memory_space<vmem>>, vector<16xi32>,
      %mul3A_121 = arith.constant 2 : i32
      %mul3A_122 = vector.broadcast %mul3A_121 : i32 to vector<16xi32>
      %mul3A_123 = arith.muli %mul3A_122, %get3A_120 : vector<16xi32>
      %mul3A_124 = arith.constant 16 : i32
      %mul3A_125 = arith.muli %scan3A_117, %mul3A_124 : i32
      %get3A_126 = arith.index_cast %mul3A_125 : i32 to index
      %get3A_127 = tpu.vector_load %arg13[%get3A_126] {strides = array<i32>} : memref<5000xi32, #tpu.memory_space<vmem>>, vector<16xi32>,
      %mul3A_128 = arith.constant 2 : i32
      %mul3A_129 = vector.broadcast %mul3A_128 : i32 to vector<16xi32>
      %mul3A_130 = arith.muli %mul3A_129, %get3A_127 : vector<16xi32>
      %gather3A = tpu.vector_load_idx %arg10[%mul3A_123] : memref<20000xf32, #tpu.memory_space<vmem>>[vector<16xi32>], vector<16xf32>,
      %add3A_131 = arith.addi %mul3A_123, %broadcast_in_dim3A_22 : vector<16xi32>
      %gather3A_132 = tpu.vector_load_idx %arg10[%add3A_131] : memref<20000xf32, #tpu.memory_space<vmem>>[vector<16xi32>], vector<16xf32>,
      %gather3A_133 = tpu.vector_load_idx %arg10[%mul3A_130] : memref<20000xf32, #tpu.memory_space<vmem>>[vector<16xi32>], vector<16xf32>,
      %add3A_134 = arith.addi %mul3A_130, %broadcast_in_dim3A_22 : vector<16xi32>
      %gather3A_135 = tpu.vector_load_idx %arg10[%add3A_134] : memref<20000xf32, #tpu.memory_space<vmem>>[vector<16xi32>], vector<16xf32>,
      %mul3A_136 = arith.constant 16 : i32
      %mul3A_137 = arith.muli %scan3A_117, %mul3A_136 : i32
      %add3A_138 = vector.broadcast %mul3A_137 : i32 to vector<16xi32>
      %add3A_139 = arith.addi %add3A_138, %iota3A : vector<16xi32>
      %mul3A_140 = arith.constant 2 : i32
      %mul3A_141 = vector.broadcast %mul3A_140 : i32 to vector<16xi32>
      %mul3A_142 = arith.muli %mul3A_141, %add3A_139 : vector<16xi32>
      %sub3A = arith.subf %gather3A, %gather3A_133 : vector<16xf32>
      tpu.vector_store_idx %arg11[%mul3A_142], %sub3A : memref<10000xf32, #tpu.memory_space<vmem>>[vector<16xi32>], vector<16xf32>,
      %add3A_143 = arith.addi %mul3A_142, %broadcast_in_dim3A_22 : vector<16xi32>
      %sub3A_144 = arith.subf %gather3A_132, %gather3A_135 : vector<16xf32>
      tpu.vector_store_idx %arg11[%add3A_143], %sub3A_144 : memref<10000xf32, #tpu.memory_space<vmem>>[vector<16xi32>], vector<16xf32>,
    }
    %scan3A_27 = arith.constant 312 : i32
    %mul3A_28 = arith.constant 2 : i32
    %mul3A_29 = arith.muli %mul3A_28, %mul3A_2 : i32
    "tpu.region"() ({
      %run_scoped3A = tpu.sem_alloc : memref<!tpu.dma_semaphore, #tpu.memory_space<semaphore_mem>>
      %dma_start3A_117 = tpu.memref_slice %arg7[%mul3A_29] : memref<320000xf32, #tpu.memory_space<hbm>> -> memref<10000xf32, #tpu.memory_space<hbm>>
      %dma_start3A_118 = tpu.memref_slice %arg7[%mul3A_29] : memref<320000xf32, #tpu.memory_space<hbm>> -> memref<10000xf32, #tpu.memory_space<hbm>>
      tpu.enqueue_dma source(%arg11 : memref<10000xf32, #tpu.memory_space<vmem>>) target(%dma_start3A_118 : memref<10000xf32, #tpu.memory_space<hbm>>) target_semaphore(%run_scoped3A : memref<!tpu.dma_semaphore, #tpu.memory_space<semaphore_mem>>)
      %dma_wait3A_119 = tpu.memref_slice %arg7[%mul3A_29] : memref<320000xf32, #tpu.memory_space<hbm>> -> memref<10000xf32, #tpu.memory_space<hbm>>
      %dma_wait3A_120 = tpu.memref_slice %arg7[%mul3A_29] : memref<320000xf32, #tpu.memory_space<hbm>> -> memref<10000xf32, #tpu.memory_space<hbm>>
      tpu.wait_dma2 semaphore(%run_scoped3A : memref<!tpu.dma_semaphore, #tpu.memory_space<semaphore_mem>>) src(%arg11 : memref<10000xf32, #tpu.memory_space<vmem>>) dst(%dma_wait3A_120 : memref<10000xf32, #tpu.memory_space<hbm>>)
      tpu.yield
    }) : () -> ()
    %scan3A_30 = arith.constant 0 : i32
    %scan3A_31 = arith.constant 0 : i32
    %scan3A_32 = arith.constant 19 : i32
    %scan3A_33 = arith.addi %scan3A_31, %scan3A_32 : i32
    %scan3A_34 = arith.constant 1 : i32
    scf.for %scan3A_117 = %scan3A_31 to %scan3A_33 step %scan3A_34  : i32 {
      %mul3A_118 = arith.constant 2 : i32
      %mul3A_119 = arith.muli %scan3A_117, %mul3A_118 : i32
      %add3A_120 = arith.constant 0 : i32
      %add3A_121 = arith.addi %mul3A_119, %add3A_120 : i32
      %mul3A_122 = arith.constant 128 : i32
      %mul3A_123 = arith.muli %add3A_121, %mul3A_122 : i32
      %dma_wait3A_124 = tpu.memref_slice %arg12[%mul3A_123] : memref<5000xi32, #tpu.memory_space<vmem>> -> memref<128xi32, #tpu.memory_space<vmem>>
      %dma_wait3A_125 = arith.constant 0 : i32
      %dma_wait3A_126 = arith.constant 0 : i32
      %dma_wait3A_127 = tpu.memref_slice %arg5[%dma_wait3A_125, %dma_wait3A_126] : memref<10000x128xf32, #tpu.memory_space<hbm>> -> memref<10000x128xf32, #tpu.memory_space<hbm>>
      tpu.wait_indirect_dma semaphore(%arg18 : memref<!tpu.dma_semaphore, #tpu.memory_space<semaphore_mem>>) src(%dma_wait3A_127 : memref<10000x128xf32, #tpu.memory_space<hbm>>) dst(%arg14 : memref<128x128xf32, #tpu.memory_space<vmem>>)
      %mul3A_128 = arith.constant 128 : i32
      %mul3A_129 = arith.muli %add3A_121, %mul3A_128 : i32
      %add3A_130 = arith.addi %mul3A_2, %mul3A_129 : i32
      %dma_start3A_131 = arith.constant 0 : i32
      %dma_start3A_132 = tpu.memref_slice %arg8[%add3A_130, %dma_start3A_131] : memref<160000x128xf32, #tpu.memory_space<hbm>> -> memref<128x128xf32, #tpu.memory_space<hbm>>
      %dma_start3A_133 = arith.constant 0 : i32
      %dma_start3A_134 = tpu.memref_slice %arg8[%add3A_130, %dma_start3A_133] : memref<160000x128xf32, #tpu.memory_space<hbm>> -> memref<128x128xf32, #tpu.memory_space<hbm>>
      tpu.enqueue_dma source(%arg14 : memref<128x128xf32, #tpu.memory_space<vmem>>) target(%dma_start3A_134 : memref<128x128xf32, #tpu.memory_space<hbm>>) target_semaphore(%arg22 : memref<!tpu.dma_semaphore, #tpu.memory_space<semaphore_mem>>)
      %mul3A_135 = arith.constant 128 : i32
      %mul3A_136 = arith.muli %add3A_121, %mul3A_135 : i32
      %dma_wait3A_137 = tpu.memref_slice %arg13[%mul3A_136] : memref<5000xi32, #tpu.memory_space<vmem>> -> memref<128xi32, #tpu.memory_space<vmem>>
      %dma_wait3A_138 = arith.constant 0 : i32
      %dma_wait3A_139 = arith.constant 0 : i32
      %dma_wait3A_140 = tpu.memref_slice %arg6[%dma_wait3A_138, %dma_wait3A_139] : memref<10000x128xf32, #tpu.memory_space<hbm>> -> memref<10000x128xf32, #tpu.memory_space<hbm>>
      tpu.wait_indirect_dma semaphore(%arg20 : memref<!tpu.dma_semaphore, #tpu.memory_space<semaphore_mem>>) src(%dma_wait3A_140 : memref<10000x128xf32, #tpu.memory_space<hbm>>) dst(%arg16 : memref<128x128xf32, #tpu.memory_space<vmem>>)
      %mul3A_141 = arith.constant 128 : i32
      %mul3A_142 = arith.muli %add3A_121, %mul3A_141 : i32
      %add3A_143 = arith.addi %mul3A_2, %mul3A_142 : i32
      %dma_start3A_144 = arith.constant 0 : i32
      %dma_start3A_145 = tpu.memref_slice %arg9[%add3A_143, %dma_start3A_144] : memref<160000x128xf32, #tpu.memory_space<hbm>> -> memref<128x128xf32, #tpu.memory_space<hbm>>
      %dma_start3A_146 = arith.constant 0 : i32
      %dma_start3A_147 = tpu.memref_slice %arg9[%add3A_143, %dma_start3A_146] : memref<160000x128xf32, #tpu.memory_space<hbm>> -> memref<128x128xf32, #tpu.memory_space<hbm>>
      tpu.enqueue_dma source(%arg16 : memref<128x128xf32, #tpu.memory_space<vmem>>) target(%dma_start3A_147 : memref<128x128xf32, #tpu.memory_space<hbm>>) target_semaphore(%arg24 : memref<!tpu.dma_semaphore, #tpu.memory_space<semaphore_mem>>)
      %add3A_148 = arith.constant 1 : i32
      %add3A_149 = arith.addi %mul3A_119, %add3A_148 : i32
      %mul3A_150 = arith.constant 128 : i32
      %mul3A_151 = arith.muli %add3A_149, %mul3A_150 : i32
      %dma_wait3A_152 = tpu.memref_slice %arg12[%mul3A_151] : memref<5000xi32, #tpu.memory_space<vmem>> -> memref<128xi32, #tpu.memory_space<vmem>>
      %dma_wait3A_153 = arith.constant 0 : i32
      %dma_wait3A_154 = arith.constant 0 : i32
      %dma_wait3A_155 = tpu.memref_slice %arg5[%dma_wait3A_153, %dma_wait3A_154] : memref<10000x128xf32, #tpu.memory_space<hbm>> -> memref<10000x128xf32, #tpu.memory_space<hbm>>
      tpu.wait_indirect_dma semaphore(%arg19 : memref<!tpu.dma_semaphore, #tpu.memory_space<semaphore_mem>>) src(%dma_wait3A_155 : memref<10000x128xf32, #tpu.memory_space<hbm>>) dst(%arg15 : memref<128x128xf32, #tpu.memory_space<vmem>>)
      %mul3A_156 = arith.constant 128 : i32
      %mul3A_157 = arith.muli %add3A_149, %mul3A_156 : i32
      %add3A_158 = arith.addi %mul3A_2, %mul3A_157 : i32
      %dma_start3A_159 = arith.constant 0 : i32
      %dma_start3A_160 = tpu.memref_slice %arg8[%add3A_158, %dma_start3A_159] : memref<160000x128xf32, #tpu.memory_space<hbm>> -> memref<128x128xf32, #tpu.memory_space<hbm>>
      %dma_start3A_161 = arith.constant 0 : i32
      %dma_start3A_162 = tpu.memref_slice %arg8[%add3A_158, %dma_start3A_161] : memref<160000x128xf32, #tpu.memory_space<hbm>> -> memref<128x128xf32, #tpu.memory_space<hbm>>
      tpu.enqueue_dma source(%arg15 : memref<128x128xf32, #tpu.memory_space<vmem>>) target(%dma_start3A_162 : memref<128x128xf32, #tpu.memory_space<hbm>>) target_semaphore(%arg23 : memref<!tpu.dma_semaphore, #tpu.memory_space<semaphore_mem>>)
      %mul3A_163 = arith.constant 128 : i32
      %mul3A_164 = arith.muli %add3A_149, %mul3A_163 : i32
      %dma_wait3A_165 = tpu.memref_slice %arg13[%mul3A_164] : memref<5000xi32, #tpu.memory_space<vmem>> -> memref<128xi32, #tpu.memory_space<vmem>>
      %dma_wait3A_166 = arith.constant 0 : i32
      %dma_wait3A_167 = arith.constant 0 : i32
      %dma_wait3A_168 = tpu.memref_slice %arg6[%dma_wait3A_166, %dma_wait3A_167] : memref<10000x128xf32, #tpu.memory_space<hbm>> -> memref<10000x128xf32, #tpu.memory_space<hbm>>
      tpu.wait_indirect_dma semaphore(%arg21 : memref<!tpu.dma_semaphore, #tpu.memory_space<semaphore_mem>>) src(%dma_wait3A_168 : memref<10000x128xf32, #tpu.memory_space<hbm>>) dst(%arg17 : memref<128x128xf32, #tpu.memory_space<vmem>>)
      %mul3A_169 = arith.constant 128 : i32
      %mul3A_170 = arith.muli %add3A_149, %mul3A_169 : i32
      %add3A_171 = arith.addi %mul3A_2, %mul3A_170 : i32
      %dma_start3A_172 = arith.constant 0 : i32
      %dma_start3A_173 = tpu.memref_slice %arg9[%add3A_171, %dma_start3A_172] : memref<160000x128xf32, #tpu.memory_space<hbm>> -> memref<128x128xf32, #tpu.memory_space<hbm>>
      %dma_start3A_174 = arith.constant 0 : i32
      %dma_start3A_175 = tpu.memref_slice %arg9[%add3A_171, %dma_start3A_174] : memref<160000x128xf32, #tpu.memory_space<hbm>> -> memref<128x128xf32, #tpu.memory_space<hbm>>
      tpu.enqueue_dma source(%arg17 : memref<128x128xf32, #tpu.memory_space<vmem>>) target(%dma_start3A_175 : memref<128x128xf32, #tpu.memory_space<hbm>>) target_semaphore(%arg25 : memref<!tpu.dma_semaphore, #tpu.memory_space<semaphore_mem>>)
      %add3A_176 = arith.constant 2 : i32
      %add3A_177 = arith.addi %mul3A_119, %add3A_176 : i32
      %add3A_178 = arith.constant 0 : i32
      %add3A_179 = arith.addi %add3A_177, %add3A_178 : i32
      %lt3A = arith.constant 39 : i32
      %lt3A_180 = arith.cmpi slt, %add3A_179, %lt3A : i32
      %convert_element_type3A = arith.extui %lt3A_180 : i1 to i32
      %cond3A = arith.constant 0 : i32
      %cond3A_181 = arith.cmpi ne, %convert_element_type3A, %cond3A : i32
      scf.if %cond3A_181 {
        %mul3A_191 = arith.constant 128 : i32
        %mul3A_192 = arith.muli %add3A_179, %mul3A_191 : i32
        %add3A_193 = arith.addi %mul3A_2, %mul3A_192 : i32
        %dma_wait3A_194 = arith.constant 0 : i32
        %dma_wait3A_195 = tpu.memref_slice %arg8[%add3A_193, %dma_wait3A_194] : memref<160000x128xf32, #tpu.memory_space<hbm>> -> memref<128x128xf32, #tpu.memory_space<hbm>>
        %dma_wait3A_196 = arith.constant 0 : i32
        %dma_wait3A_197 = tpu.memref_slice %arg8[%add3A_193, %dma_wait3A_196] : memref<160000x128xf32, #tpu.memory_space<hbm>> -> memref<128x128xf32, #tpu.memory_space<hbm>>
        tpu.wait_dma2 semaphore(%arg22 : memref<!tpu.dma_semaphore, #tpu.memory_space<semaphore_mem>>) src(%arg14 : memref<128x128xf32, #tpu.memory_space<vmem>>) dst(%dma_wait3A_197 : memref<128x128xf32, #tpu.memory_space<hbm>>)
        %mul3A_198 = arith.constant 128 : i32
        %mul3A_199 = arith.muli %add3A_179, %mul3A_198 : i32
        %dma_start3A_200 = tpu.memref_slice %arg12[%mul3A_199] : memref<5000xi32, #tpu.memory_space<vmem>> -> memref<128xi32, #tpu.memory_space<vmem>>
        %dma_start3A_201 = arith.constant 0 : i32
        %dma_start3A_202 = arith.constant 0 : i32
        %dma_start3A_203 = tpu.memref_slice %arg5[%dma_start3A_201, %dma_start3A_202] : memref<10000x128xf32, #tpu.memory_space<hbm>> -> memref<10000x128xf32, #tpu.memory_space<hbm>>
        tpu.enqueue_indirect_dma source(%dma_start3A_203 : memref<10000x128xf32, #tpu.memory_space<hbm>>) target(%arg14 : memref<128x128xf32, #tpu.memory_space<vmem>>) offsets(%dma_start3A_200 : memref<128xi32, #tpu.memory_space<vmem>>) semaphore(%arg18 : memref<!tpu.dma_semaphore, #tpu.memory_space<semaphore_mem>>)
        %mul3A_204 = arith.constant 128 : i32
        %mul3A_205 = arith.muli %add3A_179, %mul3A_204 : i32
        %add3A_206 = arith.addi %mul3A_2, %mul3A_205 : i32
        %dma_wait3A_207 = arith.constant 0 : i32
        %dma_wait3A_208 = tpu.memref_slice %arg9[%add3A_206, %dma_wait3A_207] : memref<160000x128xf32, #tpu.memory_space<hbm>> -> memref<128x128xf32, #tpu.memory_space<hbm>>
        %dma_wait3A_209 = arith.constant 0 : i32
        %dma_wait3A_210 = tpu.memref_slice %arg9[%add3A_206, %dma_wait3A_209] : memref<160000x128xf32, #tpu.memory_space<hbm>> -> memref<128x128xf32, #tpu.memory_space<hbm>>
        tpu.wait_dma2 semaphore(%arg24 : memref<!tpu.dma_semaphore, #tpu.memory_space<semaphore_mem>>) src(%arg16 : memref<128x128xf32, #tpu.memory_space<vmem>>) dst(%dma_wait3A_210 : memref<128x128xf32, #tpu.memory_space<hbm>>)
        %mul3A_211 = arith.constant 128 : i32
        %mul3A_212 = arith.muli %add3A_179, %mul3A_211 : i32
        %dma_start3A_213 = tpu.memref_slice %arg13[%mul3A_212] : memref<5000xi32, #tpu.memory_space<vmem>> -> memref<128xi32, #tpu.memory_space<vmem>>
        %dma_start3A_214 = arith.constant 0 : i32
        %dma_start3A_215 = arith.constant 0 : i32
        %dma_start3A_216 = tpu.memref_slice %arg6[%dma_start3A_214, %dma_start3A_215] : memref<10000x128xf32, #tpu.memory_space<hbm>> -> memref<10000x128xf32, #tpu.memory_space<hbm>>
        tpu.enqueue_indirect_dma source(%dma_start3A_216 : memref<10000x128xf32, #tpu.memory_space<hbm>>) target(%arg16 : memref<128x128xf32, #tpu.memory_space<vmem>>) offsets(%dma_start3A_213 : memref<128xi32, #tpu.memory_space<vmem>>) semaphore(%arg20 : memref<!tpu.dma_semaphore, #tpu.memory_space<semaphore_mem>>)
      } else {
      }
      %add3A_182 = arith.constant 2 : i32
      %add3A_183 = arith.addi %mul3A_119, %add3A_182 : i32
      %add3A_184 = arith.constant 1 : i32
      %add3A_185 = arith.addi %add3A_183, %add3A_184 : i32
      %lt3A_186 = arith.constant 39 : i32
      %lt3A_187 = arith.cmpi slt, %add3A_185, %lt3A_186 : i32
      %convert_element_type3A_188 = arith.extui %lt3A_187 : i1 to i32
      %cond3A_189 = arith.constant 0 : i32
      %cond3A_190 = arith.cmpi ne, %convert_element_type3A_188, %cond3A_189 : i32
      scf.if %cond3A_190 {
        %mul3A_191 = arith.constant 128 : i32
        %mul3A_192 = arith.muli %add3A_185, %mul3A_191 : i32
        %add3A_193 = arith.addi %mul3A_2, %mul3A_192 : i32
        %dma_wait3A_194 = arith.constant 0 : i32
        %dma_wait3A_195 = tpu.memref_slice %arg8[%add3A_193, %dma_wait3A_194] : memref<160000x128xf32, #tpu.memory_space<hbm>> -> memref<128x128xf32, #tpu.memory_space<hbm>>
        %dma_wait3A_196 = arith.constant 0 : i32
        %dma_wait3A_197 = tpu.memref_slice %arg8[%add3A_193, %dma_wait3A_196] : memref<160000x128xf32, #tpu.memory_space<hbm>> -> memref<128x128xf32, #tpu.memory_space<hbm>>
        tpu.wait_dma2 semaphore(%arg23 : memref<!tpu.dma_semaphore, #tpu.memory_space<semaphore_mem>>) src(%arg15 : memref<128x128xf32, #tpu.memory_space<vmem>>) dst(%dma_wait3A_197 : memref<128x128xf32, #tpu.memory_space<hbm>>)
        %mul3A_198 = arith.constant 128 : i32
        %mul3A_199 = arith.muli %add3A_185, %mul3A_198 : i32
        %dma_start3A_200 = tpu.memref_slice %arg12[%mul3A_199] : memref<5000xi32, #tpu.memory_space<vmem>> -> memref<128xi32, #tpu.memory_space<vmem>>
        %dma_start3A_201 = arith.constant 0 : i32
        %dma_start3A_202 = arith.constant 0 : i32
        %dma_start3A_203 = tpu.memref_slice %arg5[%dma_start3A_201, %dma_start3A_202] : memref<10000x128xf32, #tpu.memory_space<hbm>> -> memref<10000x128xf32, #tpu.memory_space<hbm>>
        tpu.enqueue_indirect_dma source(%dma_start3A_203 : memref<10000x128xf32, #tpu.memory_space<hbm>>) target(%arg15 : memref<128x128xf32, #tpu.memory_space<vmem>>) offsets(%dma_start3A_200 : memref<128xi32, #tpu.memory_space<vmem>>) semaphore(%arg19 : memref<!tpu.dma_semaphore, #tpu.memory_space<semaphore_mem>>)
        %mul3A_204 = arith.constant 128 : i32
        %mul3A_205 = arith.muli %add3A_185, %mul3A_204 : i32
        %add3A_206 = arith.addi %mul3A_2, %mul3A_205 : i32
        %dma_wait3A_207 = arith.constant 0 : i32
        %dma_wait3A_208 = tpu.memref_slice %arg9[%add3A_206, %dma_wait3A_207] : memref<160000x128xf32, #tpu.memory_space<hbm>> -> memref<128x128xf32, #tpu.memory_space<hbm>>
        %dma_wait3A_209 = arith.constant 0 : i32
        %dma_wait3A_210 = tpu.memref_slice %arg9[%add3A_206, %dma_wait3A_209] : memref<160000x128xf32, #tpu.memory_space<hbm>> -> memref<128x128xf32, #tpu.memory_space<hbm>>
        tpu.wait_dma2 semaphore(%arg25 : memref<!tpu.dma_semaphore, #tpu.memory_space<semaphore_mem>>) src(%arg17 : memref<128x128xf32, #tpu.memory_space<vmem>>) dst(%dma_wait3A_210 : memref<128x128xf32, #tpu.memory_space<hbm>>)
        %mul3A_211 = arith.constant 128 : i32
        %mul3A_212 = arith.muli %add3A_185, %mul3A_211 : i32
        %dma_start3A_213 = tpu.memref_slice %arg13[%mul3A_212] : memref<5000xi32, #tpu.memory_space<vmem>> -> memref<128xi32, #tpu.memory_space<vmem>>
        %dma_start3A_214 = arith.constant 0 : i32
        %dma_start3A_215 = arith.constant 0 : i32
        %dma_start3A_216 = tpu.memref_slice %arg6[%dma_start3A_214, %dma_start3A_215] : memref<10000x128xf32, #tpu.memory_space<hbm>> -> memref<10000x128xf32, #tpu.memory_space<hbm>>
        tpu.enqueue_indirect_dma source(%dma_start3A_216 : memref<10000x128xf32, #tpu.memory_space<hbm>>) target(%arg17 : memref<128x128xf32, #tpu.memory_space<vmem>>) offsets(%dma_start3A_213 : memref<128xi32, #tpu.memory_space<vmem>>) semaphore(%arg21 : memref<!tpu.dma_semaphore, #tpu.memory_space<semaphore_mem>>)
      } else {
      }
    }
    %scan3A_35 = arith.constant 19 : i32
    %dma_wait3A = arith.constant 4864 : i32
    %dma_wait3A_36 = tpu.memref_slice %arg12[%dma_wait3A] : memref<5000xi32, #tpu.memory_space<vmem>> -> memref<128xi32, #tpu.memory_space<vmem>>
    %dma_wait3A_37 = arith.constant 0 : i32
    %dma_wait3A_38 = arith.constant 0 : i32
    %dma_wait3A_39 = tpu.memref_slice %arg5[%dma_wait3A_37, %dma_wait3A_38] : memref<10000x128xf32, #tpu.memory_space<hbm>> -> memref<10000x128xf32, #tpu.memory_space<hbm>>
    tpu.wait_indirect_dma semaphore(%arg18 : memref<!tpu.dma_semaphore, #tpu.memory_space<semaphore_mem>>) src(%dma_wait3A_39 : memref<10000x128xf32, #tpu.memory_space<hbm>>) dst(%arg14 : memref<128x128xf32, #tpu.memory_space<vmem>>)
    %add3A_40 = arith.constant 4864 : i32
    %add3A_41 = arith.addi %mul3A_2, %add3A_40 : i32
    %dma_start3A_42 = arith.constant 0 : i32
    %dma_start3A_43 = tpu.memref_slice %arg8[%add3A_41, %dma_start3A_42] : memref<160000x128xf32, #tpu.memory_space<hbm>> -> memref<128x128xf32, #tpu.memory_space<hbm>>
    %dma_start3A_44 = arith.constant 0 : i32
    %dma_start3A_45 = tpu.memref_slice %arg8[%add3A_41, %dma_start3A_44] : memref<160000x128xf32, #tpu.memory_space<hbm>> -> memref<128x128xf32, #tpu.memory_space<hbm>>
    tpu.enqueue_dma source(%arg14 : memref<128x128xf32, #tpu.memory_space<vmem>>) target(%dma_start3A_45 : memref<128x128xf32, #tpu.memory_space<hbm>>) target_semaphore(%arg22 : memref<!tpu.dma_semaphore, #tpu.memory_space<semaphore_mem>>)
    %dma_wait3A_46 = arith.constant 4864 : i32
    %dma_wait3A_47 = tpu.memref_slice %arg13[%dma_wait3A_46] : memref<5000xi32, #tpu.memory_space<vmem>> -> memref<128xi32, #tpu.memory_space<vmem>>
    %dma_wait3A_48 = arith.constant 0 : i32
    %dma_wait3A_49 = arith.constant 0 : i32
    %dma_wait3A_50 = tpu.memref_slice %arg6[%dma_wait3A_48, %dma_wait3A_49] : memref<10000x128xf32, #tpu.memory_space<hbm>> -> memref<10000x128xf32, #tpu.memory_space<hbm>>
    tpu.wait_indirect_dma semaphore(%arg20 : memref<!tpu.dma_semaphore, #tpu.memory_space<semaphore_mem>>) src(%dma_wait3A_50 : memref<10000x128xf32, #tpu.memory_space<hbm>>) dst(%arg16 : memref<128x128xf32, #tpu.memory_space<vmem>>)
    %add3A_51 = arith.constant 4864 : i32
    %add3A_52 = arith.addi %mul3A_2, %add3A_51 : i32
    %dma_start3A_53 = arith.constant 0 : i32
    %dma_start3A_54 = tpu.memref_slice %arg9[%add3A_52, %dma_start3A_53] : memref<160000x128xf32, #tpu.memory_space<hbm>> -> memref<128x128xf32, #tpu.memory_space<hbm>>
    %dma_start3A_55 = arith.constant 0 : i32
    %dma_start3A_56 = tpu.memref_slice %arg9[%add3A_52, %dma_start3A_55] : memref<160000x128xf32, #tpu.memory_space<hbm>> -> memref<128x128xf32, #tpu.memory_space<hbm>>
    tpu.enqueue_dma source(%arg16 : memref<128x128xf32, #tpu.memory_space<vmem>>) target(%dma_start3A_56 : memref<128x128xf32, #tpu.memory_space<hbm>>) target_semaphore(%arg24 : memref<!tpu.dma_semaphore, #tpu.memory_space<semaphore_mem>>)
    %add3A_57 = arith.constant 4864 : i32
    %add3A_58 = arith.addi %mul3A_2, %add3A_57 : i32
    %dma_wait3A_59 = arith.constant 0 : i32
    %dma_wait3A_60 = tpu.memref_slice %arg8[%add3A_58, %dma_wait3A_59] : memref<160000x128xf32, #tpu.memory_space<hbm>> -> memref<128x128xf32, #tpu.memory_space<hbm>>
    %dma_wait3A_61 = arith.constant 0 : i32
    %dma_wait3A_62 = tpu.memref_slice %arg8[%add3A_58, %dma_wait3A_61] : memref<160000x128xf32, #tpu.memory_space<hbm>> -> memref<128x128xf32, #tpu.memory_space<hbm>>
    tpu.wait_dma2 semaphore(%arg22 : memref<!tpu.dma_semaphore, #tpu.memory_space<semaphore_mem>>) src(%arg14 : memref<128x128xf32, #tpu.memory_space<vmem>>) dst(%dma_wait3A_62 : memref<128x128xf32, #tpu.memory_space<hbm>>)
    %add3A_63 = arith.constant 4864 : i32
    %add3A_64 = arith.addi %mul3A_2, %add3A_63 : i32
    %dma_wait3A_65 = arith.constant 0 : i32
    %dma_wait3A_66 = tpu.memref_slice %arg9[%add3A_64, %dma_wait3A_65] : memref<160000x128xf32, #tpu.memory_space<hbm>> -> memref<128x128xf32, #tpu.memory_space<hbm>>
    %dma_wait3A_67 = arith.constant 0 : i32
    %dma_wait3A_68 = tpu.memref_slice %arg9[%add3A_64, %dma_wait3A_67] : memref<160000x128xf32, #tpu.memory_space<hbm>> -> memref<128x128xf32, #tpu.memory_space<hbm>>
    tpu.wait_dma2 semaphore(%arg24 : memref<!tpu.dma_semaphore, #tpu.memory_space<semaphore_mem>>) src(%arg16 : memref<128x128xf32, #tpu.memory_space<vmem>>) dst(%dma_wait3A_68 : memref<128x128xf32, #tpu.memory_space<hbm>>)
    %add3A_69 = arith.constant 4736 : i32
    %add3A_70 = arith.addi %mul3A_2, %add3A_69 : i32
    %dma_wait3A_71 = arith.constant 0 : i32
    %dma_wait3A_72 = tpu.memref_slice %arg8[%add3A_70, %dma_wait3A_71] : memref<160000x128xf32, #tpu.memory_space<hbm>> -> memref<128x128xf32, #tpu.memory_space<hbm>>
    %dma_wait3A_73 = arith.constant 0 : i32
    %dma_wait3A_74 = tpu.memref_slice %arg8[%add3A_70, %dma_wait3A_73] : memref<160000x128xf32, #tpu.memory_space<hbm>> -> memref<128x128xf32, #tpu.memory_space<hbm>>
    tpu.wait_dma2 semaphore(%arg23 : memref<!tpu.dma_semaphore, #tpu.memory_space<semaphore_mem>>) src(%arg15 : memref<128x128xf32, #tpu.memory_space<vmem>>) dst(%dma_wait3A_74 : memref<128x128xf32, #tpu.memory_space<hbm>>)
    %add3A_75 = arith.constant 4736 : i32
    %add3A_76 = arith.addi %mul3A_2, %add3A_75 : i32
    %dma_wait3A_77 = arith.constant 0 : i32
    %dma_wait3A_78 = tpu.memref_slice %arg9[%add3A_76, %dma_wait3A_77] : memref<160000x128xf32, #tpu.memory_space<hbm>> -> memref<128x128xf32, #tpu.memory_space<hbm>>
    %dma_wait3A_79 = arith.constant 0 : i32
    %dma_wait3A_80 = tpu.memref_slice %arg9[%add3A_76, %dma_wait3A_79] : memref<160000x128xf32, #tpu.memory_space<hbm>> -> memref<128x128xf32, #tpu.memory_space<hbm>>
    tpu.wait_dma2 semaphore(%arg25 : memref<!tpu.dma_semaphore, #tpu.memory_space<semaphore_mem>>) src(%arg17 : memref<128x128xf32, #tpu.memory_space<vmem>>) dst(%dma_wait3A_80 : memref<128x128xf32, #tpu.memory_space<hbm>>)
    %dma_start3A_81 = arith.constant 0 : i32
    %dma_start3A_82 = arith.constant 0 : i32
    %dma_start3A_83 = tpu.memref_slice %arg14[%dma_start3A_81, %dma_start3A_82] : memref<128x128xf32, #tpu.memory_space<vmem>> -> memref<8x128xf32, #tpu.memory_space<vmem>>
    %dma_start3A_84 = arith.constant 4992 : i32
    %dma_start3A_85 = tpu.memref_slice %arg12[%dma_start3A_84] : memref<5000xi32, #tpu.memory_space<vmem>> -> memref<8xi32, #tpu.memory_space<vmem>>
    %dma_start3A_86 = arith.constant 0 : i32
    %dma_start3A_87 = arith.constant 0 : i32
    %dma_start3A_88 = tpu.memref_slice %arg5[%dma_start3A_86, %dma_start3A_87] : memref<10000x128xf32, #tpu.memory_space<hbm>> -> memref<10000x128xf32, #tpu.memory_space<hbm>>
    tpu.enqueue_indirect_dma source(%dma_start3A_88 : memref<10000x128xf32, #tpu.memory_space<hbm>>) target(%dma_start3A_83 : memref<8x128xf32, #tpu.memory_space<vmem>>) offsets(%dma_start3A_85 : memref<8xi32, #tpu.memory_space<vmem>>) semaphore(%arg18 : memref<!tpu.dma_semaphore, #tpu.memory_space<semaphore_mem>>)
    %dma_start3A_89 = arith.constant 0 : i32
    %dma_start3A_90 = arith.constant 0 : i32
    %dma_start3A_91 = tpu.memref_slice %arg16[%dma_start3A_89, %dma_start3A_90] : memref<128x128xf32, #tpu.memory_space<vmem>> -> memref<8x128xf32, #tpu.memory_space<vmem>>
    %dma_start3A_92 = arith.constant 4992 : i32
    %dma_start3A_93 = tpu.memref_slice %arg13[%dma_start3A_92] : memref<5000xi32, #tpu.memory_space<vmem>> -> memref<8xi32, #tpu.memory_space<vmem>>
    %dma_start3A_94 = arith.constant 0 : i32
    %dma_start3A_95 = arith.constant 0 : i32
    %dma_start3A_96 = tpu.memref_slice %arg6[%dma_start3A_94, %dma_start3A_95] : memref<10000x128xf32, #tpu.memory_space<hbm>> -> memref<10000x128xf32, #tpu.memory_space<hbm>>
    tpu.enqueue_indirect_dma source(%dma_start3A_96 : memref<10000x128xf32, #tpu.memory_space<hbm>>) target(%dma_start3A_91 : memref<8x128xf32, #tpu.memory_space<vmem>>) offsets(%dma_start3A_93 : memref<8xi32, #tpu.memory_space<vmem>>) semaphore(%arg20 : memref<!tpu.dma_semaphore, #tpu.memory_space<semaphore_mem>>)
    %dma_wait3A_97 = arith.constant 0 : i32
    %dma_wait3A_98 = arith.constant 0 : i32
    %dma_wait3A_99 = tpu.memref_slice %arg14[%dma_wait3A_97, %dma_wait3A_98] : memref<128x128xf32, #tpu.memory_space<vmem>> -> memref<8x128xf32, #tpu.memory_space<vmem>>
    %dma_wait3A_100 = arith.constant 4992 : i32
    %dma_wait3A_101 = tpu.memref_slice %arg12[%dma_wait3A_100] : memref<5000xi32, #tpu.memory_space<vmem>> -> memref<8xi32, #tpu.memory_space<vmem>>
    %dma_wait3A_102 = arith.constant 0 : i32
    %dma_wait3A_103 = arith.constant 0 : i32
    %dma_wait3A_104 = tpu.memref_slice %arg5[%dma_wait3A_102, %dma_wait3A_103] : memref<10000x128xf32, #tpu.memory_space<hbm>> -> memref<10000x128xf32, #tpu.memory_space<hbm>>
    tpu.wait_indirect_dma semaphore(%arg18 : memref<!tpu.dma_semaphore, #tpu.memory_space<semaphore_mem>>) src(%dma_wait3A_104 : memref<10000x128xf32, #tpu.memory_space<hbm>>) dst(%dma_wait3A_99 : memref<8x128xf32, #tpu.memory_space<vmem>>)
    %dma_wait3A_105 = arith.constant 0 : i32
    %dma_wait3A_106 = arith.constant 0 : i32
    %dma_wait3A_107 = tpu.memref_slice %arg16[%dma_wait3A_105, %dma_wait3A_106] : memref<128x128xf32, #tpu.memory_space<vmem>> -> memref<8x128xf32, #tpu.memory_space<vmem>>
    %dma_wait3A_108 = arith.constant 4992 : i32
    %dma_wait3A_109 = tpu.memref_slice %arg13[%dma_wait3A_108] : memref<5000xi32, #tpu.memory_space<vmem>> -> memref<8xi32, #tpu.memory_space<vmem>>
    %dma_wait3A_110 = arith.constant 0 : i32
    %dma_wait3A_111 = arith.constant 0 : i32
    %dma_wait3A_112 = tpu.memref_slice %arg6[%dma_wait3A_110, %dma_wait3A_111] : memref<10000x128xf32, #tpu.memory_space<hbm>> -> memref<10000x128xf32, #tpu.memory_space<hbm>>
    tpu.wait_indirect_dma semaphore(%arg20 : memref<!tpu.dma_semaphore, #tpu.memory_space<semaphore_mem>>) src(%dma_wait3A_112 : memref<10000x128xf32, #tpu.memory_space<hbm>>) dst(%dma_wait3A_107 : memref<8x128xf32, #tpu.memory_space<vmem>>)
    %add3A_113 = arith.constant 4992 : i32
    %add3A_114 = arith.addi %mul3A_2, %add3A_113 : i32
    "tpu.region"() ({
      %run_scoped3A = tpu.sem_alloc : memref<!tpu.dma_semaphore, #tpu.memory_space<semaphore_mem>>
      %dma_start3A_117 = arith.constant 0 : i32
      %dma_start3A_118 = arith.constant 0 : i32
      %dma_start3A_119 = tpu.memref_slice %arg14[%dma_start3A_117, %dma_start3A_118] : memref<128x128xf32, #tpu.memory_space<vmem>> -> memref<8x128xf32, #tpu.memory_space<vmem>>
      %dma_start3A_120 = arith.constant 0 : i32
      %dma_start3A_121 = tpu.memref_slice %arg8[%add3A_114, %dma_start3A_120] : memref<160000x128xf32, #tpu.memory_space<hbm>> -> memref<8x128xf32, #tpu.memory_space<hbm>>
      %dma_start3A_122 = arith.constant 0 : i32
      %dma_start3A_123 = tpu.memref_slice %arg8[%add3A_114, %dma_start3A_122] : memref<160000x128xf32, #tpu.memory_space<hbm>> -> memref<8x128xf32, #tpu.memory_space<hbm>>
      %dma_start3A_124 = arith.constant 0 : i32
      %dma_start3A_125 = arith.constant 0 : i32
      %dma_start3A_126 = tpu.memref_slice %arg14[%dma_start3A_124, %dma_start3A_125] : memref<128x128xf32, #tpu.memory_space<vmem>> -> memref<8x128xf32, #tpu.memory_space<vmem>>
      tpu.enqueue_dma source(%dma_start3A_126 : memref<8x128xf32, #tpu.memory_space<vmem>>) target(%dma_start3A_123 : memref<8x128xf32, #tpu.memory_space<hbm>>) target_semaphore(%run_scoped3A : memref<!tpu.dma_semaphore, #tpu.memory_space<semaphore_mem>>)
      %dma_wait3A_127 = arith.constant 0 : i32
      %dma_wait3A_128 = arith.constant 0 : i32
      %dma_wait3A_129 = tpu.memref_slice %arg14[%dma_wait3A_127, %dma_wait3A_128] : memref<128x128xf32, #tpu.memory_space<vmem>> -> memref<8x128xf32, #tpu.memory_space<vmem>>
      %dma_wait3A_130 = arith.constant 0 : i32
      %dma_wait3A_131 = tpu.memref_slice %arg8[%add3A_114, %dma_wait3A_130] : memref<160000x128xf32, #tpu.memory_space<hbm>> -> memref<8x128xf32, #tpu.memory_space<hbm>>
      %dma_wait3A_132 = arith.constant 0 : i32
      %dma_wait3A_133 = tpu.memref_slice %arg8[%add3A_114, %dma_wait3A_132] : memref<160000x128xf32, #tpu.memory_space<hbm>> -> memref<8x128xf32, #tpu.memory_space<hbm>>
      %dma_wait3A_134 = arith.constant 0 : i32
      %dma_wait3A_135 = arith.constant 0 : i32
      %dma_wait3A_136 = tpu.memref_slice %arg14[%dma_wait3A_134, %dma_wait3A_135] : memref<128x128xf32, #tpu.memory_space<vmem>> -> memref<8x128xf32, #tpu.memory_space<vmem>>
      tpu.wait_dma2 semaphore(%run_scoped3A : memref<!tpu.dma_semaphore, #tpu.memory_space<semaphore_mem>>) src(%dma_wait3A_136 : memref<8x128xf32, #tpu.memory_space<vmem>>) dst(%dma_wait3A_133 : memref<8x128xf32, #tpu.memory_space<hbm>>)
      tpu.yield
    }) : () -> ()
    %add3A_115 = arith.constant 4992 : i32
    %add3A_116 = arith.addi %mul3A_2, %add3A_115 : i32
    "tpu.region"() ({
      %run_scoped3A = tpu.sem_alloc : memref<!tpu.dma_semaphore, #tpu.memory_space<semaphore_mem>>
      %dma_start3A_117 = arith.constant 0 : i32
      %dma_start3A_118 = arith.constant 0 : i32
      %dma_start3A_119 = tpu.memref_slice %arg16[%dma_start3A_117, %dma_start3A_118] : memref<128x128xf32, #tpu.memory_space<vmem>> -> memref<8x128xf32, #tpu.memory_space<vmem>>
      %dma_start3A_120 = arith.constant 0 : i32
      %dma_start3A_121 = tpu.memref_slice %arg9[%add3A_116, %dma_start3A_120] : memref<160000x128xf32, #tpu.memory_space<hbm>> -> memref<8x128xf32, #tpu.memory_space<hbm>>
      %dma_start3A_122 = arith.constant 0 : i32
      %dma_start3A_123 = tpu.memref_slice %arg9[%add3A_116, %dma_start3A_122] : memref<160000x128xf32, #tpu.memory_space<hbm>> -> memref<8x128xf32, #tpu.memory_space<hbm>>
      %dma_start3A_124 = arith.constant 0 : i32
      %dma_start3A_125 = arith.constant 0 : i32
      %dma_start3A_126 = tpu.memref_slice %arg16[%dma_start3A_124, %dma_start3A_125] : memref<128x128xf32, #tpu.memory_space<vmem>> -> memref<8x128xf32, #tpu.memory_space<vmem>>
      tpu.enqueue_dma source(%dma_start3A_126 : memref<8x128xf32, #tpu.memory_space<vmem>>) target(%dma_start3A_123 : memref<8x128xf32, #tpu.memory_space<hbm>>) target_semaphore(%run_scoped3A : memref<!tpu.dma_semaphore, #tpu.memory_space<semaphore_mem>>)
      %dma_wait3A_127 = arith.constant 0 : i32
      %dma_wait3A_128 = arith.constant 0 : i32
      %dma_wait3A_129 = tpu.memref_slice %arg16[%dma_wait3A_127, %dma_wait3A_128] : memref<128x128xf32, #tpu.memory_space<vmem>> -> memref<8x128xf32, #tpu.memory_space<vmem>>
      %dma_wait3A_130 = arith.constant 0 : i32
      %dma_wait3A_131 = tpu.memref_slice %arg9[%add3A_116, %dma_wait3A_130] : memref<160000x128xf32, #tpu.memory_space<hbm>> -> memref<8x128xf32, #tpu.memory_space<hbm>>
      %dma_wait3A_132 = arith.constant 0 : i32
      %dma_wait3A_133 = tpu.memref_slice %arg9[%add3A_116, %dma_wait3A_132] : memref<160000x128xf32, #tpu.memory_space<hbm>> -> memref<8x128xf32, #tpu.memory_space<hbm>>
      %dma_wait3A_134 = arith.constant 0 : i32
      %dma_wait3A_135 = arith.constant 0 : i32
      %dma_wait3A_136 = tpu.memref_slice %arg16[%dma_wait3A_134, %dma_wait3A_135] : memref<128x128xf32, #tpu.memory_space<vmem>> -> memref<8x128xf32, #tpu.memory_space<vmem>>
      tpu.wait_dma2 semaphore(%run_scoped3A : memref<!tpu.dma_semaphore, #tpu.memory_space<semaphore_mem>>) src(%dma_wait3A_136 : memref<8x128xf32, #tpu.memory_space<vmem>>) dst(%dma_wait3A_133 : memref<8x128xf32, #tpu.memory_space<hbm>>)
      tpu.yield
    }) : () -> ()
    return
  }
}

#map = affine_map<(d0, d1) -> (0, 0, 0)>
#map1 = affine_map<(d0, d1) -> (0, 0)>
module attributes {stable_mosaic.version = 14 : i64} {
  func.func @_sc_scatter(%arg0: i32, %arg1: i32, %arg2: memref<32x125x40xi32, #tpu.memory_space<hbm>>, %arg3: memref<160000x128xf32, #tpu.memory_space<hbm>>, %arg4: memref<10240x128xf32, #tpu.memory_space<hbm>>, %arg5: memref<2x10240x128xf32, #tpu.memory_space<hbm>>, %arg6: memref<125x40xi32, #tpu.memory_space<vmem>>, %arg7: memref<40x128xf32, #tpu.memory_space<vmem>>, %arg8: memref<40x128xf32, #tpu.memory_space<vmem>>, %arg9: memref<10240x128xf32, #tpu.memory_space<vmem_shared>>, %arg10: memref<!tpu.dma_semaphore, #tpu.memory_space<semaphore_mem>>, %arg11: memref<!tpu.dma_semaphore, #tpu.memory_space<semaphore_mem>>) attributes {dimension_semantics = [#tpu.dimension_semantics<core_parallel>, #tpu.dimension_semantics<subcore_parallel>], iteration_bounds = array<i64: 2, 16>, scalar_prefetch = 0 : i64, scratch_operands = 6 : i64, tpu.core_type = #tpu.core_type<sc_vector_subcore>, window_params = [{transform_indices = #map}, {transform_indices = #map1}, {transform_indices = #map1}, {transform_indices = #map}]} {
    %mul3A = arith.constant 16 : i32
    %mul3A_0 = arith.muli %arg0, %mul3A : i32
    %add3A = arith.addi %mul3A_0, %arg1 : i32
    %mul3A_1 = arith.constant 5000 : i32
    %mul3A_2 = arith.muli %add3A, %mul3A_1 : i32
    %add3A_3 = arith.constant 0 : i32
    %add3A_4 = arith.addi %mul3A_2, %add3A_3 : i32
    %dma_start3A = arith.constant 0 : i32
    %dma_start3A_5 = tpu.memref_slice %arg3[%add3A_4, %dma_start3A] : memref<160000x128xf32, #tpu.memory_space<hbm>> -> memref<40x128xf32, #tpu.memory_space<hbm>>
    %dma_start3A_6 = arith.constant 0 : i32
    %dma_start3A_7 = tpu.memref_slice %arg3[%add3A_4, %dma_start3A_6] : memref<160000x128xf32, #tpu.memory_space<hbm>> -> memref<40x128xf32, #tpu.memory_space<hbm>>
    tpu.enqueue_dma source(%dma_start3A_7 : memref<40x128xf32, #tpu.memory_space<hbm>>) target(%arg7 : memref<40x128xf32, #tpu.memory_space<vmem>>) target_semaphore(%arg10 : memref<!tpu.dma_semaphore, #tpu.memory_space<semaphore_mem>>)
    %mul3A_8 = arith.constant 640 : i32
    %mul3A_9 = arith.muli %arg1, %mul3A_8 : i32
    %mul3A_10 = arith.constant 640 : i32
    %mul3A_11 = arith.muli %arg1, %mul3A_10 : i32
    "tpu.region"() ({
      %run_scoped3A_29 = tpu.sem_alloc : memref<!tpu.dma_semaphore, #tpu.memory_space<semaphore_mem>>
      %dma_start3A_30 = arith.constant 0 : i32
      %dma_start3A_31 = tpu.memref_slice %arg9[%mul3A_11, %dma_start3A_30] : memref<10240x128xf32, #tpu.memory_space<vmem_shared>> -> memref<640x128xf32, #tpu.memory_space<vmem_shared>>
      %dma_start3A_32 = arith.constant 0 : i32
      %dma_start3A_33 = tpu.memref_slice %arg4[%mul3A_9, %dma_start3A_32] : memref<10240x128xf32, #tpu.memory_space<hbm>> -> memref<640x128xf32, #tpu.memory_space<hbm>>
      tpu.enqueue_dma source(%dma_start3A_33 : memref<640x128xf32, #tpu.memory_space<hbm>>) target(%dma_start3A_31 : memref<640x128xf32, #tpu.memory_space<vmem_shared>>) target_semaphore(%run_scoped3A_29 : memref<!tpu.dma_semaphore, #tpu.memory_space<semaphore_mem>>)
      %dma_wait3A_34 = arith.constant 0 : i32
      %dma_wait3A_35 = tpu.memref_slice %arg9[%mul3A_11, %dma_wait3A_34] : memref<10240x128xf32, #tpu.memory_space<vmem_shared>> -> memref<640x128xf32, #tpu.memory_space<vmem_shared>>
      %dma_wait3A_36 = arith.constant 0 : i32
      %dma_wait3A_37 = tpu.memref_slice %arg4[%mul3A_9, %dma_wait3A_36] : memref<10240x128xf32, #tpu.memory_space<hbm>> -> memref<640x128xf32, #tpu.memory_space<hbm>>
      tpu.wait_dma2 semaphore(%run_scoped3A_29 : memref<!tpu.dma_semaphore, #tpu.memory_space<semaphore_mem>>) src(%dma_wait3A_37 : memref<640x128xf32, #tpu.memory_space<hbm>>) dst(%dma_wait3A_35 : memref<640x128xf32, #tpu.memory_space<vmem_shared>>)
      tpu.yield
    }) : () -> ()
    "tpu.region"() ({
      %run_scoped3A_29 = tpu.sem_alloc : memref<!tpu.dma_semaphore, #tpu.memory_space<semaphore_mem>>
      %dma_start3A_30 = arith.constant 0 : i32
      %dma_start3A_31 = arith.constant 0 : i32
      %dma_start3A_32 = tpu.memref_slice %arg2[%add3A, %dma_start3A_30, %dma_start3A_31] : memref<32x125x40xi32, #tpu.memory_space<hbm>> -> memref<1x125x40xi32, #tpu.memory_space<hbm>>
      %dma_start3A_33 = tpu.memref_squeeze %dma_start3A_32 : memref<1x125x40xi32, #tpu.memory_space<hbm>> -> memref<125x40xi32, #tpu.memory_space<hbm>>
      %dma_start3A_34 = arith.constant 0 : i32
      %dma_start3A_35 = arith.constant 0 : i32
      %dma_start3A_36 = tpu.memref_slice %arg2[%add3A, %dma_start3A_34, %dma_start3A_35] : memref<32x125x40xi32, #tpu.memory_space<hbm>> -> memref<1x125x40xi32, #tpu.memory_space<hbm>>
      %dma_start3A_37 = tpu.memref_squeeze %dma_start3A_36 : memref<1x125x40xi32, #tpu.memory_space<hbm>> -> memref<125x40xi32, #tpu.memory_space<hbm>>
      tpu.enqueue_dma source(%dma_start3A_37 : memref<125x40xi32, #tpu.memory_space<hbm>>) target(%arg6 : memref<125x40xi32, #tpu.memory_space<vmem>>) target_semaphore(%run_scoped3A_29 : memref<!tpu.dma_semaphore, #tpu.memory_space<semaphore_mem>>)
      %dma_wait3A_38 = arith.constant 0 : i32
      %dma_wait3A_39 = arith.constant 0 : i32
      %dma_wait3A_40 = tpu.memref_slice %arg2[%add3A, %dma_wait3A_38, %dma_wait3A_39] : memref<32x125x40xi32, #tpu.memory_space<hbm>> -> memref<1x125x40xi32, #tpu.memory_space<hbm>>
      %dma_wait3A_41 = tpu.memref_squeeze %dma_wait3A_40 : memref<1x125x40xi32, #tpu.memory_space<hbm>> -> memref<125x40xi32, #tpu.memory_space<hbm>>
      %dma_wait3A_42 = arith.constant 0 : i32
      %dma_wait3A_43 = arith.constant 0 : i32
      %dma_wait3A_44 = tpu.memref_slice %arg2[%add3A, %dma_wait3A_42, %dma_wait3A_43] : memref<32x125x40xi32, #tpu.memory_space<hbm>> -> memref<1x125x40xi32, #tpu.memory_space<hbm>>
      %dma_wait3A_45 = tpu.memref_squeeze %dma_wait3A_44 : memref<1x125x40xi32, #tpu.memory_space<hbm>> -> memref<125x40xi32, #tpu.memory_space<hbm>>
      tpu.wait_dma2 semaphore(%run_scoped3A_29 : memref<!tpu.dma_semaphore, #tpu.memory_space<semaphore_mem>>) src(%dma_wait3A_45 : memref<125x40xi32, #tpu.memory_space<hbm>>) dst(%arg6 : memref<125x40xi32, #tpu.memory_space<vmem>>)
      tpu.yield
    }) : () -> ()
    %barrier3A = arith.constant 0 : index
    tpu.barrier barrier_id(%barrier3A)
    %scan3A = arith.constant 0 : i32
    %scan3A_12 = arith.constant 0 : i32
    %scan3A_13 = arith.constant 62 : i32
    %scan3A_14 = arith.addi %scan3A_12, %scan3A_13 : i32
    %scan3A_15 = arith.constant 1 : i32
    scf.for %scan3A_29 = %scan3A_12 to %scan3A_14 step %scan3A_15  : i32 {
      %mul3A_30 = arith.constant 2 : i32
      %mul3A_31 = arith.muli %scan3A_29, %mul3A_30 : i32
      %add3A_32 = arith.constant 0 : i32
      %add3A_33 = arith.addi %mul3A_31, %add3A_32 : i32
      %add3A_34 = arith.constant 1 : i32
      %add3A_35 = arith.addi %add3A_33, %add3A_34 : i32
      %lt3A = arith.constant 125 : i32
      %lt3A_36 = arith.cmpi slt, %add3A_35, %lt3A : i32
      %convert_element_type3A = arith.extui %lt3A_36 : i1 to i32
      %cond3A = arith.constant 0 : i32
      %cond3A_37 = arith.cmpi ne, %convert_element_type3A, %cond3A : i32
      scf.if %cond3A_37 {
        %add3A_65 = arith.constant 1 : i32
        %add3A_66 = arith.addi %add3A_33, %add3A_65 : i32
        %mul3A_67 = arith.constant 5000 : i32
        %mul3A_68 = arith.muli %add3A, %mul3A_67 : i32
        %mul3A_69 = arith.constant 40 : i32
        %mul3A_70 = arith.muli %add3A_66, %mul3A_69 : i32
        %add3A_71 = arith.addi %mul3A_68, %mul3A_70 : i32
        %dma_start3A_72 = arith.constant 0 : i32
        %dma_start3A_73 = tpu.memref_slice %arg3[%add3A_71, %dma_start3A_72] : memref<160000x128xf32, #tpu.memory_space<hbm>> -> memref<40x128xf32, #tpu.memory_space<hbm>>
        %dma_start3A_74 = arith.constant 0 : i32
        %dma_start3A_75 = tpu.memref_slice %arg3[%add3A_71, %dma_start3A_74] : memref<160000x128xf32, #tpu.memory_space<hbm>> -> memref<40x128xf32, #tpu.memory_space<hbm>>
        tpu.enqueue_dma source(%dma_start3A_75 : memref<40x128xf32, #tpu.memory_space<hbm>>) target(%arg8 : memref<40x128xf32, #tpu.memory_space<vmem>>) target_semaphore(%arg11 : memref<!tpu.dma_semaphore, #tpu.memory_space<semaphore_mem>>)
      } else {
      }
      %mul3A_38 = arith.constant 5000 : i32
      %mul3A_39 = arith.muli %add3A, %mul3A_38 : i32
      %mul3A_40 = arith.constant 40 : i32
      %mul3A_41 = arith.muli %add3A_33, %mul3A_40 : i32
      %add3A_42 = arith.addi %mul3A_39, %mul3A_41 : i32
      %dma_wait3A_43 = arith.constant 0 : i32
      %dma_wait3A_44 = tpu.memref_slice %arg3[%add3A_42, %dma_wait3A_43] : memref<160000x128xf32, #tpu.memory_space<hbm>> -> memref<40x128xf32, #tpu.memory_space<hbm>>
      %dma_wait3A_45 = arith.constant 0 : i32
      %dma_wait3A_46 = tpu.memref_slice %arg3[%add3A_42, %dma_wait3A_45] : memref<160000x128xf32, #tpu.memory_space<hbm>> -> memref<40x128xf32, #tpu.memory_space<hbm>>
      tpu.wait_dma2 semaphore(%arg10 : memref<!tpu.dma_semaphore, #tpu.memory_space<semaphore_mem>>) src(%dma_wait3A_46 : memref<40x128xf32, #tpu.memory_space<hbm>>) dst(%arg7 : memref<40x128xf32, #tpu.memory_space<vmem>>)
      "tpu.region"() ({
        %run_scoped3A_65 = tpu.sem_alloc : memref<!tpu.dma_semaphore, #tpu.memory_space<semaphore_mem>>
        %dma_start3A_66 = arith.constant 0 : i32
        %dma_start3A_67 = tpu.memref_slice %arg6[%add3A_33, %dma_start3A_66] : memref<125x40xi32, #tpu.memory_space<vmem>> -> memref<1x40xi32, #tpu.memory_space<vmem>>
        %dma_start3A_68 = tpu.memref_squeeze %dma_start3A_67 : memref<1x40xi32, #tpu.memory_space<vmem>> -> memref<40xi32, #tpu.memory_space<vmem>>
        %dma_start3A_69 = arith.constant 0 : i32
        %dma_start3A_70 = arith.constant 0 : i32
        %dma_start3A_71 = tpu.memref_slice %arg9[%dma_start3A_69, %dma_start3A_70] : memref<10240x128xf32, #tpu.memory_space<vmem_shared>> -> memref<10240x128xf32, #tpu.memory_space<vmem_shared>>
        tpu.enqueue_indirect_dma source(%arg7 : memref<40x128xf32, #tpu.memory_space<vmem>>) target(%dma_start3A_71 : memref<10240x128xf32, #tpu.memory_space<vmem_shared>>) offsets(%dma_start3A_68 : memref<40xi32, #tpu.memory_space<vmem>>) semaphore(%run_scoped3A_65 : memref<!tpu.dma_semaphore, #tpu.memory_space<semaphore_mem>>) {add = true}
        %dma_wait3A_72 = arith.constant 0 : i32
        %dma_wait3A_73 = tpu.memref_slice %arg6[%add3A_33, %dma_wait3A_72] : memref<125x40xi32, #tpu.memory_space<vmem>> -> memref<1x40xi32, #tpu.memory_space<vmem>>
        %dma_wait3A_74 = tpu.memref_squeeze %dma_wait3A_73 : memref<1x40xi32, #tpu.memory_space<vmem>> -> memref<40xi32, #tpu.memory_space<vmem>>
        %dma_wait3A_75 = arith.constant 0 : i32
        %dma_wait3A_76 = arith.constant 0 : i32
        %dma_wait3A_77 = tpu.memref_slice %arg9[%dma_wait3A_75, %dma_wait3A_76] : memref<10240x128xf32, #tpu.memory_space<vmem_shared>> -> memref<10240x128xf32, #tpu.memory_space<vmem_shared>>
        tpu.wait_indirect_dma semaphore(%run_scoped3A_65 : memref<!tpu.dma_semaphore, #tpu.memory_space<semaphore_mem>>) src(%arg7 : memref<40x128xf32, #tpu.memory_space<vmem>>) dst(%dma_wait3A_77 : memref<10240x128xf32, #tpu.memory_space<vmem_shared>>)
        tpu.yield
      }) : () -> ()
      %add3A_47 = arith.constant 1 : i32
      %add3A_48 = arith.addi %mul3A_31, %add3A_47 : i32
      %add3A_49 = arith.constant 1 : i32
      %add3A_50 = arith.addi %add3A_48, %add3A_49 : i32
      %lt3A_51 = arith.constant 125 : i32
      %lt3A_52 = arith.cmpi slt, %add3A_50, %lt3A_51 : i32
      %convert_element_type3A_53 = arith.extui %lt3A_52 : i1 to i32
      %cond3A_54 = arith.constant 0 : i32
      %cond3A_55 = arith.cmpi ne, %convert_element_type3A_53, %cond3A_54 : i32
      scf.if %cond3A_55 {
        %add3A_65 = arith.constant 1 : i32
        %add3A_66 = arith.addi %add3A_48, %add3A_65 : i32
        %mul3A_67 = arith.constant 5000 : i32
        %mul3A_68 = arith.muli %add3A, %mul3A_67 : i32
        %mul3A_69 = arith.constant 40 : i32
        %mul3A_70 = arith.muli %add3A_66, %mul3A_69 : i32
        %add3A_71 = arith.addi %mul3A_68, %mul3A_70 : i32
        %dma_start3A_72 = arith.constant 0 : i32
        %dma_start3A_73 = tpu.memref_slice %arg3[%add3A_71, %dma_start3A_72] : memref<160000x128xf32, #tpu.memory_space<hbm>> -> memref<40x128xf32, #tpu.memory_space<hbm>>
        %dma_start3A_74 = arith.constant 0 : i32
        %dma_start3A_75 = tpu.memref_slice %arg3[%add3A_71, %dma_start3A_74] : memref<160000x128xf32, #tpu.memory_space<hbm>> -> memref<40x128xf32, #tpu.memory_space<hbm>>
        tpu.enqueue_dma source(%dma_start3A_75 : memref<40x128xf32, #tpu.memory_space<hbm>>) target(%arg7 : memref<40x128xf32, #tpu.memory_space<vmem>>) target_semaphore(%arg10 : memref<!tpu.dma_semaphore, #tpu.memory_space<semaphore_mem>>)
      } else {
      }
      %mul3A_56 = arith.constant 5000 : i32
      %mul3A_57 = arith.muli %add3A, %mul3A_56 : i32
      %mul3A_58 = arith.constant 40 : i32
      %mul3A_59 = arith.muli %add3A_48, %mul3A_58 : i32
      %add3A_60 = arith.addi %mul3A_57, %mul3A_59 : i32
      %dma_wait3A_61 = arith.constant 0 : i32
      %dma_wait3A_62 = tpu.memref_slice %arg3[%add3A_60, %dma_wait3A_61] : memref<160000x128xf32, #tpu.memory_space<hbm>> -> memref<40x128xf32, #tpu.memory_space<hbm>>
      %dma_wait3A_63 = arith.constant 0 : i32
      %dma_wait3A_64 = tpu.memref_slice %arg3[%add3A_60, %dma_wait3A_63] : memref<160000x128xf32, #tpu.memory_space<hbm>> -> memref<40x128xf32, #tpu.memory_space<hbm>>
      tpu.wait_dma2 semaphore(%arg11 : memref<!tpu.dma_semaphore, #tpu.memory_space<semaphore_mem>>) src(%dma_wait3A_64 : memref<40x128xf32, #tpu.memory_space<hbm>>) dst(%arg8 : memref<40x128xf32, #tpu.memory_space<vmem>>)
      "tpu.region"() ({
        %run_scoped3A_65 = tpu.sem_alloc : memref<!tpu.dma_semaphore, #tpu.memory_space<semaphore_mem>>
        %dma_start3A_66 = arith.constant 0 : i32
        %dma_start3A_67 = tpu.memref_slice %arg6[%add3A_48, %dma_start3A_66] : memref<125x40xi32, #tpu.memory_space<vmem>> -> memref<1x40xi32, #tpu.memory_space<vmem>>
        %dma_start3A_68 = tpu.memref_squeeze %dma_start3A_67 : memref<1x40xi32, #tpu.memory_space<vmem>> -> memref<40xi32, #tpu.memory_space<vmem>>
        %dma_start3A_69 = arith.constant 0 : i32
        %dma_start3A_70 = arith.constant 0 : i32
        %dma_start3A_71 = tpu.memref_slice %arg9[%dma_start3A_69, %dma_start3A_70] : memref<10240x128xf32, #tpu.memory_space<vmem_shared>> -> memref<10240x128xf32, #tpu.memory_space<vmem_shared>>
        tpu.enqueue_indirect_dma source(%arg8 : memref<40x128xf32, #tpu.memory_space<vmem>>) target(%dma_start3A_71 : memref<10240x128xf32, #tpu.memory_space<vmem_shared>>) offsets(%dma_start3A_68 : memref<40xi32, #tpu.memory_space<vmem>>) semaphore(%run_scoped3A_65 : memref<!tpu.dma_semaphore, #tpu.memory_space<semaphore_mem>>) {add = true}
        %dma_wait3A_72 = arith.constant 0 : i32
        %dma_wait3A_73 = tpu.memref_slice %arg6[%add3A_48, %dma_wait3A_72] : memref<125x40xi32, #tpu.memory_space<vmem>> -> memref<1x40xi32, #tpu.memory_space<vmem>>
        %dma_wait3A_74 = tpu.memref_squeeze %dma_wait3A_73 : memref<1x40xi32, #tpu.memory_space<vmem>> -> memref<40xi32, #tpu.memory_space<vmem>>
        %dma_wait3A_75 = arith.constant 0 : i32
        %dma_wait3A_76 = arith.constant 0 : i32
        %dma_wait3A_77 = tpu.memref_slice %arg9[%dma_wait3A_75, %dma_wait3A_76] : memref<10240x128xf32, #tpu.memory_space<vmem_shared>> -> memref<10240x128xf32, #tpu.memory_space<vmem_shared>>
        tpu.wait_indirect_dma semaphore(%run_scoped3A_65 : memref<!tpu.dma_semaphore, #tpu.memory_space<semaphore_mem>>) src(%arg8 : memref<40x128xf32, #tpu.memory_space<vmem>>) dst(%dma_wait3A_77 : memref<10240x128xf32, #tpu.memory_space<vmem_shared>>)
        tpu.yield
      }) : () -> ()
    }
    %scan3A_16 = arith.constant 62 : i32
    %mul3A_17 = arith.constant 5000 : i32
    %mul3A_18 = arith.muli %add3A, %mul3A_17 : i32
    %add3A_19 = arith.constant 4960 : i32
    %add3A_20 = arith.addi %mul3A_18, %add3A_19 : i32
    %dma_wait3A = arith.constant 0 : i32
    %dma_wait3A_21 = tpu.memref_slice %arg3[%add3A_20, %dma_wait3A] : memref<160000x128xf32, #tpu.memory_space<hbm>> -> memref<40x128xf32, #tpu.memory_space<hbm>>
    %dma_wait3A_22 = arith.constant 0 : i32
    %dma_wait3A_23 = tpu.memref_slice %arg3[%add3A_20, %dma_wait3A_22] : memref<160000x128xf32, #tpu.memory_space<hbm>> -> memref<40x128xf32, #tpu.memory_space<hbm>>
    tpu.wait_dma2 semaphore(%arg10 : memref<!tpu.dma_semaphore, #tpu.memory_space<semaphore_mem>>) src(%dma_wait3A_23 : memref<40x128xf32, #tpu.memory_space<hbm>>) dst(%arg7 : memref<40x128xf32, #tpu.memory_space<vmem>>)
    %run_scoped3A = arith.constant 124 : i32
    "tpu.region"() ({
      %run_scoped3A_29 = tpu.sem_alloc : memref<!tpu.dma_semaphore, #tpu.memory_space<semaphore_mem>>
      %dma_start3A_30 = arith.constant 0 : i32
      %dma_start3A_31 = tpu.memref_slice %arg6[%run_scoped3A, %dma_start3A_30] : memref<125x40xi32, #tpu.memory_space<vmem>> -> memref<1x40xi32, #tpu.memory_space<vmem>>
      %dma_start3A_32 = tpu.memref_squeeze %dma_start3A_31 : memref<1x40xi32, #tpu.memory_space<vmem>> -> memref<40xi32, #tpu.memory_space<vmem>>
      %dma_start3A_33 = arith.constant 0 : i32
      %dma_start3A_34 = arith.constant 0 : i32
      %dma_start3A_35 = tpu.memref_slice %arg9[%dma_start3A_33, %dma_start3A_34] : memref<10240x128xf32, #tpu.memory_space<vmem_shared>> -> memref<10240x128xf32, #tpu.memory_space<vmem_shared>>
      tpu.enqueue_indirect_dma source(%arg7 : memref<40x128xf32, #tpu.memory_space<vmem>>) target(%dma_start3A_35 : memref<10240x128xf32, #tpu.memory_space<vmem_shared>>) offsets(%dma_start3A_32 : memref<40xi32, #tpu.memory_space<vmem>>) semaphore(%run_scoped3A_29 : memref<!tpu.dma_semaphore, #tpu.memory_space<semaphore_mem>>) {add = true}
      %dma_wait3A_36 = arith.constant 0 : i32
      %dma_wait3A_37 = tpu.memref_slice %arg6[%run_scoped3A, %dma_wait3A_36] : memref<125x40xi32, #tpu.memory_space<vmem>> -> memref<1x40xi32, #tpu.memory_space<vmem>>
      %dma_wait3A_38 = tpu.memref_squeeze %dma_wait3A_37 : memref<1x40xi32, #tpu.memory_space<vmem>> -> memref<40xi32, #tpu.memory_space<vmem>>
      %dma_wait3A_39 = arith.constant 0 : i32
      %dma_wait3A_40 = arith.constant 0 : i32
      %dma_wait3A_41 = tpu.memref_slice %arg9[%dma_wait3A_39, %dma_wait3A_40] : memref<10240x128xf32, #tpu.memory_space<vmem_shared>> -> memref<10240x128xf32, #tpu.memory_space<vmem_shared>>
      tpu.wait_indirect_dma semaphore(%run_scoped3A_29 : memref<!tpu.dma_semaphore, #tpu.memory_space<semaphore_mem>>) src(%arg7 : memref<40x128xf32, #tpu.memory_space<vmem>>) dst(%dma_wait3A_41 : memref<10240x128xf32, #tpu.memory_space<vmem_shared>>)
      tpu.yield
    }) : () -> ()
    %barrier3A_24 = arith.constant 0 : index
    tpu.barrier barrier_id(%barrier3A_24)
    %mul3A_25 = arith.constant 640 : i32
    %mul3A_26 = arith.muli %arg1, %mul3A_25 : i32
    %mul3A_27 = arith.constant 640 : i32
    %mul3A_28 = arith.muli %arg1, %mul3A_27 : i32
    "tpu.region"() ({
      %run_scoped3A_29 = tpu.sem_alloc : memref<!tpu.dma_semaphore, #tpu.memory_space<semaphore_mem>>
      %dma_start3A_30 = arith.constant 0 : i32
      %dma_start3A_31 = tpu.memref_slice %arg5[%arg0, %mul3A_28, %dma_start3A_30] : memref<2x10240x128xf32, #tpu.memory_space<hbm>> -> memref<1x640x128xf32, #tpu.memory_space<hbm>>
      %dma_start3A_32 = tpu.memref_squeeze %dma_start3A_31 : memref<1x640x128xf32, #tpu.memory_space<hbm>> -> memref<640x128xf32, #tpu.memory_space<hbm>>
      %dma_start3A_33 = arith.constant 0 : i32
      %dma_start3A_34 = tpu.memref_slice %arg9[%mul3A_26, %dma_start3A_33] : memref<10240x128xf32, #tpu.memory_space<vmem_shared>> -> memref<640x128xf32, #tpu.memory_space<vmem_shared>>
      tpu.enqueue_dma source(%dma_start3A_34 : memref<640x128xf32, #tpu.memory_space<vmem_shared>>) target(%dma_start3A_32 : memref<640x128xf32, #tpu.memory_space<hbm>>) target_semaphore(%run_scoped3A_29 : memref<!tpu.dma_semaphore, #tpu.memory_space<semaphore_mem>>)
      %dma_wait3A_35 = arith.constant 0 : i32
      %dma_wait3A_36 = tpu.memref_slice %arg5[%arg0, %mul3A_28, %dma_wait3A_35] : memref<2x10240x128xf32, #tpu.memory_space<hbm>> -> memref<1x640x128xf32, #tpu.memory_space<hbm>>
      %dma_wait3A_37 = tpu.memref_squeeze %dma_wait3A_36 : memref<1x640x128xf32, #tpu.memory_space<hbm>> -> memref<640x128xf32, #tpu.memory_space<hbm>>
      %dma_wait3A_38 = arith.constant 0 : i32
      %dma_wait3A_39 = tpu.memref_slice %arg9[%mul3A_26, %dma_wait3A_38] : memref<10240x128xf32, #tpu.memory_space<vmem_shared>> -> memref<640x128xf32, #tpu.memory_space<vmem_shared>>
      tpu.wait_dma2 semaphore(%run_scoped3A_29 : memref<!tpu.dma_semaphore, #tpu.memory_space<semaphore_mem>>) src(%dma_wait3A_39 : memref<640x128xf32, #tpu.memory_space<vmem_shared>>) dst(%dma_wait3A_37 : memref<640x128xf32, #tpu.memory_space<hbm>>)
      tpu.yield
    }) : () -> ()
    return
  }
}

#map = affine_map<(d0, d1) -> (0)>
#map1 = affine_map<(d0, d1) -> (0, 0)>
module attributes {stable_mosaic.version = 14 : i64} {
  func.func @_sc_gather_qw(%arg0: i32, %arg1: i32, %arg2: memref<160000xi32, #tpu.memory_space<hbm>>, %arg3: memref<160000xi32, #tpu.memory_space<hbm>>, %arg4: memref<10000x128xf32, #tpu.memory_space<hbm>>, %arg5: memref<10000x128xf32, #tpu.memory_space<hbm>>, %arg6: memref<160000x128xf32, #tpu.memory_space<hbm>>, %arg7: memref<160000x128xf32, #tpu.memory_space<hbm>>, %arg8: memref<5000xi32, #tpu.memory_space<vmem>>, %arg9: memref<5000xi32, #tpu.memory_space<vmem>>, %arg10: memref<128x128xf32, #tpu.memory_space<vmem>>, %arg11: memref<128x128xf32, #tpu.memory_space<vmem>>, %arg12: memref<128x128xf32, #tpu.memory_space<vmem>>, %arg13: memref<128x128xf32, #tpu.memory_space<vmem>>, %arg14: memref<!tpu.dma_semaphore, #tpu.memory_space<semaphore_mem>>, %arg15: memref<!tpu.dma_semaphore, #tpu.memory_space<semaphore_mem>>, %arg16: memref<!tpu.dma_semaphore, #tpu.memory_space<semaphore_mem>>, %arg17: memref<!tpu.dma_semaphore, #tpu.memory_space<semaphore_mem>>, %arg18: memref<!tpu.dma_semaphore, #tpu.memory_space<semaphore_mem>>, %arg19: memref<!tpu.dma_semaphore, #tpu.memory_space<semaphore_mem>>, %arg20: memref<!tpu.dma_semaphore, #tpu.memory_space<semaphore_mem>>, %arg21: memref<!tpu.dma_semaphore, #tpu.memory_space<semaphore_mem>>) attributes {dimension_semantics = [#tpu.dimension_semantics<core_parallel>, #tpu.dimension_semantics<subcore_parallel>], iteration_bounds = array<i64: 2, 16>, scalar_prefetch = 0 : i64, scratch_operands = 14 : i64, tpu.core_type = #tpu.core_type<sc_vector_subcore>, window_params = [{transform_indices = #map}, {transform_indices = #map}, {transform_indices = #map1}, {transform_indices = #map1}, {transform_indices = #map1}, {transform_indices = #map1}]} {
    %mul3A = arith.constant 16 : i32
    %mul3A_0 = arith.muli %arg0, %mul3A : i32
    %add3A = arith.addi %mul3A_0, %arg1 : i32
    %mul3A_1 = arith.constant 5000 : i32
    %mul3A_2 = arith.muli %add3A, %mul3A_1 : i32
    "tpu.region"() ({
      %run_scoped3A = tpu.sem_alloc : memref<!tpu.dma_semaphore, #tpu.memory_space<semaphore_mem>>
      %dma_start3A_108 = tpu.memref_slice %arg2[%mul3A_2] : memref<160000xi32, #tpu.memory_space<hbm>> -> memref<5000xi32, #tpu.memory_space<hbm>>
      %dma_start3A_109 = tpu.memref_slice %arg2[%mul3A_2] : memref<160000xi32, #tpu.memory_space<hbm>> -> memref<5000xi32, #tpu.memory_space<hbm>>
      tpu.enqueue_dma source(%dma_start3A_109 : memref<5000xi32, #tpu.memory_space<hbm>>) target(%arg8 : memref<5000xi32, #tpu.memory_space<vmem>>) target_semaphore(%run_scoped3A : memref<!tpu.dma_semaphore, #tpu.memory_space<semaphore_mem>>)
      %dma_wait3A_110 = tpu.memref_slice %arg2[%mul3A_2] : memref<160000xi32, #tpu.memory_space<hbm>> -> memref<5000xi32, #tpu.memory_space<hbm>>
      %dma_wait3A_111 = tpu.memref_slice %arg2[%mul3A_2] : memref<160000xi32, #tpu.memory_space<hbm>> -> memref<5000xi32, #tpu.memory_space<hbm>>
      tpu.wait_dma2 semaphore(%run_scoped3A : memref<!tpu.dma_semaphore, #tpu.memory_space<semaphore_mem>>) src(%dma_wait3A_111 : memref<5000xi32, #tpu.memory_space<hbm>>) dst(%arg8 : memref<5000xi32, #tpu.memory_space<vmem>>)
      tpu.yield
    }) : () -> ()
    "tpu.region"() ({
      %run_scoped3A = tpu.sem_alloc : memref<!tpu.dma_semaphore, #tpu.memory_space<semaphore_mem>>
      %dma_start3A_108 = tpu.memref_slice %arg3[%mul3A_2] : memref<160000xi32, #tpu.memory_space<hbm>> -> memref<5000xi32, #tpu.memory_space<hbm>>
      %dma_start3A_109 = tpu.memref_slice %arg3[%mul3A_2] : memref<160000xi32, #tpu.memory_space<hbm>> -> memref<5000xi32, #tpu.memory_space<hbm>>
      tpu.enqueue_dma source(%dma_start3A_109 : memref<5000xi32, #tpu.memory_space<hbm>>) target(%arg9 : memref<5000xi32, #tpu.memory_space<vmem>>) target_semaphore(%run_scoped3A : memref<!tpu.dma_semaphore, #tpu.memory_space<semaphore_mem>>)
      %dma_wait3A_110 = tpu.memref_slice %arg3[%mul3A_2] : memref<160000xi32, #tpu.memory_space<hbm>> -> memref<5000xi32, #tpu.memory_space<hbm>>
      %dma_wait3A_111 = tpu.memref_slice %arg3[%mul3A_2] : memref<160000xi32, #tpu.memory_space<hbm>> -> memref<5000xi32, #tpu.memory_space<hbm>>
      tpu.wait_dma2 semaphore(%run_scoped3A : memref<!tpu.dma_semaphore, #tpu.memory_space<semaphore_mem>>) src(%dma_wait3A_111 : memref<5000xi32, #tpu.memory_space<hbm>>) dst(%arg9 : memref<5000xi32, #tpu.memory_space<vmem>>)
      tpu.yield
    }) : () -> ()
    %dma_start3A = arith.constant 0 : i32
    %dma_start3A_3 = tpu.memref_slice %arg8[%dma_start3A] : memref<5000xi32, #tpu.memory_space<vmem>> -> memref<128xi32, #tpu.memory_space<vmem>>
    %dma_start3A_4 = arith.constant 0 : i32
    %dma_start3A_5 = arith.constant 0 : i32
    %dma_start3A_6 = tpu.memref_slice %arg4[%dma_start3A_4, %dma_start3A_5] : memref<10000x128xf32, #tpu.memory_space<hbm>> -> memref<10000x128xf32, #tpu.memory_space<hbm>>
    tpu.enqueue_indirect_dma source(%dma_start3A_6 : memref<10000x128xf32, #tpu.memory_space<hbm>>) target(%arg10 : memref<128x128xf32, #tpu.memory_space<vmem>>) offsets(%dma_start3A_3 : memref<128xi32, #tpu.memory_space<vmem>>) semaphore(%arg14 : memref<!tpu.dma_semaphore, #tpu.memory_space<semaphore_mem>>)
    %dma_start3A_7 = arith.constant 0 : i32
    %dma_start3A_8 = tpu.memref_slice %arg9[%dma_start3A_7] : memref<5000xi32, #tpu.memory_space<vmem>> -> memref<128xi32, #tpu.memory_space<vmem>>
    %dma_start3A_9 = arith.constant 0 : i32
    %dma_start3A_10 = arith.constant 0 : i32
    %dma_start3A_11 = tpu.memref_slice %arg5[%dma_start3A_9, %dma_start3A_10] : memref<10000x128xf32, #tpu.memory_space<hbm>> -> memref<10000x128xf32, #tpu.memory_space<hbm>>
    tpu.enqueue_indirect_dma source(%dma_start3A_11 : memref<10000x128xf32, #tpu.memory_space<hbm>>) target(%arg12 : memref<128x128xf32, #tpu.memory_space<vmem>>) offsets(%dma_start3A_8 : memref<128xi32, #tpu.memory_space<vmem>>) semaphore(%arg16 : memref<!tpu.dma_semaphore, #tpu.memory_space<semaphore_mem>>)
    %dma_start3A_12 = arith.constant 128 : i32
    %dma_start3A_13 = tpu.memref_slice %arg8[%dma_start3A_12] : memref<5000xi32, #tpu.memory_space<vmem>> -> memref<128xi32, #tpu.memory_space<vmem>>
    %dma_start3A_14 = arith.constant 0 : i32
    %dma_start3A_15 = arith.constant 0 : i32
    %dma_start3A_16 = tpu.memref_slice %arg4[%dma_start3A_14, %dma_start3A_15] : memref<10000x128xf32, #tpu.memory_space<hbm>> -> memref<10000x128xf32, #tpu.memory_space<hbm>>
    tpu.enqueue_indirect_dma source(%dma_start3A_16 : memref<10000x128xf32, #tpu.memory_space<hbm>>) target(%arg11 : memref<128x128xf32, #tpu.memory_space<vmem>>) offsets(%dma_start3A_13 : memref<128xi32, #tpu.memory_space<vmem>>) semaphore(%arg15 : memref<!tpu.dma_semaphore, #tpu.memory_space<semaphore_mem>>)
    %dma_start3A_17 = arith.constant 128 : i32
    %dma_start3A_18 = tpu.memref_slice %arg9[%dma_start3A_17] : memref<5000xi32, #tpu.memory_space<vmem>> -> memref<128xi32, #tpu.memory_space<vmem>>
    %dma_start3A_19 = arith.constant 0 : i32
    %dma_start3A_20 = arith.constant 0 : i32
    %dma_start3A_21 = tpu.memref_slice %arg5[%dma_start3A_19, %dma_start3A_20] : memref<10000x128xf32, #tpu.memory_space<hbm>> -> memref<10000x128xf32, #tpu.memory_space<hbm>>
    tpu.enqueue_indirect_dma source(%dma_start3A_21 : memref<10000x128xf32, #tpu.memory_space<hbm>>) target(%arg13 : memref<128x128xf32, #tpu.memory_space<vmem>>) offsets(%dma_start3A_18 : memref<128xi32, #tpu.memory_space<vmem>>) semaphore(%arg17 : memref<!tpu.dma_semaphore, #tpu.memory_space<semaphore_mem>>)
    %scan3A = arith.constant 0 : i32
    %scan3A_22 = arith.constant 0 : i32
    %scan3A_23 = arith.constant 19 : i32
    %scan3A_24 = arith.addi %scan3A_22, %scan3A_23 : i32
    %scan3A_25 = arith.constant 1 : i32
    scf.for %scan3A_108 = %scan3A_22 to %scan3A_24 step %scan3A_25  : i32 {
      %mul3A_109 = arith.constant 2 : i32
      %mul3A_110 = arith.muli %scan3A_108, %mul3A_109 : i32
      %add3A_111 = arith.constant 0 : i32
      %add3A_112 = arith.addi %mul3A_110, %add3A_111 : i32
      %mul3A_113 = arith.constant 128 : i32
      %mul3A_114 = arith.muli %add3A_112, %mul3A_113 : i32
      %dma_wait3A_115 = tpu.memref_slice %arg8[%mul3A_114] : memref<5000xi32, #tpu.memory_space<vmem>> -> memref<128xi32, #tpu.memory_space<vmem>>
      %dma_wait3A_116 = arith.constant 0 : i32
      %dma_wait3A_117 = arith.constant 0 : i32
      %dma_wait3A_118 = tpu.memref_slice %arg4[%dma_wait3A_116, %dma_wait3A_117] : memref<10000x128xf32, #tpu.memory_space<hbm>> -> memref<10000x128xf32, #tpu.memory_space<hbm>>
      tpu.wait_indirect_dma semaphore(%arg14 : memref<!tpu.dma_semaphore, #tpu.memory_space<semaphore_mem>>) src(%dma_wait3A_118 : memref<10000x128xf32, #tpu.memory_space<hbm>>) dst(%arg10 : memref<128x128xf32, #tpu.memory_space<vmem>>)
      %mul3A_119 = arith.constant 128 : i32
      %mul3A_120 = arith.muli %add3A_112, %mul3A_119 : i32
      %add3A_121 = arith.addi %mul3A_2, %mul3A_120 : i32
      %dma_start3A_122 = arith.constant 0 : i32
      %dma_start3A_123 = tpu.memref_slice %arg6[%add3A_121, %dma_start3A_122] : memref<160000x128xf32, #tpu.memory_space<hbm>> -> memref<128x128xf32, #tpu.memory_space<hbm>>
      %dma_start3A_124 = arith.constant 0 : i32
      %dma_start3A_125 = tpu.memref_slice %arg6[%add3A_121, %dma_start3A_124] : memref<160000x128xf32, #tpu.memory_space<hbm>> -> memref<128x128xf32, #tpu.memory_space<hbm>>
      tpu.enqueue_dma source(%arg10 : memref<128x128xf32, #tpu.memory_space<vmem>>) target(%dma_start3A_125 : memref<128x128xf32, #tpu.memory_space<hbm>>) target_semaphore(%arg18 : memref<!tpu.dma_semaphore, #tpu.memory_space<semaphore_mem>>)
      %mul3A_126 = arith.constant 128 : i32
      %mul3A_127 = arith.muli %add3A_112, %mul3A_126 : i32
      %dma_wait3A_128 = tpu.memref_slice %arg9[%mul3A_127] : memref<5000xi32, #tpu.memory_space<vmem>> -> memref<128xi32, #tpu.memory_space<vmem>>
      %dma_wait3A_129 = arith.constant 0 : i32
      %dma_wait3A_130 = arith.constant 0 : i32
      %dma_wait3A_131 = tpu.memref_slice %arg5[%dma_wait3A_129, %dma_wait3A_130] : memref<10000x128xf32, #tpu.memory_space<hbm>> -> memref<10000x128xf32, #tpu.memory_space<hbm>>
      tpu.wait_indirect_dma semaphore(%arg16 : memref<!tpu.dma_semaphore, #tpu.memory_space<semaphore_mem>>) src(%dma_wait3A_131 : memref<10000x128xf32, #tpu.memory_space<hbm>>) dst(%arg12 : memref<128x128xf32, #tpu.memory_space<vmem>>)
      %mul3A_132 = arith.constant 128 : i32
      %mul3A_133 = arith.muli %add3A_112, %mul3A_132 : i32
      %add3A_134 = arith.addi %mul3A_2, %mul3A_133 : i32
      %dma_start3A_135 = arith.constant 0 : i32
      %dma_start3A_136 = tpu.memref_slice %arg7[%add3A_134, %dma_start3A_135] : memref<160000x128xf32, #tpu.memory_space<hbm>> -> memref<128x128xf32, #tpu.memory_space<hbm>>
      %dma_start3A_137 = arith.constant 0 : i32
      %dma_start3A_138 = tpu.memref_slice %arg7[%add3A_134, %dma_start3A_137] : memref<160000x128xf32, #tpu.memory_space<hbm>> -> memref<128x128xf32, #tpu.memory_space<hbm>>
      tpu.enqueue_dma source(%arg12 : memref<128x128xf32, #tpu.memory_space<vmem>>) target(%dma_start3A_138 : memref<128x128xf32, #tpu.memory_space<hbm>>) target_semaphore(%arg20 : memref<!tpu.dma_semaphore, #tpu.memory_space<semaphore_mem>>)
      %add3A_139 = arith.constant 1 : i32
      %add3A_140 = arith.addi %mul3A_110, %add3A_139 : i32
      %mul3A_141 = arith.constant 128 : i32
      %mul3A_142 = arith.muli %add3A_140, %mul3A_141 : i32
      %dma_wait3A_143 = tpu.memref_slice %arg8[%mul3A_142] : memref<5000xi32, #tpu.memory_space<vmem>> -> memref<128xi32, #tpu.memory_space<vmem>>
      %dma_wait3A_144 = arith.constant 0 : i32
      %dma_wait3A_145 = arith.constant 0 : i32
      %dma_wait3A_146 = tpu.memref_slice %arg4[%dma_wait3A_144, %dma_wait3A_145] : memref<10000x128xf32, #tpu.memory_space<hbm>> -> memref<10000x128xf32, #tpu.memory_space<hbm>>
      tpu.wait_indirect_dma semaphore(%arg15 : memref<!tpu.dma_semaphore, #tpu.memory_space<semaphore_mem>>) src(%dma_wait3A_146 : memref<10000x128xf32, #tpu.memory_space<hbm>>) dst(%arg11 : memref<128x128xf32, #tpu.memory_space<vmem>>)
      %mul3A_147 = arith.constant 128 : i32
      %mul3A_148 = arith.muli %add3A_140, %mul3A_147 : i32
      %add3A_149 = arith.addi %mul3A_2, %mul3A_148 : i32
      %dma_start3A_150 = arith.constant 0 : i32
      %dma_start3A_151 = tpu.memref_slice %arg6[%add3A_149, %dma_start3A_150] : memref<160000x128xf32, #tpu.memory_space<hbm>> -> memref<128x128xf32, #tpu.memory_space<hbm>>
      %dma_start3A_152 = arith.constant 0 : i32
      %dma_start3A_153 = tpu.memref_slice %arg6[%add3A_149, %dma_start3A_152] : memref<160000x128xf32, #tpu.memory_space<hbm>> -> memref<128x128xf32, #tpu.memory_space<hbm>>
      tpu.enqueue_dma source(%arg11 : memref<128x128xf32, #tpu.memory_space<vmem>>) target(%dma_start3A_153 : memref<128x128xf32, #tpu.memory_space<hbm>>) target_semaphore(%arg19 : memref<!tpu.dma_semaphore, #tpu.memory_space<semaphore_mem>>)
      %mul3A_154 = arith.constant 128 : i32
      %mul3A_155 = arith.muli %add3A_140, %mul3A_154 : i32
      %dma_wait3A_156 = tpu.memref_slice %arg9[%mul3A_155] : memref<5000xi32, #tpu.memory_space<vmem>> -> memref<128xi32, #tpu.memory_space<vmem>>
      %dma_wait3A_157 = arith.constant 0 : i32
      %dma_wait3A_158 = arith.constant 0 : i32
      %dma_wait3A_159 = tpu.memref_slice %arg5[%dma_wait3A_157, %dma_wait3A_158] : memref<10000x128xf32, #tpu.memory_space<hbm>> -> memref<10000x128xf32, #tpu.memory_space<hbm>>
      tpu.wait_indirect_dma semaphore(%arg17 : memref<!tpu.dma_semaphore, #tpu.memory_space<semaphore_mem>>) src(%dma_wait3A_159 : memref<10000x128xf32, #tpu.memory_space<hbm>>) dst(%arg13 : memref<128x128xf32, #tpu.memory_space<vmem>>)
      %mul3A_160 = arith.constant 128 : i32
      %mul3A_161 = arith.muli %add3A_140, %mul3A_160 : i32
      %add3A_162 = arith.addi %mul3A_2, %mul3A_161 : i32
      %dma_start3A_163 = arith.constant 0 : i32
      %dma_start3A_164 = tpu.memref_slice %arg7[%add3A_162, %dma_start3A_163] : memref<160000x128xf32, #tpu.memory_space<hbm>> -> memref<128x128xf32, #tpu.memory_space<hbm>>
      %dma_start3A_165 = arith.constant 0 : i32
      %dma_start3A_166 = tpu.memref_slice %arg7[%add3A_162, %dma_start3A_165] : memref<160000x128xf32, #tpu.memory_space<hbm>> -> memref<128x128xf32, #tpu.memory_space<hbm>>
      tpu.enqueue_dma source(%arg13 : memref<128x128xf32, #tpu.memory_space<vmem>>) target(%dma_start3A_166 : memref<128x128xf32, #tpu.memory_space<hbm>>) target_semaphore(%arg21 : memref<!tpu.dma_semaphore, #tpu.memory_space<semaphore_mem>>)
      %add3A_167 = arith.constant 2 : i32
      %add3A_168 = arith.addi %mul3A_110, %add3A_167 : i32
      %add3A_169 = arith.constant 0 : i32
      %add3A_170 = arith.addi %add3A_168, %add3A_169 : i32
      %lt3A = arith.constant 39 : i32
      %lt3A_171 = arith.cmpi slt, %add3A_170, %lt3A : i32
      %convert_element_type3A = arith.extui %lt3A_171 : i1 to i32
      %cond3A = arith.constant 0 : i32
      %cond3A_172 = arith.cmpi ne, %convert_element_type3A, %cond3A : i32
      scf.if %cond3A_172 {
        %mul3A_182 = arith.constant 128 : i32
        %mul3A_183 = arith.muli %add3A_170, %mul3A_182 : i32
        %add3A_184 = arith.addi %mul3A_2, %mul3A_183 : i32
        %dma_wait3A_185 = arith.constant 0 : i32
        %dma_wait3A_186 = tpu.memref_slice %arg6[%add3A_184, %dma_wait3A_185] : memref<160000x128xf32, #tpu.memory_space<hbm>> -> memref<128x128xf32, #tpu.memory_space<hbm>>
        %dma_wait3A_187 = arith.constant 0 : i32
        %dma_wait3A_188 = tpu.memref_slice %arg6[%add3A_184, %dma_wait3A_187] : memref<160000x128xf32, #tpu.memory_space<hbm>> -> memref<128x128xf32, #tpu.memory_space<hbm>>
        tpu.wait_dma2 semaphore(%arg18 : memref<!tpu.dma_semaphore, #tpu.memory_space<semaphore_mem>>) src(%arg10 : memref<128x128xf32, #tpu.memory_space<vmem>>) dst(%dma_wait3A_188 : memref<128x128xf32, #tpu.memory_space<hbm>>)
        %mul3A_189 = arith.constant 128 : i32
        %mul3A_190 = arith.muli %add3A_170, %mul3A_189 : i32
        %dma_start3A_191 = tpu.memref_slice %arg8[%mul3A_190] : memref<5000xi32, #tpu.memory_space<vmem>> -> memref<128xi32, #tpu.memory_space<vmem>>
        %dma_start3A_192 = arith.constant 0 : i32
        %dma_start3A_193 = arith.constant 0 : i32
        %dma_start3A_194 = tpu.memref_slice %arg4[%dma_start3A_192, %dma_start3A_193] : memref<10000x128xf32, #tpu.memory_space<hbm>> -> memref<10000x128xf32, #tpu.memory_space<hbm>>
        tpu.enqueue_indirect_dma source(%dma_start3A_194 : memref<10000x128xf32, #tpu.memory_space<hbm>>) target(%arg10 : memref<128x128xf32, #tpu.memory_space<vmem>>) offsets(%dma_start3A_191 : memref<128xi32, #tpu.memory_space<vmem>>) semaphore(%arg14 : memref<!tpu.dma_semaphore, #tpu.memory_space<semaphore_mem>>)
        %mul3A_195 = arith.constant 128 : i32
        %mul3A_196 = arith.muli %add3A_170, %mul3A_195 : i32
        %add3A_197 = arith.addi %mul3A_2, %mul3A_196 : i32
        %dma_wait3A_198 = arith.constant 0 : i32
        %dma_wait3A_199 = tpu.memref_slice %arg7[%add3A_197, %dma_wait3A_198] : memref<160000x128xf32, #tpu.memory_space<hbm>> -> memref<128x128xf32, #tpu.memory_space<hbm>>
        %dma_wait3A_200 = arith.constant 0 : i32
        %dma_wait3A_201 = tpu.memref_slice %arg7[%add3A_197, %dma_wait3A_200] : memref<160000x128xf32, #tpu.memory_space<hbm>> -> memref<128x128xf32, #tpu.memory_space<hbm>>
        tpu.wait_dma2 semaphore(%arg20 : memref<!tpu.dma_semaphore, #tpu.memory_space<semaphore_mem>>) src(%arg12 : memref<128x128xf32, #tpu.memory_space<vmem>>) dst(%dma_wait3A_201 : memref<128x128xf32, #tpu.memory_space<hbm>>)
        %mul3A_202 = arith.constant 128 : i32
        %mul3A_203 = arith.muli %add3A_170, %mul3A_202 : i32
        %dma_start3A_204 = tpu.memref_slice %arg9[%mul3A_203] : memref<5000xi32, #tpu.memory_space<vmem>> -> memref<128xi32, #tpu.memory_space<vmem>>
        %dma_start3A_205 = arith.constant 0 : i32
        %dma_start3A_206 = arith.constant 0 : i32
        %dma_start3A_207 = tpu.memref_slice %arg5[%dma_start3A_205, %dma_start3A_206] : memref<10000x128xf32, #tpu.memory_space<hbm>> -> memref<10000x128xf32, #tpu.memory_space<hbm>>
        tpu.enqueue_indirect_dma source(%dma_start3A_207 : memref<10000x128xf32, #tpu.memory_space<hbm>>) target(%arg12 : memref<128x128xf32, #tpu.memory_space<vmem>>) offsets(%dma_start3A_204 : memref<128xi32, #tpu.memory_space<vmem>>) semaphore(%arg16 : memref<!tpu.dma_semaphore, #tpu.memory_space<semaphore_mem>>)
      } else {
      }
      %add3A_173 = arith.constant 2 : i32
      %add3A_174 = arith.addi %mul3A_110, %add3A_173 : i32
      %add3A_175 = arith.constant 1 : i32
      %add3A_176 = arith.addi %add3A_174, %add3A_175 : i32
      %lt3A_177 = arith.constant 39 : i32
      %lt3A_178 = arith.cmpi slt, %add3A_176, %lt3A_177 : i32
      %convert_element_type3A_179 = arith.extui %lt3A_178 : i1 to i32
      %cond3A_180 = arith.constant 0 : i32
      %cond3A_181 = arith.cmpi ne, %convert_element_type3A_179, %cond3A_180 : i32
      scf.if %cond3A_181 {
        %mul3A_182 = arith.constant 128 : i32
        %mul3A_183 = arith.muli %add3A_176, %mul3A_182 : i32
        %add3A_184 = arith.addi %mul3A_2, %mul3A_183 : i32
        %dma_wait3A_185 = arith.constant 0 : i32
        %dma_wait3A_186 = tpu.memref_slice %arg6[%add3A_184, %dma_wait3A_185] : memref<160000x128xf32, #tpu.memory_space<hbm>> -> memref<128x128xf32, #tpu.memory_space<hbm>>
        %dma_wait3A_187 = arith.constant 0 : i32
        %dma_wait3A_188 = tpu.memref_slice %arg6[%add3A_184, %dma_wait3A_187] : memref<160000x128xf32, #tpu.memory_space<hbm>> -> memref<128x128xf32, #tpu.memory_space<hbm>>
        tpu.wait_dma2 semaphore(%arg19 : memref<!tpu.dma_semaphore, #tpu.memory_space<semaphore_mem>>) src(%arg11 : memref<128x128xf32, #tpu.memory_space<vmem>>) dst(%dma_wait3A_188 : memref<128x128xf32, #tpu.memory_space<hbm>>)
        %mul3A_189 = arith.constant 128 : i32
        %mul3A_190 = arith.muli %add3A_176, %mul3A_189 : i32
        %dma_start3A_191 = tpu.memref_slice %arg8[%mul3A_190] : memref<5000xi32, #tpu.memory_space<vmem>> -> memref<128xi32, #tpu.memory_space<vmem>>
        %dma_start3A_192 = arith.constant 0 : i32
        %dma_start3A_193 = arith.constant 0 : i32
        %dma_start3A_194 = tpu.memref_slice %arg4[%dma_start3A_192, %dma_start3A_193] : memref<10000x128xf32, #tpu.memory_space<hbm>> -> memref<10000x128xf32, #tpu.memory_space<hbm>>
        tpu.enqueue_indirect_dma source(%dma_start3A_194 : memref<10000x128xf32, #tpu.memory_space<hbm>>) target(%arg11 : memref<128x128xf32, #tpu.memory_space<vmem>>) offsets(%dma_start3A_191 : memref<128xi32, #tpu.memory_space<vmem>>) semaphore(%arg15 : memref<!tpu.dma_semaphore, #tpu.memory_space<semaphore_mem>>)
        %mul3A_195 = arith.constant 128 : i32
        %mul3A_196 = arith.muli %add3A_176, %mul3A_195 : i32
        %add3A_197 = arith.addi %mul3A_2, %mul3A_196 : i32
        %dma_wait3A_198 = arith.constant 0 : i32
        %dma_wait3A_199 = tpu.memref_slice %arg7[%add3A_197, %dma_wait3A_198] : memref<160000x128xf32, #tpu.memory_space<hbm>> -> memref<128x128xf32, #tpu.memory_space<hbm>>
        %dma_wait3A_200 = arith.constant 0 : i32
        %dma_wait3A_201 = tpu.memref_slice %arg7[%add3A_197, %dma_wait3A_200] : memref<160000x128xf32, #tpu.memory_space<hbm>> -> memref<128x128xf32, #tpu.memory_space<hbm>>
        tpu.wait_dma2 semaphore(%arg21 : memref<!tpu.dma_semaphore, #tpu.memory_space<semaphore_mem>>) src(%arg13 : memref<128x128xf32, #tpu.memory_space<vmem>>) dst(%dma_wait3A_201 : memref<128x128xf32, #tpu.memory_space<hbm>>)
        %mul3A_202 = arith.constant 128 : i32
        %mul3A_203 = arith.muli %add3A_176, %mul3A_202 : i32
        %dma_start3A_204 = tpu.memref_slice %arg9[%mul3A_203] : memref<5000xi32, #tpu.memory_space<vmem>> -> memref<128xi32, #tpu.memory_space<vmem>>
        %dma_start3A_205 = arith.constant 0 : i32
        %dma_start3A_206 = arith.constant 0 : i32
        %dma_start3A_207 = tpu.memref_slice %arg5[%dma_start3A_205, %dma_start3A_206] : memref<10000x128xf32, #tpu.memory_space<hbm>> -> memref<10000x128xf32, #tpu.memory_space<hbm>>
        tpu.enqueue_indirect_dma source(%dma_start3A_207 : memref<10000x128xf32, #tpu.memory_space<hbm>>) target(%arg13 : memref<128x128xf32, #tpu.memory_space<vmem>>) offsets(%dma_start3A_204 : memref<128xi32, #tpu.memory_space<vmem>>) semaphore(%arg17 : memref<!tpu.dma_semaphore, #tpu.memory_space<semaphore_mem>>)
      } else {
      }
    }
    %scan3A_26 = arith.constant 19 : i32
    %dma_wait3A = arith.constant 4864 : i32
    %dma_wait3A_27 = tpu.memref_slice %arg8[%dma_wait3A] : memref<5000xi32, #tpu.memory_space<vmem>> -> memref<128xi32, #tpu.memory_space<vmem>>
    %dma_wait3A_28 = arith.constant 0 : i32
    %dma_wait3A_29 = arith.constant 0 : i32
    %dma_wait3A_30 = tpu.memref_slice %arg4[%dma_wait3A_28, %dma_wait3A_29] : memref<10000x128xf32, #tpu.memory_space<hbm>> -> memref<10000x128xf32, #tpu.memory_space<hbm>>
    tpu.wait_indirect_dma semaphore(%arg14 : memref<!tpu.dma_semaphore, #tpu.memory_space<semaphore_mem>>) src(%dma_wait3A_30 : memref<10000x128xf32, #tpu.memory_space<hbm>>) dst(%arg10 : memref<128x128xf32, #tpu.memory_space<vmem>>)
    %add3A_31 = arith.constant 4864 : i32
    %add3A_32 = arith.addi %mul3A_2, %add3A_31 : i32
    %dma_start3A_33 = arith.constant 0 : i32
    %dma_start3A_34 = tpu.memref_slice %arg6[%add3A_32, %dma_start3A_33] : memref<160000x128xf32, #tpu.memory_space<hbm>> -> memref<128x128xf32, #tpu.memory_space<hbm>>
    %dma_start3A_35 = arith.constant 0 : i32
    %dma_start3A_36 = tpu.memref_slice %arg6[%add3A_32, %dma_start3A_35] : memref<160000x128xf32, #tpu.memory_space<hbm>> -> memref<128x128xf32, #tpu.memory_space<hbm>>
    tpu.enqueue_dma source(%arg10 : memref<128x128xf32, #tpu.memory_space<vmem>>) target(%dma_start3A_36 : memref<128x128xf32, #tpu.memory_space<hbm>>) target_semaphore(%arg18 : memref<!tpu.dma_semaphore, #tpu.memory_space<semaphore_mem>>)
    %dma_wait3A_37 = arith.constant 4864 : i32
    %dma_wait3A_38 = tpu.memref_slice %arg9[%dma_wait3A_37] : memref<5000xi32, #tpu.memory_space<vmem>> -> memref<128xi32, #tpu.memory_space<vmem>>
    %dma_wait3A_39 = arith.constant 0 : i32
    %dma_wait3A_40 = arith.constant 0 : i32
    %dma_wait3A_41 = tpu.memref_slice %arg5[%dma_wait3A_39, %dma_wait3A_40] : memref<10000x128xf32, #tpu.memory_space<hbm>> -> memref<10000x128xf32, #tpu.memory_space<hbm>>
    tpu.wait_indirect_dma semaphore(%arg16 : memref<!tpu.dma_semaphore, #tpu.memory_space<semaphore_mem>>) src(%dma_wait3A_41 : memref<10000x128xf32, #tpu.memory_space<hbm>>) dst(%arg12 : memref<128x128xf32, #tpu.memory_space<vmem>>)
    %add3A_42 = arith.constant 4864 : i32
    %add3A_43 = arith.addi %mul3A_2, %add3A_42 : i32
    %dma_start3A_44 = arith.constant 0 : i32
    %dma_start3A_45 = tpu.memref_slice %arg7[%add3A_43, %dma_start3A_44] : memref<160000x128xf32, #tpu.memory_space<hbm>> -> memref<128x128xf32, #tpu.memory_space<hbm>>
    %dma_start3A_46 = arith.constant 0 : i32
    %dma_start3A_47 = tpu.memref_slice %arg7[%add3A_43, %dma_start3A_46] : memref<160000x128xf32, #tpu.memory_space<hbm>> -> memref<128x128xf32, #tpu.memory_space<hbm>>
    tpu.enqueue_dma source(%arg12 : memref<128x128xf32, #tpu.memory_space<vmem>>) target(%dma_start3A_47 : memref<128x128xf32, #tpu.memory_space<hbm>>) target_semaphore(%arg20 : memref<!tpu.dma_semaphore, #tpu.memory_space<semaphore_mem>>)
    %add3A_48 = arith.constant 4864 : i32
    %add3A_49 = arith.addi %mul3A_2, %add3A_48 : i32
    %dma_wait3A_50 = arith.constant 0 : i32
    %dma_wait3A_51 = tpu.memref_slice %arg6[%add3A_49, %dma_wait3A_50] : memref<160000x128xf32, #tpu.memory_space<hbm>> -> memref<128x128xf32, #tpu.memory_space<hbm>>
    %dma_wait3A_52 = arith.constant 0 : i32
    %dma_wait3A_53 = tpu.memref_slice %arg6[%add3A_49, %dma_wait3A_52] : memref<160000x128xf32, #tpu.memory_space<hbm>> -> memref<128x128xf32, #tpu.memory_space<hbm>>
    tpu.wait_dma2 semaphore(%arg18 : memref<!tpu.dma_semaphore, #tpu.memory_space<semaphore_mem>>) src(%arg10 : memref<128x128xf32, #tpu.memory_space<vmem>>) dst(%dma_wait3A_53 : memref<128x128xf32, #tpu.memory_space<hbm>>)
    %add3A_54 = arith.constant 4864 : i32
    %add3A_55 = arith.addi %mul3A_2, %add3A_54 : i32
    %dma_wait3A_56 = arith.constant 0 : i32
    %dma_wait3A_57 = tpu.memref_slice %arg7[%add3A_55, %dma_wait3A_56] : memref<160000x128xf32, #tpu.memory_space<hbm>> -> memref<128x128xf32, #tpu.memory_space<hbm>>
    %dma_wait3A_58 = arith.constant 0 : i32
    %dma_wait3A_59 = tpu.memref_slice %arg7[%add3A_55, %dma_wait3A_58] : memref<160000x128xf32, #tpu.memory_space<hbm>> -> memref<128x128xf32, #tpu.memory_space<hbm>>
    tpu.wait_dma2 semaphore(%arg20 : memref<!tpu.dma_semaphore, #tpu.memory_space<semaphore_mem>>) src(%arg12 : memref<128x128xf32, #tpu.memory_space<vmem>>) dst(%dma_wait3A_59 : memref<128x128xf32, #tpu.memory_space<hbm>>)
    %add3A_60 = arith.constant 4736 : i32
    %add3A_61 = arith.addi %mul3A_2, %add3A_60 : i32
    %dma_wait3A_62 = arith.constant 0 : i32
    %dma_wait3A_63 = tpu.memref_slice %arg6[%add3A_61, %dma_wait3A_62] : memref<160000x128xf32, #tpu.memory_space<hbm>> -> memref<128x128xf32, #tpu.memory_space<hbm>>
    %dma_wait3A_64 = arith.constant 0 : i32
    %dma_wait3A_65 = tpu.memref_slice %arg6[%add3A_61, %dma_wait3A_64] : memref<160000x128xf32, #tpu.memory_space<hbm>> -> memref<128x128xf32, #tpu.memory_space<hbm>>
    tpu.wait_dma2 semaphore(%arg19 : memref<!tpu.dma_semaphore, #tpu.memory_space<semaphore_mem>>) src(%arg11 : memref<128x128xf32, #tpu.memory_space<vmem>>) dst(%dma_wait3A_65 : memref<128x128xf32, #tpu.memory_space<hbm>>)
    %add3A_66 = arith.constant 4736 : i32
    %add3A_67 = arith.addi %mul3A_2, %add3A_66 : i32
    %dma_wait3A_68 = arith.constant 0 : i32
    %dma_wait3A_69 = tpu.memref_slice %arg7[%add3A_67, %dma_wait3A_68] : memref<160000x128xf32, #tpu.memory_space<hbm>> -> memref<128x128xf32, #tpu.memory_space<hbm>>
    %dma_wait3A_70 = arith.constant 0 : i32
    %dma_wait3A_71 = tpu.memref_slice %arg7[%add3A_67, %dma_wait3A_70] : memref<160000x128xf32, #tpu.memory_space<hbm>> -> memref<128x128xf32, #tpu.memory_space<hbm>>
    tpu.wait_dma2 semaphore(%arg21 : memref<!tpu.dma_semaphore, #tpu.memory_space<semaphore_mem>>) src(%arg13 : memref<128x128xf32, #tpu.memory_space<vmem>>) dst(%dma_wait3A_71 : memref<128x128xf32, #tpu.memory_space<hbm>>)
    %dma_start3A_72 = arith.constant 0 : i32
    %dma_start3A_73 = arith.constant 0 : i32
    %dma_start3A_74 = tpu.memref_slice %arg10[%dma_start3A_72, %dma_start3A_73] : memref<128x128xf32, #tpu.memory_space<vmem>> -> memref<8x128xf32, #tpu.memory_space<vmem>>
    %dma_start3A_75 = arith.constant 4992 : i32
    %dma_start3A_76 = tpu.memref_slice %arg8[%dma_start3A_75] : memref<5000xi32, #tpu.memory_space<vmem>> -> memref<8xi32, #tpu.memory_space<vmem>>
    %dma_start3A_77 = arith.constant 0 : i32
    %dma_start3A_78 = arith.constant 0 : i32
    %dma_start3A_79 = tpu.memref_slice %arg4[%dma_start3A_77, %dma_start3A_78] : memref<10000x128xf32, #tpu.memory_space<hbm>> -> memref<10000x128xf32, #tpu.memory_space<hbm>>
    tpu.enqueue_indirect_dma source(%dma_start3A_79 : memref<10000x128xf32, #tpu.memory_space<hbm>>) target(%dma_start3A_74 : memref<8x128xf32, #tpu.memory_space<vmem>>) offsets(%dma_start3A_76 : memref<8xi32, #tpu.memory_space<vmem>>) semaphore(%arg14 : memref<!tpu.dma_semaphore, #tpu.memory_space<semaphore_mem>>)
    %dma_start3A_80 = arith.constant 0 : i32
    %dma_start3A_81 = arith.constant 0 : i32
    %dma_start3A_82 = tpu.memref_slice %arg12[%dma_start3A_80, %dma_start3A_81] : memref<128x128xf32, #tpu.memory_space<vmem>> -> memref<8x128xf32, #tpu.memory_space<vmem>>
    %dma_start3A_83 = arith.constant 4992 : i32
    %dma_start3A_84 = tpu.memref_slice %arg9[%dma_start3A_83] : memref<5000xi32, #tpu.memory_space<vmem>> -> memref<8xi32, #tpu.memory_space<vmem>>
    %dma_start3A_85 = arith.constant 0 : i32
    %dma_start3A_86 = arith.constant 0 : i32
    %dma_start3A_87 = tpu.memref_slice %arg5[%dma_start3A_85, %dma_start3A_86] : memref<10000x128xf32, #tpu.memory_space<hbm>> -> memref<10000x128xf32, #tpu.memory_space<hbm>>
    tpu.enqueue_indirect_dma source(%dma_start3A_87 : memref<10000x128xf32, #tpu.memory_space<hbm>>) target(%dma_start3A_82 : memref<8x128xf32, #tpu.memory_space<vmem>>) offsets(%dma_start3A_84 : memref<8xi32, #tpu.memory_space<vmem>>) semaphore(%arg16 : memref<!tpu.dma_semaphore, #tpu.memory_space<semaphore_mem>>)
    %dma_wait3A_88 = arith.constant 0 : i32
    %dma_wait3A_89 = arith.constant 0 : i32
    %dma_wait3A_90 = tpu.memref_slice %arg10[%dma_wait3A_88, %dma_wait3A_89] : memref<128x128xf32, #tpu.memory_space<vmem>> -> memref<8x128xf32, #tpu.memory_space<vmem>>
    %dma_wait3A_91 = arith.constant 4992 : i32
    %dma_wait3A_92 = tpu.memref_slice %arg8[%dma_wait3A_91] : memref<5000xi32, #tpu.memory_space<vmem>> -> memref<8xi32, #tpu.memory_space<vmem>>
    %dma_wait3A_93 = arith.constant 0 : i32
    %dma_wait3A_94 = arith.constant 0 : i32
    %dma_wait3A_95 = tpu.memref_slice %arg4[%dma_wait3A_93, %dma_wait3A_94] : memref<10000x128xf32, #tpu.memory_space<hbm>> -> memref<10000x128xf32, #tpu.memory_space<hbm>>
    tpu.wait_indirect_dma semaphore(%arg14 : memref<!tpu.dma_semaphore, #tpu.memory_space<semaphore_mem>>) src(%dma_wait3A_95 : memref<10000x128xf32, #tpu.memory_space<hbm>>) dst(%dma_wait3A_90 : memref<8x128xf32, #tpu.memory_space<vmem>>)
    %dma_wait3A_96 = arith.constant 0 : i32
    %dma_wait3A_97 = arith.constant 0 : i32
    %dma_wait3A_98 = tpu.memref_slice %arg12[%dma_wait3A_96, %dma_wait3A_97] : memref<128x128xf32, #tpu.memory_space<vmem>> -> memref<8x128xf32, #tpu.memory_space<vmem>>
    %dma_wait3A_99 = arith.constant 4992 : i32
    %dma_wait3A_100 = tpu.memref_slice %arg9[%dma_wait3A_99] : memref<5000xi32, #tpu.memory_space<vmem>> -> memref<8xi32, #tpu.memory_space<vmem>>
    %dma_wait3A_101 = arith.constant 0 : i32
    %dma_wait3A_102 = arith.constant 0 : i32
    %dma_wait3A_103 = tpu.memref_slice %arg5[%dma_wait3A_101, %dma_wait3A_102] : memref<10000x128xf32, #tpu.memory_space<hbm>> -> memref<10000x128xf32, #tpu.memory_space<hbm>>
    tpu.wait_indirect_dma semaphore(%arg16 : memref<!tpu.dma_semaphore, #tpu.memory_space<semaphore_mem>>) src(%dma_wait3A_103 : memref<10000x128xf32, #tpu.memory_space<hbm>>) dst(%dma_wait3A_98 : memref<8x128xf32, #tpu.memory_space<vmem>>)
    %add3A_104 = arith.constant 4992 : i32
    %add3A_105 = arith.addi %mul3A_2, %add3A_104 : i32
    "tpu.region"() ({
      %run_scoped3A = tpu.sem_alloc : memref<!tpu.dma_semaphore, #tpu.memory_space<semaphore_mem>>
      %dma_start3A_108 = arith.constant 0 : i32
      %dma_start3A_109 = arith.constant 0 : i32
      %dma_start3A_110 = tpu.memref_slice %arg10[%dma_start3A_108, %dma_start3A_109] : memref<128x128xf32, #tpu.memory_space<vmem>> -> memref<8x128xf32, #tpu.memory_space<vmem>>
      %dma_start3A_111 = arith.constant 0 : i32
      %dma_start3A_112 = tpu.memref_slice %arg6[%add3A_105, %dma_start3A_111] : memref<160000x128xf32, #tpu.memory_space<hbm>> -> memref<8x128xf32, #tpu.memory_space<hbm>>
      %dma_start3A_113 = arith.constant 0 : i32
      %dma_start3A_114 = tpu.memref_slice %arg6[%add3A_105, %dma_start3A_113] : memref<160000x128xf32, #tpu.memory_space<hbm>> -> memref<8x128xf32, #tpu.memory_space<hbm>>
      %dma_start3A_115 = arith.constant 0 : i32
      %dma_start3A_116 = arith.constant 0 : i32
      %dma_start3A_117 = tpu.memref_slice %arg10[%dma_start3A_115, %dma_start3A_116] : memref<128x128xf32, #tpu.memory_space<vmem>> -> memref<8x128xf32, #tpu.memory_space<vmem>>
      tpu.enqueue_dma source(%dma_start3A_117 : memref<8x128xf32, #tpu.memory_space<vmem>>) target(%dma_start3A_114 : memref<8x128xf32, #tpu.memory_space<hbm>>) target_semaphore(%run_scoped3A : memref<!tpu.dma_semaphore, #tpu.memory_space<semaphore_mem>>)
      %dma_wait3A_118 = arith.constant 0 : i32
      %dma_wait3A_119 = arith.constant 0 : i32
      %dma_wait3A_120 = tpu.memref_slice %arg10[%dma_wait3A_118, %dma_wait3A_119] : memref<128x128xf32, #tpu.memory_space<vmem>> -> memref<8x128xf32, #tpu.memory_space<vmem>>
      %dma_wait3A_121 = arith.constant 0 : i32
      %dma_wait3A_122 = tpu.memref_slice %arg6[%add3A_105, %dma_wait3A_121] : memref<160000x128xf32, #tpu.memory_space<hbm>> -> memref<8x128xf32, #tpu.memory_space<hbm>>
      %dma_wait3A_123 = arith.constant 0 : i32
      %dma_wait3A_124 = tpu.memref_slice %arg6[%add3A_105, %dma_wait3A_123] : memref<160000x128xf32, #tpu.memory_space<hbm>> -> memref<8x128xf32, #tpu.memory_space<hbm>>
      %dma_wait3A_125 = arith.constant 0 : i32
      %dma_wait3A_126 = arith.constant 0 : i32
      %dma_wait3A_127 = tpu.memref_slice %arg10[%dma_wait3A_125, %dma_wait3A_126] : memref<128x128xf32, #tpu.memory_space<vmem>> -> memref<8x128xf32, #tpu.memory_space<vmem>>
      tpu.wait_dma2 semaphore(%run_scoped3A : memref<!tpu.dma_semaphore, #tpu.memory_space<semaphore_mem>>) src(%dma_wait3A_127 : memref<8x128xf32, #tpu.memory_space<vmem>>) dst(%dma_wait3A_124 : memref<8x128xf32, #tpu.memory_space<hbm>>)
      tpu.yield
    }) : () -> ()
    %add3A_106 = arith.constant 4992 : i32
    %add3A_107 = arith.addi %mul3A_2, %add3A_106 : i32
    "tpu.region"() ({
      %run_scoped3A = tpu.sem_alloc : memref<!tpu.dma_semaphore, #tpu.memory_space<semaphore_mem>>
      %dma_start3A_108 = arith.constant 0 : i32
      %dma_start3A_109 = arith.constant 0 : i32
      %dma_start3A_110 = tpu.memref_slice %arg12[%dma_start3A_108, %dma_start3A_109] : memref<128x128xf32, #tpu.memory_space<vmem>> -> memref<8x128xf32, #tpu.memory_space<vmem>>
      %dma_start3A_111 = arith.constant 0 : i32
      %dma_start3A_112 = tpu.memref_slice %arg7[%add3A_107, %dma_start3A_111] : memref<160000x128xf32, #tpu.memory_space<hbm>> -> memref<8x128xf32, #tpu.memory_space<hbm>>
      %dma_start3A_113 = arith.constant 0 : i32
      %dma_start3A_114 = tpu.memref_slice %arg7[%add3A_107, %dma_start3A_113] : memref<160000x128xf32, #tpu.memory_space<hbm>> -> memref<8x128xf32, #tpu.memory_space<hbm>>
      %dma_start3A_115 = arith.constant 0 : i32
      %dma_start3A_116 = arith.constant 0 : i32
      %dma_start3A_117 = tpu.memref_slice %arg12[%dma_start3A_115, %dma_start3A_116] : memref<128x128xf32, #tpu.memory_space<vmem>> -> memref<8x128xf32, #tpu.memory_space<vmem>>
      tpu.enqueue_dma source(%dma_start3A_117 : memref<8x128xf32, #tpu.memory_space<vmem>>) target(%dma_start3A_114 : memref<8x128xf32, #tpu.memory_space<hbm>>) target_semaphore(%run_scoped3A : memref<!tpu.dma_semaphore, #tpu.memory_space<semaphore_mem>>)
      %dma_wait3A_118 = arith.constant 0 : i32
      %dma_wait3A_119 = arith.constant 0 : i32
      %dma_wait3A_120 = tpu.memref_slice %arg12[%dma_wait3A_118, %dma_wait3A_119] : memref<128x128xf32, #tpu.memory_space<vmem>> -> memref<8x128xf32, #tpu.memory_space<vmem>>
      %dma_wait3A_121 = arith.constant 0 : i32
      %dma_wait3A_122 = tpu.memref_slice %arg7[%add3A_107, %dma_wait3A_121] : memref<160000x128xf32, #tpu.memory_space<hbm>> -> memref<8x128xf32, #tpu.memory_space<hbm>>
      %dma_wait3A_123 = arith.constant 0 : i32
      %dma_wait3A_124 = tpu.memref_slice %arg7[%add3A_107, %dma_wait3A_123] : memref<160000x128xf32, #tpu.memory_space<hbm>> -> memref<8x128xf32, #tpu.memory_space<hbm>>
      %dma_wait3A_125 = arith.constant 0 : i32
      %dma_wait3A_126 = arith.constant 0 : i32
      %dma_wait3A_127 = tpu.memref_slice %arg12[%dma_wait3A_125, %dma_wait3A_126] : memref<128x128xf32, #tpu.memory_space<vmem>> -> memref<8x128xf32, #tpu.memory_space<vmem>>
      tpu.wait_dma2 semaphore(%run_scoped3A : memref<!tpu.dma_semaphore, #tpu.memory_space<semaphore_mem>>) src(%dma_wait3A_127 : memref<8x128xf32, #tpu.memory_space<vmem>>) dst(%dma_wait3A_124 : memref<8x128xf32, #tpu.memory_space<hbm>>)
      tpu.yield
    }) : () -> ()
    return
  }
}

#map = affine_map<(d0, d1) -> (0)>
#map1 = affine_map<(d0, d1) -> (0, 0)>
module attributes {stable_mosaic.version = 14 : i64} {
  func.func @_sc_gather_qw(%arg0: i32, %arg1: i32, %arg2: memref<160000xi32, #tpu.memory_space<hbm>>, %arg3: memref<160000xi32, #tpu.memory_space<hbm>>, %arg4: memref<10000x128xf32, #tpu.memory_space<hbm>>, %arg5: memref<10000x128xf32, #tpu.memory_space<hbm>>, %arg6: memref<160000x128xf32, #tpu.memory_space<hbm>>, %arg7: memref<160000x128xf32, #tpu.memory_space<hbm>>, %arg8: memref<5000xi32, #tpu.memory_space<vmem>>, %arg9: memref<5000xi32, #tpu.memory_space<vmem>>, %arg10: memref<128x128xf32, #tpu.memory_space<vmem>>, %arg11: memref<128x128xf32, #tpu.memory_space<vmem>>, %arg12: memref<128x128xf32, #tpu.memory_space<vmem>>, %arg13: memref<128x128xf32, #tpu.memory_space<vmem>>, %arg14: memref<!tpu.dma_semaphore, #tpu.memory_space<semaphore_mem>>, %arg15: memref<!tpu.dma_semaphore, #tpu.memory_space<semaphore_mem>>, %arg16: memref<!tpu.dma_semaphore, #tpu.memory_space<semaphore_mem>>, %arg17: memref<!tpu.dma_semaphore, #tpu.memory_space<semaphore_mem>>, %arg18: memref<!tpu.dma_semaphore, #tpu.memory_space<semaphore_mem>>, %arg19: memref<!tpu.dma_semaphore, #tpu.memory_space<semaphore_mem>>, %arg20: memref<!tpu.dma_semaphore, #tpu.memory_space<semaphore_mem>>, %arg21: memref<!tpu.dma_semaphore, #tpu.memory_space<semaphore_mem>>) attributes {dimension_semantics = [#tpu.dimension_semantics<core_parallel>, #tpu.dimension_semantics<subcore_parallel>], iteration_bounds = array<i64: 2, 16>, scalar_prefetch = 0 : i64, scratch_operands = 14 : i64, tpu.core_type = #tpu.core_type<sc_vector_subcore>, window_params = [{transform_indices = #map}, {transform_indices = #map}, {transform_indices = #map1}, {transform_indices = #map1}, {transform_indices = #map1}, {transform_indices = #map1}]} {
    %mul3A = arith.constant 16 : i32
    %mul3A_0 = arith.muli %arg0, %mul3A : i32
    %add3A = arith.addi %mul3A_0, %arg1 : i32
    %mul3A_1 = arith.constant 5000 : i32
    %mul3A_2 = arith.muli %add3A, %mul3A_1 : i32
    "tpu.region"() ({
      %run_scoped3A = tpu.sem_alloc : memref<!tpu.dma_semaphore, #tpu.memory_space<semaphore_mem>>
      %dma_start3A_108 = tpu.memref_slice %arg2[%mul3A_2] : memref<160000xi32, #tpu.memory_space<hbm>> -> memref<5000xi32, #tpu.memory_space<hbm>>
      %dma_start3A_109 = tpu.memref_slice %arg2[%mul3A_2] : memref<160000xi32, #tpu.memory_space<hbm>> -> memref<5000xi32, #tpu.memory_space<hbm>>
      tpu.enqueue_dma source(%dma_start3A_109 : memref<5000xi32, #tpu.memory_space<hbm>>) target(%arg8 : memref<5000xi32, #tpu.memory_space<vmem>>) target_semaphore(%run_scoped3A : memref<!tpu.dma_semaphore, #tpu.memory_space<semaphore_mem>>)
      %dma_wait3A_110 = tpu.memref_slice %arg2[%mul3A_2] : memref<160000xi32, #tpu.memory_space<hbm>> -> memref<5000xi32, #tpu.memory_space<hbm>>
      %dma_wait3A_111 = tpu.memref_slice %arg2[%mul3A_2] : memref<160000xi32, #tpu.memory_space<hbm>> -> memref<5000xi32, #tpu.memory_space<hbm>>
      tpu.wait_dma2 semaphore(%run_scoped3A : memref<!tpu.dma_semaphore, #tpu.memory_space<semaphore_mem>>) src(%dma_wait3A_111 : memref<5000xi32, #tpu.memory_space<hbm>>) dst(%arg8 : memref<5000xi32, #tpu.memory_space<vmem>>)
      tpu.yield
    }) : () -> ()
    "tpu.region"() ({
      %run_scoped3A = tpu.sem_alloc : memref<!tpu.dma_semaphore, #tpu.memory_space<semaphore_mem>>
      %dma_start3A_108 = tpu.memref_slice %arg3[%mul3A_2] : memref<160000xi32, #tpu.memory_space<hbm>> -> memref<5000xi32, #tpu.memory_space<hbm>>
      %dma_start3A_109 = tpu.memref_slice %arg3[%mul3A_2] : memref<160000xi32, #tpu.memory_space<hbm>> -> memref<5000xi32, #tpu.memory_space<hbm>>
      tpu.enqueue_dma source(%dma_start3A_109 : memref<5000xi32, #tpu.memory_space<hbm>>) target(%arg9 : memref<5000xi32, #tpu.memory_space<vmem>>) target_semaphore(%run_scoped3A : memref<!tpu.dma_semaphore, #tpu.memory_space<semaphore_mem>>)
      %dma_wait3A_110 = tpu.memref_slice %arg3[%mul3A_2] : memref<160000xi32, #tpu.memory_space<hbm>> -> memref<5000xi32, #tpu.memory_space<hbm>>
      %dma_wait3A_111 = tpu.memref_slice %arg3[%mul3A_2] : memref<160000xi32, #tpu.memory_space<hbm>> -> memref<5000xi32, #tpu.memory_space<hbm>>
      tpu.wait_dma2 semaphore(%run_scoped3A : memref<!tpu.dma_semaphore, #tpu.memory_space<semaphore_mem>>) src(%dma_wait3A_111 : memref<5000xi32, #tpu.memory_space<hbm>>) dst(%arg9 : memref<5000xi32, #tpu.memory_space<vmem>>)
      tpu.yield
    }) : () -> ()
    %dma_start3A = arith.constant 0 : i32
    %dma_start3A_3 = tpu.memref_slice %arg8[%dma_start3A] : memref<5000xi32, #tpu.memory_space<vmem>> -> memref<128xi32, #tpu.memory_space<vmem>>
    %dma_start3A_4 = arith.constant 0 : i32
    %dma_start3A_5 = arith.constant 0 : i32
    %dma_start3A_6 = tpu.memref_slice %arg4[%dma_start3A_4, %dma_start3A_5] : memref<10000x128xf32, #tpu.memory_space<hbm>> -> memref<10000x128xf32, #tpu.memory_space<hbm>>
    tpu.enqueue_indirect_dma source(%dma_start3A_6 : memref<10000x128xf32, #tpu.memory_space<hbm>>) target(%arg10 : memref<128x128xf32, #tpu.memory_space<vmem>>) offsets(%dma_start3A_3 : memref<128xi32, #tpu.memory_space<vmem>>) semaphore(%arg14 : memref<!tpu.dma_semaphore, #tpu.memory_space<semaphore_mem>>)
    %dma_start3A_7 = arith.constant 0 : i32
    %dma_start3A_8 = tpu.memref_slice %arg9[%dma_start3A_7] : memref<5000xi32, #tpu.memory_space<vmem>> -> memref<128xi32, #tpu.memory_space<vmem>>
    %dma_start3A_9 = arith.constant 0 : i32
    %dma_start3A_10 = arith.constant 0 : i32
    %dma_start3A_11 = tpu.memref_slice %arg5[%dma_start3A_9, %dma_start3A_10] : memref<10000x128xf32, #tpu.memory_space<hbm>> -> memref<10000x128xf32, #tpu.memory_space<hbm>>
    tpu.enqueue_indirect_dma source(%dma_start3A_11 : memref<10000x128xf32, #tpu.memory_space<hbm>>) target(%arg12 : memref<128x128xf32, #tpu.memory_space<vmem>>) offsets(%dma_start3A_8 : memref<128xi32, #tpu.memory_space<vmem>>) semaphore(%arg16 : memref<!tpu.dma_semaphore, #tpu.memory_space<semaphore_mem>>)
    %dma_start3A_12 = arith.constant 128 : i32
    %dma_start3A_13 = tpu.memref_slice %arg8[%dma_start3A_12] : memref<5000xi32, #tpu.memory_space<vmem>> -> memref<128xi32, #tpu.memory_space<vmem>>
    %dma_start3A_14 = arith.constant 0 : i32
    %dma_start3A_15 = arith.constant 0 : i32
    %dma_start3A_16 = tpu.memref_slice %arg4[%dma_start3A_14, %dma_start3A_15] : memref<10000x128xf32, #tpu.memory_space<hbm>> -> memref<10000x128xf32, #tpu.memory_space<hbm>>
    tpu.enqueue_indirect_dma source(%dma_start3A_16 : memref<10000x128xf32, #tpu.memory_space<hbm>>) target(%arg11 : memref<128x128xf32, #tpu.memory_space<vmem>>) offsets(%dma_start3A_13 : memref<128xi32, #tpu.memory_space<vmem>>) semaphore(%arg15 : memref<!tpu.dma_semaphore, #tpu.memory_space<semaphore_mem>>)
    %dma_start3A_17 = arith.constant 128 : i32
    %dma_start3A_18 = tpu.memref_slice %arg9[%dma_start3A_17] : memref<5000xi32, #tpu.memory_space<vmem>> -> memref<128xi32, #tpu.memory_space<vmem>>
    %dma_start3A_19 = arith.constant 0 : i32
    %dma_start3A_20 = arith.constant 0 : i32
    %dma_start3A_21 = tpu.memref_slice %arg5[%dma_start3A_19, %dma_start3A_20] : memref<10000x128xf32, #tpu.memory_space<hbm>> -> memref<10000x128xf32, #tpu.memory_space<hbm>>
    tpu.enqueue_indirect_dma source(%dma_start3A_21 : memref<10000x128xf32, #tpu.memory_space<hbm>>) target(%arg13 : memref<128x128xf32, #tpu.memory_space<vmem>>) offsets(%dma_start3A_18 : memref<128xi32, #tpu.memory_space<vmem>>) semaphore(%arg17 : memref<!tpu.dma_semaphore, #tpu.memory_space<semaphore_mem>>)
    %scan3A = arith.constant 0 : i32
    %scan3A_22 = arith.constant 0 : i32
    %scan3A_23 = arith.constant 19 : i32
    %scan3A_24 = arith.addi %scan3A_22, %scan3A_23 : i32
    %scan3A_25 = arith.constant 1 : i32
    scf.for %scan3A_108 = %scan3A_22 to %scan3A_24 step %scan3A_25  : i32 {
      %mul3A_109 = arith.constant 2 : i32
      %mul3A_110 = arith.muli %scan3A_108, %mul3A_109 : i32
      %add3A_111 = arith.constant 0 : i32
      %add3A_112 = arith.addi %mul3A_110, %add3A_111 : i32
      %mul3A_113 = arith.constant 128 : i32
      %mul3A_114 = arith.muli %add3A_112, %mul3A_113 : i32
      %dma_wait3A_115 = tpu.memref_slice %arg8[%mul3A_114] : memref<5000xi32, #tpu.memory_space<vmem>> -> memref<128xi32, #tpu.memory_space<vmem>>
      %dma_wait3A_116 = arith.constant 0 : i32
      %dma_wait3A_117 = arith.constant 0 : i32
      %dma_wait3A_118 = tpu.memref_slice %arg4[%dma_wait3A_116, %dma_wait3A_117] : memref<10000x128xf32, #tpu.memory_space<hbm>> -> memref<10000x128xf32, #tpu.memory_space<hbm>>
      tpu.wait_indirect_dma semaphore(%arg14 : memref<!tpu.dma_semaphore, #tpu.memory_space<semaphore_mem>>) src(%dma_wait3A_118 : memref<10000x128xf32, #tpu.memory_space<hbm>>) dst(%arg10 : memref<128x128xf32, #tpu.memory_space<vmem>>)
      %mul3A_119 = arith.constant 128 : i32
      %mul3A_120 = arith.muli %add3A_112, %mul3A_119 : i32
      %add3A_121 = arith.addi %mul3A_2, %mul3A_120 : i32
      %dma_start3A_122 = arith.constant 0 : i32
      %dma_start3A_123 = tpu.memref_slice %arg6[%add3A_121, %dma_start3A_122] : memref<160000x128xf32, #tpu.memory_space<hbm>> -> memref<128x128xf32, #tpu.memory_space<hbm>>
      %dma_start3A_124 = arith.constant 0 : i32
      %dma_start3A_125 = tpu.memref_slice %arg6[%add3A_121, %dma_start3A_124] : memref<160000x128xf32, #tpu.memory_space<hbm>> -> memref<128x128xf32, #tpu.memory_space<hbm>>
      tpu.enqueue_dma source(%arg10 : memref<128x128xf32, #tpu.memory_space<vmem>>) target(%dma_start3A_125 : memref<128x128xf32, #tpu.memory_space<hbm>>) target_semaphore(%arg18 : memref<!tpu.dma_semaphore, #tpu.memory_space<semaphore_mem>>)
      %mul3A_126 = arith.constant 128 : i32
      %mul3A_127 = arith.muli %add3A_112, %mul3A_126 : i32
      %dma_wait3A_128 = tpu.memref_slice %arg9[%mul3A_127] : memref<5000xi32, #tpu.memory_space<vmem>> -> memref<128xi32, #tpu.memory_space<vmem>>
      %dma_wait3A_129 = arith.constant 0 : i32
      %dma_wait3A_130 = arith.constant 0 : i32
      %dma_wait3A_131 = tpu.memref_slice %arg5[%dma_wait3A_129, %dma_wait3A_130] : memref<10000x128xf32, #tpu.memory_space<hbm>> -> memref<10000x128xf32, #tpu.memory_space<hbm>>
      tpu.wait_indirect_dma semaphore(%arg16 : memref<!tpu.dma_semaphore, #tpu.memory_space<semaphore_mem>>) src(%dma_wait3A_131 : memref<10000x128xf32, #tpu.memory_space<hbm>>) dst(%arg12 : memref<128x128xf32, #tpu.memory_space<vmem>>)
      %mul3A_132 = arith.constant 128 : i32
      %mul3A_133 = arith.muli %add3A_112, %mul3A_132 : i32
      %add3A_134 = arith.addi %mul3A_2, %mul3A_133 : i32
      %dma_start3A_135 = arith.constant 0 : i32
      %dma_start3A_136 = tpu.memref_slice %arg7[%add3A_134, %dma_start3A_135] : memref<160000x128xf32, #tpu.memory_space<hbm>> -> memref<128x128xf32, #tpu.memory_space<hbm>>
      %dma_start3A_137 = arith.constant 0 : i32
      %dma_start3A_138 = tpu.memref_slice %arg7[%add3A_134, %dma_start3A_137] : memref<160000x128xf32, #tpu.memory_space<hbm>> -> memref<128x128xf32, #tpu.memory_space<hbm>>
      tpu.enqueue_dma source(%arg12 : memref<128x128xf32, #tpu.memory_space<vmem>>) target(%dma_start3A_138 : memref<128x128xf32, #tpu.memory_space<hbm>>) target_semaphore(%arg20 : memref<!tpu.dma_semaphore, #tpu.memory_space<semaphore_mem>>)
      %add3A_139 = arith.constant 1 : i32
      %add3A_140 = arith.addi %mul3A_110, %add3A_139 : i32
      %mul3A_141 = arith.constant 128 : i32
      %mul3A_142 = arith.muli %add3A_140, %mul3A_141 : i32
      %dma_wait3A_143 = tpu.memref_slice %arg8[%mul3A_142] : memref<5000xi32, #tpu.memory_space<vmem>> -> memref<128xi32, #tpu.memory_space<vmem>>
      %dma_wait3A_144 = arith.constant 0 : i32
      %dma_wait3A_145 = arith.constant 0 : i32
      %dma_wait3A_146 = tpu.memref_slice %arg4[%dma_wait3A_144, %dma_wait3A_145] : memref<10000x128xf32, #tpu.memory_space<hbm>> -> memref<10000x128xf32, #tpu.memory_space<hbm>>
      tpu.wait_indirect_dma semaphore(%arg15 : memref<!tpu.dma_semaphore, #tpu.memory_space<semaphore_mem>>) src(%dma_wait3A_146 : memref<10000x128xf32, #tpu.memory_space<hbm>>) dst(%arg11 : memref<128x128xf32, #tpu.memory_space<vmem>>)
      %mul3A_147 = arith.constant 128 : i32
      %mul3A_148 = arith.muli %add3A_140, %mul3A_147 : i32
      %add3A_149 = arith.addi %mul3A_2, %mul3A_148 : i32
      %dma_start3A_150 = arith.constant 0 : i32
      %dma_start3A_151 = tpu.memref_slice %arg6[%add3A_149, %dma_start3A_150] : memref<160000x128xf32, #tpu.memory_space<hbm>> -> memref<128x128xf32, #tpu.memory_space<hbm>>
      %dma_start3A_152 = arith.constant 0 : i32
      %dma_start3A_153 = tpu.memref_slice %arg6[%add3A_149, %dma_start3A_152] : memref<160000x128xf32, #tpu.memory_space<hbm>> -> memref<128x128xf32, #tpu.memory_space<hbm>>
      tpu.enqueue_dma source(%arg11 : memref<128x128xf32, #tpu.memory_space<vmem>>) target(%dma_start3A_153 : memref<128x128xf32, #tpu.memory_space<hbm>>) target_semaphore(%arg19 : memref<!tpu.dma_semaphore, #tpu.memory_space<semaphore_mem>>)
      %mul3A_154 = arith.constant 128 : i32
      %mul3A_155 = arith.muli %add3A_140, %mul3A_154 : i32
      %dma_wait3A_156 = tpu.memref_slice %arg9[%mul3A_155] : memref<5000xi32, #tpu.memory_space<vmem>> -> memref<128xi32, #tpu.memory_space<vmem>>
      %dma_wait3A_157 = arith.constant 0 : i32
      %dma_wait3A_158 = arith.constant 0 : i32
      %dma_wait3A_159 = tpu.memref_slice %arg5[%dma_wait3A_157, %dma_wait3A_158] : memref<10000x128xf32, #tpu.memory_space<hbm>> -> memref<10000x128xf32, #tpu.memory_space<hbm>>
      tpu.wait_indirect_dma semaphore(%arg17 : memref<!tpu.dma_semaphore, #tpu.memory_space<semaphore_mem>>) src(%dma_wait3A_159 : memref<10000x128xf32, #tpu.memory_space<hbm>>) dst(%arg13 : memref<128x128xf32, #tpu.memory_space<vmem>>)
      %mul3A_160 = arith.constant 128 : i32
      %mul3A_161 = arith.muli %add3A_140, %mul3A_160 : i32
      %add3A_162 = arith.addi %mul3A_2, %mul3A_161 : i32
      %dma_start3A_163 = arith.constant 0 : i32
      %dma_start3A_164 = tpu.memref_slice %arg7[%add3A_162, %dma_start3A_163] : memref<160000x128xf32, #tpu.memory_space<hbm>> -> memref<128x128xf32, #tpu.memory_space<hbm>>
      %dma_start3A_165 = arith.constant 0 : i32
      %dma_start3A_166 = tpu.memref_slice %arg7[%add3A_162, %dma_start3A_165] : memref<160000x128xf32, #tpu.memory_space<hbm>> -> memref<128x128xf32, #tpu.memory_space<hbm>>
      tpu.enqueue_dma source(%arg13 : memref<128x128xf32, #tpu.memory_space<vmem>>) target(%dma_start3A_166 : memref<128x128xf32, #tpu.memory_space<hbm>>) target_semaphore(%arg21 : memref<!tpu.dma_semaphore, #tpu.memory_space<semaphore_mem>>)
      %add3A_167 = arith.constant 2 : i32
      %add3A_168 = arith.addi %mul3A_110, %add3A_167 : i32
      %add3A_169 = arith.constant 0 : i32
      %add3A_170 = arith.addi %add3A_168, %add3A_169 : i32
      %lt3A = arith.constant 39 : i32
      %lt3A_171 = arith.cmpi slt, %add3A_170, %lt3A : i32
      %convert_element_type3A = arith.extui %lt3A_171 : i1 to i32
      %cond3A = arith.constant 0 : i32
      %cond3A_172 = arith.cmpi ne, %convert_element_type3A, %cond3A : i32
      scf.if %cond3A_172 {
        %mul3A_182 = arith.constant 128 : i32
        %mul3A_183 = arith.muli %add3A_170, %mul3A_182 : i32
        %add3A_184 = arith.addi %mul3A_2, %mul3A_183 : i32
        %dma_wait3A_185 = arith.constant 0 : i32
        %dma_wait3A_186 = tpu.memref_slice %arg6[%add3A_184, %dma_wait3A_185] : memref<160000x128xf32, #tpu.memory_space<hbm>> -> memref<128x128xf32, #tpu.memory_space<hbm>>
        %dma_wait3A_187 = arith.constant 0 : i32
        %dma_wait3A_188 = tpu.memref_slice %arg6[%add3A_184, %dma_wait3A_187] : memref<160000x128xf32, #tpu.memory_space<hbm>> -> memref<128x128xf32, #tpu.memory_space<hbm>>
        tpu.wait_dma2 semaphore(%arg18 : memref<!tpu.dma_semaphore, #tpu.memory_space<semaphore_mem>>) src(%arg10 : memref<128x128xf32, #tpu.memory_space<vmem>>) dst(%dma_wait3A_188 : memref<128x128xf32, #tpu.memory_space<hbm>>)
        %mul3A_189 = arith.constant 128 : i32
        %mul3A_190 = arith.muli %add3A_170, %mul3A_189 : i32
        %dma_start3A_191 = tpu.memref_slice %arg8[%mul3A_190] : memref<5000xi32, #tpu.memory_space<vmem>> -> memref<128xi32, #tpu.memory_space<vmem>>
        %dma_start3A_192 = arith.constant 0 : i32
        %dma_start3A_193 = arith.constant 0 : i32
        %dma_start3A_194 = tpu.memref_slice %arg4[%dma_start3A_192, %dma_start3A_193] : memref<10000x128xf32, #tpu.memory_space<hbm>> -> memref<10000x128xf32, #tpu.memory_space<hbm>>
        tpu.enqueue_indirect_dma source(%dma_start3A_194 : memref<10000x128xf32, #tpu.memory_space<hbm>>) target(%arg10 : memref<128x128xf32, #tpu.memory_space<vmem>>) offsets(%dma_start3A_191 : memref<128xi32, #tpu.memory_space<vmem>>) semaphore(%arg14 : memref<!tpu.dma_semaphore, #tpu.memory_space<semaphore_mem>>)
        %mul3A_195 = arith.constant 128 : i32
        %mul3A_196 = arith.muli %add3A_170, %mul3A_195 : i32
        %add3A_197 = arith.addi %mul3A_2, %mul3A_196 : i32
        %dma_wait3A_198 = arith.constant 0 : i32
        %dma_wait3A_199 = tpu.memref_slice %arg7[%add3A_197, %dma_wait3A_198] : memref<160000x128xf32, #tpu.memory_space<hbm>> -> memref<128x128xf32, #tpu.memory_space<hbm>>
        %dma_wait3A_200 = arith.constant 0 : i32
        %dma_wait3A_201 = tpu.memref_slice %arg7[%add3A_197, %dma_wait3A_200] : memref<160000x128xf32, #tpu.memory_space<hbm>> -> memref<128x128xf32, #tpu.memory_space<hbm>>
        tpu.wait_dma2 semaphore(%arg20 : memref<!tpu.dma_semaphore, #tpu.memory_space<semaphore_mem>>) src(%arg12 : memref<128x128xf32, #tpu.memory_space<vmem>>) dst(%dma_wait3A_201 : memref<128x128xf32, #tpu.memory_space<hbm>>)
        %mul3A_202 = arith.constant 128 : i32
        %mul3A_203 = arith.muli %add3A_170, %mul3A_202 : i32
        %dma_start3A_204 = tpu.memref_slice %arg9[%mul3A_203] : memref<5000xi32, #tpu.memory_space<vmem>> -> memref<128xi32, #tpu.memory_space<vmem>>
        %dma_start3A_205 = arith.constant 0 : i32
        %dma_start3A_206 = arith.constant 0 : i32
        %dma_start3A_207 = tpu.memref_slice %arg5[%dma_start3A_205, %dma_start3A_206] : memref<10000x128xf32, #tpu.memory_space<hbm>> -> memref<10000x128xf32, #tpu.memory_space<hbm>>
        tpu.enqueue_indirect_dma source(%dma_start3A_207 : memref<10000x128xf32, #tpu.memory_space<hbm>>) target(%arg12 : memref<128x128xf32, #tpu.memory_space<vmem>>) offsets(%dma_start3A_204 : memref<128xi32, #tpu.memory_space<vmem>>) semaphore(%arg16 : memref<!tpu.dma_semaphore, #tpu.memory_space<semaphore_mem>>)
      } else {
      }
      %add3A_173 = arith.constant 2 : i32
      %add3A_174 = arith.addi %mul3A_110, %add3A_173 : i32
      %add3A_175 = arith.constant 1 : i32
      %add3A_176 = arith.addi %add3A_174, %add3A_175 : i32
      %lt3A_177 = arith.constant 39 : i32
      %lt3A_178 = arith.cmpi slt, %add3A_176, %lt3A_177 : i32
      %convert_element_type3A_179 = arith.extui %lt3A_178 : i1 to i32
      %cond3A_180 = arith.constant 0 : i32
      %cond3A_181 = arith.cmpi ne, %convert_element_type3A_179, %cond3A_180 : i32
      scf.if %cond3A_181 {
        %mul3A_182 = arith.constant 128 : i32
        %mul3A_183 = arith.muli %add3A_176, %mul3A_182 : i32
        %add3A_184 = arith.addi %mul3A_2, %mul3A_183 : i32
        %dma_wait3A_185 = arith.constant 0 : i32
        %dma_wait3A_186 = tpu.memref_slice %arg6[%add3A_184, %dma_wait3A_185] : memref<160000x128xf32, #tpu.memory_space<hbm>> -> memref<128x128xf32, #tpu.memory_space<hbm>>
        %dma_wait3A_187 = arith.constant 0 : i32
        %dma_wait3A_188 = tpu.memref_slice %arg6[%add3A_184, %dma_wait3A_187] : memref<160000x128xf32, #tpu.memory_space<hbm>> -> memref<128x128xf32, #tpu.memory_space<hbm>>
        tpu.wait_dma2 semaphore(%arg19 : memref<!tpu.dma_semaphore, #tpu.memory_space<semaphore_mem>>) src(%arg11 : memref<128x128xf32, #tpu.memory_space<vmem>>) dst(%dma_wait3A_188 : memref<128x128xf32, #tpu.memory_space<hbm>>)
        %mul3A_189 = arith.constant 128 : i32
        %mul3A_190 = arith.muli %add3A_176, %mul3A_189 : i32
        %dma_start3A_191 = tpu.memref_slice %arg8[%mul3A_190] : memref<5000xi32, #tpu.memory_space<vmem>> -> memref<128xi32, #tpu.memory_space<vmem>>
        %dma_start3A_192 = arith.constant 0 : i32
        %dma_start3A_193 = arith.constant 0 : i32
        %dma_start3A_194 = tpu.memref_slice %arg4[%dma_start3A_192, %dma_start3A_193] : memref<10000x128xf32, #tpu.memory_space<hbm>> -> memref<10000x128xf32, #tpu.memory_space<hbm>>
        tpu.enqueue_indirect_dma source(%dma_start3A_194 : memref<10000x128xf32, #tpu.memory_space<hbm>>) target(%arg11 : memref<128x128xf32, #tpu.memory_space<vmem>>) offsets(%dma_start3A_191 : memref<128xi32, #tpu.memory_space<vmem>>) semaphore(%arg15 : memref<!tpu.dma_semaphore, #tpu.memory_space<semaphore_mem>>)
        %mul3A_195 = arith.constant 128 : i32
        %mul3A_196 = arith.muli %add3A_176, %mul3A_195 : i32
        %add3A_197 = arith.addi %mul3A_2, %mul3A_196 : i32
        %dma_wait3A_198 = arith.constant 0 : i32
        %dma_wait3A_199 = tpu.memref_slice %arg7[%add3A_197, %dma_wait3A_198] : memref<160000x128xf32, #tpu.memory_space<hbm>> -> memref<128x128xf32, #tpu.memory_space<hbm>>
        %dma_wait3A_200 = arith.constant 0 : i32
        %dma_wait3A_201 = tpu.memref_slice %arg7[%add3A_197, %dma_wait3A_200] : memref<160000x128xf32, #tpu.memory_space<hbm>> -> memref<128x128xf32, #tpu.memory_space<hbm>>
        tpu.wait_dma2 semaphore(%arg21 : memref<!tpu.dma_semaphore, #tpu.memory_space<semaphore_mem>>) src(%arg13 : memref<128x128xf32, #tpu.memory_space<vmem>>) dst(%dma_wait3A_201 : memref<128x128xf32, #tpu.memory_space<hbm>>)
        %mul3A_202 = arith.constant 128 : i32
        %mul3A_203 = arith.muli %add3A_176, %mul3A_202 : i32
        %dma_start3A_204 = tpu.memref_slice %arg9[%mul3A_203] : memref<5000xi32, #tpu.memory_space<vmem>> -> memref<128xi32, #tpu.memory_space<vmem>>
        %dma_start3A_205 = arith.constant 0 : i32
        %dma_start3A_206 = arith.constant 0 : i32
        %dma_start3A_207 = tpu.memref_slice %arg5[%dma_start3A_205, %dma_start3A_206] : memref<10000x128xf32, #tpu.memory_space<hbm>> -> memref<10000x128xf32, #tpu.memory_space<hbm>>
        tpu.enqueue_indirect_dma source(%dma_start3A_207 : memref<10000x128xf32, #tpu.memory_space<hbm>>) target(%arg13 : memref<128x128xf32, #tpu.memory_space<vmem>>) offsets(%dma_start3A_204 : memref<128xi32, #tpu.memory_space<vmem>>) semaphore(%arg17 : memref<!tpu.dma_semaphore, #tpu.memory_space<semaphore_mem>>)
      } else {
      }
    }
    %scan3A_26 = arith.constant 19 : i32
    %dma_wait3A = arith.constant 4864 : i32
    %dma_wait3A_27 = tpu.memref_slice %arg8[%dma_wait3A] : memref<5000xi32, #tpu.memory_space<vmem>> -> memref<128xi32, #tpu.memory_space<vmem>>
    %dma_wait3A_28 = arith.constant 0 : i32
    %dma_wait3A_29 = arith.constant 0 : i32
    %dma_wait3A_30 = tpu.memref_slice %arg4[%dma_wait3A_28, %dma_wait3A_29] : memref<10000x128xf32, #tpu.memory_space<hbm>> -> memref<10000x128xf32, #tpu.memory_space<hbm>>
    tpu.wait_indirect_dma semaphore(%arg14 : memref<!tpu.dma_semaphore, #tpu.memory_space<semaphore_mem>>) src(%dma_wait3A_30 : memref<10000x128xf32, #tpu.memory_space<hbm>>) dst(%arg10 : memref<128x128xf32, #tpu.memory_space<vmem>>)
    %add3A_31 = arith.constant 4864 : i32
    %add3A_32 = arith.addi %mul3A_2, %add3A_31 : i32
    %dma_start3A_33 = arith.constant 0 : i32
    %dma_start3A_34 = tpu.memref_slice %arg6[%add3A_32, %dma_start3A_33] : memref<160000x128xf32, #tpu.memory_space<hbm>> -> memref<128x128xf32, #tpu.memory_space<hbm>>
    %dma_start3A_35 = arith.constant 0 : i32
    %dma_start3A_36 = tpu.memref_slice %arg6[%add3A_32, %dma_start3A_35] : memref<160000x128xf32, #tpu.memory_space<hbm>> -> memref<128x128xf32, #tpu.memory_space<hbm>>
    tpu.enqueue_dma source(%arg10 : memref<128x128xf32, #tpu.memory_space<vmem>>) target(%dma_start3A_36 : memref<128x128xf32, #tpu.memory_space<hbm>>) target_semaphore(%arg18 : memref<!tpu.dma_semaphore, #tpu.memory_space<semaphore_mem>>)
    %dma_wait3A_37 = arith.constant 4864 : i32
    %dma_wait3A_38 = tpu.memref_slice %arg9[%dma_wait3A_37] : memref<5000xi32, #tpu.memory_space<vmem>> -> memref<128xi32, #tpu.memory_space<vmem>>
    %dma_wait3A_39 = arith.constant 0 : i32
    %dma_wait3A_40 = arith.constant 0 : i32
    %dma_wait3A_41 = tpu.memref_slice %arg5[%dma_wait3A_39, %dma_wait3A_40] : memref<10000x128xf32, #tpu.memory_space<hbm>> -> memref<10000x128xf32, #tpu.memory_space<hbm>>
    tpu.wait_indirect_dma semaphore(%arg16 : memref<!tpu.dma_semaphore, #tpu.memory_space<semaphore_mem>>) src(%dma_wait3A_41 : memref<10000x128xf32, #tpu.memory_space<hbm>>) dst(%arg12 : memref<128x128xf32, #tpu.memory_space<vmem>>)
    %add3A_42 = arith.constant 4864 : i32
    %add3A_43 = arith.addi %mul3A_2, %add3A_42 : i32
    %dma_start3A_44 = arith.constant 0 : i32
    %dma_start3A_45 = tpu.memref_slice %arg7[%add3A_43, %dma_start3A_44] : memref<160000x128xf32, #tpu.memory_space<hbm>> -> memref<128x128xf32, #tpu.memory_space<hbm>>
    %dma_start3A_46 = arith.constant 0 : i32
    %dma_start3A_47 = tpu.memref_slice %arg7[%add3A_43, %dma_start3A_46] : memref<160000x128xf32, #tpu.memory_space<hbm>> -> memref<128x128xf32, #tpu.memory_space<hbm>>
    tpu.enqueue_dma source(%arg12 : memref<128x128xf32, #tpu.memory_space<vmem>>) target(%dma_start3A_47 : memref<128x128xf32, #tpu.memory_space<hbm>>) target_semaphore(%arg20 : memref<!tpu.dma_semaphore, #tpu.memory_space<semaphore_mem>>)
    %add3A_48 = arith.constant 4864 : i32
    %add3A_49 = arith.addi %mul3A_2, %add3A_48 : i32
    %dma_wait3A_50 = arith.constant 0 : i32
    %dma_wait3A_51 = tpu.memref_slice %arg6[%add3A_49, %dma_wait3A_50] : memref<160000x128xf32, #tpu.memory_space<hbm>> -> memref<128x128xf32, #tpu.memory_space<hbm>>
    %dma_wait3A_52 = arith.constant 0 : i32
    %dma_wait3A_53 = tpu.memref_slice %arg6[%add3A_49, %dma_wait3A_52] : memref<160000x128xf32, #tpu.memory_space<hbm>> -> memref<128x128xf32, #tpu.memory_space<hbm>>
    tpu.wait_dma2 semaphore(%arg18 : memref<!tpu.dma_semaphore, #tpu.memory_space<semaphore_mem>>) src(%arg10 : memref<128x128xf32, #tpu.memory_space<vmem>>) dst(%dma_wait3A_53 : memref<128x128xf32, #tpu.memory_space<hbm>>)
    %add3A_54 = arith.constant 4864 : i32
    %add3A_55 = arith.addi %mul3A_2, %add3A_54 : i32
    %dma_wait3A_56 = arith.constant 0 : i32
    %dma_wait3A_57 = tpu.memref_slice %arg7[%add3A_55, %dma_wait3A_56] : memref<160000x128xf32, #tpu.memory_space<hbm>> -> memref<128x128xf32, #tpu.memory_space<hbm>>
    %dma_wait3A_58 = arith.constant 0 : i32
    %dma_wait3A_59 = tpu.memref_slice %arg7[%add3A_55, %dma_wait3A_58] : memref<160000x128xf32, #tpu.memory_space<hbm>> -> memref<128x128xf32, #tpu.memory_space<hbm>>
    tpu.wait_dma2 semaphore(%arg20 : memref<!tpu.dma_semaphore, #tpu.memory_space<semaphore_mem>>) src(%arg12 : memref<128x128xf32, #tpu.memory_space<vmem>>) dst(%dma_wait3A_59 : memref<128x128xf32, #tpu.memory_space<hbm>>)
    %add3A_60 = arith.constant 4736 : i32
    %add3A_61 = arith.addi %mul3A_2, %add3A_60 : i32
    %dma_wait3A_62 = arith.constant 0 : i32
    %dma_wait3A_63 = tpu.memref_slice %arg6[%add3A_61, %dma_wait3A_62] : memref<160000x128xf32, #tpu.memory_space<hbm>> -> memref<128x128xf32, #tpu.memory_space<hbm>>
    %dma_wait3A_64 = arith.constant 0 : i32
    %dma_wait3A_65 = tpu.memref_slice %arg6[%add3A_61, %dma_wait3A_64] : memref<160000x128xf32, #tpu.memory_space<hbm>> -> memref<128x128xf32, #tpu.memory_space<hbm>>
    tpu.wait_dma2 semaphore(%arg19 : memref<!tpu.dma_semaphore, #tpu.memory_space<semaphore_mem>>) src(%arg11 : memref<128x128xf32, #tpu.memory_space<vmem>>) dst(%dma_wait3A_65 : memref<128x128xf32, #tpu.memory_space<hbm>>)
    %add3A_66 = arith.constant 4736 : i32
    %add3A_67 = arith.addi %mul3A_2, %add3A_66 : i32
    %dma_wait3A_68 = arith.constant 0 : i32
    %dma_wait3A_69 = tpu.memref_slice %arg7[%add3A_67, %dma_wait3A_68] : memref<160000x128xf32, #tpu.memory_space<hbm>> -> memref<128x128xf32, #tpu.memory_space<hbm>>
    %dma_wait3A_70 = arith.constant 0 : i32
    %dma_wait3A_71 = tpu.memref_slice %arg7[%add3A_67, %dma_wait3A_70] : memref<160000x128xf32, #tpu.memory_space<hbm>> -> memref<128x128xf32, #tpu.memory_space<hbm>>
    tpu.wait_dma2 semaphore(%arg21 : memref<!tpu.dma_semaphore, #tpu.memory_space<semaphore_mem>>) src(%arg13 : memref<128x128xf32, #tpu.memory_space<vmem>>) dst(%dma_wait3A_71 : memref<128x128xf32, #tpu.memory_space<hbm>>)
    %dma_start3A_72 = arith.constant 0 : i32
    %dma_start3A_73 = arith.constant 0 : i32
    %dma_start3A_74 = tpu.memref_slice %arg10[%dma_start3A_72, %dma_start3A_73] : memref<128x128xf32, #tpu.memory_space<vmem>> -> memref<8x128xf32, #tpu.memory_space<vmem>>
    %dma_start3A_75 = arith.constant 4992 : i32
    %dma_start3A_76 = tpu.memref_slice %arg8[%dma_start3A_75] : memref<5000xi32, #tpu.memory_space<vmem>> -> memref<8xi32, #tpu.memory_space<vmem>>
    %dma_start3A_77 = arith.constant 0 : i32
    %dma_start3A_78 = arith.constant 0 : i32
    %dma_start3A_79 = tpu.memref_slice %arg4[%dma_start3A_77, %dma_start3A_78] : memref<10000x128xf32, #tpu.memory_space<hbm>> -> memref<10000x128xf32, #tpu.memory_space<hbm>>
    tpu.enqueue_indirect_dma source(%dma_start3A_79 : memref<10000x128xf32, #tpu.memory_space<hbm>>) target(%dma_start3A_74 : memref<8x128xf32, #tpu.memory_space<vmem>>) offsets(%dma_start3A_76 : memref<8xi32, #tpu.memory_space<vmem>>) semaphore(%arg14 : memref<!tpu.dma_semaphore, #tpu.memory_space<semaphore_mem>>)
    %dma_start3A_80 = arith.constant 0 : i32
    %dma_start3A_81 = arith.constant 0 : i32
    %dma_start3A_82 = tpu.memref_slice %arg12[%dma_start3A_80, %dma_start3A_81] : memref<128x128xf32, #tpu.memory_space<vmem>> -> memref<8x128xf32, #tpu.memory_space<vmem>>
    %dma_start3A_83 = arith.constant 4992 : i32
    %dma_start3A_84 = tpu.memref_slice %arg9[%dma_start3A_83] : memref<5000xi32, #tpu.memory_space<vmem>> -> memref<8xi32, #tpu.memory_space<vmem>>
    %dma_start3A_85 = arith.constant 0 : i32
    %dma_start3A_86 = arith.constant 0 : i32
    %dma_start3A_87 = tpu.memref_slice %arg5[%dma_start3A_85, %dma_start3A_86] : memref<10000x128xf32, #tpu.memory_space<hbm>> -> memref<10000x128xf32, #tpu.memory_space<hbm>>
    tpu.enqueue_indirect_dma source(%dma_start3A_87 : memref<10000x128xf32, #tpu.memory_space<hbm>>) target(%dma_start3A_82 : memref<8x128xf32, #tpu.memory_space<vmem>>) offsets(%dma_start3A_84 : memref<8xi32, #tpu.memory_space<vmem>>) semaphore(%arg16 : memref<!tpu.dma_semaphore, #tpu.memory_space<semaphore_mem>>)
    %dma_wait3A_88 = arith.constant 0 : i32
    %dma_wait3A_89 = arith.constant 0 : i32
    %dma_wait3A_90 = tpu.memref_slice %arg10[%dma_wait3A_88, %dma_wait3A_89] : memref<128x128xf32, #tpu.memory_space<vmem>> -> memref<8x128xf32, #tpu.memory_space<vmem>>
    %dma_wait3A_91 = arith.constant 4992 : i32
    %dma_wait3A_92 = tpu.memref_slice %arg8[%dma_wait3A_91] : memref<5000xi32, #tpu.memory_space<vmem>> -> memref<8xi32, #tpu.memory_space<vmem>>
    %dma_wait3A_93 = arith.constant 0 : i32
    %dma_wait3A_94 = arith.constant 0 : i32
    %dma_wait3A_95 = tpu.memref_slice %arg4[%dma_wait3A_93, %dma_wait3A_94] : memref<10000x128xf32, #tpu.memory_space<hbm>> -> memref<10000x128xf32, #tpu.memory_space<hbm>>
    tpu.wait_indirect_dma semaphore(%arg14 : memref<!tpu.dma_semaphore, #tpu.memory_space<semaphore_mem>>) src(%dma_wait3A_95 : memref<10000x128xf32, #tpu.memory_space<hbm>>) dst(%dma_wait3A_90 : memref<8x128xf32, #tpu.memory_space<vmem>>)
    %dma_wait3A_96 = arith.constant 0 : i32
    %dma_wait3A_97 = arith.constant 0 : i32
    %dma_wait3A_98 = tpu.memref_slice %arg12[%dma_wait3A_96, %dma_wait3A_97] : memref<128x128xf32, #tpu.memory_space<vmem>> -> memref<8x128xf32, #tpu.memory_space<vmem>>
    %dma_wait3A_99 = arith.constant 4992 : i32
    %dma_wait3A_100 = tpu.memref_slice %arg9[%dma_wait3A_99] : memref<5000xi32, #tpu.memory_space<vmem>> -> memref<8xi32, #tpu.memory_space<vmem>>
    %dma_wait3A_101 = arith.constant 0 : i32
    %dma_wait3A_102 = arith.constant 0 : i32
    %dma_wait3A_103 = tpu.memref_slice %arg5[%dma_wait3A_101, %dma_wait3A_102] : memref<10000x128xf32, #tpu.memory_space<hbm>> -> memref<10000x128xf32, #tpu.memory_space<hbm>>
    tpu.wait_indirect_dma semaphore(%arg16 : memref<!tpu.dma_semaphore, #tpu.memory_space<semaphore_mem>>) src(%dma_wait3A_103 : memref<10000x128xf32, #tpu.memory_space<hbm>>) dst(%dma_wait3A_98 : memref<8x128xf32, #tpu.memory_space<vmem>>)
    %add3A_104 = arith.constant 4992 : i32
    %add3A_105 = arith.addi %mul3A_2, %add3A_104 : i32
    "tpu.region"() ({
      %run_scoped3A = tpu.sem_alloc : memref<!tpu.dma_semaphore, #tpu.memory_space<semaphore_mem>>
      %dma_start3A_108 = arith.constant 0 : i32
      %dma_start3A_109 = arith.constant 0 : i32
      %dma_start3A_110 = tpu.memref_slice %arg10[%dma_start3A_108, %dma_start3A_109] : memref<128x128xf32, #tpu.memory_space<vmem>> -> memref<8x128xf32, #tpu.memory_space<vmem>>
      %dma_start3A_111 = arith.constant 0 : i32
      %dma_start3A_112 = tpu.memref_slice %arg6[%add3A_105, %dma_start3A_111] : memref<160000x128xf32, #tpu.memory_space<hbm>> -> memref<8x128xf32, #tpu.memory_space<hbm>>
      %dma_start3A_113 = arith.constant 0 : i32
      %dma_start3A_114 = tpu.memref_slice %arg6[%add3A_105, %dma_start3A_113] : memref<160000x128xf32, #tpu.memory_space<hbm>> -> memref<8x128xf32, #tpu.memory_space<hbm>>
      %dma_start3A_115 = arith.constant 0 : i32
      %dma_start3A_116 = arith.constant 0 : i32
      %dma_start3A_117 = tpu.memref_slice %arg10[%dma_start3A_115, %dma_start3A_116] : memref<128x128xf32, #tpu.memory_space<vmem>> -> memref<8x128xf32, #tpu.memory_space<vmem>>
      tpu.enqueue_dma source(%dma_start3A_117 : memref<8x128xf32, #tpu.memory_space<vmem>>) target(%dma_start3A_114 : memref<8x128xf32, #tpu.memory_space<hbm>>) target_semaphore(%run_scoped3A : memref<!tpu.dma_semaphore, #tpu.memory_space<semaphore_mem>>)
      %dma_wait3A_118 = arith.constant 0 : i32
      %dma_wait3A_119 = arith.constant 0 : i32
      %dma_wait3A_120 = tpu.memref_slice %arg10[%dma_wait3A_118, %dma_wait3A_119] : memref<128x128xf32, #tpu.memory_space<vmem>> -> memref<8x128xf32, #tpu.memory_space<vmem>>
      %dma_wait3A_121 = arith.constant 0 : i32
      %dma_wait3A_122 = tpu.memref_slice %arg6[%add3A_105, %dma_wait3A_121] : memref<160000x128xf32, #tpu.memory_space<hbm>> -> memref<8x128xf32, #tpu.memory_space<hbm>>
      %dma_wait3A_123 = arith.constant 0 : i32
      %dma_wait3A_124 = tpu.memref_slice %arg6[%add3A_105, %dma_wait3A_123] : memref<160000x128xf32, #tpu.memory_space<hbm>> -> memref<8x128xf32, #tpu.memory_space<hbm>>
      %dma_wait3A_125 = arith.constant 0 : i32
      %dma_wait3A_126 = arith.constant 0 : i32
      %dma_wait3A_127 = tpu.memref_slice %arg10[%dma_wait3A_125, %dma_wait3A_126] : memref<128x128xf32, #tpu.memory_space<vmem>> -> memref<8x128xf32, #tpu.memory_space<vmem>>
      tpu.wait_dma2 semaphore(%run_scoped3A : memref<!tpu.dma_semaphore, #tpu.memory_space<semaphore_mem>>) src(%dma_wait3A_127 : memref<8x128xf32, #tpu.memory_space<vmem>>) dst(%dma_wait3A_124 : memref<8x128xf32, #tpu.memory_space<hbm>>)
      tpu.yield
    }) : () -> ()
    %add3A_106 = arith.constant 4992 : i32
    %add3A_107 = arith.addi %mul3A_2, %add3A_106 : i32
    "tpu.region"() ({
      %run_scoped3A = tpu.sem_alloc : memref<!tpu.dma_semaphore, #tpu.memory_space<semaphore_mem>>
      %dma_start3A_108 = arith.constant 0 : i32
      %dma_start3A_109 = arith.constant 0 : i32
      %dma_start3A_110 = tpu.memref_slice %arg12[%dma_start3A_108, %dma_start3A_109] : memref<128x128xf32, #tpu.memory_space<vmem>> -> memref<8x128xf32, #tpu.memory_space<vmem>>
      %dma_start3A_111 = arith.constant 0 : i32
      %dma_start3A_112 = tpu.memref_slice %arg7[%add3A_107, %dma_start3A_111] : memref<160000x128xf32, #tpu.memory_space<hbm>> -> memref<8x128xf32, #tpu.memory_space<hbm>>
      %dma_start3A_113 = arith.constant 0 : i32
      %dma_start3A_114 = tpu.memref_slice %arg7[%add3A_107, %dma_start3A_113] : memref<160000x128xf32, #tpu.memory_space<hbm>> -> memref<8x128xf32, #tpu.memory_space<hbm>>
      %dma_start3A_115 = arith.constant 0 : i32
      %dma_start3A_116 = arith.constant 0 : i32
      %dma_start3A_117 = tpu.memref_slice %arg12[%dma_start3A_115, %dma_start3A_116] : memref<128x128xf32, #tpu.memory_space<vmem>> -> memref<8x128xf32, #tpu.memory_space<vmem>>
      tpu.enqueue_dma source(%dma_start3A_117 : memref<8x128xf32, #tpu.memory_space<vmem>>) target(%dma_start3A_114 : memref<8x128xf32, #tpu.memory_space<hbm>>) target_semaphore(%run_scoped3A : memref<!tpu.dma_semaphore, #tpu.memory_space<semaphore_mem>>)
      %dma_wait3A_118 = arith.constant 0 : i32
      %dma_wait3A_119 = arith.constant 0 : i32
      %dma_wait3A_120 = tpu.memref_slice %arg12[%dma_wait3A_118, %dma_wait3A_119] : memref<128x128xf32, #tpu.memory_space<vmem>> -> memref<8x128xf32, #tpu.memory_space<vmem>>
      %dma_wait3A_121 = arith.constant 0 : i32
      %dma_wait3A_122 = tpu.memref_slice %arg7[%add3A_107, %dma_wait3A_121] : memref<160000x128xf32, #tpu.memory_space<hbm>> -> memref<8x128xf32, #tpu.memory_space<hbm>>
      %dma_wait3A_123 = arith.constant 0 : i32
      %dma_wait3A_124 = tpu.memref_slice %arg7[%add3A_107, %dma_wait3A_123] : memref<160000x128xf32, #tpu.memory_space<hbm>> -> memref<8x128xf32, #tpu.memory_space<hbm>>
      %dma_wait3A_125 = arith.constant 0 : i32
      %dma_wait3A_126 = arith.constant 0 : i32
      %dma_wait3A_127 = tpu.memref_slice %arg12[%dma_wait3A_125, %dma_wait3A_126] : memref<128x128xf32, #tpu.memory_space<vmem>> -> memref<8x128xf32, #tpu.memory_space<vmem>>
      tpu.wait_dma2 semaphore(%run_scoped3A : memref<!tpu.dma_semaphore, #tpu.memory_space<semaphore_mem>>) src(%dma_wait3A_127 : memref<8x128xf32, #tpu.memory_space<vmem>>) dst(%dma_wait3A_124 : memref<8x128xf32, #tpu.memory_space<hbm>>)
      tpu.yield
    }) : () -> ()
    return
  }
}

#map = affine_map<(d0, d1) -> (0, 0, 0)>
#map1 = affine_map<(d0, d1) -> (0, 0)>
module attributes {stable_mosaic.version = 14 : i64} {
  func.func @_sc_scatter(%arg0: i32, %arg1: i32, %arg2: memref<32x125x40xi32, #tpu.memory_space<hbm>>, %arg3: memref<160000x128xf32, #tpu.memory_space<hbm>>, %arg4: memref<10240x128xf32, #tpu.memory_space<hbm>>, %arg5: memref<2x10240x128xf32, #tpu.memory_space<hbm>>, %arg6: memref<125x40xi32, #tpu.memory_space<vmem>>, %arg7: memref<40x128xf32, #tpu.memory_space<vmem>>, %arg8: memref<40x128xf32, #tpu.memory_space<vmem>>, %arg9: memref<10240x128xf32, #tpu.memory_space<vmem_shared>>, %arg10: memref<!tpu.dma_semaphore, #tpu.memory_space<semaphore_mem>>, %arg11: memref<!tpu.dma_semaphore, #tpu.memory_space<semaphore_mem>>) attributes {dimension_semantics = [#tpu.dimension_semantics<core_parallel>, #tpu.dimension_semantics<subcore_parallel>], iteration_bounds = array<i64: 2, 16>, scalar_prefetch = 0 : i64, scratch_operands = 6 : i64, tpu.core_type = #tpu.core_type<sc_vector_subcore>, window_params = [{transform_indices = #map}, {transform_indices = #map1}, {transform_indices = #map1}, {transform_indices = #map}]} {
    %mul3A = arith.constant 16 : i32
    %mul3A_0 = arith.muli %arg0, %mul3A : i32
    %add3A = arith.addi %mul3A_0, %arg1 : i32
    %mul3A_1 = arith.constant 5000 : i32
    %mul3A_2 = arith.muli %add3A, %mul3A_1 : i32
    %add3A_3 = arith.constant 0 : i32
    %add3A_4 = arith.addi %mul3A_2, %add3A_3 : i32
    %dma_start3A = arith.constant 0 : i32
    %dma_start3A_5 = tpu.memref_slice %arg3[%add3A_4, %dma_start3A] : memref<160000x128xf32, #tpu.memory_space<hbm>> -> memref<40x128xf32, #tpu.memory_space<hbm>>
    %dma_start3A_6 = arith.constant 0 : i32
    %dma_start3A_7 = tpu.memref_slice %arg3[%add3A_4, %dma_start3A_6] : memref<160000x128xf32, #tpu.memory_space<hbm>> -> memref<40x128xf32, #tpu.memory_space<hbm>>
    tpu.enqueue_dma source(%dma_start3A_7 : memref<40x128xf32, #tpu.memory_space<hbm>>) target(%arg7 : memref<40x128xf32, #tpu.memory_space<vmem>>) target_semaphore(%arg10 : memref<!tpu.dma_semaphore, #tpu.memory_space<semaphore_mem>>)
    %mul3A_8 = arith.constant 640 : i32
    %mul3A_9 = arith.muli %arg1, %mul3A_8 : i32
    %mul3A_10 = arith.constant 640 : i32
    %mul3A_11 = arith.muli %arg1, %mul3A_10 : i32
    "tpu.region"() ({
      %run_scoped3A_29 = tpu.sem_alloc : memref<!tpu.dma_semaphore, #tpu.memory_space<semaphore_mem>>
      %dma_start3A_30 = arith.constant 0 : i32
      %dma_start3A_31 = tpu.memref_slice %arg9[%mul3A_11, %dma_start3A_30] : memref<10240x128xf32, #tpu.memory_space<vmem_shared>> -> memref<640x128xf32, #tpu.memory_space<vmem_shared>>
      %dma_start3A_32 = arith.constant 0 : i32
      %dma_start3A_33 = tpu.memref_slice %arg4[%mul3A_9, %dma_start3A_32] : memref<10240x128xf32, #tpu.memory_space<hbm>> -> memref<640x128xf32, #tpu.memory_space<hbm>>
      tpu.enqueue_dma source(%dma_start3A_33 : memref<640x128xf32, #tpu.memory_space<hbm>>) target(%dma_start3A_31 : memref<640x128xf32, #tpu.memory_space<vmem_shared>>) target_semaphore(%run_scoped3A_29 : memref<!tpu.dma_semaphore, #tpu.memory_space<semaphore_mem>>)
      %dma_wait3A_34 = arith.constant 0 : i32
      %dma_wait3A_35 = tpu.memref_slice %arg9[%mul3A_11, %dma_wait3A_34] : memref<10240x128xf32, #tpu.memory_space<vmem_shared>> -> memref<640x128xf32, #tpu.memory_space<vmem_shared>>
      %dma_wait3A_36 = arith.constant 0 : i32
      %dma_wait3A_37 = tpu.memref_slice %arg4[%mul3A_9, %dma_wait3A_36] : memref<10240x128xf32, #tpu.memory_space<hbm>> -> memref<640x128xf32, #tpu.memory_space<hbm>>
      tpu.wait_dma2 semaphore(%run_scoped3A_29 : memref<!tpu.dma_semaphore, #tpu.memory_space<semaphore_mem>>) src(%dma_wait3A_37 : memref<640x128xf32, #tpu.memory_space<hbm>>) dst(%dma_wait3A_35 : memref<640x128xf32, #tpu.memory_space<vmem_shared>>)
      tpu.yield
    }) : () -> ()
    "tpu.region"() ({
      %run_scoped3A_29 = tpu.sem_alloc : memref<!tpu.dma_semaphore, #tpu.memory_space<semaphore_mem>>
      %dma_start3A_30 = arith.constant 0 : i32
      %dma_start3A_31 = arith.constant 0 : i32
      %dma_start3A_32 = tpu.memref_slice %arg2[%add3A, %dma_start3A_30, %dma_start3A_31] : memref<32x125x40xi32, #tpu.memory_space<hbm>> -> memref<1x125x40xi32, #tpu.memory_space<hbm>>
      %dma_start3A_33 = tpu.memref_squeeze %dma_start3A_32 : memref<1x125x40xi32, #tpu.memory_space<hbm>> -> memref<125x40xi32, #tpu.memory_space<hbm>>
      %dma_start3A_34 = arith.constant 0 : i32
      %dma_start3A_35 = arith.constant 0 : i32
      %dma_start3A_36 = tpu.memref_slice %arg2[%add3A, %dma_start3A_34, %dma_start3A_35] : memref<32x125x40xi32, #tpu.memory_space<hbm>> -> memref<1x125x40xi32, #tpu.memory_space<hbm>>
      %dma_start3A_37 = tpu.memref_squeeze %dma_start3A_36 : memref<1x125x40xi32, #tpu.memory_space<hbm>> -> memref<125x40xi32, #tpu.memory_space<hbm>>
      tpu.enqueue_dma source(%dma_start3A_37 : memref<125x40xi32, #tpu.memory_space<hbm>>) target(%arg6 : memref<125x40xi32, #tpu.memory_space<vmem>>) target_semaphore(%run_scoped3A_29 : memref<!tpu.dma_semaphore, #tpu.memory_space<semaphore_mem>>)
      %dma_wait3A_38 = arith.constant 0 : i32
      %dma_wait3A_39 = arith.constant 0 : i32
      %dma_wait3A_40 = tpu.memref_slice %arg2[%add3A, %dma_wait3A_38, %dma_wait3A_39] : memref<32x125x40xi32, #tpu.memory_space<hbm>> -> memref<1x125x40xi32, #tpu.memory_space<hbm>>
      %dma_wait3A_41 = tpu.memref_squeeze %dma_wait3A_40 : memref<1x125x40xi32, #tpu.memory_space<hbm>> -> memref<125x40xi32, #tpu.memory_space<hbm>>
      %dma_wait3A_42 = arith.constant 0 : i32
      %dma_wait3A_43 = arith.constant 0 : i32
      %dma_wait3A_44 = tpu.memref_slice %arg2[%add3A, %dma_wait3A_42, %dma_wait3A_43] : memref<32x125x40xi32, #tpu.memory_space<hbm>> -> memref<1x125x40xi32, #tpu.memory_space<hbm>>
      %dma_wait3A_45 = tpu.memref_squeeze %dma_wait3A_44 : memref<1x125x40xi32, #tpu.memory_space<hbm>> -> memref<125x40xi32, #tpu.memory_space<hbm>>
      tpu.wait_dma2 semaphore(%run_scoped3A_29 : memref<!tpu.dma_semaphore, #tpu.memory_space<semaphore_mem>>) src(%dma_wait3A_45 : memref<125x40xi32, #tpu.memory_space<hbm>>) dst(%arg6 : memref<125x40xi32, #tpu.memory_space<vmem>>)
      tpu.yield
    }) : () -> ()
    %barrier3A = arith.constant 0 : index
    tpu.barrier barrier_id(%barrier3A)
    %scan3A = arith.constant 0 : i32
    %scan3A_12 = arith.constant 0 : i32
    %scan3A_13 = arith.constant 62 : i32
    %scan3A_14 = arith.addi %scan3A_12, %scan3A_13 : i32
    %scan3A_15 = arith.constant 1 : i32
    scf.for %scan3A_29 = %scan3A_12 to %scan3A_14 step %scan3A_15  : i32 {
      %mul3A_30 = arith.constant 2 : i32
      %mul3A_31 = arith.muli %scan3A_29, %mul3A_30 : i32
      %add3A_32 = arith.constant 0 : i32
      %add3A_33 = arith.addi %mul3A_31, %add3A_32 : i32
      %add3A_34 = arith.constant 1 : i32
      %add3A_35 = arith.addi %add3A_33, %add3A_34 : i32
      %lt3A = arith.constant 125 : i32
      %lt3A_36 = arith.cmpi slt, %add3A_35, %lt3A : i32
      %convert_element_type3A = arith.extui %lt3A_36 : i1 to i32
      %cond3A = arith.constant 0 : i32
      %cond3A_37 = arith.cmpi ne, %convert_element_type3A, %cond3A : i32
      scf.if %cond3A_37 {
        %add3A_65 = arith.constant 1 : i32
        %add3A_66 = arith.addi %add3A_33, %add3A_65 : i32
        %mul3A_67 = arith.constant 5000 : i32
        %mul3A_68 = arith.muli %add3A, %mul3A_67 : i32
        %mul3A_69 = arith.constant 40 : i32
        %mul3A_70 = arith.muli %add3A_66, %mul3A_69 : i32
        %add3A_71 = arith.addi %mul3A_68, %mul3A_70 : i32
        %dma_start3A_72 = arith.constant 0 : i32
        %dma_start3A_73 = tpu.memref_slice %arg3[%add3A_71, %dma_start3A_72] : memref<160000x128xf32, #tpu.memory_space<hbm>> -> memref<40x128xf32, #tpu.memory_space<hbm>>
        %dma_start3A_74 = arith.constant 0 : i32
        %dma_start3A_75 = tpu.memref_slice %arg3[%add3A_71, %dma_start3A_74] : memref<160000x128xf32, #tpu.memory_space<hbm>> -> memref<40x128xf32, #tpu.memory_space<hbm>>
        tpu.enqueue_dma source(%dma_start3A_75 : memref<40x128xf32, #tpu.memory_space<hbm>>) target(%arg8 : memref<40x128xf32, #tpu.memory_space<vmem>>) target_semaphore(%arg11 : memref<!tpu.dma_semaphore, #tpu.memory_space<semaphore_mem>>)
      } else {
      }
      %mul3A_38 = arith.constant 5000 : i32
      %mul3A_39 = arith.muli %add3A, %mul3A_38 : i32
      %mul3A_40 = arith.constant 40 : i32
      %mul3A_41 = arith.muli %add3A_33, %mul3A_40 : i32
      %add3A_42 = arith.addi %mul3A_39, %mul3A_41 : i32
      %dma_wait3A_43 = arith.constant 0 : i32
      %dma_wait3A_44 = tpu.memref_slice %arg3[%add3A_42, %dma_wait3A_43] : memref<160000x128xf32, #tpu.memory_space<hbm>> -> memref<40x128xf32, #tpu.memory_space<hbm>>
      %dma_wait3A_45 = arith.constant 0 : i32
      %dma_wait3A_46 = tpu.memref_slice %arg3[%add3A_42, %dma_wait3A_45] : memref<160000x128xf32, #tpu.memory_space<hbm>> -> memref<40x128xf32, #tpu.memory_space<hbm>>
      tpu.wait_dma2 semaphore(%arg10 : memref<!tpu.dma_semaphore, #tpu.memory_space<semaphore_mem>>) src(%dma_wait3A_46 : memref<40x128xf32, #tpu.memory_space<hbm>>) dst(%arg7 : memref<40x128xf32, #tpu.memory_space<vmem>>)
      "tpu.region"() ({
        %run_scoped3A_65 = tpu.sem_alloc : memref<!tpu.dma_semaphore, #tpu.memory_space<semaphore_mem>>
        %dma_start3A_66 = arith.constant 0 : i32
        %dma_start3A_67 = tpu.memref_slice %arg6[%add3A_33, %dma_start3A_66] : memref<125x40xi32, #tpu.memory_space<vmem>> -> memref<1x40xi32, #tpu.memory_space<vmem>>
        %dma_start3A_68 = tpu.memref_squeeze %dma_start3A_67 : memref<1x40xi32, #tpu.memory_space<vmem>> -> memref<40xi32, #tpu.memory_space<vmem>>
        %dma_start3A_69 = arith.constant 0 : i32
        %dma_start3A_70 = arith.constant 0 : i32
        %dma_start3A_71 = tpu.memref_slice %arg9[%dma_start3A_69, %dma_start3A_70] : memref<10240x128xf32, #tpu.memory_space<vmem_shared>> -> memref<10240x128xf32, #tpu.memory_space<vmem_shared>>
        tpu.enqueue_indirect_dma source(%arg7 : memref<40x128xf32, #tpu.memory_space<vmem>>) target(%dma_start3A_71 : memref<10240x128xf32, #tpu.memory_space<vmem_shared>>) offsets(%dma_start3A_68 : memref<40xi32, #tpu.memory_space<vmem>>) semaphore(%run_scoped3A_65 : memref<!tpu.dma_semaphore, #tpu.memory_space<semaphore_mem>>) {add = true}
        %dma_wait3A_72 = arith.constant 0 : i32
        %dma_wait3A_73 = tpu.memref_slice %arg6[%add3A_33, %dma_wait3A_72] : memref<125x40xi32, #tpu.memory_space<vmem>> -> memref<1x40xi32, #tpu.memory_space<vmem>>
        %dma_wait3A_74 = tpu.memref_squeeze %dma_wait3A_73 : memref<1x40xi32, #tpu.memory_space<vmem>> -> memref<40xi32, #tpu.memory_space<vmem>>
        %dma_wait3A_75 = arith.constant 0 : i32
        %dma_wait3A_76 = arith.constant 0 : i32
        %dma_wait3A_77 = tpu.memref_slice %arg9[%dma_wait3A_75, %dma_wait3A_76] : memref<10240x128xf32, #tpu.memory_space<vmem_shared>> -> memref<10240x128xf32, #tpu.memory_space<vmem_shared>>
        tpu.wait_indirect_dma semaphore(%run_scoped3A_65 : memref<!tpu.dma_semaphore, #tpu.memory_space<semaphore_mem>>) src(%arg7 : memref<40x128xf32, #tpu.memory_space<vmem>>) dst(%dma_wait3A_77 : memref<10240x128xf32, #tpu.memory_space<vmem_shared>>)
        tpu.yield
      }) : () -> ()
      %add3A_47 = arith.constant 1 : i32
      %add3A_48 = arith.addi %mul3A_31, %add3A_47 : i32
      %add3A_49 = arith.constant 1 : i32
      %add3A_50 = arith.addi %add3A_48, %add3A_49 : i32
      %lt3A_51 = arith.constant 125 : i32
      %lt3A_52 = arith.cmpi slt, %add3A_50, %lt3A_51 : i32
      %convert_element_type3A_53 = arith.extui %lt3A_52 : i1 to i32
      %cond3A_54 = arith.constant 0 : i32
      %cond3A_55 = arith.cmpi ne, %convert_element_type3A_53, %cond3A_54 : i32
      scf.if %cond3A_55 {
        %add3A_65 = arith.constant 1 : i32
        %add3A_66 = arith.addi %add3A_48, %add3A_65 : i32
        %mul3A_67 = arith.constant 5000 : i32
        %mul3A_68 = arith.muli %add3A, %mul3A_67 : i32
        %mul3A_69 = arith.constant 40 : i32
        %mul3A_70 = arith.muli %add3A_66, %mul3A_69 : i32
        %add3A_71 = arith.addi %mul3A_68, %mul3A_70 : i32
        %dma_start3A_72 = arith.constant 0 : i32
        %dma_start3A_73 = tpu.memref_slice %arg3[%add3A_71, %dma_start3A_72] : memref<160000x128xf32, #tpu.memory_space<hbm>> -> memref<40x128xf32, #tpu.memory_space<hbm>>
        %dma_start3A_74 = arith.constant 0 : i32
        %dma_start3A_75 = tpu.memref_slice %arg3[%add3A_71, %dma_start3A_74] : memref<160000x128xf32, #tpu.memory_space<hbm>> -> memref<40x128xf32, #tpu.memory_space<hbm>>
        tpu.enqueue_dma source(%dma_start3A_75 : memref<40x128xf32, #tpu.memory_space<hbm>>) target(%arg7 : memref<40x128xf32, #tpu.memory_space<vmem>>) target_semaphore(%arg10 : memref<!tpu.dma_semaphore, #tpu.memory_space<semaphore_mem>>)
      } else {
      }
      %mul3A_56 = arith.constant 5000 : i32
      %mul3A_57 = arith.muli %add3A, %mul3A_56 : i32
      %mul3A_58 = arith.constant 40 : i32
      %mul3A_59 = arith.muli %add3A_48, %mul3A_58 : i32
      %add3A_60 = arith.addi %mul3A_57, %mul3A_59 : i32
      %dma_wait3A_61 = arith.constant 0 : i32
      %dma_wait3A_62 = tpu.memref_slice %arg3[%add3A_60, %dma_wait3A_61] : memref<160000x128xf32, #tpu.memory_space<hbm>> -> memref<40x128xf32, #tpu.memory_space<hbm>>
      %dma_wait3A_63 = arith.constant 0 : i32
      %dma_wait3A_64 = tpu.memref_slice %arg3[%add3A_60, %dma_wait3A_63] : memref<160000x128xf32, #tpu.memory_space<hbm>> -> memref<40x128xf32, #tpu.memory_space<hbm>>
      tpu.wait_dma2 semaphore(%arg11 : memref<!tpu.dma_semaphore, #tpu.memory_space<semaphore_mem>>) src(%dma_wait3A_64 : memref<40x128xf32, #tpu.memory_space<hbm>>) dst(%arg8 : memref<40x128xf32, #tpu.memory_space<vmem>>)
      "tpu.region"() ({
        %run_scoped3A_65 = tpu.sem_alloc : memref<!tpu.dma_semaphore, #tpu.memory_space<semaphore_mem>>
        %dma_start3A_66 = arith.constant 0 : i32
        %dma_start3A_67 = tpu.memref_slice %arg6[%add3A_48, %dma_start3A_66] : memref<125x40xi32, #tpu.memory_space<vmem>> -> memref<1x40xi32, #tpu.memory_space<vmem>>
        %dma_start3A_68 = tpu.memref_squeeze %dma_start3A_67 : memref<1x40xi32, #tpu.memory_space<vmem>> -> memref<40xi32, #tpu.memory_space<vmem>>
        %dma_start3A_69 = arith.constant 0 : i32
        %dma_start3A_70 = arith.constant 0 : i32
        %dma_start3A_71 = tpu.memref_slice %arg9[%dma_start3A_69, %dma_start3A_70] : memref<10240x128xf32, #tpu.memory_space<vmem_shared>> -> memref<10240x128xf32, #tpu.memory_space<vmem_shared>>
        tpu.enqueue_indirect_dma source(%arg8 : memref<40x128xf32, #tpu.memory_space<vmem>>) target(%dma_start3A_71 : memref<10240x128xf32, #tpu.memory_space<vmem_shared>>) offsets(%dma_start3A_68 : memref<40xi32, #tpu.memory_space<vmem>>) semaphore(%run_scoped3A_65 : memref<!tpu.dma_semaphore, #tpu.memory_space<semaphore_mem>>) {add = true}
        %dma_wait3A_72 = arith.constant 0 : i32
        %dma_wait3A_73 = tpu.memref_slice %arg6[%add3A_48, %dma_wait3A_72] : memref<125x40xi32, #tpu.memory_space<vmem>> -> memref<1x40xi32, #tpu.memory_space<vmem>>
        %dma_wait3A_74 = tpu.memref_squeeze %dma_wait3A_73 : memref<1x40xi32, #tpu.memory_space<vmem>> -> memref<40xi32, #tpu.memory_space<vmem>>
        %dma_wait3A_75 = arith.constant 0 : i32
        %dma_wait3A_76 = arith.constant 0 : i32
        %dma_wait3A_77 = tpu.memref_slice %arg9[%dma_wait3A_75, %dma_wait3A_76] : memref<10240x128xf32, #tpu.memory_space<vmem_shared>> -> memref<10240x128xf32, #tpu.memory_space<vmem_shared>>
        tpu.wait_indirect_dma semaphore(%run_scoped3A_65 : memref<!tpu.dma_semaphore, #tpu.memory_space<semaphore_mem>>) src(%arg8 : memref<40x128xf32, #tpu.memory_space<vmem>>) dst(%dma_wait3A_77 : memref<10240x128xf32, #tpu.memory_space<vmem_shared>>)
        tpu.yield
      }) : () -> ()
    }
    %scan3A_16 = arith.constant 62 : i32
    %mul3A_17 = arith.constant 5000 : i32
    %mul3A_18 = arith.muli %add3A, %mul3A_17 : i32
    %add3A_19 = arith.constant 4960 : i32
    %add3A_20 = arith.addi %mul3A_18, %add3A_19 : i32
    %dma_wait3A = arith.constant 0 : i32
    %dma_wait3A_21 = tpu.memref_slice %arg3[%add3A_20, %dma_wait3A] : memref<160000x128xf32, #tpu.memory_space<hbm>> -> memref<40x128xf32, #tpu.memory_space<hbm>>
    %dma_wait3A_22 = arith.constant 0 : i32
    %dma_wait3A_23 = tpu.memref_slice %arg3[%add3A_20, %dma_wait3A_22] : memref<160000x128xf32, #tpu.memory_space<hbm>> -> memref<40x128xf32, #tpu.memory_space<hbm>>
    tpu.wait_dma2 semaphore(%arg10 : memref<!tpu.dma_semaphore, #tpu.memory_space<semaphore_mem>>) src(%dma_wait3A_23 : memref<40x128xf32, #tpu.memory_space<hbm>>) dst(%arg7 : memref<40x128xf32, #tpu.memory_space<vmem>>)
    %run_scoped3A = arith.constant 124 : i32
    "tpu.region"() ({
      %run_scoped3A_29 = tpu.sem_alloc : memref<!tpu.dma_semaphore, #tpu.memory_space<semaphore_mem>>
      %dma_start3A_30 = arith.constant 0 : i32
      %dma_start3A_31 = tpu.memref_slice %arg6[%run_scoped3A, %dma_start3A_30] : memref<125x40xi32, #tpu.memory_space<vmem>> -> memref<1x40xi32, #tpu.memory_space<vmem>>
      %dma_start3A_32 = tpu.memref_squeeze %dma_start3A_31 : memref<1x40xi32, #tpu.memory_space<vmem>> -> memref<40xi32, #tpu.memory_space<vmem>>
      %dma_start3A_33 = arith.constant 0 : i32
      %dma_start3A_34 = arith.constant 0 : i32
      %dma_start3A_35 = tpu.memref_slice %arg9[%dma_start3A_33, %dma_start3A_34] : memref<10240x128xf32, #tpu.memory_space<vmem_shared>> -> memref<10240x128xf32, #tpu.memory_space<vmem_shared>>
      tpu.enqueue_indirect_dma source(%arg7 : memref<40x128xf32, #tpu.memory_space<vmem>>) target(%dma_start3A_35 : memref<10240x128xf32, #tpu.memory_space<vmem_shared>>) offsets(%dma_start3A_32 : memref<40xi32, #tpu.memory_space<vmem>>) semaphore(%run_scoped3A_29 : memref<!tpu.dma_semaphore, #tpu.memory_space<semaphore_mem>>) {add = true}
      %dma_wait3A_36 = arith.constant 0 : i32
      %dma_wait3A_37 = tpu.memref_slice %arg6[%run_scoped3A, %dma_wait3A_36] : memref<125x40xi32, #tpu.memory_space<vmem>> -> memref<1x40xi32, #tpu.memory_space<vmem>>
      %dma_wait3A_38 = tpu.memref_squeeze %dma_wait3A_37 : memref<1x40xi32, #tpu.memory_space<vmem>> -> memref<40xi32, #tpu.memory_space<vmem>>
      %dma_wait3A_39 = arith.constant 0 : i32
      %dma_wait3A_40 = arith.constant 0 : i32
      %dma_wait3A_41 = tpu.memref_slice %arg9[%dma_wait3A_39, %dma_wait3A_40] : memref<10240x128xf32, #tpu.memory_space<vmem_shared>> -> memref<10240x128xf32, #tpu.memory_space<vmem_shared>>
      tpu.wait_indirect_dma semaphore(%run_scoped3A_29 : memref<!tpu.dma_semaphore, #tpu.memory_space<semaphore_mem>>) src(%arg7 : memref<40x128xf32, #tpu.memory_space<vmem>>) dst(%dma_wait3A_41 : memref<10240x128xf32, #tpu.memory_space<vmem_shared>>)
      tpu.yield
    }) : () -> ()
    %barrier3A_24 = arith.constant 0 : index
    tpu.barrier barrier_id(%barrier3A_24)
    %mul3A_25 = arith.constant 640 : i32
    %mul3A_26 = arith.muli %arg1, %mul3A_25 : i32
    %mul3A_27 = arith.constant 640 : i32
    %mul3A_28 = arith.muli %arg1, %mul3A_27 : i32
    "tpu.region"() ({
      %run_scoped3A_29 = tpu.sem_alloc : memref<!tpu.dma_semaphore, #tpu.memory_space<semaphore_mem>>
      %dma_start3A_30 = arith.constant 0 : i32
      %dma_start3A_31 = tpu.memref_slice %arg5[%arg0, %mul3A_28, %dma_start3A_30] : memref<2x10240x128xf32, #tpu.memory_space<hbm>> -> memref<1x640x128xf32, #tpu.memory_space<hbm>>
      %dma_start3A_32 = tpu.memref_squeeze %dma_start3A_31 : memref<1x640x128xf32, #tpu.memory_space<hbm>> -> memref<640x128xf32, #tpu.memory_space<hbm>>
      %dma_start3A_33 = arith.constant 0 : i32
      %dma_start3A_34 = tpu.memref_slice %arg9[%mul3A_26, %dma_start3A_33] : memref<10240x128xf32, #tpu.memory_space<vmem_shared>> -> memref<640x128xf32, #tpu.memory_space<vmem_shared>>
      tpu.enqueue_dma source(%dma_start3A_34 : memref<640x128xf32, #tpu.memory_space<vmem_shared>>) target(%dma_start3A_32 : memref<640x128xf32, #tpu.memory_space<hbm>>) target_semaphore(%run_scoped3A_29 : memref<!tpu.dma_semaphore, #tpu.memory_space<semaphore_mem>>)
      %dma_wait3A_35 = arith.constant 0 : i32
      %dma_wait3A_36 = tpu.memref_slice %arg5[%arg0, %mul3A_28, %dma_wait3A_35] : memref<2x10240x128xf32, #tpu.memory_space<hbm>> -> memref<1x640x128xf32, #tpu.memory_space<hbm>>
      %dma_wait3A_37 = tpu.memref_squeeze %dma_wait3A_36 : memref<1x640x128xf32, #tpu.memory_space<hbm>> -> memref<640x128xf32, #tpu.memory_space<hbm>>
      %dma_wait3A_38 = arith.constant 0 : i32
      %dma_wait3A_39 = tpu.memref_slice %arg9[%mul3A_26, %dma_wait3A_38] : memref<10240x128xf32, #tpu.memory_space<vmem_shared>> -> memref<640x128xf32, #tpu.memory_space<vmem_shared>>
      tpu.wait_dma2 semaphore(%run_scoped3A_29 : memref<!tpu.dma_semaphore, #tpu.memory_space<semaphore_mem>>) src(%dma_wait3A_39 : memref<640x128xf32, #tpu.memory_space<vmem_shared>>) dst(%dma_wait3A_37 : memref<640x128xf32, #tpu.memory_space<hbm>>)
      tpu.yield
    }) : () -> ()
    return
  }
}

#map = affine_map<(d0, d1) -> (0, 0, 0)>
#map1 = affine_map<(d0, d1) -> (0, 0)>
module attributes {stable_mosaic.version = 14 : i64} {
  func.func @_sc_scatter(%arg0: i32, %arg1: i32, %arg2: memref<32x125x40xi32, #tpu.memory_space<hbm>>, %arg3: memref<160000x128xf32, #tpu.memory_space<hbm>>, %arg4: memref<10240x128xf32, #tpu.memory_space<hbm>>, %arg5: memref<2x10240x128xf32, #tpu.memory_space<hbm>>, %arg6: memref<125x40xi32, #tpu.memory_space<vmem>>, %arg7: memref<40x128xf32, #tpu.memory_space<vmem>>, %arg8: memref<40x128xf32, #tpu.memory_space<vmem>>, %arg9: memref<10240x128xf32, #tpu.memory_space<vmem_shared>>, %arg10: memref<!tpu.dma_semaphore, #tpu.memory_space<semaphore_mem>>, %arg11: memref<!tpu.dma_semaphore, #tpu.memory_space<semaphore_mem>>) attributes {dimension_semantics = [#tpu.dimension_semantics<core_parallel>, #tpu.dimension_semantics<subcore_parallel>], iteration_bounds = array<i64: 2, 16>, scalar_prefetch = 0 : i64, scratch_operands = 6 : i64, tpu.core_type = #tpu.core_type<sc_vector_subcore>, window_params = [{transform_indices = #map}, {transform_indices = #map1}, {transform_indices = #map1}, {transform_indices = #map}]} {
    %mul3A = arith.constant 16 : i32
    %mul3A_0 = arith.muli %arg0, %mul3A : i32
    %add3A = arith.addi %mul3A_0, %arg1 : i32
    %mul3A_1 = arith.constant 5000 : i32
    %mul3A_2 = arith.muli %add3A, %mul3A_1 : i32
    %add3A_3 = arith.constant 0 : i32
    %add3A_4 = arith.addi %mul3A_2, %add3A_3 : i32
    %dma_start3A = arith.constant 0 : i32
    %dma_start3A_5 = tpu.memref_slice %arg3[%add3A_4, %dma_start3A] : memref<160000x128xf32, #tpu.memory_space<hbm>> -> memref<40x128xf32, #tpu.memory_space<hbm>>
    %dma_start3A_6 = arith.constant 0 : i32
    %dma_start3A_7 = tpu.memref_slice %arg3[%add3A_4, %dma_start3A_6] : memref<160000x128xf32, #tpu.memory_space<hbm>> -> memref<40x128xf32, #tpu.memory_space<hbm>>
    tpu.enqueue_dma source(%dma_start3A_7 : memref<40x128xf32, #tpu.memory_space<hbm>>) target(%arg7 : memref<40x128xf32, #tpu.memory_space<vmem>>) target_semaphore(%arg10 : memref<!tpu.dma_semaphore, #tpu.memory_space<semaphore_mem>>)
    %mul3A_8 = arith.constant 640 : i32
    %mul3A_9 = arith.muli %arg1, %mul3A_8 : i32
    %mul3A_10 = arith.constant 640 : i32
    %mul3A_11 = arith.muli %arg1, %mul3A_10 : i32
    "tpu.region"() ({
      %run_scoped3A_29 = tpu.sem_alloc : memref<!tpu.dma_semaphore, #tpu.memory_space<semaphore_mem>>
      %dma_start3A_30 = arith.constant 0 : i32
      %dma_start3A_31 = tpu.memref_slice %arg9[%mul3A_11, %dma_start3A_30] : memref<10240x128xf32, #tpu.memory_space<vmem_shared>> -> memref<640x128xf32, #tpu.memory_space<vmem_shared>>
      %dma_start3A_32 = arith.constant 0 : i32
      %dma_start3A_33 = tpu.memref_slice %arg4[%mul3A_9, %dma_start3A_32] : memref<10240x128xf32, #tpu.memory_space<hbm>> -> memref<640x128xf32, #tpu.memory_space<hbm>>
      tpu.enqueue_dma source(%dma_start3A_33 : memref<640x128xf32, #tpu.memory_space<hbm>>) target(%dma_start3A_31 : memref<640x128xf32, #tpu.memory_space<vmem_shared>>) target_semaphore(%run_scoped3A_29 : memref<!tpu.dma_semaphore, #tpu.memory_space<semaphore_mem>>)
      %dma_wait3A_34 = arith.constant 0 : i32
      %dma_wait3A_35 = tpu.memref_slice %arg9[%mul3A_11, %dma_wait3A_34] : memref<10240x128xf32, #tpu.memory_space<vmem_shared>> -> memref<640x128xf32, #tpu.memory_space<vmem_shared>>
      %dma_wait3A_36 = arith.constant 0 : i32
      %dma_wait3A_37 = tpu.memref_slice %arg4[%mul3A_9, %dma_wait3A_36] : memref<10240x128xf32, #tpu.memory_space<hbm>> -> memref<640x128xf32, #tpu.memory_space<hbm>>
      tpu.wait_dma2 semaphore(%run_scoped3A_29 : memref<!tpu.dma_semaphore, #tpu.memory_space<semaphore_mem>>) src(%dma_wait3A_37 : memref<640x128xf32, #tpu.memory_space<hbm>>) dst(%dma_wait3A_35 : memref<640x128xf32, #tpu.memory_space<vmem_shared>>)
      tpu.yield
    }) : () -> ()
    "tpu.region"() ({
      %run_scoped3A_29 = tpu.sem_alloc : memref<!tpu.dma_semaphore, #tpu.memory_space<semaphore_mem>>
      %dma_start3A_30 = arith.constant 0 : i32
      %dma_start3A_31 = arith.constant 0 : i32
      %dma_start3A_32 = tpu.memref_slice %arg2[%add3A, %dma_start3A_30, %dma_start3A_31] : memref<32x125x40xi32, #tpu.memory_space<hbm>> -> memref<1x125x40xi32, #tpu.memory_space<hbm>>
      %dma_start3A_33 = tpu.memref_squeeze %dma_start3A_32 : memref<1x125x40xi32, #tpu.memory_space<hbm>> -> memref<125x40xi32, #tpu.memory_space<hbm>>
      %dma_start3A_34 = arith.constant 0 : i32
      %dma_start3A_35 = arith.constant 0 : i32
      %dma_start3A_36 = tpu.memref_slice %arg2[%add3A, %dma_start3A_34, %dma_start3A_35] : memref<32x125x40xi32, #tpu.memory_space<hbm>> -> memref<1x125x40xi32, #tpu.memory_space<hbm>>
      %dma_start3A_37 = tpu.memref_squeeze %dma_start3A_36 : memref<1x125x40xi32, #tpu.memory_space<hbm>> -> memref<125x40xi32, #tpu.memory_space<hbm>>
      tpu.enqueue_dma source(%dma_start3A_37 : memref<125x40xi32, #tpu.memory_space<hbm>>) target(%arg6 : memref<125x40xi32, #tpu.memory_space<vmem>>) target_semaphore(%run_scoped3A_29 : memref<!tpu.dma_semaphore, #tpu.memory_space<semaphore_mem>>)
      %dma_wait3A_38 = arith.constant 0 : i32
      %dma_wait3A_39 = arith.constant 0 : i32
      %dma_wait3A_40 = tpu.memref_slice %arg2[%add3A, %dma_wait3A_38, %dma_wait3A_39] : memref<32x125x40xi32, #tpu.memory_space<hbm>> -> memref<1x125x40xi32, #tpu.memory_space<hbm>>
      %dma_wait3A_41 = tpu.memref_squeeze %dma_wait3A_40 : memref<1x125x40xi32, #tpu.memory_space<hbm>> -> memref<125x40xi32, #tpu.memory_space<hbm>>
      %dma_wait3A_42 = arith.constant 0 : i32
      %dma_wait3A_43 = arith.constant 0 : i32
      %dma_wait3A_44 = tpu.memref_slice %arg2[%add3A, %dma_wait3A_42, %dma_wait3A_43] : memref<32x125x40xi32, #tpu.memory_space<hbm>> -> memref<1x125x40xi32, #tpu.memory_space<hbm>>
      %dma_wait3A_45 = tpu.memref_squeeze %dma_wait3A_44 : memref<1x125x40xi32, #tpu.memory_space<hbm>> -> memref<125x40xi32, #tpu.memory_space<hbm>>
      tpu.wait_dma2 semaphore(%run_scoped3A_29 : memref<!tpu.dma_semaphore, #tpu.memory_space<semaphore_mem>>) src(%dma_wait3A_45 : memref<125x40xi32, #tpu.memory_space<hbm>>) dst(%arg6 : memref<125x40xi32, #tpu.memory_space<vmem>>)
      tpu.yield
    }) : () -> ()
    %barrier3A = arith.constant 0 : index
    tpu.barrier barrier_id(%barrier3A)
    %scan3A = arith.constant 0 : i32
    %scan3A_12 = arith.constant 0 : i32
    %scan3A_13 = arith.constant 62 : i32
    %scan3A_14 = arith.addi %scan3A_12, %scan3A_13 : i32
    %scan3A_15 = arith.constant 1 : i32
    scf.for %scan3A_29 = %scan3A_12 to %scan3A_14 step %scan3A_15  : i32 {
      %mul3A_30 = arith.constant 2 : i32
      %mul3A_31 = arith.muli %scan3A_29, %mul3A_30 : i32
      %add3A_32 = arith.constant 0 : i32
      %add3A_33 = arith.addi %mul3A_31, %add3A_32 : i32
      %add3A_34 = arith.constant 1 : i32
      %add3A_35 = arith.addi %add3A_33, %add3A_34 : i32
      %lt3A = arith.constant 125 : i32
      %lt3A_36 = arith.cmpi slt, %add3A_35, %lt3A : i32
      %convert_element_type3A = arith.extui %lt3A_36 : i1 to i32
      %cond3A = arith.constant 0 : i32
      %cond3A_37 = arith.cmpi ne, %convert_element_type3A, %cond3A : i32
      scf.if %cond3A_37 {
        %add3A_65 = arith.constant 1 : i32
        %add3A_66 = arith.addi %add3A_33, %add3A_65 : i32
        %mul3A_67 = arith.constant 5000 : i32
        %mul3A_68 = arith.muli %add3A, %mul3A_67 : i32
        %mul3A_69 = arith.constant 40 : i32
        %mul3A_70 = arith.muli %add3A_66, %mul3A_69 : i32
        %add3A_71 = arith.addi %mul3A_68, %mul3A_70 : i32
        %dma_start3A_72 = arith.constant 0 : i32
        %dma_start3A_73 = tpu.memref_slice %arg3[%add3A_71, %dma_start3A_72] : memref<160000x128xf32, #tpu.memory_space<hbm>> -> memref<40x128xf32, #tpu.memory_space<hbm>>
        %dma_start3A_74 = arith.constant 0 : i32
        %dma_start3A_75 = tpu.memref_slice %arg3[%add3A_71, %dma_start3A_74] : memref<160000x128xf32, #tpu.memory_space<hbm>> -> memref<40x128xf32, #tpu.memory_space<hbm>>
        tpu.enqueue_dma source(%dma_start3A_75 : memref<40x128xf32, #tpu.memory_space<hbm>>) target(%arg8 : memref<40x128xf32, #tpu.memory_space<vmem>>) target_semaphore(%arg11 : memref<!tpu.dma_semaphore, #tpu.memory_space<semaphore_mem>>)
      } else {
      }
      %mul3A_38 = arith.constant 5000 : i32
      %mul3A_39 = arith.muli %add3A, %mul3A_38 : i32
      %mul3A_40 = arith.constant 40 : i32
      %mul3A_41 = arith.muli %add3A_33, %mul3A_40 : i32
      %add3A_42 = arith.addi %mul3A_39, %mul3A_41 : i32
      %dma_wait3A_43 = arith.constant 0 : i32
      %dma_wait3A_44 = tpu.memref_slice %arg3[%add3A_42, %dma_wait3A_43] : memref<160000x128xf32, #tpu.memory_space<hbm>> -> memref<40x128xf32, #tpu.memory_space<hbm>>
      %dma_wait3A_45 = arith.constant 0 : i32
      %dma_wait3A_46 = tpu.memref_slice %arg3[%add3A_42, %dma_wait3A_45] : memref<160000x128xf32, #tpu.memory_space<hbm>> -> memref<40x128xf32, #tpu.memory_space<hbm>>
      tpu.wait_dma2 semaphore(%arg10 : memref<!tpu.dma_semaphore, #tpu.memory_space<semaphore_mem>>) src(%dma_wait3A_46 : memref<40x128xf32, #tpu.memory_space<hbm>>) dst(%arg7 : memref<40x128xf32, #tpu.memory_space<vmem>>)
      "tpu.region"() ({
        %run_scoped3A_65 = tpu.sem_alloc : memref<!tpu.dma_semaphore, #tpu.memory_space<semaphore_mem>>
        %dma_start3A_66 = arith.constant 0 : i32
        %dma_start3A_67 = tpu.memref_slice %arg6[%add3A_33, %dma_start3A_66] : memref<125x40xi32, #tpu.memory_space<vmem>> -> memref<1x40xi32, #tpu.memory_space<vmem>>
        %dma_start3A_68 = tpu.memref_squeeze %dma_start3A_67 : memref<1x40xi32, #tpu.memory_space<vmem>> -> memref<40xi32, #tpu.memory_space<vmem>>
        %dma_start3A_69 = arith.constant 0 : i32
        %dma_start3A_70 = arith.constant 0 : i32
        %dma_start3A_71 = tpu.memref_slice %arg9[%dma_start3A_69, %dma_start3A_70] : memref<10240x128xf32, #tpu.memory_space<vmem_shared>> -> memref<10240x128xf32, #tpu.memory_space<vmem_shared>>
        tpu.enqueue_indirect_dma source(%arg7 : memref<40x128xf32, #tpu.memory_space<vmem>>) target(%dma_start3A_71 : memref<10240x128xf32, #tpu.memory_space<vmem_shared>>) offsets(%dma_start3A_68 : memref<40xi32, #tpu.memory_space<vmem>>) semaphore(%run_scoped3A_65 : memref<!tpu.dma_semaphore, #tpu.memory_space<semaphore_mem>>) {add = true}
        %dma_wait3A_72 = arith.constant 0 : i32
        %dma_wait3A_73 = tpu.memref_slice %arg6[%add3A_33, %dma_wait3A_72] : memref<125x40xi32, #tpu.memory_space<vmem>> -> memref<1x40xi32, #tpu.memory_space<vmem>>
        %dma_wait3A_74 = tpu.memref_squeeze %dma_wait3A_73 : memref<1x40xi32, #tpu.memory_space<vmem>> -> memref<40xi32, #tpu.memory_space<vmem>>
        %dma_wait3A_75 = arith.constant 0 : i32
        %dma_wait3A_76 = arith.constant 0 : i32
        %dma_wait3A_77 = tpu.memref_slice %arg9[%dma_wait3A_75, %dma_wait3A_76] : memref<10240x128xf32, #tpu.memory_space<vmem_shared>> -> memref<10240x128xf32, #tpu.memory_space<vmem_shared>>
        tpu.wait_indirect_dma semaphore(%run_scoped3A_65 : memref<!tpu.dma_semaphore, #tpu.memory_space<semaphore_mem>>) src(%arg7 : memref<40x128xf32, #tpu.memory_space<vmem>>) dst(%dma_wait3A_77 : memref<10240x128xf32, #tpu.memory_space<vmem_shared>>)
        tpu.yield
      }) : () -> ()
      %add3A_47 = arith.constant 1 : i32
      %add3A_48 = arith.addi %mul3A_31, %add3A_47 : i32
      %add3A_49 = arith.constant 1 : i32
      %add3A_50 = arith.addi %add3A_48, %add3A_49 : i32
      %lt3A_51 = arith.constant 125 : i32
      %lt3A_52 = arith.cmpi slt, %add3A_50, %lt3A_51 : i32
      %convert_element_type3A_53 = arith.extui %lt3A_52 : i1 to i32
      %cond3A_54 = arith.constant 0 : i32
      %cond3A_55 = arith.cmpi ne, %convert_element_type3A_53, %cond3A_54 : i32
      scf.if %cond3A_55 {
        %add3A_65 = arith.constant 1 : i32
        %add3A_66 = arith.addi %add3A_48, %add3A_65 : i32
        %mul3A_67 = arith.constant 5000 : i32
        %mul3A_68 = arith.muli %add3A, %mul3A_67 : i32
        %mul3A_69 = arith.constant 40 : i32
        %mul3A_70 = arith.muli %add3A_66, %mul3A_69 : i32
        %add3A_71 = arith.addi %mul3A_68, %mul3A_70 : i32
        %dma_start3A_72 = arith.constant 0 : i32
        %dma_start3A_73 = tpu.memref_slice %arg3[%add3A_71, %dma_start3A_72] : memref<160000x128xf32, #tpu.memory_space<hbm>> -> memref<40x128xf32, #tpu.memory_space<hbm>>
        %dma_start3A_74 = arith.constant 0 : i32
        %dma_start3A_75 = tpu.memref_slice %arg3[%add3A_71, %dma_start3A_74] : memref<160000x128xf32, #tpu.memory_space<hbm>> -> memref<40x128xf32, #tpu.memory_space<hbm>>
        tpu.enqueue_dma source(%dma_start3A_75 : memref<40x128xf32, #tpu.memory_space<hbm>>) target(%arg7 : memref<40x128xf32, #tpu.memory_space<vmem>>) target_semaphore(%arg10 : memref<!tpu.dma_semaphore, #tpu.memory_space<semaphore_mem>>)
      } else {
      }
      %mul3A_56 = arith.constant 5000 : i32
      %mul3A_57 = arith.muli %add3A, %mul3A_56 : i32
      %mul3A_58 = arith.constant 40 : i32
      %mul3A_59 = arith.muli %add3A_48, %mul3A_58 : i32
      %add3A_60 = arith.addi %mul3A_57, %mul3A_59 : i32
      %dma_wait3A_61 = arith.constant 0 : i32
      %dma_wait3A_62 = tpu.memref_slice %arg3[%add3A_60, %dma_wait3A_61] : memref<160000x128xf32, #tpu.memory_space<hbm>> -> memref<40x128xf32, #tpu.memory_space<hbm>>
      %dma_wait3A_63 = arith.constant 0 : i32
      %dma_wait3A_64 = tpu.memref_slice %arg3[%add3A_60, %dma_wait3A_63] : memref<160000x128xf32, #tpu.memory_space<hbm>> -> memref<40x128xf32, #tpu.memory_space<hbm>>
      tpu.wait_dma2 semaphore(%arg11 : memref<!tpu.dma_semaphore, #tpu.memory_space<semaphore_mem>>) src(%dma_wait3A_64 : memref<40x128xf32, #tpu.memory_space<hbm>>) dst(%arg8 : memref<40x128xf32, #tpu.memory_space<vmem>>)
      "tpu.region"() ({
        %run_scoped3A_65 = tpu.sem_alloc : memref<!tpu.dma_semaphore, #tpu.memory_space<semaphore_mem>>
        %dma_start3A_66 = arith.constant 0 : i32
        %dma_start3A_67 = tpu.memref_slice %arg6[%add3A_48, %dma_start3A_66] : memref<125x40xi32, #tpu.memory_space<vmem>> -> memref<1x40xi32, #tpu.memory_space<vmem>>
        %dma_start3A_68 = tpu.memref_squeeze %dma_start3A_67 : memref<1x40xi32, #tpu.memory_space<vmem>> -> memref<40xi32, #tpu.memory_space<vmem>>
        %dma_start3A_69 = arith.constant 0 : i32
        %dma_start3A_70 = arith.constant 0 : i32
        %dma_start3A_71 = tpu.memref_slice %arg9[%dma_start3A_69, %dma_start3A_70] : memref<10240x128xf32, #tpu.memory_space<vmem_shared>> -> memref<10240x128xf32, #tpu.memory_space<vmem_shared>>
        tpu.enqueue_indirect_dma source(%arg8 : memref<40x128xf32, #tpu.memory_space<vmem>>) target(%dma_start3A_71 : memref<10240x128xf32, #tpu.memory_space<vmem_shared>>) offsets(%dma_start3A_68 : memref<40xi32, #tpu.memory_space<vmem>>) semaphore(%run_scoped3A_65 : memref<!tpu.dma_semaphore, #tpu.memory_space<semaphore_mem>>) {add = true}
        %dma_wait3A_72 = arith.constant 0 : i32
        %dma_wait3A_73 = tpu.memref_slice %arg6[%add3A_48, %dma_wait3A_72] : memref<125x40xi32, #tpu.memory_space<vmem>> -> memref<1x40xi32, #tpu.memory_space<vmem>>
        %dma_wait3A_74 = tpu.memref_squeeze %dma_wait3A_73 : memref<1x40xi32, #tpu.memory_space<vmem>> -> memref<40xi32, #tpu.memory_space<vmem>>
        %dma_wait3A_75 = arith.constant 0 : i32
        %dma_wait3A_76 = arith.constant 0 : i32
        %dma_wait3A_77 = tpu.memref_slice %arg9[%dma_wait3A_75, %dma_wait3A_76] : memref<10240x128xf32, #tpu.memory_space<vmem_shared>> -> memref<10240x128xf32, #tpu.memory_space<vmem_shared>>
        tpu.wait_indirect_dma semaphore(%run_scoped3A_65 : memref<!tpu.dma_semaphore, #tpu.memory_space<semaphore_mem>>) src(%arg8 : memref<40x128xf32, #tpu.memory_space<vmem>>) dst(%dma_wait3A_77 : memref<10240x128xf32, #tpu.memory_space<vmem_shared>>)
        tpu.yield
      }) : () -> ()
    }
    %scan3A_16 = arith.constant 62 : i32
    %mul3A_17 = arith.constant 5000 : i32
    %mul3A_18 = arith.muli %add3A, %mul3A_17 : i32
    %add3A_19 = arith.constant 4960 : i32
    %add3A_20 = arith.addi %mul3A_18, %add3A_19 : i32
    %dma_wait3A = arith.constant 0 : i32
    %dma_wait3A_21 = tpu.memref_slice %arg3[%add3A_20, %dma_wait3A] : memref<160000x128xf32, #tpu.memory_space<hbm>> -> memref<40x128xf32, #tpu.memory_space<hbm>>
    %dma_wait3A_22 = arith.constant 0 : i32
    %dma_wait3A_23 = tpu.memref_slice %arg3[%add3A_20, %dma_wait3A_22] : memref<160000x128xf32, #tpu.memory_space<hbm>> -> memref<40x128xf32, #tpu.memory_space<hbm>>
    tpu.wait_dma2 semaphore(%arg10 : memref<!tpu.dma_semaphore, #tpu.memory_space<semaphore_mem>>) src(%dma_wait3A_23 : memref<40x128xf32, #tpu.memory_space<hbm>>) dst(%arg7 : memref<40x128xf32, #tpu.memory_space<vmem>>)
    %run_scoped3A = arith.constant 124 : i32
    "tpu.region"() ({
      %run_scoped3A_29 = tpu.sem_alloc : memref<!tpu.dma_semaphore, #tpu.memory_space<semaphore_mem>>
      %dma_start3A_30 = arith.constant 0 : i32
      %dma_start3A_31 = tpu.memref_slice %arg6[%run_scoped3A, %dma_start3A_30] : memref<125x40xi32, #tpu.memory_space<vmem>> -> memref<1x40xi32, #tpu.memory_space<vmem>>
      %dma_start3A_32 = tpu.memref_squeeze %dma_start3A_31 : memref<1x40xi32, #tpu.memory_space<vmem>> -> memref<40xi32, #tpu.memory_space<vmem>>
      %dma_start3A_33 = arith.constant 0 : i32
      %dma_start3A_34 = arith.constant 0 : i32
      %dma_start3A_35 = tpu.memref_slice %arg9[%dma_start3A_33, %dma_start3A_34] : memref<10240x128xf32, #tpu.memory_space<vmem_shared>> -> memref<10240x128xf32, #tpu.memory_space<vmem_shared>>
      tpu.enqueue_indirect_dma source(%arg7 : memref<40x128xf32, #tpu.memory_space<vmem>>) target(%dma_start3A_35 : memref<10240x128xf32, #tpu.memory_space<vmem_shared>>) offsets(%dma_start3A_32 : memref<40xi32, #tpu.memory_space<vmem>>) semaphore(%run_scoped3A_29 : memref<!tpu.dma_semaphore, #tpu.memory_space<semaphore_mem>>) {add = true}
      %dma_wait3A_36 = arith.constant 0 : i32
      %dma_wait3A_37 = tpu.memref_slice %arg6[%run_scoped3A, %dma_wait3A_36] : memref<125x40xi32, #tpu.memory_space<vmem>> -> memref<1x40xi32, #tpu.memory_space<vmem>>
      %dma_wait3A_38 = tpu.memref_squeeze %dma_wait3A_37 : memref<1x40xi32, #tpu.memory_space<vmem>> -> memref<40xi32, #tpu.memory_space<vmem>>
      %dma_wait3A_39 = arith.constant 0 : i32
      %dma_wait3A_40 = arith.constant 0 : i32
      %dma_wait3A_41 = tpu.memref_slice %arg9[%dma_wait3A_39, %dma_wait3A_40] : memref<10240x128xf32, #tpu.memory_space<vmem_shared>> -> memref<10240x128xf32, #tpu.memory_space<vmem_shared>>
      tpu.wait_indirect_dma semaphore(%run_scoped3A_29 : memref<!tpu.dma_semaphore, #tpu.memory_space<semaphore_mem>>) src(%arg7 : memref<40x128xf32, #tpu.memory_space<vmem>>) dst(%dma_wait3A_41 : memref<10240x128xf32, #tpu.memory_space<vmem_shared>>)
      tpu.yield
    }) : () -> ()
    %barrier3A_24 = arith.constant 0 : index
    tpu.barrier barrier_id(%barrier3A_24)
    %mul3A_25 = arith.constant 640 : i32
    %mul3A_26 = arith.muli %arg1, %mul3A_25 : i32
    %mul3A_27 = arith.constant 640 : i32
    %mul3A_28 = arith.muli %arg1, %mul3A_27 : i32
    "tpu.region"() ({
      %run_scoped3A_29 = tpu.sem_alloc : memref<!tpu.dma_semaphore, #tpu.memory_space<semaphore_mem>>
      %dma_start3A_30 = arith.constant 0 : i32
      %dma_start3A_31 = tpu.memref_slice %arg5[%arg0, %mul3A_28, %dma_start3A_30] : memref<2x10240x128xf32, #tpu.memory_space<hbm>> -> memref<1x640x128xf32, #tpu.memory_space<hbm>>
      %dma_start3A_32 = tpu.memref_squeeze %dma_start3A_31 : memref<1x640x128xf32, #tpu.memory_space<hbm>> -> memref<640x128xf32, #tpu.memory_space<hbm>>
      %dma_start3A_33 = arith.constant 0 : i32
      %dma_start3A_34 = tpu.memref_slice %arg9[%mul3A_26, %dma_start3A_33] : memref<10240x128xf32, #tpu.memory_space<vmem_shared>> -> memref<640x128xf32, #tpu.memory_space<vmem_shared>>
      tpu.enqueue_dma source(%dma_start3A_34 : memref<640x128xf32, #tpu.memory_space<vmem_shared>>) target(%dma_start3A_32 : memref<640x128xf32, #tpu.memory_space<hbm>>) target_semaphore(%run_scoped3A_29 : memref<!tpu.dma_semaphore, #tpu.memory_space<semaphore_mem>>)
      %dma_wait3A_35 = arith.constant 0 : i32
      %dma_wait3A_36 = tpu.memref_slice %arg5[%arg0, %mul3A_28, %dma_wait3A_35] : memref<2x10240x128xf32, #tpu.memory_space<hbm>> -> memref<1x640x128xf32, #tpu.memory_space<hbm>>
      %dma_wait3A_37 = tpu.memref_squeeze %dma_wait3A_36 : memref<1x640x128xf32, #tpu.memory_space<hbm>> -> memref<640x128xf32, #tpu.memory_space<hbm>>
      %dma_wait3A_38 = arith.constant 0 : i32
      %dma_wait3A_39 = tpu.memref_slice %arg9[%mul3A_26, %dma_wait3A_38] : memref<10240x128xf32, #tpu.memory_space<vmem_shared>> -> memref<640x128xf32, #tpu.memory_space<vmem_shared>>
      tpu.wait_dma2 semaphore(%run_scoped3A_29 : memref<!tpu.dma_semaphore, #tpu.memory_space<semaphore_mem>>) src(%dma_wait3A_39 : memref<640x128xf32, #tpu.memory_space<vmem_shared>>) dst(%dma_wait3A_37 : memref<640x128xf32, #tpu.memory_space<hbm>>)
      tpu.yield
    }) : () -> ()
    return
  }
}

module attributes {stable_mosaic.version = 14 : i64} {
  func.func @_node_pre_body(%arg0: i32, %arg1: memref<2000x128xf32, #tpu.memory_space<vmem>>, %arg2: memref<128x128xf32, #tpu.memory_space<vmem>>, %arg3: memref<1x128xf32, #tpu.memory_space<vmem>>, %arg4: memref<1x128xf32, #tpu.memory_space<vmem>>, %arg5: memref<1x128xf32, #tpu.memory_space<vmem>>, %arg6: memref<128x128xf32, #tpu.memory_space<vmem>>, %arg7: memref<128x128xf32, #tpu.memory_space<vmem>>, %arg8: memref<128x128xf32, #tpu.memory_space<vmem>>, %arg9: memref<2000x128xf32, #tpu.memory_space<vmem>>, %arg10: memref<2000x128xf32, #tpu.memory_space<vmem>>, %arg11: memref<2000x128xf32, #tpu.memory_space<vmem>>) attributes {dimension_semantics = [#tpu.dimension_semantics<arbitrary>], iteration_bounds = array<i64: 5>, scalar_prefetch = 0 : i64, scratch_operands = 0 : i64, tpu.core_type = #tpu.core_type<tc>, window_params = [{transform_indices = @transform_0, window_bounds = array<i64: 2000, 128>}, {pipeline_mode = #tpu.pipeline_mode<synchronous>, transform_indices = @transform_1, window_bounds = array<i64: 128, 128>}, {pipeline_mode = #tpu.pipeline_mode<synchronous>, transform_indices = @transform_2, window_bounds = array<i64: 1, 128>}, {pipeline_mode = #tpu.pipeline_mode<synchronous>, transform_indices = @transform_3, window_bounds = array<i64: 1, 128>}, {pipeline_mode = #tpu.pipeline_mode<synchronous>, transform_indices = @transform_4, window_bounds = array<i64: 1, 128>}, {pipeline_mode = #tpu.pipeline_mode<synchronous>, transform_indices = @transform_5, window_bounds = array<i64: 128, 128>}, {pipeline_mode = #tpu.pipeline_mode<synchronous>, transform_indices = @transform_6, window_bounds = array<i64: 128, 128>}, {pipeline_mode = #tpu.pipeline_mode<synchronous>, transform_indices = @transform_7, window_bounds = array<i64: 128, 128>}, {transform_indices = @transform_8, window_bounds = array<i64: 2000, 128>}, {transform_indices = @transform_9, window_bounds = array<i64: 2000, 128>}, {transform_indices = @transform_10, window_bounds = array<i64: 2000, 128>}]} {
    %get3A = arith.constant 0 : index
    %get3A_0 = arith.constant 0 : index
    %get3A_1 = vector.load %arg1[%get3A, %get3A_0] : memref<2000x128xf32, #tpu.memory_space<vmem>>, vector<2000x128xf32>
    %get3A_2 = arith.constant 0 : index
    %get3A_3 = arith.constant 0 : index
    %get3A_4 = vector.load %arg2[%get3A_2, %get3A_3] : memref<128x128xf32, #tpu.memory_space<vmem>>, vector<128x128xf32>
    %dot_general3A = arith.constant dense<0.000000e+00> : vector<2000x128xf32>
    %dot_general3A_5 = tpu.matmul %get3A_1, %get3A_4, %dot_general3A {dimension_numbers = #tpu.dot_dimension_numbers<[1], [0], [0], [1], [0, 0, 1, 1], [], []>, transpose_lhs_hint = false} : vector<2000x128xf32>, vector<128x128xf32>, vector<2000x128xf32> -> vector<2000x128xf32>
    %get3A_6 = arith.constant 0 : index
    %get3A_7 = arith.constant 0 : index
    %get3A_8 = vector.load %arg3[%get3A_6, %get3A_7] : memref<1x128xf32, #tpu.memory_space<vmem>>, vector<1x128xf32>
    %add3A = vector.broadcast %get3A_8 : vector<1x128xf32> to vector<2000x128xf32>
    %add3A_9 = arith.addf %dot_general3A_5, %add3A : vector<2000x128xf32>
    %get3A_10 = arith.constant 0 : index
    %get3A_11 = arith.constant 0 : index
    %get3A_12 = vector.load %arg4[%get3A_10, %get3A_11] : memref<1x128xf32, #tpu.memory_space<vmem>>, vector<1x128xf32>
    %get3A_13 = arith.constant 0 : index
    %get3A_14 = arith.constant 0 : index
    %get3A_15 = vector.load %arg5[%get3A_13, %get3A_14] : memref<1x128xf32, #tpu.memory_space<vmem>>, vector<1x128xf32>
    %reduce_sum3A = arith.constant dense<0.000000e+00> : vector<2000xf32>
    %reduce_sum3A_16 = vector.multi_reduction <add>, %add3A_9, %reduce_sum3A [1] : vector<2000x128xf32> to vector<2000xf32>
    %broadcast_in_dim3A = vector.shape_cast %reduce_sum3A_16 : vector<2000xf32> to vector<2000x1xf32>
    %div3A = arith.constant 1.280000e+02 : f32
    %div3A_17 = vector.broadcast %div3A : f32 to vector<2000x1xf32>
    %div3A_18 = arith.divf %broadcast_in_dim3A, %div3A_17 : vector<2000x1xf32>
    %jit3A = arith.constant 0 : i32
    %reduce_sum3A_19 = arith.constant dense<0.000000e+00> : vector<2000xf32>
    %reduce_sum3A_20 = vector.multi_reduction <add>, %add3A_9, %reduce_sum3A_19 [1] : vector<2000x128xf32> to vector<2000xf32>
    %broadcast_in_dim3A_21 = vector.shape_cast %reduce_sum3A_20 : vector<2000xf32> to vector<2000x1xf32>
    %div3A_22 = arith.constant 1.280000e+02 : f32
    %div3A_23 = vector.broadcast %div3A_22 : f32 to vector<2000x1xf32>
    %div3A_24 = arith.divf %broadcast_in_dim3A_21, %div3A_23 : vector<2000x1xf32>
    %sub3A = vector.broadcast %div3A_24 : vector<2000x1xf32> to vector<2000x128xf32>
    %sub3A_25 = arith.subf %add3A_9, %sub3A : vector<2000x128xf32>
    %square3A = arith.mulf %sub3A_25, %sub3A_25 : vector<2000x128xf32>
    %convert_element_type3A = arith.sitofp %jit3A : i32 to f32
    %sub3A_26 = arith.constant 1.280000e+02 : f32
    %sub3A_27 = arith.subf %sub3A_26, %convert_element_type3A : f32
    %reduce_sum3A_28 = arith.constant dense<0.000000e+00> : vector<2000xf32>
    %reduce_sum3A_29 = vector.multi_reduction <add>, %square3A, %reduce_sum3A_28 [1] : vector<2000x128xf32> to vector<2000xf32>
    %broadcast_in_dim3A_30 = vector.shape_cast %reduce_sum3A_29 : vector<2000xf32> to vector<2000x1xf32>
    %div3A_31 = vector.broadcast %sub3A_27 : f32 to vector<2000x1xf32>
    %div3A_32 = arith.divf %broadcast_in_dim3A_30, %div3A_31 : vector<2000x1xf32>
    %gt3A = arith.constant 0.000000e+00 : f32
    %gt3A_33 = arith.cmpf ogt, %sub3A_27, %gt3A : f32
    %jit3A_34 = arith.constant 0x7FC00000 : f32
    %broadcast_in_dim3A_35 = vector.broadcast %jit3A_34 : f32 to vector<2000x1xf32>
    %select_n3A = arith.select %gt3A_33, %div3A_32, %broadcast_in_dim3A_35 : vector<2000x1xf32>
    %sub3A_36 = vector.broadcast %div3A_18 : vector<2000x1xf32> to vector<2000x128xf32>
    %sub3A_37 = arith.subf %add3A_9, %sub3A_36 : vector<2000x128xf32>
    %add3A_38 = arith.constant 9.99999974E-6 : f32
    %add3A_39 = vector.broadcast %add3A_38 : f32 to vector<2000x1xf32>
    %add3A_40 = arith.addf %select_n3A, %add3A_39 : vector<2000x1xf32>
    %sqrt3A = math.sqrt %add3A_40 : vector<2000x1xf32>
    %div3A_41 = vector.broadcast %sqrt3A : vector<2000x1xf32> to vector<2000x128xf32>
    %div3A_42 = arith.divf %sub3A_37, %div3A_41 : vector<2000x128xf32>
    %mul3A = vector.broadcast %get3A_12 : vector<1x128xf32> to vector<2000x128xf32>
    %mul3A_43 = arith.mulf %div3A_42, %mul3A : vector<2000x128xf32>
    %add3A_44 = vector.broadcast %get3A_15 : vector<1x128xf32> to vector<2000x128xf32>
    %add3A_45 = arith.addf %mul3A_43, %add3A_44 : vector<2000x128xf32>
    %max3A = arith.constant 0.000000e+00 : f32
    %max3A_46 = vector.broadcast %max3A : f32 to vector<2000x128xf32>
    %max3A_47 = arith.maximumf %add3A_45, %max3A_46 : vector<2000x128xf32>
    %get3A_48 = arith.constant 0 : index
    %get3A_49 = arith.constant 0 : index
    %get3A_50 = vector.load %arg6[%get3A_48, %get3A_49] : memref<128x128xf32, #tpu.memory_space<vmem>>, vector<128x128xf32>
    %dot_general3A_51 = arith.constant dense<0.000000e+00> : vector<2000x128xf32>
    %dot_general3A_52 = tpu.matmul %max3A_47, %get3A_50, %dot_general3A_51 {dimension_numbers = #tpu.dot_dimension_numbers<[1], [0], [0], [1], [0, 0, 1, 1], [], []>, transpose_lhs_hint = false} : vector<2000x128xf32>, vector<128x128xf32>, vector<2000x128xf32> -> vector<2000x128xf32>
    %swap3A = arith.constant 0 : index
    %swap3A_53 = arith.constant 0 : index
    %swap3A_54 = vector.load %arg9[%swap3A, %swap3A_53] : memref<2000x128xf32, #tpu.memory_space<vmem>>, vector<2000x128xf32>
    tpu.vector_store %arg9[%swap3A, %swap3A_53], %dot_general3A_52 {strides = array<i32>} : memref<2000x128xf32, #tpu.memory_space<vmem>>, vector<2000x128xf32>,
    %get3A_55 = arith.constant 0 : index
    %get3A_56 = arith.constant 0 : index
    %get3A_57 = vector.load %arg7[%get3A_55, %get3A_56] : memref<128x128xf32, #tpu.memory_space<vmem>>, vector<128x128xf32>
    %dot_general3A_58 = arith.constant dense<0.000000e+00> : vector<2000x128xf32>
    %dot_general3A_59 = tpu.matmul %get3A_1, %get3A_57, %dot_general3A_58 {dimension_numbers = #tpu.dot_dimension_numbers<[1], [0], [0], [1], [0, 0, 1, 1], [], []>, transpose_lhs_hint = false} : vector<2000x128xf32>, vector<128x128xf32>, vector<2000x128xf32> -> vector<2000x128xf32>
    %swap3A_60 = arith.constant 0 : index
    %swap3A_61 = arith.constant 0 : index
    %swap3A_62 = vector.load %arg10[%swap3A_60, %swap3A_61] : memref<2000x128xf32, #tpu.memory_space<vmem>>, vector<2000x128xf32>
    tpu.vector_store %arg10[%swap3A_60, %swap3A_61], %dot_general3A_59 {strides = array<i32>} : memref<2000x128xf32, #tpu.memory_space<vmem>>, vector<2000x128xf32>,
    %get3A_63 = arith.constant 0 : index
    %get3A_64 = arith.constant 0 : index
    %get3A_65 = vector.load %arg8[%get3A_63, %get3A_64] : memref<128x128xf32, #tpu.memory_space<vmem>>, vector<128x128xf32>
    %dot_general3A_66 = arith.constant dense<0.000000e+00> : vector<2000x128xf32>
    %dot_general3A_67 = tpu.matmul %get3A_1, %get3A_65, %dot_general3A_66 {dimension_numbers = #tpu.dot_dimension_numbers<[1], [0], [0], [1], [0, 0, 1, 1], [], []>, transpose_lhs_hint = false} : vector<2000x128xf32>, vector<128x128xf32>, vector<2000x128xf32> -> vector<2000x128xf32>
    %swap3A_68 = arith.constant 0 : index
    %swap3A_69 = arith.constant 0 : index
    %swap3A_70 = vector.load %arg11[%swap3A_68, %swap3A_69] : memref<2000x128xf32, #tpu.memory_space<vmem>>, vector<2000x128xf32>
    tpu.vector_store %arg11[%swap3A_68, %swap3A_69], %dot_general3A_67 {strides = array<i32>} : memref<2000x128xf32, #tpu.memory_space<vmem>>, vector<2000x128xf32>,
    return
  }
  func.func @transform_0(%arg0: i32) -> (i32, i32) {
    %c0_i32 = arith.constant 0 : i32
    %c0_i32_0 = arith.constant 0 : i32
    return %arg0, %c0_i32 : i32, i32
  }
  func.func @transform_1(%arg0: i32) -> (i32, i32) {
    %c0_i32 = arith.constant 0 : i32
    %c0_i32_0 = arith.constant 0 : i32
    %c0_i32_1 = arith.constant 0 : i32
    return %c0_i32, %c0_i32_0 : i32, i32
  }
  func.func @transform_2(%arg0: i32) -> (i32, i32) {
    %c0_i32 = arith.constant 0 : i32
    %c0_i32_0 = arith.constant 0 : i32
    %c0_i32_1 = arith.constant 0 : i32
    return %c0_i32, %c0_i32_0 : i32, i32
  }
  func.func @transform_3(%arg0: i32) -> (i32, i32) {
    %c0_i32 = arith.constant 0 : i32
    %c0_i32_0 = arith.constant 0 : i32
    %c0_i32_1 = arith.constant 0 : i32
    return %c0_i32, %c0_i32_0 : i32, i32
  }
  func.func @transform_4(%arg0: i32) -> (i32, i32) {
    %c0_i32 = arith.constant 0 : i32
    %c0_i32_0 = arith.constant 0 : i32
    %c0_i32_1 = arith.constant 0 : i32
    return %c0_i32, %c0_i32_0 : i32, i32
  }
  func.func @transform_5(%arg0: i32) -> (i32, i32) {
    %c0_i32 = arith.constant 0 : i32
    %c0_i32_0 = arith.constant 0 : i32
    %c0_i32_1 = arith.constant 0 : i32
    return %c0_i32, %c0_i32_0 : i32, i32
  }
  func.func @transform_6(%arg0: i32) -> (i32, i32) {
    %c0_i32 = arith.constant 0 : i32
    %c0_i32_0 = arith.constant 0 : i32
    %c0_i32_1 = arith.constant 0 : i32
    return %c0_i32, %c0_i32_0 : i32, i32
  }
  func.func @transform_7(%arg0: i32) -> (i32, i32) {
    %c0_i32 = arith.constant 0 : i32
    %c0_i32_0 = arith.constant 0 : i32
    %c0_i32_1 = arith.constant 0 : i32
    return %c0_i32, %c0_i32_0 : i32, i32
  }
  func.func @transform_8(%arg0: i32) -> (i32, i32) {
    %c0_i32 = arith.constant 0 : i32
    %c0_i32_0 = arith.constant 0 : i32
    return %arg0, %c0_i32 : i32, i32
  }
  func.func @transform_9(%arg0: i32) -> (i32, i32) {
    %c0_i32 = arith.constant 0 : i32
    %c0_i32_0 = arith.constant 0 : i32
    return %arg0, %c0_i32 : i32, i32
  }
  func.func @transform_10(%arg0: i32) -> (i32, i32) {
    %c0_i32 = arith.constant 0 : i32
    %c0_i32_0 = arith.constant 0 : i32
    return %arg0, %c0_i32 : i32, i32
  }
}

module attributes {stable_mosaic.version = 14 : i64} {
  func.func @_edge_body(%arg0: i32, %arg1: memref<5000x2xf32, #tpu.memory_space<vmem>>, %arg2: memref<5000x128xf32, #tpu.memory_space<vmem>>, %arg3: memref<5000x128xf32, #tpu.memory_space<vmem>>, %arg4: memref<2x128xf32, #tpu.memory_space<vmem>>, %arg5: memref<1x128xf32, #tpu.memory_space<vmem>>, %arg6: memref<1x128xf32, #tpu.memory_space<vmem>>, %arg7: memref<1x128xf32, #tpu.memory_space<vmem>>, %arg8: memref<128x128xf32, #tpu.memory_space<vmem>>, %arg9: memref<1x128xf32, #tpu.memory_space<vmem>>, %arg10: memref<1x128xf32, #tpu.memory_space<vmem>>, %arg11: memref<1x128xf32, #tpu.memory_space<vmem>>, %arg12: memref<128x128xf32, #tpu.memory_space<vmem>>, %arg13: memref<1x128xf32, #tpu.memory_space<vmem>>, %arg14: memref<1x128xf32, #tpu.memory_space<vmem>>, %arg15: memref<1x128xf32, #tpu.memory_space<vmem>>, %arg16: memref<128x128xf32, #tpu.memory_space<vmem>>, %arg17: memref<5000x128xf32, #tpu.memory_space<vmem>>) attributes {dimension_semantics = [#tpu.dimension_semantics<arbitrary>], iteration_bounds = array<i64: 32>, scalar_prefetch = 0 : i64, scratch_operands = 0 : i64, tpu.core_type = #tpu.core_type<tc>, window_params = [{transform_indices = @transform_0, window_bounds = array<i64: 5000, 2>}, {transform_indices = @transform_1, window_bounds = array<i64: 5000, 128>}, {transform_indices = @transform_2, window_bounds = array<i64: 5000, 128>}, {pipeline_mode = #tpu.pipeline_mode<synchronous>, transform_indices = @transform_3, window_bounds = array<i64: 2, 128>}, {pipeline_mode = #tpu.pipeline_mode<synchronous>, transform_indices = @transform_4, window_bounds = array<i64: 1, 128>}, {pipeline_mode = #tpu.pipeline_mode<synchronous>, transform_indices = @transform_5, window_bounds = array<i64: 1, 128>}, {pipeline_mode = #tpu.pipeline_mode<synchronous>, transform_indices = @transform_6, window_bounds = array<i64: 1, 128>}, {pipeline_mode = #tpu.pipeline_mode<synchronous>, transform_indices = @transform_7, window_bounds = array<i64: 128, 128>}, {pipeline_mode = #tpu.pipeline_mode<synchronous>, transform_indices = @transform_8, window_bounds = array<i64: 1, 128>}, {pipeline_mode = #tpu.pipeline_mode<synchronous>, transform_indices = @transform_9, window_bounds = array<i64: 1, 128>}, {pipeline_mode = #tpu.pipeline_mode<synchronous>, transform_indices = @transform_10, window_bounds = array<i64: 1, 128>}, {pipeline_mode = #tpu.pipeline_mode<synchronous>, transform_indices = @transform_11, window_bounds = array<i64: 128, 128>}, {pipeline_mode = #tpu.pipeline_mode<synchronous>, transform_indices = @transform_12, window_bounds = array<i64: 1, 128>}, {pipeline_mode = #tpu.pipeline_mode<synchronous>, transform_indices = @transform_13, window_bounds = array<i64: 1, 128>}, {pipeline_mode = #tpu.pipeline_mode<synchronous>, transform_indices = @transform_14, window_bounds = array<i64: 1, 128>}, {pipeline_mode = #tpu.pipeline_mode<synchronous>, transform_indices = @transform_15, window_bounds = array<i64: 128, 128>}, {transform_indices = @transform_16, window_bounds = array<i64: 5000, 128>}]} {
    %get3A = arith.constant 0 : index
    %get3A_0 = arith.constant 0 : index
    %get3A_1 = vector.load %arg1[%get3A, %get3A_0] : memref<5000x2xf32, #tpu.memory_space<vmem>>, vector<5000x2xf32>
    %get3A_2 = arith.constant 0 : index
    %get3A_3 = arith.constant 0 : index
    %get3A_4 = vector.load %arg4[%get3A_2, %get3A_3] : memref<2x128xf32, #tpu.memory_space<vmem>>, vector<2x128xf32>
    %dot_general3A = arith.constant dense<0.000000e+00> : vector<5000x128xf32>
    %dot_general3A_5 = tpu.matmul %get3A_1, %get3A_4, %dot_general3A {dimension_numbers = #tpu.dot_dimension_numbers<[1], [0], [0], [1], [0, 0, 1, 1], [], []>, transpose_lhs_hint = false} : vector<5000x2xf32>, vector<2x128xf32>, vector<5000x128xf32> -> vector<5000x128xf32>
    %get3A_6 = arith.constant 0 : index
    %get3A_7 = arith.constant 0 : index
    %get3A_8 = vector.load %arg5[%get3A_6, %get3A_7] : memref<1x128xf32, #tpu.memory_space<vmem>>, vector<1x128xf32>
    %add3A = vector.broadcast %get3A_8 : vector<1x128xf32> to vector<5000x128xf32>
    %add3A_9 = arith.addf %dot_general3A_5, %add3A : vector<5000x128xf32>
    %get3A_10 = arith.constant 0 : index
    %get3A_11 = arith.constant 0 : index
    %get3A_12 = vector.load %arg6[%get3A_10, %get3A_11] : memref<1x128xf32, #tpu.memory_space<vmem>>, vector<1x128xf32>
    %get3A_13 = arith.constant 0 : index
    %get3A_14 = arith.constant 0 : index
    %get3A_15 = vector.load %arg7[%get3A_13, %get3A_14] : memref<1x128xf32, #tpu.memory_space<vmem>>, vector<1x128xf32>
    %reduce_sum3A = arith.constant dense<0.000000e+00> : vector<5000xf32>
    %reduce_sum3A_16 = vector.multi_reduction <add>, %add3A_9, %reduce_sum3A [1] : vector<5000x128xf32> to vector<5000xf32>
    %broadcast_in_dim3A = vector.shape_cast %reduce_sum3A_16 : vector<5000xf32> to vector<5000x1xf32>
    %div3A = arith.constant 1.280000e+02 : f32
    %div3A_17 = vector.broadcast %div3A : f32 to vector<5000x1xf32>
    %div3A_18 = arith.divf %broadcast_in_dim3A, %div3A_17 : vector<5000x1xf32>
    %jit3A = arith.constant 0 : i32
    %reduce_sum3A_19 = arith.constant dense<0.000000e+00> : vector<5000xf32>
    %reduce_sum3A_20 = vector.multi_reduction <add>, %add3A_9, %reduce_sum3A_19 [1] : vector<5000x128xf32> to vector<5000xf32>
    %broadcast_in_dim3A_21 = vector.shape_cast %reduce_sum3A_20 : vector<5000xf32> to vector<5000x1xf32>
    %div3A_22 = arith.constant 1.280000e+02 : f32
    %div3A_23 = vector.broadcast %div3A_22 : f32 to vector<5000x1xf32>
    %div3A_24 = arith.divf %broadcast_in_dim3A_21, %div3A_23 : vector<5000x1xf32>
    %sub3A = vector.broadcast %div3A_24 : vector<5000x1xf32> to vector<5000x128xf32>
    %sub3A_25 = arith.subf %add3A_9, %sub3A : vector<5000x128xf32>
    %square3A = arith.mulf %sub3A_25, %sub3A_25 : vector<5000x128xf32>
    %convert_element_type3A = arith.sitofp %jit3A : i32 to f32
    %sub3A_26 = arith.constant 1.280000e+02 : f32
    %sub3A_27 = arith.subf %sub3A_26, %convert_element_type3A : f32
    %reduce_sum3A_28 = arith.constant dense<0.000000e+00> : vector<5000xf32>
    %reduce_sum3A_29 = vector.multi_reduction <add>, %square3A, %reduce_sum3A_28 [1] : vector<5000x128xf32> to vector<5000xf32>
    %broadcast_in_dim3A_30 = vector.shape_cast %reduce_sum3A_29 : vector<5000xf32> to vector<5000x1xf32>
    %div3A_31 = vector.broadcast %sub3A_27 : f32 to vector<5000x1xf32>
    %div3A_32 = arith.divf %broadcast_in_dim3A_30, %div3A_31 : vector<5000x1xf32>
    %gt3A = arith.constant 0.000000e+00 : f32
    %gt3A_33 = arith.cmpf ogt, %sub3A_27, %gt3A : f32
    %jit3A_34 = arith.constant 0x7FC00000 : f32
    %broadcast_in_dim3A_35 = vector.broadcast %jit3A_34 : f32 to vector<5000x1xf32>
    %select_n3A = arith.select %gt3A_33, %div3A_32, %broadcast_in_dim3A_35 : vector<5000x1xf32>
    %sub3A_36 = vector.broadcast %div3A_18 : vector<5000x1xf32> to vector<5000x128xf32>
    %sub3A_37 = arith.subf %add3A_9, %sub3A_36 : vector<5000x128xf32>
    %add3A_38 = arith.constant 9.99999974E-6 : f32
    %add3A_39 = vector.broadcast %add3A_38 : f32 to vector<5000x1xf32>
    %add3A_40 = arith.addf %select_n3A, %add3A_39 : vector<5000x1xf32>
    %sqrt3A = math.sqrt %add3A_40 : vector<5000x1xf32>
    %div3A_41 = vector.broadcast %sqrt3A : vector<5000x1xf32> to vector<5000x128xf32>
    %div3A_42 = arith.divf %sub3A_37, %div3A_41 : vector<5000x128xf32>
    %mul3A = vector.broadcast %get3A_12 : vector<1x128xf32> to vector<5000x128xf32>
    %mul3A_43 = arith.mulf %div3A_42, %mul3A : vector<5000x128xf32>
    %add3A_44 = vector.broadcast %get3A_15 : vector<1x128xf32> to vector<5000x128xf32>
    %add3A_45 = arith.addf %mul3A_43, %add3A_44 : vector<5000x128xf32>
    %max3A = arith.constant 0.000000e+00 : f32
    %max3A_46 = vector.broadcast %max3A : f32 to vector<5000x128xf32>
    %max3A_47 = arith.maximumf %add3A_45, %max3A_46 : vector<5000x128xf32>
    %get3A_48 = arith.constant 0 : index
    %get3A_49 = arith.constant 0 : index
    %get3A_50 = vector.load %arg8[%get3A_48, %get3A_49] : memref<128x128xf32, #tpu.memory_space<vmem>>, vector<128x128xf32>
    %dot_general3A_51 = arith.constant dense<0.000000e+00> : vector<5000x128xf32>
    %dot_general3A_52 = tpu.matmul %max3A_47, %get3A_50, %dot_general3A_51 {dimension_numbers = #tpu.dot_dimension_numbers<[1], [0], [0], [1], [0, 0, 1, 1], [], []>, transpose_lhs_hint = false} : vector<5000x128xf32>, vector<128x128xf32>, vector<5000x128xf32> -> vector<5000x128xf32>
    %get3A_53 = arith.constant 0 : index
    %get3A_54 = arith.constant 0 : index
    %get3A_55 = vector.load %arg9[%get3A_53, %get3A_54] : memref<1x128xf32, #tpu.memory_space<vmem>>, vector<1x128xf32>
    %add3A_56 = vector.broadcast %get3A_55 : vector<1x128xf32> to vector<5000x128xf32>
    %add3A_57 = arith.addf %dot_general3A_52, %add3A_56 : vector<5000x128xf32>
    %get3A_58 = arith.constant 0 : index
    %get3A_59 = arith.constant 0 : index
    %get3A_60 = vector.load %arg10[%get3A_58, %get3A_59] : memref<1x128xf32, #tpu.memory_space<vmem>>, vector<1x128xf32>
    %get3A_61 = arith.constant 0 : index
    %get3A_62 = arith.constant 0 : index
    %get3A_63 = vector.load %arg11[%get3A_61, %get3A_62] : memref<1x128xf32, #tpu.memory_space<vmem>>, vector<1x128xf32>
    %reduce_sum3A_64 = arith.constant dense<0.000000e+00> : vector<5000xf32>
    %reduce_sum3A_65 = vector.multi_reduction <add>, %add3A_57, %reduce_sum3A_64 [1] : vector<5000x128xf32> to vector<5000xf32>
    %broadcast_in_dim3A_66 = vector.shape_cast %reduce_sum3A_65 : vector<5000xf32> to vector<5000x1xf32>
    %div3A_67 = arith.constant 1.280000e+02 : f32
    %div3A_68 = vector.broadcast %div3A_67 : f32 to vector<5000x1xf32>
    %div3A_69 = arith.divf %broadcast_in_dim3A_66, %div3A_68 : vector<5000x1xf32>
    %jit3A_70 = arith.constant 0 : i32
    %reduce_sum3A_71 = arith.constant dense<0.000000e+00> : vector<5000xf32>
    %reduce_sum3A_72 = vector.multi_reduction <add>, %add3A_57, %reduce_sum3A_71 [1] : vector<5000x128xf32> to vector<5000xf32>
    %broadcast_in_dim3A_73 = vector.shape_cast %reduce_sum3A_72 : vector<5000xf32> to vector<5000x1xf32>
    %div3A_74 = arith.constant 1.280000e+02 : f32
    %div3A_75 = vector.broadcast %div3A_74 : f32 to vector<5000x1xf32>
    %div3A_76 = arith.divf %broadcast_in_dim3A_73, %div3A_75 : vector<5000x1xf32>
    %sub3A_77 = vector.broadcast %div3A_76 : vector<5000x1xf32> to vector<5000x128xf32>
    %sub3A_78 = arith.subf %add3A_57, %sub3A_77 : vector<5000x128xf32>
    %square3A_79 = arith.mulf %sub3A_78, %sub3A_78 : vector<5000x128xf32>
    %convert_element_type3A_80 = arith.sitofp %jit3A_70 : i32 to f32
    %sub3A_81 = arith.constant 1.280000e+02 : f32
    %sub3A_82 = arith.subf %sub3A_81, %convert_element_type3A_80 : f32
    %reduce_sum3A_83 = arith.constant dense<0.000000e+00> : vector<5000xf32>
    %reduce_sum3A_84 = vector.multi_reduction <add>, %square3A_79, %reduce_sum3A_83 [1] : vector<5000x128xf32> to vector<5000xf32>
    %broadcast_in_dim3A_85 = vector.shape_cast %reduce_sum3A_84 : vector<5000xf32> to vector<5000x1xf32>
    %div3A_86 = vector.broadcast %sub3A_82 : f32 to vector<5000x1xf32>
    %div3A_87 = arith.divf %broadcast_in_dim3A_85, %div3A_86 : vector<5000x1xf32>
    %gt3A_88 = arith.constant 0.000000e+00 : f32
    %gt3A_89 = arith.cmpf ogt, %sub3A_82, %gt3A_88 : f32
    %jit3A_90 = arith.constant 0x7FC00000 : f32
    %broadcast_in_dim3A_91 = vector.broadcast %jit3A_90 : f32 to vector<5000x1xf32>
    %select_n3A_92 = arith.select %gt3A_89, %div3A_87, %broadcast_in_dim3A_91 : vector<5000x1xf32>
    %sub3A_93 = vector.broadcast %div3A_69 : vector<5000x1xf32> to vector<5000x128xf32>
    %sub3A_94 = arith.subf %add3A_57, %sub3A_93 : vector<5000x128xf32>
    %add3A_95 = arith.constant 9.99999974E-6 : f32
    %add3A_96 = vector.broadcast %add3A_95 : f32 to vector<5000x1xf32>
    %add3A_97 = arith.addf %select_n3A_92, %add3A_96 : vector<5000x1xf32>
    %sqrt3A_98 = math.sqrt %add3A_97 : vector<5000x1xf32>
    %div3A_99 = vector.broadcast %sqrt3A_98 : vector<5000x1xf32> to vector<5000x128xf32>
    %div3A_100 = arith.divf %sub3A_94, %div3A_99 : vector<5000x128xf32>
    %mul3A_101 = vector.broadcast %get3A_60 : vector<1x128xf32> to vector<5000x128xf32>
    %mul3A_102 = arith.mulf %div3A_100, %mul3A_101 : vector<5000x128xf32>
    %add3A_103 = vector.broadcast %get3A_63 : vector<1x128xf32> to vector<5000x128xf32>
    %add3A_104 = arith.addf %mul3A_102, %add3A_103 : vector<5000x128xf32>
    %max3A_105 = arith.constant 0.000000e+00 : f32
    %max3A_106 = vector.broadcast %max3A_105 : f32 to vector<5000x128xf32>
    %max3A_107 = arith.maximumf %add3A_104, %max3A_106 : vector<5000x128xf32>
    %get3A_108 = arith.constant 0 : index
    %get3A_109 = arith.constant 0 : index
    %get3A_110 = vector.load %arg12[%get3A_108, %get3A_109] : memref<128x128xf32, #tpu.memory_space<vmem>>, vector<128x128xf32>
    %dot_general3A_111 = arith.constant dense<0.000000e+00> : vector<5000x128xf32>
    %dot_general3A_112 = tpu.matmul %max3A_107, %get3A_110, %dot_general3A_111 {dimension_numbers = #tpu.dot_dimension_numbers<[1], [0], [0], [1], [0, 0, 1, 1], [], []>, transpose_lhs_hint = false} : vector<5000x128xf32>, vector<128x128xf32>, vector<5000x128xf32> -> vector<5000x128xf32>
    %get3A_113 = arith.constant 0 : index
    %get3A_114 = arith.constant 0 : index
    %get3A_115 = vector.load %arg2[%get3A_113, %get3A_114] : memref<5000x128xf32, #tpu.memory_space<vmem>>, vector<5000x128xf32>
    %add3A_116 = arith.addf %dot_general3A_112, %get3A_115 : vector<5000x128xf32>
    %get3A_117 = arith.constant 0 : index
    %get3A_118 = arith.constant 0 : index
    %get3A_119 = vector.load %arg3[%get3A_117, %get3A_118] : memref<5000x128xf32, #tpu.memory_space<vmem>>, vector<5000x128xf32>
    %add3A_120 = arith.addf %add3A_116, %get3A_119 : vector<5000x128xf32>
    %get3A_121 = arith.constant 0 : index
    %get3A_122 = arith.constant 0 : index
    %get3A_123 = vector.load %arg13[%get3A_121, %get3A_122] : memref<1x128xf32, #tpu.memory_space<vmem>>, vector<1x128xf32>
    %add3A_124 = vector.broadcast %get3A_123 : vector<1x128xf32> to vector<5000x128xf32>
    %add3A_125 = arith.addf %add3A_120, %add3A_124 : vector<5000x128xf32>
    %get3A_126 = arith.constant 0 : index
    %get3A_127 = arith.constant 0 : index
    %get3A_128 = vector.load %arg14[%get3A_126, %get3A_127] : memref<1x128xf32, #tpu.memory_space<vmem>>, vector<1x128xf32>
    %get3A_129 = arith.constant 0 : index
    %get3A_130 = arith.constant 0 : index
    %get3A_131 = vector.load %arg15[%get3A_129, %get3A_130] : memref<1x128xf32, #tpu.memory_space<vmem>>, vector<1x128xf32>
    %reduce_sum3A_132 = arith.constant dense<0.000000e+00> : vector<5000xf32>
    %reduce_sum3A_133 = vector.multi_reduction <add>, %add3A_125, %reduce_sum3A_132 [1] : vector<5000x128xf32> to vector<5000xf32>
    %broadcast_in_dim3A_134 = vector.shape_cast %reduce_sum3A_133 : vector<5000xf32> to vector<5000x1xf32>
    %div3A_135 = arith.constant 1.280000e+02 : f32
    %div3A_136 = vector.broadcast %div3A_135 : f32 to vector<5000x1xf32>
    %div3A_137 = arith.divf %broadcast_in_dim3A_134, %div3A_136 : vector<5000x1xf32>
    %jit3A_138 = arith.constant 0 : i32
    %reduce_sum3A_139 = arith.constant dense<0.000000e+00> : vector<5000xf32>
    %reduce_sum3A_140 = vector.multi_reduction <add>, %add3A_125, %reduce_sum3A_139 [1] : vector<5000x128xf32> to vector<5000xf32>
    %broadcast_in_dim3A_141 = vector.shape_cast %reduce_sum3A_140 : vector<5000xf32> to vector<5000x1xf32>
    %div3A_142 = arith.constant 1.280000e+02 : f32
    %div3A_143 = vector.broadcast %div3A_142 : f32 to vector<5000x1xf32>
    %div3A_144 = arith.divf %broadcast_in_dim3A_141, %div3A_143 : vector<5000x1xf32>
    %sub3A_145 = vector.broadcast %div3A_144 : vector<5000x1xf32> to vector<5000x128xf32>
    %sub3A_146 = arith.subf %add3A_125, %sub3A_145 : vector<5000x128xf32>
    %square3A_147 = arith.mulf %sub3A_146, %sub3A_146 : vector<5000x128xf32>
    %convert_element_type3A_148 = arith.sitofp %jit3A_138 : i32 to f32
    %sub3A_149 = arith.constant 1.280000e+02 : f32
    %sub3A_150 = arith.subf %sub3A_149, %convert_element_type3A_148 : f32
    %reduce_sum3A_151 = arith.constant dense<0.000000e+00> : vector<5000xf32>
    %reduce_sum3A_152 = vector.multi_reduction <add>, %square3A_147, %reduce_sum3A_151 [1] : vector<5000x128xf32> to vector<5000xf32>
    %broadcast_in_dim3A_153 = vector.shape_cast %reduce_sum3A_152 : vector<5000xf32> to vector<5000x1xf32>
    %div3A_154 = vector.broadcast %sub3A_150 : f32 to vector<5000x1xf32>
    %div3A_155 = arith.divf %broadcast_in_dim3A_153, %div3A_154 : vector<5000x1xf32>
    %gt3A_156 = arith.constant 0.000000e+00 : f32
    %gt3A_157 = arith.cmpf ogt, %sub3A_150, %gt3A_156 : f32
    %jit3A_158 = arith.constant 0x7FC00000 : f32
    %broadcast_in_dim3A_159 = vector.broadcast %jit3A_158 : f32 to vector<5000x1xf32>
    %select_n3A_160 = arith.select %gt3A_157, %div3A_155, %broadcast_in_dim3A_159 : vector<5000x1xf32>
    %sub3A_161 = vector.broadcast %div3A_137 : vector<5000x1xf32> to vector<5000x128xf32>
    %sub3A_162 = arith.subf %add3A_125, %sub3A_161 : vector<5000x128xf32>
    %add3A_163 = arith.constant 9.99999974E-6 : f32
    %add3A_164 = vector.broadcast %add3A_163 : f32 to vector<5000x1xf32>
    %add3A_165 = arith.addf %select_n3A_160, %add3A_164 : vector<5000x1xf32>
    %sqrt3A_166 = math.sqrt %add3A_165 : vector<5000x1xf32>
    %div3A_167 = vector.broadcast %sqrt3A_166 : vector<5000x1xf32> to vector<5000x128xf32>
    %div3A_168 = arith.divf %sub3A_162, %div3A_167 : vector<5000x128xf32>
    %mul3A_169 = vector.broadcast %get3A_128 : vector<1x128xf32> to vector<5000x128xf32>
    %mul3A_170 = arith.mulf %div3A_168, %mul3A_169 : vector<5000x128xf32>
    %add3A_171 = vector.broadcast %get3A_131 : vector<1x128xf32> to vector<5000x128xf32>
    %add3A_172 = arith.addf %mul3A_170, %add3A_171 : vector<5000x128xf32>
    %max3A_173 = arith.constant 0.000000e+00 : f32
    %max3A_174 = vector.broadcast %max3A_173 : f32 to vector<5000x128xf32>
    %max3A_175 = arith.maximumf %add3A_172, %max3A_174 : vector<5000x128xf32>
    %get3A_176 = arith.constant 0 : index
    %get3A_177 = arith.constant 0 : index
    %get3A_178 = vector.load %arg16[%get3A_176, %get3A_177] : memref<128x128xf32, #tpu.memory_space<vmem>>, vector<128x128xf32>
    %dot_general3A_179 = arith.constant dense<0.000000e+00> : vector<5000x128xf32>
    %dot_general3A_180 = tpu.matmul %max3A_175, %get3A_178, %dot_general3A_179 {dimension_numbers = #tpu.dot_dimension_numbers<[1], [0], [0], [1], [0, 0, 1, 1], [], []>, transpose_lhs_hint = false} : vector<5000x128xf32>, vector<128x128xf32>, vector<5000x128xf32> -> vector<5000x128xf32>
    %swap3A = arith.constant 0 : index
    %swap3A_181 = arith.constant 0 : index
    %swap3A_182 = vector.load %arg17[%swap3A, %swap3A_181] : memref<5000x128xf32, #tpu.memory_space<vmem>>, vector<5000x128xf32>
    tpu.vector_store %arg17[%swap3A, %swap3A_181], %dot_general3A_180 {strides = array<i32>} : memref<5000x128xf32, #tpu.memory_space<vmem>>, vector<5000x128xf32>,
    return
  }
  func.func @transform_0(%arg0: i32) -> (i32, i32) {
    %c0_i32 = arith.constant 0 : i32
    %c0_i32_0 = arith.constant 0 : i32
    return %arg0, %c0_i32 : i32, i32
  }
  func.func @transform_1(%arg0: i32) -> (i32, i32) {
    %c0_i32 = arith.constant 0 : i32
    %c0_i32_0 = arith.constant 0 : i32
    return %arg0, %c0_i32 : i32, i32
  }
  func.func @transform_2(%arg0: i32) -> (i32, i32) {
    %c0_i32 = arith.constant 0 : i32
    %c0_i32_0 = arith.constant 0 : i32
    return %arg0, %c0_i32 : i32, i32
  }
  func.func @transform_3(%arg0: i32) -> (i32, i32) {
    %c0_i32 = arith.constant 0 : i32
    %c0_i32_0 = arith.constant 0 : i32
    %c0_i32_1 = arith.constant 0 : i32
    return %c0_i32, %c0_i32_0 : i32, i32
  }
  func.func @transform_4(%arg0: i32) -> (i32, i32) {
    %c0_i32 = arith.constant 0 : i32
    %c0_i32_0 = arith.constant 0 : i32
    %c0_i32_1 = arith.constant 0 : i32
    return %c0_i32, %c0_i32_0 : i32, i32
  }
  func.func @transform_5(%arg0: i32) -> (i32, i32) {
    %c0_i32 = arith.constant 0 : i32
    %c0_i32_0 = arith.constant 0 : i32
    %c0_i32_1 = arith.constant 0 : i32
    return %c0_i32, %c0_i32_0 : i32, i32
  }
  func.func @transform_6(%arg0: i32) -> (i32, i32) {
    %c0_i32 = arith.constant 0 : i32
    %c0_i32_0 = arith.constant 0 : i32
    %c0_i32_1 = arith.constant 0 : i32
    return %c0_i32, %c0_i32_0 : i32, i32
  }
  func.func @transform_7(%arg0: i32) -> (i32, i32) {
    %c0_i32 = arith.constant 0 : i32
    %c0_i32_0 = arith.constant 0 : i32
    %c0_i32_1 = arith.constant 0 : i32
    return %c0_i32, %c0_i32_0 : i32, i32
  }
  func.func @transform_8(%arg0: i32) -> (i32, i32) {
    %c0_i32 = arith.constant 0 : i32
    %c0_i32_0 = arith.constant 0 : i32
    %c0_i32_1 = arith.constant 0 : i32
    return %c0_i32, %c0_i32_0 : i32, i32
  }
  func.func @transform_9(%arg0: i32) -> (i32, i32) {
    %c0_i32 = arith.constant 0 : i32
    %c0_i32_0 = arith.constant 0 : i32
    %c0_i32_1 = arith.constant 0 : i32
    return %c0_i32, %c0_i32_0 : i32, i32
  }
  func.func @transform_10(%arg0: i32) -> (i32, i32) {
    %c0_i32 = arith.constant 0 : i32
    %c0_i32_0 = arith.constant 0 : i32
    %c0_i32_1 = arith.constant 0 : i32
    return %c0_i32, %c0_i32_0 : i32, i32
  }
  func.func @transform_11(%arg0: i32) -> (i32, i32) {
    %c0_i32 = arith.constant 0 : i32
    %c0_i32_0 = arith.constant 0 : i32
    %c0_i32_1 = arith.constant 0 : i32
    return %c0_i32, %c0_i32_0 : i32, i32
  }
  func.func @transform_12(%arg0: i32) -> (i32, i32) {
    %c0_i32 = arith.constant 0 : i32
    %c0_i32_0 = arith.constant 0 : i32
    %c0_i32_1 = arith.constant 0 : i32
    return %c0_i32, %c0_i32_0 : i32, i32
  }
  func.func @transform_13(%arg0: i32) -> (i32, i32) {
    %c0_i32 = arith.constant 0 : i32
    %c0_i32_0 = arith.constant 0 : i32
    %c0_i32_1 = arith.constant 0 : i32
    return %c0_i32, %c0_i32_0 : i32, i32
  }
  func.func @transform_14(%arg0: i32) -> (i32, i32) {
    %c0_i32 = arith.constant 0 : i32
    %c0_i32_0 = arith.constant 0 : i32
    %c0_i32_1 = arith.constant 0 : i32
    return %c0_i32, %c0_i32_0 : i32, i32
  }
  func.func @transform_15(%arg0: i32) -> (i32, i32) {
    %c0_i32 = arith.constant 0 : i32
    %c0_i32_0 = arith.constant 0 : i32
    %c0_i32_1 = arith.constant 0 : i32
    return %c0_i32, %c0_i32_0 : i32, i32
  }
  func.func @transform_16(%arg0: i32) -> (i32, i32) {
    %c0_i32 = arith.constant 0 : i32
    %c0_i32_0 = arith.constant 0 : i32
    return %arg0, %c0_i32 : i32, i32
  }
}

module attributes {stable_mosaic.version = 14 : i64} {
  func.func @_node_post_body(%arg0: i32, %arg1: memref<2000x128xf32, #tpu.memory_space<vmem>>, %arg2: memref<2000x128xf32, #tpu.memory_space<vmem>>, %arg3: memref<2000x128xf32, #tpu.memory_space<vmem>>, %arg4: memref<2000x128xf32, #tpu.memory_space<vmem>>, %arg5: memref<2000x128xf32, #tpu.memory_space<vmem>>, %arg6: memref<2000x128xf32, #tpu.memory_space<vmem>>, %arg7: memref<1x128xf32, #tpu.memory_space<vmem>>, %arg8: memref<1x128xf32, #tpu.memory_space<vmem>>, %arg9: memref<128x128xf32, #tpu.memory_space<vmem>>, %arg10: memref<1x128xf32, #tpu.memory_space<vmem>>, %arg11: memref<1x128xf32, #tpu.memory_space<vmem>>, %arg12: memref<1x128xf32, #tpu.memory_space<vmem>>, %arg13: memref<2000x128xf32, #tpu.memory_space<vmem>>) attributes {dimension_semantics = [#tpu.dimension_semantics<arbitrary>], iteration_bounds = array<i64: 5>, scalar_prefetch = 0 : i64, scratch_operands = 0 : i64, tpu.core_type = #tpu.core_type<tc>, window_params = [{transform_indices = @transform_0, window_bounds = array<i64: 2000, 128>}, {transform_indices = @transform_1, window_bounds = array<i64: 2000, 128>}, {transform_indices = @transform_2, window_bounds = array<i64: 2000, 128>}, {transform_indices = @transform_3, window_bounds = array<i64: 2000, 128>}, {transform_indices = @transform_4, window_bounds = array<i64: 2000, 128>}, {transform_indices = @transform_5, window_bounds = array<i64: 2000, 128>}, {pipeline_mode = #tpu.pipeline_mode<synchronous>, transform_indices = @transform_6, window_bounds = array<i64: 1, 128>}, {pipeline_mode = #tpu.pipeline_mode<synchronous>, transform_indices = @transform_7, window_bounds = array<i64: 1, 128>}, {pipeline_mode = #tpu.pipeline_mode<synchronous>, transform_indices = @transform_8, window_bounds = array<i64: 128, 128>}, {pipeline_mode = #tpu.pipeline_mode<synchronous>, transform_indices = @transform_9, window_bounds = array<i64: 1, 128>}, {pipeline_mode = #tpu.pipeline_mode<synchronous>, transform_indices = @transform_10, window_bounds = array<i64: 1, 128>}, {pipeline_mode = #tpu.pipeline_mode<synchronous>, transform_indices = @transform_11, window_bounds = array<i64: 1, 128>}, {transform_indices = @transform_12, window_bounds = array<i64: 2000, 128>}]} {
    %get3A = arith.constant 0 : index
    %get3A_0 = arith.constant 0 : index
    %get3A_1 = vector.load %arg1[%get3A, %get3A_0] : memref<2000x128xf32, #tpu.memory_space<vmem>>, vector<2000x128xf32>
    %get3A_2 = arith.constant 0 : index
    %get3A_3 = arith.constant 0 : index
    %get3A_4 = vector.load %arg2[%get3A_2, %get3A_3] : memref<2000x128xf32, #tpu.memory_space<vmem>>, vector<2000x128xf32>
    %add3A = arith.addf %get3A_1, %get3A_4 : vector<2000x128xf32>
    %get3A_5 = arith.constant 0 : index
    %get3A_6 = arith.constant 0 : index
    %get3A_7 = vector.load %arg3[%get3A_5, %get3A_6] : memref<2000x128xf32, #tpu.memory_space<vmem>>, vector<2000x128xf32>
    %add3A_8 = arith.addf %add3A, %get3A_7 : vector<2000x128xf32>
    %get3A_9 = arith.constant 0 : index
    %get3A_10 = arith.constant 0 : index
    %get3A_11 = vector.load %arg4[%get3A_9, %get3A_10] : memref<2000x128xf32, #tpu.memory_space<vmem>>, vector<2000x128xf32>
    %add3A_12 = arith.addf %add3A_8, %get3A_11 : vector<2000x128xf32>
    %get3A_13 = arith.constant 0 : index
    %get3A_14 = arith.constant 0 : index
    %get3A_15 = vector.load %arg5[%get3A_13, %get3A_14] : memref<2000x128xf32, #tpu.memory_space<vmem>>, vector<2000x128xf32>
    %add3A_16 = arith.addf %add3A_12, %get3A_15 : vector<2000x128xf32>
    %get3A_17 = arith.constant 0 : index
    %get3A_18 = arith.constant 0 : index
    %get3A_19 = vector.load %arg7[%get3A_17, %get3A_18] : memref<1x128xf32, #tpu.memory_space<vmem>>, vector<1x128xf32>
    %get3A_20 = arith.constant 0 : index
    %get3A_21 = arith.constant 0 : index
    %get3A_22 = vector.load %arg8[%get3A_20, %get3A_21] : memref<1x128xf32, #tpu.memory_space<vmem>>, vector<1x128xf32>
    %reduce_sum3A = arith.constant dense<0.000000e+00> : vector<2000xf32>
    %reduce_sum3A_23 = vector.multi_reduction <add>, %add3A_16, %reduce_sum3A [1] : vector<2000x128xf32> to vector<2000xf32>
    %broadcast_in_dim3A = vector.shape_cast %reduce_sum3A_23 : vector<2000xf32> to vector<2000x1xf32>
    %div3A = arith.constant 1.280000e+02 : f32
    %div3A_24 = vector.broadcast %div3A : f32 to vector<2000x1xf32>
    %div3A_25 = arith.divf %broadcast_in_dim3A, %div3A_24 : vector<2000x1xf32>
    %jit3A = arith.constant 0 : i32
    %reduce_sum3A_26 = arith.constant dense<0.000000e+00> : vector<2000xf32>
    %reduce_sum3A_27 = vector.multi_reduction <add>, %add3A_16, %reduce_sum3A_26 [1] : vector<2000x128xf32> to vector<2000xf32>
    %broadcast_in_dim3A_28 = vector.shape_cast %reduce_sum3A_27 : vector<2000xf32> to vector<2000x1xf32>
    %div3A_29 = arith.constant 1.280000e+02 : f32
    %div3A_30 = vector.broadcast %div3A_29 : f32 to vector<2000x1xf32>
    %div3A_31 = arith.divf %broadcast_in_dim3A_28, %div3A_30 : vector<2000x1xf32>
    %sub3A = vector.broadcast %div3A_31 : vector<2000x1xf32> to vector<2000x128xf32>
    %sub3A_32 = arith.subf %add3A_16, %sub3A : vector<2000x128xf32>
    %square3A = arith.mulf %sub3A_32, %sub3A_32 : vector<2000x128xf32>
    %convert_element_type3A = arith.sitofp %jit3A : i32 to f32
    %sub3A_33 = arith.constant 1.280000e+02 : f32
    %sub3A_34 = arith.subf %sub3A_33, %convert_element_type3A : f32
    %reduce_sum3A_35 = arith.constant dense<0.000000e+00> : vector<2000xf32>
    %reduce_sum3A_36 = vector.multi_reduction <add>, %square3A, %reduce_sum3A_35 [1] : vector<2000x128xf32> to vector<2000xf32>
    %broadcast_in_dim3A_37 = vector.shape_cast %reduce_sum3A_36 : vector<2000xf32> to vector<2000x1xf32>
    %div3A_38 = vector.broadcast %sub3A_34 : f32 to vector<2000x1xf32>
    %div3A_39 = arith.divf %broadcast_in_dim3A_37, %div3A_38 : vector<2000x1xf32>
    %gt3A = arith.constant 0.000000e+00 : f32
    %gt3A_40 = arith.cmpf ogt, %sub3A_34, %gt3A : f32
    %jit3A_41 = arith.constant 0x7FC00000 : f32
    %broadcast_in_dim3A_42 = vector.broadcast %jit3A_41 : f32 to vector<2000x1xf32>
    %select_n3A = arith.select %gt3A_40, %div3A_39, %broadcast_in_dim3A_42 : vector<2000x1xf32>
    %sub3A_43 = vector.broadcast %div3A_25 : vector<2000x1xf32> to vector<2000x128xf32>
    %sub3A_44 = arith.subf %add3A_16, %sub3A_43 : vector<2000x128xf32>
    %add3A_45 = arith.constant 9.99999974E-6 : f32
    %add3A_46 = vector.broadcast %add3A_45 : f32 to vector<2000x1xf32>
    %add3A_47 = arith.addf %select_n3A, %add3A_46 : vector<2000x1xf32>
    %sqrt3A = math.sqrt %add3A_47 : vector<2000x1xf32>
    %div3A_48 = vector.broadcast %sqrt3A : vector<2000x1xf32> to vector<2000x128xf32>
    %div3A_49 = arith.divf %sub3A_44, %div3A_48 : vector<2000x128xf32>
    %mul3A = vector.broadcast %get3A_19 : vector<1x128xf32> to vector<2000x128xf32>
    %mul3A_50 = arith.mulf %div3A_49, %mul3A : vector<2000x128xf32>
    %add3A_51 = vector.broadcast %get3A_22 : vector<1x128xf32> to vector<2000x128xf32>
    %add3A_52 = arith.addf %mul3A_50, %add3A_51 : vector<2000x128xf32>
    %max3A = arith.constant 0.000000e+00 : f32
    %max3A_53 = vector.broadcast %max3A : f32 to vector<2000x128xf32>
    %max3A_54 = arith.maximumf %add3A_52, %max3A_53 : vector<2000x128xf32>
    %get3A_55 = arith.constant 0 : index
    %get3A_56 = arith.constant 0 : index
    %get3A_57 = vector.load %arg9[%get3A_55, %get3A_56] : memref<128x128xf32, #tpu.memory_space<vmem>>, vector<128x128xf32>
    %dot_general3A = arith.constant dense<0.000000e+00> : vector<2000x128xf32>
    %dot_general3A_58 = tpu.matmul %max3A_54, %get3A_57, %dot_general3A {dimension_numbers = #tpu.dot_dimension_numbers<[1], [0], [0], [1], [0, 0, 1, 1], [], []>, transpose_lhs_hint = false} : vector<2000x128xf32>, vector<128x128xf32>, vector<2000x128xf32> -> vector<2000x128xf32>
    %get3A_59 = arith.constant 0 : index
    %get3A_60 = arith.constant 0 : index
    %get3A_61 = vector.load %arg10[%get3A_59, %get3A_60] : memref<1x128xf32, #tpu.memory_space<vmem>>, vector<1x128xf32>
    %add3A_62 = vector.broadcast %get3A_61 : vector<1x128xf32> to vector<2000x128xf32>
    %add3A_63 = arith.addf %dot_general3A_58, %add3A_62 : vector<2000x128xf32>
    %get3A_64 = arith.constant 0 : index
    %get3A_65 = arith.constant 0 : index
    %get3A_66 = vector.load %arg11[%get3A_64, %get3A_65] : memref<1x128xf32, #tpu.memory_space<vmem>>, vector<1x128xf32>
    %get3A_67 = arith.constant 0 : index
    %get3A_68 = arith.constant 0 : index
    %get3A_69 = vector.load %arg12[%get3A_67, %get3A_68] : memref<1x128xf32, #tpu.memory_space<vmem>>, vector<1x128xf32>
    %reduce_sum3A_70 = arith.constant dense<0.000000e+00> : vector<2000xf32>
    %reduce_sum3A_71 = vector.multi_reduction <add>, %add3A_63, %reduce_sum3A_70 [1] : vector<2000x128xf32> to vector<2000xf32>
    %broadcast_in_dim3A_72 = vector.shape_cast %reduce_sum3A_71 : vector<2000xf32> to vector<2000x1xf32>
    %div3A_73 = arith.constant 1.280000e+02 : f32
    %div3A_74 = vector.broadcast %div3A_73 : f32 to vector<2000x1xf32>
    %div3A_75 = arith.divf %broadcast_in_dim3A_72, %div3A_74 : vector<2000x1xf32>
    %jit3A_76 = arith.constant 0 : i32
    %reduce_sum3A_77 = arith.constant dense<0.000000e+00> : vector<2000xf32>
    %reduce_sum3A_78 = vector.multi_reduction <add>, %add3A_63, %reduce_sum3A_77 [1] : vector<2000x128xf32> to vector<2000xf32>
    %broadcast_in_dim3A_79 = vector.shape_cast %reduce_sum3A_78 : vector<2000xf32> to vector<2000x1xf32>
    %div3A_80 = arith.constant 1.280000e+02 : f32
    %div3A_81 = vector.broadcast %div3A_80 : f32 to vector<2000x1xf32>
    %div3A_82 = arith.divf %broadcast_in_dim3A_79, %div3A_81 : vector<2000x1xf32>
    %sub3A_83 = vector.broadcast %div3A_82 : vector<2000x1xf32> to vector<2000x128xf32>
    %sub3A_84 = arith.subf %add3A_63, %sub3A_83 : vector<2000x128xf32>
    %square3A_85 = arith.mulf %sub3A_84, %sub3A_84 : vector<2000x128xf32>
    %convert_element_type3A_86 = arith.sitofp %jit3A_76 : i32 to f32
    %sub3A_87 = arith.constant 1.280000e+02 : f32
    %sub3A_88 = arith.subf %sub3A_87, %convert_element_type3A_86 : f32
    %reduce_sum3A_89 = arith.constant dense<0.000000e+00> : vector<2000xf32>
    %reduce_sum3A_90 = vector.multi_reduction <add>, %square3A_85, %reduce_sum3A_89 [1] : vector<2000x128xf32> to vector<2000xf32>
    %broadcast_in_dim3A_91 = vector.shape_cast %reduce_sum3A_90 : vector<2000xf32> to vector<2000x1xf32>
    %div3A_92 = vector.broadcast %sub3A_88 : f32 to vector<2000x1xf32>
    %div3A_93 = arith.divf %broadcast_in_dim3A_91, %div3A_92 : vector<2000x1xf32>
    %gt3A_94 = arith.constant 0.000000e+00 : f32
    %gt3A_95 = arith.cmpf ogt, %sub3A_88, %gt3A_94 : f32
    %jit3A_96 = arith.constant 0x7FC00000 : f32
    %broadcast_in_dim3A_97 = vector.broadcast %jit3A_96 : f32 to vector<2000x1xf32>
    %select_n3A_98 = arith.select %gt3A_95, %div3A_93, %broadcast_in_dim3A_97 : vector<2000x1xf32>
    %sub3A_99 = vector.broadcast %div3A_75 : vector<2000x1xf32> to vector<2000x128xf32>
    %sub3A_100 = arith.subf %add3A_63, %sub3A_99 : vector<2000x128xf32>
    %add3A_101 = arith.constant 9.99999974E-6 : f32
    %add3A_102 = vector.broadcast %add3A_101 : f32 to vector<2000x1xf32>
    %add3A_103 = arith.addf %select_n3A_98, %add3A_102 : vector<2000x1xf32>
    %sqrt3A_104 = math.sqrt %add3A_103 : vector<2000x1xf32>
    %div3A_105 = vector.broadcast %sqrt3A_104 : vector<2000x1xf32> to vector<2000x128xf32>
    %div3A_106 = arith.divf %sub3A_100, %div3A_105 : vector<2000x128xf32>
    %mul3A_107 = vector.broadcast %get3A_66 : vector<1x128xf32> to vector<2000x128xf32>
    %mul3A_108 = arith.mulf %div3A_106, %mul3A_107 : vector<2000x128xf32>
    %add3A_109 = vector.broadcast %get3A_69 : vector<1x128xf32> to vector<2000x128xf32>
    %add3A_110 = arith.addf %mul3A_108, %add3A_109 : vector<2000x128xf32>
    %get3A_111 = arith.constant 0 : index
    %get3A_112 = arith.constant 0 : index
    %get3A_113 = vector.load %arg6[%get3A_111, %get3A_112] : memref<2000x128xf32, #tpu.memory_space<vmem>>, vector<2000x128xf32>
    %add3A_114 = arith.addf %add3A_110, %get3A_113 : vector<2000x128xf32>
    %max3A_115 = arith.constant 0.000000e+00 : f32
    %max3A_116 = vector.broadcast %max3A_115 : f32 to vector<2000x128xf32>
    %max3A_117 = arith.maximumf %add3A_114, %max3A_116 : vector<2000x128xf32>
    %swap3A = arith.constant 0 : index
    %swap3A_118 = arith.constant 0 : index
    %swap3A_119 = vector.load %arg13[%swap3A, %swap3A_118] : memref<2000x128xf32, #tpu.memory_space<vmem>>, vector<2000x128xf32>
    tpu.vector_store %arg13[%swap3A, %swap3A_118], %max3A_117 {strides = array<i32>} : memref<2000x128xf32, #tpu.memory_space<vmem>>, vector<2000x128xf32>,
    return
  }
  func.func @transform_0(%arg0: i32) -> (i32, i32) {
    %c0_i32 = arith.constant 0 : i32
    %c0_i32_0 = arith.constant 0 : i32
    return %arg0, %c0_i32 : i32, i32
  }
  func.func @transform_1(%arg0: i32) -> (i32, i32) {
    %c0_i32 = arith.constant 0 : i32
    %c0_i32_0 = arith.constant 0 : i32
    return %arg0, %c0_i32 : i32, i32
  }
  func.func @transform_2(%arg0: i32) -> (i32, i32) {
    %c0_i32 = arith.constant 0 : i32
    %c0_i32_0 = arith.constant 0 : i32
    return %arg0, %c0_i32 : i32, i32
  }
  func.func @transform_3(%arg0: i32) -> (i32, i32) {
    %c0_i32 = arith.constant 0 : i32
    %c0_i32_0 = arith.constant 0 : i32
    return %arg0, %c0_i32 : i32, i32
  }
  func.func @transform_4(%arg0: i32) -> (i32, i32) {
    %c0_i32 = arith.constant 0 : i32
    %c0_i32_0 = arith.constant 0 : i32
    return %arg0, %c0_i32 : i32, i32
  }
  func.func @transform_5(%arg0: i32) -> (i32, i32) {
    %c0_i32 = arith.constant 0 : i32
    %c0_i32_0 = arith.constant 0 : i32
    return %arg0, %c0_i32 : i32, i32
  }
  func.func @transform_6(%arg0: i32) -> (i32, i32) {
    %c0_i32 = arith.constant 0 : i32
    %c0_i32_0 = arith.constant 0 : i32
    %c0_i32_1 = arith.constant 0 : i32
    return %c0_i32, %c0_i32_0 : i32, i32
  }
  func.func @transform_7(%arg0: i32) -> (i32, i32) {
    %c0_i32 = arith.constant 0 : i32
    %c0_i32_0 = arith.constant 0 : i32
    %c0_i32_1 = arith.constant 0 : i32
    return %c0_i32, %c0_i32_0 : i32, i32
  }
  func.func @transform_8(%arg0: i32) -> (i32, i32) {
    %c0_i32 = arith.constant 0 : i32
    %c0_i32_0 = arith.constant 0 : i32
    %c0_i32_1 = arith.constant 0 : i32
    return %c0_i32, %c0_i32_0 : i32, i32
  }
  func.func @transform_9(%arg0: i32) -> (i32, i32) {
    %c0_i32 = arith.constant 0 : i32
    %c0_i32_0 = arith.constant 0 : i32
    %c0_i32_1 = arith.constant 0 : i32
    return %c0_i32, %c0_i32_0 : i32, i32
  }
  func.func @transform_10(%arg0: i32) -> (i32, i32) {
    %c0_i32 = arith.constant 0 : i32
    %c0_i32_0 = arith.constant 0 : i32
    %c0_i32_1 = arith.constant 0 : i32
    return %c0_i32, %c0_i32_0 : i32, i32
  }
  func.func @transform_11(%arg0: i32) -> (i32, i32) {
    %c0_i32 = arith.constant 0 : i32
    %c0_i32_0 = arith.constant 0 : i32
    %c0_i32_1 = arith.constant 0 : i32
    return %c0_i32, %c0_i32_0 : i32, i32
  }
  func.func @transform_12(%arg0: i32) -> (i32, i32) {
    %c0_i32 = arith.constant 0 : i32
    %c0_i32_0 = arith.constant 0 : i32
    return %arg0, %c0_i32 : i32, i32
  }
}

module attributes {stable_mosaic.version = 14 : i64} {
  func.func @_node_post_body(%arg0: i32, %arg1: memref<2000x128xf32, #tpu.memory_space<vmem>>, %arg2: memref<2000x128xf32, #tpu.memory_space<vmem>>, %arg3: memref<2000x128xf32, #tpu.memory_space<vmem>>, %arg4: memref<2000x128xf32, #tpu.memory_space<vmem>>, %arg5: memref<2000x128xf32, #tpu.memory_space<vmem>>, %arg6: memref<2000x128xf32, #tpu.memory_space<vmem>>, %arg7: memref<1x128xf32, #tpu.memory_space<vmem>>, %arg8: memref<1x128xf32, #tpu.memory_space<vmem>>, %arg9: memref<128x128xf32, #tpu.memory_space<vmem>>, %arg10: memref<1x128xf32, #tpu.memory_space<vmem>>, %arg11: memref<1x128xf32, #tpu.memory_space<vmem>>, %arg12: memref<1x128xf32, #tpu.memory_space<vmem>>, %arg13: memref<2000x128xf32, #tpu.memory_space<vmem>>) attributes {dimension_semantics = [#tpu.dimension_semantics<arbitrary>], iteration_bounds = array<i64: 5>, scalar_prefetch = 0 : i64, scratch_operands = 0 : i64, tpu.core_type = #tpu.core_type<tc>, window_params = [{transform_indices = @transform_0, window_bounds = array<i64: 2000, 128>}, {transform_indices = @transform_1, window_bounds = array<i64: 2000, 128>}, {transform_indices = @transform_2, window_bounds = array<i64: 2000, 128>}, {transform_indices = @transform_3, window_bounds = array<i64: 2000, 128>}, {transform_indices = @transform_4, window_bounds = array<i64: 2000, 128>}, {transform_indices = @transform_5, window_bounds = array<i64: 2000, 128>}, {pipeline_mode = #tpu.pipeline_mode<synchronous>, transform_indices = @transform_6, window_bounds = array<i64: 1, 128>}, {pipeline_mode = #tpu.pipeline_mode<synchronous>, transform_indices = @transform_7, window_bounds = array<i64: 1, 128>}, {pipeline_mode = #tpu.pipeline_mode<synchronous>, transform_indices = @transform_8, window_bounds = array<i64: 128, 128>}, {pipeline_mode = #tpu.pipeline_mode<synchronous>, transform_indices = @transform_9, window_bounds = array<i64: 1, 128>}, {pipeline_mode = #tpu.pipeline_mode<synchronous>, transform_indices = @transform_10, window_bounds = array<i64: 1, 128>}, {pipeline_mode = #tpu.pipeline_mode<synchronous>, transform_indices = @transform_11, window_bounds = array<i64: 1, 128>}, {transform_indices = @transform_12, window_bounds = array<i64: 2000, 128>}]} {
    %get3A = arith.constant 0 : index
    %get3A_0 = arith.constant 0 : index
    %get3A_1 = vector.load %arg1[%get3A, %get3A_0] : memref<2000x128xf32, #tpu.memory_space<vmem>>, vector<2000x128xf32>
    %get3A_2 = arith.constant 0 : index
    %get3A_3 = arith.constant 0 : index
    %get3A_4 = vector.load %arg2[%get3A_2, %get3A_3] : memref<2000x128xf32, #tpu.memory_space<vmem>>, vector<2000x128xf32>
    %add3A = arith.addf %get3A_1, %get3A_4 : vector<2000x128xf32>
    %get3A_5 = arith.constant 0 : index
    %get3A_6 = arith.constant 0 : index
    %get3A_7 = vector.load %arg3[%get3A_5, %get3A_6] : memref<2000x128xf32, #tpu.memory_space<vmem>>, vector<2000x128xf32>
    %add3A_8 = arith.addf %add3A, %get3A_7 : vector<2000x128xf32>
    %get3A_9 = arith.constant 0 : index
    %get3A_10 = arith.constant 0 : index
    %get3A_11 = vector.load %arg4[%get3A_9, %get3A_10] : memref<2000x128xf32, #tpu.memory_space<vmem>>, vector<2000x128xf32>
    %add3A_12 = arith.addf %add3A_8, %get3A_11 : vector<2000x128xf32>
    %get3A_13 = arith.constant 0 : index
    %get3A_14 = arith.constant 0 : index
    %get3A_15 = vector.load %arg5[%get3A_13, %get3A_14] : memref<2000x128xf32, #tpu.memory_space<vmem>>, vector<2000x128xf32>
    %add3A_16 = arith.addf %add3A_12, %get3A_15 : vector<2000x128xf32>
    %get3A_17 = arith.constant 0 : index
    %get3A_18 = arith.constant 0 : index
    %get3A_19 = vector.load %arg7[%get3A_17, %get3A_18] : memref<1x128xf32, #tpu.memory_space<vmem>>, vector<1x128xf32>
    %get3A_20 = arith.constant 0 : index
    %get3A_21 = arith.constant 0 : index
    %get3A_22 = vector.load %arg8[%get3A_20, %get3A_21] : memref<1x128xf32, #tpu.memory_space<vmem>>, vector<1x128xf32>
    %reduce_sum3A = arith.constant dense<0.000000e+00> : vector<2000xf32>
    %reduce_sum3A_23 = vector.multi_reduction <add>, %add3A_16, %reduce_sum3A [1] : vector<2000x128xf32> to vector<2000xf32>
    %broadcast_in_dim3A = vector.shape_cast %reduce_sum3A_23 : vector<2000xf32> to vector<2000x1xf32>
    %div3A = arith.constant 1.280000e+02 : f32
    %div3A_24 = vector.broadcast %div3A : f32 to vector<2000x1xf32>
    %div3A_25 = arith.divf %broadcast_in_dim3A, %div3A_24 : vector<2000x1xf32>
    %jit3A = arith.constant 0 : i32
    %reduce_sum3A_26 = arith.constant dense<0.000000e+00> : vector<2000xf32>
    %reduce_sum3A_27 = vector.multi_reduction <add>, %add3A_16, %reduce_sum3A_26 [1] : vector<2000x128xf32> to vector<2000xf32>
    %broadcast_in_dim3A_28 = vector.shape_cast %reduce_sum3A_27 : vector<2000xf32> to vector<2000x1xf32>
    %div3A_29 = arith.constant 1.280000e+02 : f32
    %div3A_30 = vector.broadcast %div3A_29 : f32 to vector<2000x1xf32>
    %div3A_31 = arith.divf %broadcast_in_dim3A_28, %div3A_30 : vector<2000x1xf32>
    %sub3A = vector.broadcast %div3A_31 : vector<2000x1xf32> to vector<2000x128xf32>
    %sub3A_32 = arith.subf %add3A_16, %sub3A : vector<2000x128xf32>
    %square3A = arith.mulf %sub3A_32, %sub3A_32 : vector<2000x128xf32>
    %convert_element_type3A = arith.sitofp %jit3A : i32 to f32
    %sub3A_33 = arith.constant 1.280000e+02 : f32
    %sub3A_34 = arith.subf %sub3A_33, %convert_element_type3A : f32
    %reduce_sum3A_35 = arith.constant dense<0.000000e+00> : vector<2000xf32>
    %reduce_sum3A_36 = vector.multi_reduction <add>, %square3A, %reduce_sum3A_35 [1] : vector<2000x128xf32> to vector<2000xf32>
    %broadcast_in_dim3A_37 = vector.shape_cast %reduce_sum3A_36 : vector<2000xf32> to vector<2000x1xf32>
    %div3A_38 = vector.broadcast %sub3A_34 : f32 to vector<2000x1xf32>
    %div3A_39 = arith.divf %broadcast_in_dim3A_37, %div3A_38 : vector<2000x1xf32>
    %gt3A = arith.constant 0.000000e+00 : f32
    %gt3A_40 = arith.cmpf ogt, %sub3A_34, %gt3A : f32
    %jit3A_41 = arith.constant 0x7FC00000 : f32
    %broadcast_in_dim3A_42 = vector.broadcast %jit3A_41 : f32 to vector<2000x1xf32>
    %select_n3A = arith.select %gt3A_40, %div3A_39, %broadcast_in_dim3A_42 : vector<2000x1xf32>
    %sub3A_43 = vector.broadcast %div3A_25 : vector<2000x1xf32> to vector<2000x128xf32>
    %sub3A_44 = arith.subf %add3A_16, %sub3A_43 : vector<2000x128xf32>
    %add3A_45 = arith.constant 9.99999974E-6 : f32
    %add3A_46 = vector.broadcast %add3A_45 : f32 to vector<2000x1xf32>
    %add3A_47 = arith.addf %select_n3A, %add3A_46 : vector<2000x1xf32>
    %sqrt3A = math.sqrt %add3A_47 : vector<2000x1xf32>
    %div3A_48 = vector.broadcast %sqrt3A : vector<2000x1xf32> to vector<2000x128xf32>
    %div3A_49 = arith.divf %sub3A_44, %div3A_48 : vector<2000x128xf32>
    %mul3A = vector.broadcast %get3A_19 : vector<1x128xf32> to vector<2000x128xf32>
    %mul3A_50 = arith.mulf %div3A_49, %mul3A : vector<2000x128xf32>
    %add3A_51 = vector.broadcast %get3A_22 : vector<1x128xf32> to vector<2000x128xf32>
    %add3A_52 = arith.addf %mul3A_50, %add3A_51 : vector<2000x128xf32>
    %max3A = arith.constant 0.000000e+00 : f32
    %max3A_53 = vector.broadcast %max3A : f32 to vector<2000x128xf32>
    %max3A_54 = arith.maximumf %add3A_52, %max3A_53 : vector<2000x128xf32>
    %get3A_55 = arith.constant 0 : index
    %get3A_56 = arith.constant 0 : index
    %get3A_57 = vector.load %arg9[%get3A_55, %get3A_56] : memref<128x128xf32, #tpu.memory_space<vmem>>, vector<128x128xf32>
    %dot_general3A = arith.constant dense<0.000000e+00> : vector<2000x128xf32>
    %dot_general3A_58 = tpu.matmul %max3A_54, %get3A_57, %dot_general3A {dimension_numbers = #tpu.dot_dimension_numbers<[1], [0], [0], [1], [0, 0, 1, 1], [], []>, transpose_lhs_hint = false} : vector<2000x128xf32>, vector<128x128xf32>, vector<2000x128xf32> -> vector<2000x128xf32>
    %get3A_59 = arith.constant 0 : index
    %get3A_60 = arith.constant 0 : index
    %get3A_61 = vector.load %arg10[%get3A_59, %get3A_60] : memref<1x128xf32, #tpu.memory_space<vmem>>, vector<1x128xf32>
    %add3A_62 = vector.broadcast %get3A_61 : vector<1x128xf32> to vector<2000x128xf32>
    %add3A_63 = arith.addf %dot_general3A_58, %add3A_62 : vector<2000x128xf32>
    %get3A_64 = arith.constant 0 : index
    %get3A_65 = arith.constant 0 : index
    %get3A_66 = vector.load %arg11[%get3A_64, %get3A_65] : memref<1x128xf32, #tpu.memory_space<vmem>>, vector<1x128xf32>
    %get3A_67 = arith.constant 0 : index
    %get3A_68 = arith.constant 0 : index
    %get3A_69 = vector.load %arg12[%get3A_67, %get3A_68] : memref<1x128xf32, #tpu.memory_space<vmem>>, vector<1x128xf32>
    %reduce_sum3A_70 = arith.constant dense<0.000000e+00> : vector<2000xf32>
    %reduce_sum3A_71 = vector.multi_reduction <add>, %add3A_63, %reduce_sum3A_70 [1] : vector<2000x128xf32> to vector<2000xf32>
    %broadcast_in_dim3A_72 = vector.shape_cast %reduce_sum3A_71 : vector<2000xf32> to vector<2000x1xf32>
    %div3A_73 = arith.constant 1.280000e+02 : f32
    %div3A_74 = vector.broadcast %div3A_73 : f32 to vector<2000x1xf32>
    %div3A_75 = arith.divf %broadcast_in_dim3A_72, %div3A_74 : vector<2000x1xf32>
    %jit3A_76 = arith.constant 0 : i32
    %reduce_sum3A_77 = arith.constant dense<0.000000e+00> : vector<2000xf32>
    %reduce_sum3A_78 = vector.multi_reduction <add>, %add3A_63, %reduce_sum3A_77 [1] : vector<2000x128xf32> to vector<2000xf32>
    %broadcast_in_dim3A_79 = vector.shape_cast %reduce_sum3A_78 : vector<2000xf32> to vector<2000x1xf32>
    %div3A_80 = arith.constant 1.280000e+02 : f32
    %div3A_81 = vector.broadcast %div3A_80 : f32 to vector<2000x1xf32>
    %div3A_82 = arith.divf %broadcast_in_dim3A_79, %div3A_81 : vector<2000x1xf32>
    %sub3A_83 = vector.broadcast %div3A_82 : vector<2000x1xf32> to vector<2000x128xf32>
    %sub3A_84 = arith.subf %add3A_63, %sub3A_83 : vector<2000x128xf32>
    %square3A_85 = arith.mulf %sub3A_84, %sub3A_84 : vector<2000x128xf32>
    %convert_element_type3A_86 = arith.sitofp %jit3A_76 : i32 to f32
    %sub3A_87 = arith.constant 1.280000e+02 : f32
    %sub3A_88 = arith.subf %sub3A_87, %convert_element_type3A_86 : f32
    %reduce_sum3A_89 = arith.constant dense<0.000000e+00> : vector<2000xf32>
    %reduce_sum3A_90 = vector.multi_reduction <add>, %square3A_85, %reduce_sum3A_89 [1] : vector<2000x128xf32> to vector<2000xf32>
    %broadcast_in_dim3A_91 = vector.shape_cast %reduce_sum3A_90 : vector<2000xf32> to vector<2000x1xf32>
    %div3A_92 = vector.broadcast %sub3A_88 : f32 to vector<2000x1xf32>
    %div3A_93 = arith.divf %broadcast_in_dim3A_91, %div3A_92 : vector<2000x1xf32>
    %gt3A_94 = arith.constant 0.000000e+00 : f32
    %gt3A_95 = arith.cmpf ogt, %sub3A_88, %gt3A_94 : f32
    %jit3A_96 = arith.constant 0x7FC00000 : f32
    %broadcast_in_dim3A_97 = vector.broadcast %jit3A_96 : f32 to vector<2000x1xf32>
    %select_n3A_98 = arith.select %gt3A_95, %div3A_93, %broadcast_in_dim3A_97 : vector<2000x1xf32>
    %sub3A_99 = vector.broadcast %div3A_75 : vector<2000x1xf32> to vector<2000x128xf32>
    %sub3A_100 = arith.subf %add3A_63, %sub3A_99 : vector<2000x128xf32>
    %add3A_101 = arith.constant 9.99999974E-6 : f32
    %add3A_102 = vector.broadcast %add3A_101 : f32 to vector<2000x1xf32>
    %add3A_103 = arith.addf %select_n3A_98, %add3A_102 : vector<2000x1xf32>
    %sqrt3A_104 = math.sqrt %add3A_103 : vector<2000x1xf32>
    %div3A_105 = vector.broadcast %sqrt3A_104 : vector<2000x1xf32> to vector<2000x128xf32>
    %div3A_106 = arith.divf %sub3A_100, %div3A_105 : vector<2000x128xf32>
    %mul3A_107 = vector.broadcast %get3A_66 : vector<1x128xf32> to vector<2000x128xf32>
    %mul3A_108 = arith.mulf %div3A_106, %mul3A_107 : vector<2000x128xf32>
    %add3A_109 = vector.broadcast %get3A_69 : vector<1x128xf32> to vector<2000x128xf32>
    %add3A_110 = arith.addf %mul3A_108, %add3A_109 : vector<2000x128xf32>
    %get3A_111 = arith.constant 0 : index
    %get3A_112 = arith.constant 0 : index
    %get3A_113 = vector.load %arg6[%get3A_111, %get3A_112] : memref<2000x128xf32, #tpu.memory_space<vmem>>, vector<2000x128xf32>
    %add3A_114 = arith.addf %add3A_110, %get3A_113 : vector<2000x128xf32>
    %max3A_115 = arith.constant 0.000000e+00 : f32
    %max3A_116 = vector.broadcast %max3A_115 : f32 to vector<2000x128xf32>
    %max3A_117 = arith.maximumf %add3A_114, %max3A_116 : vector<2000x128xf32>
    %swap3A = arith.constant 0 : index
    %swap3A_118 = arith.constant 0 : index
    %swap3A_119 = vector.load %arg13[%swap3A, %swap3A_118] : memref<2000x128xf32, #tpu.memory_space<vmem>>, vector<2000x128xf32>
    tpu.vector_store %arg13[%swap3A, %swap3A_118], %max3A_117 {strides = array<i32>} : memref<2000x128xf32, #tpu.memory_space<vmem>>, vector<2000x128xf32>,
    return
  }
  func.func @transform_0(%arg0: i32) -> (i32, i32) {
    %c0_i32 = arith.constant 0 : i32
    %c0_i32_0 = arith.constant 0 : i32
    return %arg0, %c0_i32 : i32, i32
  }
  func.func @transform_1(%arg0: i32) -> (i32, i32) {
    %c0_i32 = arith.constant 0 : i32
    %c0_i32_0 = arith.constant 0 : i32
    return %arg0, %c0_i32 : i32, i32
  }
  func.func @transform_2(%arg0: i32) -> (i32, i32) {
    %c0_i32 = arith.constant 0 : i32
    %c0_i32_0 = arith.constant 0 : i32
    return %arg0, %c0_i32 : i32, i32
  }
  func.func @transform_3(%arg0: i32) -> (i32, i32) {
    %c0_i32 = arith.constant 0 : i32
    %c0_i32_0 = arith.constant 0 : i32
    return %arg0, %c0_i32 : i32, i32
  }
  func.func @transform_4(%arg0: i32) -> (i32, i32) {
    %c0_i32 = arith.constant 0 : i32
    %c0_i32_0 = arith.constant 0 : i32
    return %arg0, %c0_i32 : i32, i32
  }
  func.func @transform_5(%arg0: i32) -> (i32, i32) {
    %c0_i32 = arith.constant 0 : i32
    %c0_i32_0 = arith.constant 0 : i32
    return %arg0, %c0_i32 : i32, i32
  }
  func.func @transform_6(%arg0: i32) -> (i32, i32) {
    %c0_i32 = arith.constant 0 : i32
    %c0_i32_0 = arith.constant 0 : i32
    %c0_i32_1 = arith.constant 0 : i32
    return %c0_i32, %c0_i32_0 : i32, i32
  }
  func.func @transform_7(%arg0: i32) -> (i32, i32) {
    %c0_i32 = arith.constant 0 : i32
    %c0_i32_0 = arith.constant 0 : i32
    %c0_i32_1 = arith.constant 0 : i32
    return %c0_i32, %c0_i32_0 : i32, i32
  }
  func.func @transform_8(%arg0: i32) -> (i32, i32) {
    %c0_i32 = arith.constant 0 : i32
    %c0_i32_0 = arith.constant 0 : i32
    %c0_i32_1 = arith.constant 0 : i32
    return %c0_i32, %c0_i32_0 : i32, i32
  }
  func.func @transform_9(%arg0: i32) -> (i32, i32) {
    %c0_i32 = arith.constant 0 : i32
    %c0_i32_0 = arith.constant 0 : i32
    %c0_i32_1 = arith.constant 0 : i32
    return %c0_i32, %c0_i32_0 : i32, i32
  }
  func.func @transform_10(%arg0: i32) -> (i32, i32) {
    %c0_i32 = arith.constant 0 : i32
    %c0_i32_0 = arith.constant 0 : i32
    %c0_i32_1 = arith.constant 0 : i32
    return %c0_i32, %c0_i32_0 : i32, i32
  }
  func.func @transform_11(%arg0: i32) -> (i32, i32) {
    %c0_i32 = arith.constant 0 : i32
    %c0_i32_0 = arith.constant 0 : i32
    %c0_i32_1 = arith.constant 0 : i32
    return %c0_i32, %c0_i32_0 : i32, i32
  }
  func.func @transform_12(%arg0: i32) -> (i32, i32) {
    %c0_i32 = arith.constant 0 : i32
    %c0_i32_0 = arith.constant 0 : i32
    return %arg0, %c0_i32 : i32, i32
  }
}

</mosaic_0001>

<sc_bundles>
// kernel: kernel.18.cloned.1.call-start
scs
__scs_entry_jumppad:
0x0: {  	(pc) =	sbr.rel $0x88, $3  }
0x1: {  	(tag) =	ssettag $0x0;
	lr =	simm.s32 $0x1  }
0x2: {  	[smem:$0x3F6E] =	sst lr;
	_ =	strace $0xD0000000  }
0x3: {  	_ = 	snop  }
0x4: {  	_ = 	snop  }
0x5: {  	_ = 	snop  }
0x6: {  	_ = 	snop  }
0x7: {  	_ = 	snop  }
__scs_overlays_trampoline_lowered:
0x8: {  	[smem:$0x3F7D] =	sst s0  }
0x9: {  	[smem:$0x3F7E] =	sst s1  }
0xa: {  	[smem:$0x3F7F] =	sst s2  }
0xb: {  	[smem:$0x3F80] =	sst s3  }
0xc: {  	[smem:$0x3F81] =	sst s4  }
0xd: {  	[smem:$0x3F82] =	sst s5  }
0xe: {  	[smem:$0x3F83] =	sst s6  }
0xf: {  	[smem:$0x3F84] =	sst s7  }
0x10: {  	[smem:$0x3F85] =	sst s8  }
0x11: {  	[smem:$0x3F86] =	sst s9;
	s0 =	simm.s32 @!p0 $0x0  }
0x12: {  	s1 =	sld [smem:$0x3F6C];
	s0 =	simm.s32 @p0 $0x1  }
0x13: {  	[smem:$0x3F87] =	sst s0;
	s0 =	simm.s32 @!p1 $0x0  }
0x14: {  	s2 =	sld [smem:$0x3F6B];
	s0 =	simm.s32 @p1 $0x1  }
0x15: {  	[smem:$0x3F88] =	sst s0;
	s0 =	simm.s32 @!p2 $0x0  }
0x16: {  	s3 =	sld [smem:$0x3FDB];
	s0 =	simm.s32 @p2 $0x1  }
0x17: {  	s4 =	simm.s32 $0x1BF5;
	[smem:$0x3F8A] =	sst s0  }
0x18: {  	s0 =	sld [smem:$0x3F6D];
	_ =	swait.ge [sflag:s4], $0x0  }
0x19: {  	s7 =	sld [smem:$0x3F6E]  }
0x1a: {  	s8 =	sadd.s32 $0xFFFFE003, lr  }
0x1b: {  	s9 =	sadd.s32 $0xFFFFFEF7, lr;
	s5 =	simm.s32 $0xFFFFFFFF;
	p2 =	slt.u32 s8, $0xFFFFF086  }
0x1c: {  	p1 =	slt.u32 s9, $0xF7A;
	s5 =	simm.s32 @!p2 $0x0  }
0x1d: {  	s5 =	simm.s32 @p1 $0x1;
	p0 =	seq.s32 s7, s2  }
0x1e: {  	s7 =	smul.u32 @!p0 $0xF7A, s2;
	p2 =	seq.s32 @!p0 s5, $0x0  }
0x1f: {  	s9 =	smul.u32 $0xF7A, s1;
	s8 =	simm.s32 @!p0 $0x1BF5;
	p2 =	por !p2, p0  }
0x20: {  	[sflag:s8] =	ssyncset.s32 @!p0 $0xFFFFF086;
	s6 =	sadd.s32 @!p0 s3, s7;
	s7 =	simm.s32 @!p0 $0x108  }
0x21: {  	s3 =	sadd.s32 s3, s9;
	s6 =	sadd.s32 @!p0 $0x88, s6;
	s7 =	simm.s32 @p2 $0x1082  }
0x22: {  	[simem:s7], [sflag:s8] =	dma.local @!p0 [hbm:s6], $0xF7A  }
0x23: {  	s9 =	sor.u32 $0xD0000000, s2;
	s6 =	simm.s32 $0x108;
	_ =	swait.ge @!p0 [sflag:s8], $0x0  }
0x24: {  	s3 =	sadd.s32 $0x88, s3;
	s6 =	simm.s32 @!p1 $0x1082;
	[sflag:s4] =	ssyncset.s32 $0xFFFFF086  }
0x25: {  	[simem:s6], [sflag:s4] =	dma.local [hbm:s3], $0xF7A  }
0x26: {  	[smem:$0x3F6E] =	sst s1;
	(tag) =	ssettag s2;
	_ =	strace s9  }
0x27: {  	s1 =	sld [smem:$0x3F7E]  }
0x28: {  	s2 =	sld [smem:$0x3F7F]  }
0x29: {  	s4 =	sld [smem:$0x3F81]  }
0x2a: {  	p0 =	seq.s32 s5, $0x0;
	s5 =	sld [smem:$0x3F82]  }
0x2b: {  	s6 =	sld [smem:$0x3F83]  }
0x2c: {  	s7 =	sld [smem:$0x3F84]  }
0x2d: {  	s3 =	simm.s32 $0x108;
	s8 =	sld [smem:$0x3F85]  }
0x2e: {  	s3 =	simm.s32 @!p0 $0x1082;
	s9 =	sld [smem:$0x3F86]  }
0x2f: {  	lr =	sadd.s32 s0, s3;
	s0 =	sld [smem:$0x3F7D]  }
0x30: {  	s3 =	sld [smem:$0x3F80]  }
0x31: {  	[smem:$0x3F89] =	sst s10  }
0x32: {  	s10 =	sld [smem:$0x3F87];
	_ =	sdelay $0x3  }
0x33: {  	p0 =	seq.s32 s10, $0x1;
	s10 =	sld [smem:$0x3F89];
	_ =	sdelay $0x3  }
0x34: {  	[smem:$0x3F89] =	sst s10  }
0x35: {  	s10 =	sld [smem:$0x3F88];
	_ =	sdelay $0x3  }
0x36: {  	p1 =	seq.s32 s10, $0x1;
	s10 =	sld [smem:$0x3F89];
	_ =	sdelay $0x3  }
0x37: {  	[smem:$0x3F89] =	sst s10  }
0x38: {  	s10 =	sld [smem:$0x3F8A]  }
0x39: {  	_ = 	snop;
	(pc) =	sbr.ind lr, $3  }
0x3a: {  	_ = 	snop  }
0x3b: {  	_ = 	snop  }
0x3c: {  	p2 =	seq.s32 s10, $0x1;
	s10 =	sld [smem:$0x3F89]  }
0x3d: {  	_ =	shalt  }
0x3e: {  	_ =	shalt  }
0x3f: {  	_ =	shalt  }
0x40: {  	_ =	shalt  }
0x41: {  	_ =	shalt  }
0x42: {  	_ =	shalt  }
0x43: {  	_ =	shalt  }
0x44: {  	_ =	shalt  }
0x45: {  	_ =	shalt  }
0x46: {  	_ =	shalt  }
0x47: {  	_ =	shalt  }
0x48: {  	_ =	shalt  }
0x49: {  	_ =	shalt  }
0x4a: {  	_ =	shalt  }
0x4b: {  	_ =	shalt  }
0x4c: {  	_ =	shalt  }
0x4d: {  	_ =	shalt  }
0x4e: {  	_ =	shalt  }
0x4f: {  	_ =	shalt  }
0x50: {  	_ =	shalt  }
0x51: {  	_ =	shalt  }
0x52: {  	_ =	shalt  }
0x53: {  	_ =	shalt  }
0x54: {  	_ =	shalt  }
0x55: {  	_ =	shalt  }
0x56: {  	_ =	shalt  }
0x57: {  	_ =	shalt  }
0x58: {  	_ =	shalt  }
0x59: {  	_ =	shalt  }
0x5a: {  	_ =	shalt  }
0x5b: {  	_ =	shalt  }
0x5c: {  	_ =	shalt  }
0x5d: {  	_ =	shalt  }
0x5e: {  	_ =	shalt  }
0x5f: {  	_ =	shalt  }
0x60: {  	_ =	shalt  }
0x61: {  	_ =	shalt  }
0x62: {  	_ =	shalt  }
0x63: {  	_ =	shalt  }
0x64: {  	_ =	shalt  }
0x65: {  	_ =	shalt  }
0x66: {  	_ =	shalt  }
0x67: {  	_ =	shalt  }
0x68: {  	_ =	shalt  }
0x69: {  	_ =	shalt  }
0x6a: {  	_ =	shalt  }
0x6b: {  	_ =	shalt  }
0x6c: {  	_ =	shalt  }
0x6d: {  	_ =	shalt  }
0x6e: {  	_ =	shalt  }
0x6f: {  	_ =	shalt  }
0x70: {  	_ =	shalt  }
0x71: {  	_ =	shalt  }
0x72: {  	_ =	shalt  }
0x73: {  	_ =	shalt  }
0x74: {  	_ =	shalt  }
0x75: {  	_ =	shalt  }
0x76: {  	_ =	shalt  }
0x77: {  	_ =	shalt  }
0x78: {  	_ =	shalt  }
0x79: {  	_ =	shalt  }
0x7a: {  	_ =	shalt  }
0x7b: {  	_ =	shalt  }
0x7c: {  	_ =	shalt  }
0x7d: {  	_ =	shalt  }
0x7e: {  	_ =	shalt  }
0x7f: {  	_ =	shalt  }
0x80: {  	_ =	shalt  }
0x81: {  	_ =	shalt  }
0x82: {  	_ =	shalt  }
0x83: {  	_ =	shalt  }
0x84: {  	_ =	shalt  }
0x85: {  	_ =	shalt  }
0x86: {  	_ =	shalt  }
0x87: {  	_ =	shalt  }
.Lfunc_end0:
.L_simem_size_0:
called_computation_lowered:
.L_overlay_start_0:
0x88: {  	s2 =	sld [smem:$0x3FD9]  }
0x89: {  	s3 =	sld [smem:$0x3FFE];
	_ =	sdelay $0x1  }
0x8a: {  	s1 =	srdreg.scid  }
0x8b: {  	s0 =	sand.u32 $0x1, s1  }
0x8c: {  	s17 =	sshll.u32 s0, $0xA;
	s2 =	sadd.s32 s3, s2  }
0x8d: {  	s2 =	sadd.s32 s2, s17  }
0x8e: {  	[smem:$0x3F95] =	sst s2  }
0x8f: {  	_ = 	snop  }
0x90: {  	(tm) =	ssettm $0x1  }
0x91: {  	s18 =	sld [smem:$0x3FFB];
	_ =	sdelay $0x3  }
0x92: {  	_ =	strace s18  }
0x93: {  	s2 =	sld [smem:$0x3FFC];
	_ =	sdelay $0x3  }
0x94: {  	_ =	strace s2  }
0x95: {  	s2 =	sld [smem:$0x3FFD];
	_ =	sdelay $0x3  }
0x96: {  	_ =	strace s2  }
0x97: {  	_ =	strace $0x8FFFFFFF  }
0x98: {  	s19 =	sld [smem:$0x3FDB];
	_ =	sdelay $0x1  }
0x99: {  	s20 =	simm.s32 $_scs_section_size  }
0x9a: {  	s4 =	simm.s32 $_size__tile_overlayer_lowered;
	s5 =	simm.s32 $_tile_overlayer_lowered  }
0x9b: {  	s6 =	simm.s32 $0x1BFF;
	s21 =	sshll.u32 s5, $0x1;
	s3 =	sadd.s32 s20, s19  }
0x9c: {  	s22 =	simm.s32 $0x0;
	s4 =	sshll.u32 s4, $0x1;
	s5 =	sadd.s32 s21, s3  }
0x9d: {  	[timem:s22], [sflag:s6] =	dma.local [hbm:s5], s4  }
0x9e: {  	_ =	swait.ge [sflag:s6], s4  }
0x9f: {  	s4 =	ssub.s32 $0x0, s4;
	[sflag:s6] =	ssyncset.done $0x0  }
0xa0: {  	[sflag:s6] =	ssyncadd.s32 s4;
	_ =	sdelay $0x1  }
0xa1: {  	s23 =	simm.s32 $0x1B8B  }
0xa2: {  	_ =	swait.ge [sflag:s23], $0x1  }
0xa3: {  	[sflag:s23] =	ssyncset.done $0x0  }
0xa4: {  	[sflag:s23] =	ssyncadd.s32 $0xFFFFFFFF  }
0xa5: {  	s4 =	sld [smem:$0x0]  }
0xa6: {  	s5 =	sand.u32 $0xFFFFFFFE, s1  }
0xa7: {  	p0 =	sne.s32 s1, s5  }
0xa8: {  	s5 =	sshll.u32 @p0 s5, $0xE  }
0xa9: {  	s5 =	sadd.s32 @p0 $0x11B8D, s5;
	s6 =	sshll.u32 @p0 s4, $0x11  }
0xaa: {  	s5 =	sor.u32 @p0 s6, s5  }
0xab: {  	[sflag:s5] =	ssyncadd.remote.s32 @p0 $0x1;
	_ =	sdelay $0x1  }
0xac: {  	s5 =	simm.s32 @p0 $0x1B8D  }
0xad: {  	_ =	swait.eq @p0 [sflag:s5], $0x1  }
0xae: {  	[sflag:s5] =	ssyncadd.s32 @p0 $0xFFFFFFFF  }
0xaf: {  	s6 =	sshll.u32 @!p0 s1, $0xE  }
0xb0: {  	s6 =	sor.u32 @!p0 $0x4000, s6;
	s5 =	simm.s32 @!p0 $0x1B8D  }
0xb1: {  	s4 =	sshll.u32 @!p0 s4, $0x11;
	s6 =	sadd.s32 @!p0 $0x11B8D, s6;
	_ =	swait.eq @!p0 [sflag:s5], $0x1  }
0xb2: {  	s4 =	sor.u32 @!p0 s4, s6;
	[sflag:s5] =	ssyncadd.s32 @!p0 $0xFFFFFFFF  }
0xb3: {  	s25 =	simm.s32 $0x1B8E;
	s24 =	sld [smem:$0x3FFE];
	[sflag:s4] =	ssyncadd.remote.s32 @!p0 $0x1  }
0xb4: {  	s26 =	simm.s32 $execute0_lowered;
	[smem:$0x3FD2] =	sst s25  }
0xb5: {  	s5 =	sshll.u32 s26, $0x1;
	_ =	strace $0x80000049;
	[dreg:$0x1] =	wrdreg $0xFFFFFFFF  }
0xb6: {  	s28 =	simm.s32 $_size_execute0_lowered;
	s3 =	sadd.s32 s3, s5;
	[dreg:$0x0] =	wrdreg $0x0  }
0xb7: {  	s5 =	sshll.u32 s28, $0x1;
	[dreg:$0x2] =	wrdreg s3  }
0xb8: {  	[dreg:$0x3] =	wrdreg s5  }
0xb9: {  	[dreg:$0x4] =	wrdreg $0xC0  }
0xba: {  	_ =	task [dreg:s22], $0x5FFFF  }
0xbb: {  	[dreg:$0x1] =	wrdreg $0xFFFFFFFF  }
0xbc: {  	[dreg:$0x0] =	wrdreg $0x60  }
0xbd: {  	[dreg:$0x2] =	wrdreg s24  }
0xbe: {  	[dreg:$0x3] =	wrdreg $0x9  }
0xbf: {  	_ =	task.clear_ibuf [dreg:s22], $0x4FFFF;
	_ =	strace $0x90000049  }
0xc0: {  	s29 =	simm.s32 $0x9;
	_ =	strace $0x8000004B  }
0xc1: {  	_ =	swait.ge [sflag:s29], $0x1  }
0xc2: {  	[sflag:s29] =	ssyncadd.s32 $0xFFFFFFFF  }
0xc3: {  	_ =	strace $0x9000004B  }
0xc4: {  	_ =	sfence  }
0xc5: {  	s30 =	sld [smem:$0x0];
	_ =	sdelay $0x2  }
0xc6: {  	s31 =	sshll.u32 s1, $0xD;
	s1 =	sshrl.u32 s1, $0x2  }
0xc7: {  	s4 =	sand.u32 $0x4000, s31;
	s1 =	sadd.s32 s1, s30  }
0xc8: {  	s0 =	sor.u32 s4, s0;
	s1 =	sshll.u32 s1, $0x11  }
0xc9: {  	s0 =	sor.u32 s1, s0  }
0xca: {  	s0 =	sadd.s32 $0x8F2B, s0  }
0xcb: {  	[sflag:s0] =	ssyncadd.remote.s32 $0x1  }
0xcc: {  	_ =	sfence.sel $0xFFFF  }
0xcd: {  	[dreg:$0x0] =	wrdreg $0xFFFFFFFF;
	(pc) =	sbr.abs _section_cstart, $3  }
0xce: {  	[dreg:$0x1] =	wrdreg $0xFFFFFFFF  }
0xcf: {  	_ =	task.clear_ibuf [dreg:s22], $0x2FFFF;
	_ =	strace $0x9FFFFFFF  }
0xd0: {  	(tm) =	ssettm $0x7FFFFFFF  }
0xd1: {  	_ =	shalt  }
tec
execute0_lowered:
.L_overlay_start_1:
0x0: {  	(tag) =	ssettag $0x1  }
0x1: {  	s0 =	srdreg.scid  }
0x2: {  	s12 =	stileid.u32;
	s3 =	rddreg [dreg:$0x0]  }
0x3: {  	s2 =	simm.s32 $0x0;
	s29 =	simm.s32 $0x15E00;
	s30 =	simm.s32 $0x4E80  }
0x4: {  	s31 =	simm.s32 $0x1;
	s28 =	simm.s32 $0x5;
	s21 =	smul.u32 $0x9C400, s12  }
0x5: {  	s0 =	sand.u32 $0x1, s0;
	[smem:$0x7FF] =	sst s2;
	s25 =	smul.u32 $0x13880, s12  }
0x6: {  	s14 =	sadd.s32 $0x16600, s3;
	s1 =	sshll.u32 s0, $0x4;
	s19 =	smul.u32 $0x9C4000, s0  }
0x7: {  	s10 =	ssub.s32 $0x2, s0;
	s0 =	smul.u32 $0x138800, s0;
	s1 =	sor.u32 s12, s1  }
0x8: {  	s5 =	sadd.s32 $0x3E200, s3;
	s9 =	sadd.s32 $0x565000, s3;
	s4 =	smul.u32 $0x1388, s1  }
0x9: {  	_ =	strace $0x8000004A;
	s11 =	sshrl.u32 s10, $0x1;
	s6 =	smul.u32 $0x4E2, s1  }
0xa: {  	[dreg:$0x3] =	wrdreg s14;
	s8 =	smul.u32 $0x9C400, s1;
	s10 =	ssub.s32 s10, s11  }
0xb: {  	s1 =	smul.u32 $0x13880, s1;
	s23 =	sadd.s32 s21, s19;
	s26 =	sadd.s32 s0, s9  }
0xc: {  	s21 =	simm.s32 $0x9;
	s22 =	smax.u32 s10, $0x1;
	s4 =	sshrl.u32 s4, $0x3  }
0xd: {  	s6 =	sadd.s32 s6, s3;
	s8 =	sshrl.u32 s8, $0x3;
	[dreg:$0xb] =	wrdreg s22  }
0xe: {  	s1 =	sadd.s32 $0x12800, s1;
	s22 =	simm.s32 $0x80;
	s7 =	sadd.s32 s4, s3  }
0xf: {  	s4 =	sadd.s32 $0x17000, s3;
	s3 =	sadd.s32 $0x7D6000, s3;
	s6 =	sadd.s32 $0x55B200, s6  }
0x10: {  	s15 =	sadd.s32 $0x13000, s8;
	s13 =	sadd.s32 $0x556200, s7;
	[dreg:$0x6] =	wrdreg s6  }
0x11: {  	s18 =	sadd.s32 $0x13800, s8;
	s7 =	sadd.s32 $0x551200, s7;
	[dreg:$0x4] =	wrdreg s13  }
0x12: {  	s8 =	sadd.s32 $0x12000, s8;
	s16 =	sadd.s32 s9, s15;
	[dreg:$0x5] =	wrdreg s7  }
0x13: {  	s17 =	sadd.s32 s3, s15;
	s20 =	sadd.s32 s9, s18;
	[dreg:$0x7] =	wrdreg s16  }
0x14: {  	s6 =	sadd.s32 s3, s18;
	s14 =	sadd.s32 s9, s8;
	[dreg:$0x8] =	wrdreg s17  }
0x15: {  	s15 =	sadd.s32 s3, s8;
	s0 =	sadd.s32 s0, s3;
	[dreg:$0x9] =	wrdreg s20  }
0x16: {  	s8 =	simm.s32 $0x0;
	[dreg:$0xa] =	wrdreg s6;
	s16 =	sadd.s32 s9, s1  }
0x17: {  	s6 =	sshrl.u32 s23, $0x3;
	s17 =	sadd.s32 s3, s1;
	s1 =	sadd.s32 s25, s26  }
0x18: {  	s0 =	sadd.s32 s25, s0;
	s23 =	simm.s32 $0x9E00;
	s26 =	simm.s32 $0xDE00  }
0x19: {  	s25 =	simm.s32 $0x4;
	s7 =	simm.s32 $0x8;
	s24 =	sadd.s32 s6, s3  }
0x1a: {  	s18 =	sadd.s32 s6, s9;
	s19 =	sadd.s32 $0x800, s1;
	s20 =	sadd.s32 $0x800, s0  }
0x1b: {  	v0 =	vlaneseq.u32;
	s1 =	simm.s32 $0x3;
	s0 =	simm.s32 $0x2;
	s3 =	simm.s32 $0x7  }
0x1c: {  	v0 =	vmul.u32 $0x2, v0;
	s6 =	simm.s32 $0x6;
	[dreg:$0x2] =	wrdreg s24;
	s24 =	simm.s32 $0x11E00  }
.LBB2_1:
0x1d: {  	s9 =	simm.s32 $0x7600;
	s10 =	rddreg [dreg:$0x4]  }
0x1e: {  	[tilespmem:s9], [sflag:$0x9] =	stream.linear.gather [hbm4b:s10+s2], $0x1388, $0x38;
	[tilespmem:$0x19E00] =	vst v63  }
0x1f: {  	_ =	swait.ge [sflag:s21], $0x1388  }
0x20: {  	[sflag:s21] =	ssyncset.done $0x0  }
0x21: {  	s10 =	simm.s32 $0x8A00;
	s11 =	rddreg [dreg:$0x5];
	[sflag:s21] =	ssyncadd.s32 $0xFFFFEC78  }
0x22: {  	[tilespmem:s10], [sflag:$0x9] =	stream.linear.gather [hbm4b:s11+s2], $0x1388, $0x38;
	[tilespmem:$0x19E00] =	vst v63  }
0x23: {  	_ =	swait.ge [sflag:s21], $0x1388  }
0x24: {  	[sflag:s21] =	ssyncset.done $0x0  }
0x25: {  	[sflag:s21] =	ssyncadd.s32 $0xFFFFEC78  }
0x26: {  	[tilespmem:s23], [sflag:$0x1] =	stream.indirect.gather [hbm4b:s4+s22], $0x80, s9, s22, $0xb8;
	[tilespmem:$0x19E00] =	vst v63  }
0x27: {  	_ = 	snop  }
0x28: {  	[tilespmem:s24], [sflag:$0x3] =	stream.indirect.gather [hbm4b:s5+s22], $0x80, s10, s22, $0xb8;
	[tilespmem:$0x19E00] =	vst v63  }
0x29: {  	s13 =	simm.s32 $0x7680  }
0x2a: {  	[tilespmem:s26], [sflag:$0x2] =	stream.indirect.gather [hbm4b:s4+s22], $0x80, s13, s22, $0xb8;
	[tilespmem:$0x19E00] =	vst v63  }
0x2b: {  	s12 =	simm.s32 $0x8A80  }
0x2c: {  	[tilespmem:s29], [sflag:$0x4] =	stream.indirect.gather [hbm4b:s5+s22], $0x80, s12, s22, $0xb8;
	[tilespmem:$0x19E00] =	vst v63  }
0x2d: {  	s13 =	rddreg [dreg:$0x3]  }
0x2e: {  	[tilespmem:s2], [sflag:$0x9] =	stream.linear.gather [hbm4b:s13+s2], $0x4E80, $0x38;
	[tilespmem:$0x19E00] =	vst v63  }
0x2f: {  	_ =	swait.ge [sflag:s21], $0x4E80  }
0x30: {  	[sflag:s21] =	ssyncset.done $0x0  }
0x31: {  	[sflag:s21] =	ssyncadd.s32 $0xFFFFB180  }
0x32: {  	v1 =	vld [tilespmem:s9+$0x0]  }
0x33: {  	v2 =	vld [tilespmem:s10+$0x0];
	_ =	sdelay $0x3  }
0x34: {  	v1 =	vshll.u32 v1, $0x1  }
0x35: {  	v2 =	vshll.u32 v2, $0x1;
	_ =	sdelay $0x1  }
0x36: {  	v3 =	vor.u32 $0x1, v1  }
0x37: {  	v4 =	vor.u32 $0x1, v2  }
0x38: {  	v1 =	vld.idx.msk [tilespmem:v1+s2+$0x0], $0xffff  }
0x39: {  	v2 =	vld.idx.msk [tilespmem:v2+s2+$0x0], $0xffff;
	_ =	sdelay $0x1  }
0x3a: {  	v5 =	vmov s2;
	v3 =	vld.idx.msk [tilespmem:v3+s2+$0x0], $0xffff  }
0x3b: {  	v5 =	vshll.u32 v5, $0x1;
	v4 =	vld.idx.msk [tilespmem:v4+s2+$0x0], $0xffff  }
0x3c: {  	v5 =	vor.u32 v0, v5  }
0x3d: {  	v6 =	vsub.f32 v1, v2;
	v1 =	vor.u32 $0x1, v5;
	_ =	sdelay $0x2  }
0x3e: {  	v2 =	vsub.f32 v3, v4  }
0x3f: {  	s11 =	simm.s32 $0x10;
	[tilespmem:v5+s30+$0x0] =	vst.idx.msk $0xffff, v6  }
.LBB2_2:
0x40: {  	p0 =	sne.s32 s11, $0x1370;
	[tilespmem:v1+s30+$0x0] =	vst.idx.msk $0xffff, v2;
	s9 =	sadd.s32 $0x10, s9;
	s10 =	sadd.s32 $0x10, s10  }
0x41: {  	s12 =	smov.u32 s11;
	s11 =	sadd.s32 $0x10, s11;
	v1 =	vld [tilespmem:s9+$0x0];
	_ =	sdelay $0x1  }
0x42: {  	v2 =	vld [tilespmem:s10+$0x0];
	_ =	sdelay $0x2  }
0x43: {  	v1 =	vshll.u32 v1, $0x1  }
0x44: {  	v3 =	vor.u32 $0x1, v1  }
0x45: {  	v2 =	vshll.u32 v2, $0x1  }
0x46: {  	v4 =	vor.u32 $0x1, v2;
	_ =	sdelay $0x1  }
0x47: {  	v5 =	vld.idx.msk [tilespmem:v1+s2+$0x0], $0xffff  }
0x48: {  	v3 =	vld.idx.msk [tilespmem:v3+s2+$0x0], $0xffff  }
0x49: {  	v2 =	vld.idx.msk [tilespmem:v2+s2+$0x0], $0xffff  }
0x4a: {  	v1 =	vmov s12;
	v4 =	vld.idx.msk [tilespmem:v4+s2+$0x0], $0xffff  }
0x4b: {  	v1 =	vshll.u32 v1, $0x1  }
0x4c: {  	v6 =	vor.u32 v0, v1  }
.Ltmp0:
0x4d: {  	v1 =	vor.u32 $0x1, v6;
	(pc) =	sbr.rel @p0 .LBB2_2-.Ltmp0, $4  }
0x4e: {  	_ = 	snop  }
0x4f: {  	v5 =	vsub.f32 v5, v2  }
0x50: {  	v2 =	vsub.f32 v3, v4  }
0x51: {  	[tilespmem:v6+s30+$0x0] =	vst.idx.msk $0xffff, v5  }
0x52: {  	_ =	sdelay $0x3  }
0x53: {  	[tilespmem:v1+s30+$0x0] =	vst.idx.msk $0xffff, v2;
	s9 =	simm.s32 $0x0;
	s10 =	rddreg [dreg:$0x6]  }
0x54: {  	[hbm4b:s10+s9] =	stream.linear.scatter [tilespmem:s30], [sflag:$0x9], $0x2710, $0x38;
	[tilespmem:$0x19E00] =	vst v63  }
0x55: {  	_ =	swait.ge [sflag:s21], $0x2710  }
0x56: {  	[sflag:s21] =	ssyncset.done $0x0  }
0x57: {  	[sflag:s21] =	ssyncadd.s32 $0xFFFFD8F0  }
0x58: {  	_ =	swait.ge [sflag:s31], $0x4000  }
0x59: {  	[sflag:s31] =	ssyncset.done $0x0  }
0x5a: {  	s11 =	sadd.s32 $0x0, s18;
	[sflag:s31] =	ssyncadd.s32 $0xFFFFC000  }
0x5b: {  	[hbm4b:s11+s2] =	stream.linear.scatter [tilespmem:s23], [sflag:$0x5], $0x4000, $0x38;
	[tilespmem:$0x19E00] =	vst v63  }
0x5c: {  	_ =	swait.ge [sflag:s1], $0x4000  }
0x5d: {  	s12 =	rddreg [dreg:$0x2];
	[sflag:s1] =	ssyncset.done $0x0  }
0x5e: {  	[sflag:s1] =	ssyncadd.s32 $0xFFFFC000;
	s9 =	sadd.s32 $0x0, s12  }
0x5f: {  	[hbm4b:s9+s2] =	stream.linear.scatter [tilespmem:s24], [sflag:$0x7], $0x4000, $0x38;
	[tilespmem:$0x19E00] =	vst v63  }
0x60: {  	_ =	swait.ge [sflag:s0], $0x4000  }
0x61: {  	[sflag:s0] =	ssyncset.done $0x0  }
0x62: {  	s13 =	sadd.s32 $0x0, s19;
	[sflag:s0] =	ssyncadd.s32 $0xFFFFC000  }
0x63: {  	[hbm4b:s13+s2] =	stream.linear.scatter [tilespmem:s26], [sflag:$0x6], $0x4000, $0x38;
	[tilespmem:$0x19E00] =	vst v63  }
0x64: {  	_ =	swait.ge [sflag:s25], $0x4000  }
0x65: {  	[sflag:s25] =	ssyncset.done $0x0  }
0x66: {  	s10 =	sadd.s32 $0x0, s20;
	[sflag:s25] =	ssyncadd.s32 $0xFFFFC000  }
0x67: {  	[hbm4b:s10+s2] =	stream.linear.scatter [tilespmem:s29], [sflag:$0x8], $0x4000, $0x38;
	[tilespmem:$0x19E00] =	vst v63  }
0x68: {  	_ =	swait.ge [sflag:s28], $0x4000  }
0x69: {  	[sflag:s28] =	ssyncset.done $0x0  }
0x6a: {  	s11 =	simm.s32 $0x7700;
	[sflag:s28] =	ssyncadd.s32 $0xFFFFC000  }
0x6b: {  	[tilespmem:s23], [sflag:$0x1] =	stream.indirect.gather [hbm4b:s4+s22], $0x80, s11, s22, $0xb8;
	[tilespmem:$0x19E00] =	vst v63  }
0x6c: {  	_ =	swait.ge [sflag:s3], $0x4000  }
0x6d: {  	[sflag:s3] =	ssyncset.done $0x0  }
0x6e: {  	s12 =	simm.s32 $0x8B00;
	[sflag:s3] =	ssyncadd.s32 $0xFFFFC000  }
0x6f: {  	[tilespmem:s24], [sflag:$0x3] =	stream.indirect.gather [hbm4b:s5+s22], $0x80, s12, s22, $0xb8;
	[tilespmem:$0x19E00] =	vst v63  }
0x70: {  	_ =	swait.ge [sflag:s6], $0x4000  }
0x71: {  	[sflag:s6] =	ssyncset.done $0x0  }
0x72: {  	s13 =	simm.s32 $0x7780;
	[sflag:s6] =	ssyncadd.s32 $0xFFFFC000  }
0x73: {  	[tilespmem:s26], [sflag:$0x2] =	stream.indirect.gather [hbm4b:s4+s22], $0x80, s13, s22, $0xb8;
	[tilespmem:$0x19E00] =	vst v63  }
0x74: {  	_ =	swait.ge [sflag:s7], $0x4000  }
0x75: {  	s9 =	simm.s32 $0x1000;
	s10 =	simm.s32 $0x7800;
	[sflag:s7] =	ssyncset.done $0x0  }
0x76: {  	s11 =	simm.s32 $0x8C00;
	s12 =	simm.s32 $0x8B80;
	[sflag:s7] =	ssyncadd.s32 $0xFFFFC000  }
.LBB2_4:
0x77: {  	[tilespmem:s29], [sflag:$0x4] =	stream.indirect.gather [hbm4b:s5+s22], $0x80, s12, s22, $0xb8;
	[tilespmem:$0x19E00] =	vst v63  }
0x78: {  	_ =	swait.ge [sflag:s31], $0x4000  }
0x79: {  	s12 =	smov.u32 s9;
	[sflag:s31] =	ssyncset.done $0x0  }
0x7a: {  	s13 =	sadd.s32 s12, s18;
	[sflag:s31] =	ssyncadd.s32 $0xFFFFC000  }
0x7b: {  	[hbm4b:s13+s2] =	stream.linear.scatter [tilespmem:s23], [sflag:$0x5], $0x4000, $0x38;
	[tilespmem:$0x19E00] =	vst v63  }
0x7c: {  	_ =	swait.ge [sflag:s1], $0x4000  }
0x7d: {  	s13 =	rddreg [dreg:$0x2];
	[sflag:s1] =	ssyncset.done $0x0  }
0x7e: {  	[sflag:s1] =	ssyncadd.s32 $0xFFFFC000;
	s13 =	sadd.s32 s12, s13  }
0x7f: {  	[hbm4b:s13+s2] =	stream.linear.scatter [tilespmem:s24], [sflag:$0x7], $0x4000, $0x38;
	[tilespmem:$0x19E00] =	vst v63  }
0x80: {  	_ =	swait.ge [sflag:s0], $0x4000  }
0x81: {  	[sflag:s0] =	ssyncset.done $0x0  }
0x82: {  	s13 =	sadd.s32 s12, s19;
	[sflag:s0] =	ssyncadd.s32 $0xFFFFC000  }
0x83: {  	[hbm4b:s13+s2] =	stream.linear.scatter [tilespmem:s26], [sflag:$0x6], $0x4000, $0x38;
	[tilespmem:$0x19E00] =	vst v63  }
0x84: {  	_ =	swait.ge [sflag:s25], $0x4000  }
0x85: {  	[sflag:s25] =	ssyncset.done $0x0  }
0x86: {  	s12 =	sadd.s32 s12, s20;
	[sflag:s25] =	ssyncadd.s32 $0xFFFFC000  }
0x87: {  	[hbm4b:s12+s2] =	stream.linear.scatter [tilespmem:s29], [sflag:$0x8], $0x4000, $0x38;
	[tilespmem:$0x19E00] =	vst v63  }
0x88: {  	_ =	swait.ge [sflag:s28], $0x4000  }
0x89: {  	[sflag:s28] =	ssyncset.done $0x0  }
0x8a: {  	[sflag:s28] =	ssyncadd.s32 $0xFFFFC000  }
0x8b: {  	[tilespmem:s23], [sflag:$0x1] =	stream.indirect.gather [hbm4b:s4+s22], $0x80, s10, s22, $0xb8;
	[tilespmem:$0x19E00] =	vst v63  }
0x8c: {  	_ =	swait.ge [sflag:s3], $0x4000  }
0x8d: {  	[sflag:s3] =	ssyncset.done $0x0  }
0x8e: {  	[sflag:s3] =	ssyncadd.s32 $0xFFFFC000  }
0x8f: {  	[tilespmem:s24], [sflag:$0x3] =	stream.indirect.gather [hbm4b:s5+s22], $0x80, s11, s22, $0xb8;
	[tilespmem:$0x19E00] =	vst v63  }
0x90: {  	_ =	swait.ge [sflag:s6], $0x4000  }
0x91: {  	p0 =	sne.s32 s9, $0x11000;
	[sflag:s6] =	ssyncset.done $0x0  }
.Ltmp1:
0x92: {  	s13 =	sadd.s32 $0x80, s10;
	[sflag:s6] =	ssyncadd.s32 $0xFFFFC000;
	(pc) =	sbr.rel @p0 .LBB2_4-.Ltmp1, $4  }
0x93: {  	[tilespmem:s26], [sflag:$0x2] =	stream.indirect.gather [hbm4b:s4+s22], $0x80, s13, s22, $0xb8;
	[tilespmem:$0x19E00] =	vst v63  }
0x94: {  	_ =	swait.ge [sflag:s7], $0x4000  }
0x95: {  	s9 =	sadd.s32 $0x1000, s9;
	s12 =	sadd.s32 $0x80, s11;
	[sflag:s7] =	ssyncset.done $0x0  }
0x96: {  	s10 =	sadd.s32 $0x100, s10;
	s11 =	sadd.s32 $0x100, s11;
	[sflag:s7] =	ssyncadd.s32 $0xFFFFC000  }
0x97: {  	[tilespmem:s29], [sflag:$0x4] =	stream.indirect.gather [hbm4b:s5+s22], $0x80, s12, s22, $0xb8;
	[tilespmem:$0x19E00] =	vst v63  }
0x98: {  	_ =	swait.ge [sflag:s31], $0x4000  }
0x99: {  	[sflag:s31] =	ssyncset.done $0x0  }
0x9a: {  	[sflag:s31] =	ssyncadd.s32 $0xFFFFC000  }
0x9b: {  	[hbm4b:s14+s2] =	stream.linear.scatter [tilespmem:s23], [sflag:$0x5], $0x4000, $0x38;
	[tilespmem:$0x19E00] =	vst v63  }
0x9c: {  	_ =	swait.ge [sflag:s1], $0x4000  }
0x9d: {  	[sflag:s1] =	ssyncset.done $0x0  }
0x9e: {  	[sflag:s1] =	ssyncadd.s32 $0xFFFFC000  }
0x9f: {  	[hbm4b:s15+s2] =	stream.linear.scatter [tilespmem:s24], [sflag:$0x7], $0x4000, $0x38;
	[tilespmem:$0x19E00] =	vst v63  }
0xa0: {  	_ =	swait.ge [sflag:s0], $0x4000  }
0xa1: {  	[sflag:s0] =	ssyncset.done $0x0  }
0xa2: {  	[sflag:s0] =	ssyncadd.s32 $0xFFFFC000  }
0xa3: {  	[hbm4b:s16+s2] =	stream.linear.scatter [tilespmem:s26], [sflag:$0x6], $0x4000, $0x38;
	[tilespmem:$0x19E00] =	vst v63  }
0xa4: {  	_ =	swait.ge [sflag:s25], $0x4000  }
0xa5: {  	[sflag:s25] =	ssyncset.done $0x0  }
0xa6: {  	[sflag:s25] =	ssyncadd.s32 $0xFFFFC000  }
0xa7: {  	[hbm4b:s17+s2] =	stream.linear.scatter [tilespmem:s29], [sflag:$0x8], $0x4000, $0x38;
	[tilespmem:$0x19E00] =	vst v63  }
0xa8: {  	_ =	swait.ge [sflag:s28], $0x4000  }
0xa9: {  	[sflag:s28] =	ssyncset.done $0x0  }
0xaa: {  	s9 =	simm.s32 $0x8900;
	[sflag:s28] =	ssyncadd.s32 $0xFFFFC000  }
0xab: {  	[tilespmem:s23], [sflag:$0x1] =	stream.indirect.gather [hbm4b:s4+s22], $0x80, s9, s22, $0xb8;
	[tilespmem:$0x19E00] =	vst v63  }
0xac: {  	_ =	swait.ge [sflag:s3], $0x4000  }
0xad: {  	[sflag:s3] =	ssyncset.done $0x0  }
0xae: {  	s10 =	simm.s32 $0x9D00;
	[sflag:s3] =	ssyncadd.s32 $0xFFFFC000  }
0xaf: {  	[tilespmem:s24], [sflag:$0x3] =	stream.indirect.gather [hbm4b:s5+s22], $0x80, s10, s22, $0xb8;
	[tilespmem:$0x19E00] =	vst v63  }
0xb0: {  	_ =	swait.ge [sflag:s31], $0x4000  }
0xb1: {  	[sflag:s31] =	ssyncset.done $0x0  }
0xb2: {  	s11 =	rddreg [dreg:$0x7];
	[sflag:s31] =	ssyncadd.s32 $0xFFFFC000  }
0xb3: {  	[hbm4b:s11+s2] =	stream.linear.scatter [tilespmem:s23], [sflag:$0x5], $0x4000, $0x38;
	[tilespmem:$0x19E00] =	vst v63  }
0xb4: {  	_ =	swait.ge [sflag:s1], $0x4000  }
0xb5: {  	[sflag:s1] =	ssyncset.done $0x0  }
0xb6: {  	s12 =	rddreg [dreg:$0x8];
	[sflag:s1] =	ssyncadd.s32 $0xFFFFC000  }
0xb7: {  	[hbm4b:s12+s2] =	stream.linear.scatter [tilespmem:s24], [sflag:$0x7], $0x4000, $0x38;
	[tilespmem:$0x19E00] =	vst v63  }
0xb8: {  	_ =	swait.ge [sflag:s28], $0x4000  }
0xb9: {  	[sflag:s28] =	ssyncset.done $0x0  }
0xba: {  	[sflag:s28] =	ssyncadd.s32 $0xFFFFC000  }
0xbb: {  	_ =	swait.ge [sflag:s3], $0x4000  }
0xbc: {  	[sflag:s3] =	ssyncset.done $0x0  }
0xbd: {  	[sflag:s3] =	ssyncadd.s32 $0xFFFFC000  }
0xbe: {  	_ =	swait.ge [sflag:s6], $0x4000  }
0xbf: {  	[sflag:s6] =	ssyncset.done $0x0  }
0xc0: {  	[sflag:s6] =	ssyncadd.s32 $0xFFFFC000  }
0xc1: {  	_ =	swait.ge [sflag:s7], $0x4000  }
0xc2: {  	[sflag:s7] =	ssyncset.done $0x0  }
0xc3: {  	s13 =	simm.s32 $0x8980;
	[sflag:s7] =	ssyncadd.s32 $0xFFFFC000  }
0xc4: {  	[tilespmem:s23], [sflag:$0x1] =	stream.indirect.gather [hbm4b:s4+s7], $0x80, s13, s7, $0xb8;
	[tilespmem:$0x19E00] =	vst v63  }
0xc5: {  	s10 =	simm.s32 $0x9D80  }
0xc6: {  	[tilespmem:s24], [sflag:$0x3] =	stream.indirect.gather [hbm4b:s5+s7], $0x80, s10, s7, $0xb8;
	[tilespmem:$0x19E00] =	vst v63  }
0xc7: {  	_ =	swait.ge [sflag:s31], $0x400  }
0xc8: {  	[sflag:s31] =	ssyncset.done $0x0  }
0xc9: {  	[sflag:s31] =	ssyncadd.s32 $0xFFFFFC00  }
0xca: {  	_ =	swait.ge [sflag:s1], $0x400  }
0xcb: {  	[sflag:s1] =	ssyncset.done $0x0  }
0xcc: {  	s11 =	rddreg [dreg:$0x9];
	[sflag:s1] =	ssyncadd.s32 $0xFFFFFC00  }
0xcd: {  	[hbm4b:s11+s2] =	stream.linear.scatter [tilespmem:s23], [sflag:$0x9], $0x400, $0x38;
	[tilespmem:$0x19E00] =	vst v63  }
0xce: {  	_ =	swait.ge [sflag:s21], $0x400  }
0xcf: {  	[sflag:s21] =	ssyncset.done $0x0  }
0xd0: {  	s12 =	rddreg [dreg:$0xa];
	[sflag:s21] =	ssyncadd.s32 $0xFFFFFC00  }
0xd1: {  	[hbm4b:s12+s2] =	stream.linear.scatter [tilespmem:s24], [sflag:$0x9], $0x400, $0x38;
	[tilespmem:$0x19E00] =	vst v63  }
0xd2: {  	_ =	swait.ge [sflag:s21], $0x400  }
0xd3: {  	s8 =	sadd.s32 $0x1, s8;
	s13 =	rddreg [dreg:$0xb]  }
0xd4: {  	p0 =	sne.s32 s8, s13  }
.Ltmp2:
0xd5: {  	_ = 	snop;
	(pc) =	sbr.rel @p0 .LBB2_1-.Ltmp2, $3  }
0xd6: {  	_ =	sdelay $0x1  }
0xd7: {  	[sflag:s21] =	ssyncset.done $0x0  }
0xd8: {  	[sflag:s21] =	ssyncadd.s32 $0xFFFFFC00  }
0xd9: {  	_ =	sfence.sel $0x180000  }
0xda: {  	[bflag:$0x0] =	sbarrier.arrive $0xFFFF  }
0xdb: {  	_ =	strace $0x9000004A  }
0xdc: {  	s0 =	stileid.u32;
	[bflag:$0x2] =	sbarrier.arrive $0xFFFF  }
0xdd: {  	p0 =	sne.s32 s0, $0x0;
	s0 =	rddreg [dreg:$0x1]  }
0xde: {  	s0 =	sadd.s32 @!p0 $0x100000, s0  }
0xdf: {  	[sflag:s0] =	ssyncadd.tile.s32 @!p0 $0x1;
	_ =	shalt  }
.Lfunc_end2:
_tile_overlayer_lowered:
.L_overlay_start_2:
0xe0: {  	(tag) =	ssettag $0x2  }
0xe1: {  	s0 =	rddreg [dreg:$0x0];
	s2 =	stileid.u32  }
0xe2: {  	s1 =	rddreg [dreg:$0x1];
	p0 =	sne.s32 s2, $0x0  }
0xe3: {  	s3 =	rddreg [dreg:$0x2];
	[bflag:$0x3] =	sbarrier.arrive $0xFFFF;
	s2 =	simm.s32 @!p0 $0x1C09  }
0xe4: {  	[timem:s3], [sflag:s2] =	dma.local @!p0 [hbm:s0], s1  }
0xe5: {  	s0 =	simm.s32 @!p0 $0x9  }
0xe6: {  	_ =	swait.ge @!p0 [sflag:s0], s1  }
0xe7: {  	s1 =	ssub.s32 @!p0 $0x0, s1;
	[sflag:s0] =	ssyncset.done @!p0 $0x0  }
0xe8: {  	[sflag:s0] =	ssyncadd.s32 @!p0 s1  }
0xe9: {  	[bflag:$0x3] =	sbarrier.arrive $0xFFFF  }
0xea: {  	_ =	shalt  }

// kernel: kernel.21.cloned.1.call-start
scs
__scs_entry_jumppad:
0x0: {  	(pc) =	sbr.rel $0x88, $3  }
0x1: {  	(tag) =	ssettag $0x0;
	lr =	simm.s32 $0x1  }
0x2: {  	[smem:$0x3F6E] =	sst lr;
	_ =	strace $0xD0000000  }
0x3: {  	_ = 	snop  }
0x4: {  	_ = 	snop  }
0x5: {  	_ = 	snop  }
0x6: {  	_ = 	snop  }
0x7: {  	_ = 	snop  }
__scs_overlays_trampoline_lowered:
0x8: {  	[smem:$0x3F7D] =	sst s0  }
0x9: {  	[smem:$0x3F7E] =	sst s1  }
0xa: {  	[smem:$0x3F7F] =	sst s2  }
0xb: {  	[smem:$0x3F80] =	sst s3  }
0xc: {  	[smem:$0x3F81] =	sst s4  }
0xd: {  	[smem:$0x3F82] =	sst s5  }
0xe: {  	[smem:$0x3F83] =	sst s6  }
0xf: {  	[smem:$0x3F84] =	sst s7  }
0x10: {  	[smem:$0x3F85] =	sst s8  }
0x11: {  	[smem:$0x3F86] =	sst s9;
	s0 =	simm.s32 @!p0 $0x0  }
0x12: {  	s1 =	sld [smem:$0x3F6C];
	s0 =	simm.s32 @p0 $0x1  }
0x13: {  	[smem:$0x3F87] =	sst s0;
	s0 =	simm.s32 @!p1 $0x0  }
0x14: {  	s2 =	sld [smem:$0x3F6B];
	s0 =	simm.s32 @p1 $0x1  }
0x15: {  	[smem:$0x3F88] =	sst s0;
	s0 =	simm.s32 @!p2 $0x0  }
0x16: {  	s3 =	sld [smem:$0x3FDB];
	s0 =	simm.s32 @p2 $0x1  }
0x17: {  	s4 =	simm.s32 $0x1BF5;
	[smem:$0x3F8A] =	sst s0  }
0x18: {  	s0 =	sld [smem:$0x3F6D];
	_ =	swait.ge [sflag:s4], $0x0  }
0x19: {  	s7 =	sld [smem:$0x3F6E]  }
0x1a: {  	s8 =	sadd.s32 $0xFFFFE003, lr  }
0x1b: {  	s9 =	sadd.s32 $0xFFFFFEF7, lr;
	s5 =	simm.s32 $0xFFFFFFFF;
	p2 =	slt.u32 s8, $0xFFFFF086  }
0x1c: {  	p1 =	slt.u32 s9, $0xF7A;
	s5 =	simm.s32 @!p2 $0x0  }
0x1d: {  	s5 =	simm.s32 @p1 $0x1;
	p0 =	seq.s32 s7, s2  }
0x1e: {  	s7 =	smul.u32 @!p0 $0xF7A, s2;
	p2 =	seq.s32 @!p0 s5, $0x0  }
0x1f: {  	s9 =	smul.u32 $0xF7A, s1;
	s8 =	simm.s32 @!p0 $0x1BF5;
	p2 =	por !p2, p0  }
0x20: {  	[sflag:s8] =	ssyncset.s32 @!p0 $0xFFFFF086;
	s6 =	sadd.s32 @!p0 s3, s7;
	s7 =	simm.s32 @!p0 $0x108  }
0x21: {  	s3 =	sadd.s32 s3, s9;
	s6 =	sadd.s32 @!p0 $0x88, s6;
	s7 =	simm.s32 @p2 $0x1082  }
0x22: {  	[simem:s7], [sflag:s8] =	dma.local @!p0 [hbm:s6], $0xF7A  }
0x23: {  	s9 =	sor.u32 $0xD0000000, s2;
	s6 =	simm.s32 $0x108;
	_ =	swait.ge @!p0 [sflag:s8], $0x0  }
0x24: {  	s3 =	sadd.s32 $0x88, s3;
	s6 =	simm.s32 @!p1 $0x1082;
	[sflag:s4] =	ssyncset.s32 $0xFFFFF086  }
0x25: {  	[simem:s6], [sflag:s4] =	dma.local [hbm:s3], $0xF7A  }
0x26: {  	[smem:$0x3F6E] =	sst s1;
	(tag) =	ssettag s2;
	_ =	strace s9  }
0x27: {  	s1 =	sld [smem:$0x3F7E]  }
0x28: {  	s2 =	sld [smem:$0x3F7F]  }
0x29: {  	s4 =	sld [smem:$0x3F81]  }
0x2a: {  	p0 =	seq.s32 s5, $0x0;
	s5 =	sld [smem:$0x3F82]  }
0x2b: {  	s6 =	sld [smem:$0x3F83]  }
0x2c: {  	s7 =	sld [smem:$0x3F84]  }
0x2d: {  	s3 =	simm.s32 $0x108;
	s8 =	sld [smem:$0x3F85]  }
0x2e: {  	s3 =	simm.s32 @!p0 $0x1082;
	s9 =	sld [smem:$0x3F86]  }
0x2f: {  	lr =	sadd.s32 s0, s3;
	s0 =	sld [smem:$0x3F7D]  }
0x30: {  	s3 =	sld [smem:$0x3F80]  }
0x31: {  	[smem:$0x3F89] =	sst s10  }
0x32: {  	s10 =	sld [smem:$0x3F87];
	_ =	sdelay $0x3  }
0x33: {  	p0 =	seq.s32 s10, $0x1;
	s10 =	sld [smem:$0x3F89];
	_ =	sdelay $0x3  }
0x34: {  	[smem:$0x3F89] =	sst s10  }
0x35: {  	s10 =	sld [smem:$0x3F88];
	_ =	sdelay $0x3  }
0x36: {  	p1 =	seq.s32 s10, $0x1;
	s10 =	sld [smem:$0x3F89];
	_ =	sdelay $0x3  }
0x37: {  	[smem:$0x3F89] =	sst s10  }
0x38: {  	s10 =	sld [smem:$0x3F8A]  }
0x39: {  	_ = 	snop;
	(pc) =	sbr.ind lr, $3  }
0x3a: {  	_ = 	snop  }
0x3b: {  	_ = 	snop  }
0x3c: {  	p2 =	seq.s32 s10, $0x1;
	s10 =	sld [smem:$0x3F89]  }
0x3d: {  	_ =	shalt  }
0x3e: {  	_ =	shalt  }
0x3f: {  	_ =	shalt  }
0x40: {  	_ =	shalt  }
0x41: {  	_ =	shalt  }
0x42: {  	_ =	shalt  }
0x43: {  	_ =	shalt  }
0x44: {  	_ =	shalt  }
0x45: {  	_ =	shalt  }
0x46: {  	_ =	shalt  }
0x47: {  	_ =	shalt  }
0x48: {  	_ =	shalt  }
0x49: {  	_ =	shalt  }
0x4a: {  	_ =	shalt  }
0x4b: {  	_ =	shalt  }
0x4c: {  	_ =	shalt  }
0x4d: {  	_ =	shalt  }
0x4e: {  	_ =	shalt  }
0x4f: {  	_ =	shalt  }
0x50: {  	_ =	shalt  }
0x51: {  	_ =	shalt  }
0x52: {  	_ =	shalt  }
0x53: {  	_ =	shalt  }
0x54: {  	_ =	shalt  }
0x55: {  	_ =	shalt  }
0x56: {  	_ =	shalt  }
0x57: {  	_ =	shalt  }
0x58: {  	_ =	shalt  }
0x59: {  	_ =	shalt  }
0x5a: {  	_ =	shalt  }
0x5b: {  	_ =	shalt  }
0x5c: {  	_ =	shalt  }
0x5d: {  	_ =	shalt  }
0x5e: {  	_ =	shalt  }
0x5f: {  	_ =	shalt  }
0x60: {  	_ =	shalt  }
0x61: {  	_ =	shalt  }
0x62: {  	_ =	shalt  }
0x63: {  	_ =	shalt  }
0x64: {  	_ =	shalt  }
0x65: {  	_ =	shalt  }
0x66: {  	_ =	shalt  }
0x67: {  	_ =	shalt  }
0x68: {  	_ =	shalt  }
0x69: {  	_ =	shalt  }
0x6a: {  	_ =	shalt  }
0x6b: {  	_ =	shalt  }
0x6c: {  	_ =	shalt  }
0x6d: {  	_ =	shalt  }
0x6e: {  	_ =	shalt  }
0x6f: {  	_ =	shalt  }
0x70: {  	_ =	shalt  }
0x71: {  	_ =	shalt  }
0x72: {  	_ =	shalt  }
0x73: {  	_ =	shalt  }
0x74: {  	_ =	shalt  }
0x75: {  	_ =	shalt  }
0x76: {  	_ =	shalt  }
0x77: {  	_ =	shalt  }
0x78: {  	_ =	shalt  }
0x79: {  	_ =	shalt  }
0x7a: {  	_ =	shalt  }
0x7b: {  	_ =	shalt  }
0x7c: {  	_ =	shalt  }
0x7d: {  	_ =	shalt  }
0x7e: {  	_ =	shalt  }
0x7f: {  	_ =	shalt  }
0x80: {  	_ =	shalt  }
0x81: {  	_ =	shalt  }
0x82: {  	_ =	shalt  }
0x83: {  	_ =	shalt  }
0x84: {  	_ =	shalt  }
0x85: {  	_ =	shalt  }
0x86: {  	_ =	shalt  }
0x87: {  	_ =	shalt  }
.Lfunc_end0:
.L_simem_size_0:
called_computation.1_lowered:
.L_overlay_start_0:
0x88: {  	s2 =	sld [smem:$0x3FD9]  }
0x89: {  	s3 =	sld [smem:$0x3FFE];
	_ =	sdelay $0x1  }
0x8a: {  	s1 =	srdreg.scid  }
0x8b: {  	s0 =	sand.u32 $0x1, s1  }
0x8c: {  	s16 =	sshll.u32 s0, $0xA;
	s2 =	sadd.s32 s3, s2  }
0x8d: {  	s2 =	sadd.s32 s2, s16  }
0x8e: {  	[smem:$0x3F95] =	sst s2  }
0x8f: {  	_ = 	snop  }
0x90: {  	(tm) =	ssettm $0x1  }
0x91: {  	s17 =	sld [smem:$0x3FFB];
	_ =	sdelay $0x3  }
0x92: {  	_ =	strace s17  }
0x93: {  	s2 =	sld [smem:$0x3FFC];
	_ =	sdelay $0x3  }
0x94: {  	_ =	strace s2  }
0x95: {  	s2 =	sld [smem:$0x3FFD];
	_ =	sdelay $0x3  }
0x96: {  	_ =	strace s2  }
0x97: {  	_ =	strace $0x8FFFFFFF  }
0x98: {  	s18 =	sld [smem:$0x3FDB];
	_ =	sdelay $0x1  }
0x99: {  	s19 =	simm.s32 $_scs_section_size  }
0x9a: {  	s4 =	simm.s32 $_size__tile_overlayer_lowered;
	s5 =	simm.s32 $_tile_overlayer_lowered  }
0x9b: {  	s22 =	simm.s32 $0x1BFF;
	s21 =	sshll.u32 s5, $0x1;
	s2 =	sadd.s32 s19, s18  }
0x9c: {  	s6 =	simm.s32 $0x0;
	s20 =	sshll.u32 s4, $0x1;
	s4 =	sadd.s32 s21, s2  }
0x9d: {  	[timem:s6], [sflag:s22] =	dma.local [hbm:s4], s20  }
0x9e: {  	_ =	swait.ge [sflag:s22], s20  }
0x9f: {  	s3 =	ssub.s32 $0x0, s20;
	[sflag:s22] =	ssyncset.done $0x0  }
0xa0: {  	[sflag:s22] =	ssyncadd.s32 s3;
	_ =	sdelay $0x1  }
0xa1: {  	s23 =	simm.s32 $0x1B8B  }
0xa2: {  	_ =	swait.ge [sflag:s23], $0x1  }
0xa3: {  	[sflag:s23] =	ssyncset.done $0x0  }
0xa4: {  	s25 =	simm.s32 $0x1B8E;
	s24 =	sld [smem:$0x3FFE];
	[sflag:s23] =	ssyncadd.s32 $0xFFFFFFFF  }
0xa5: {  	s26 =	simm.s32 $execute0_lowered;
	[smem:$0x3FD2] =	sst s25  }
0xa6: {  	s4 =	sshll.u32 s26, $0x1;
	_ =	strace $0x80000046;
	[dreg:$0x1] =	wrdreg $0xFFFFFFFF  }
0xa7: {  	s28 =	simm.s32 $_size_execute0_lowered;
	s2 =	sadd.s32 s2, s4;
	[dreg:$0x0] =	wrdreg $0x0  }
0xa8: {  	s4 =	sshll.u32 s28, $0x1;
	[dreg:$0x2] =	wrdreg s2  }
0xa9: {  	[dreg:$0x3] =	wrdreg s4  }
0xaa: {  	[dreg:$0x4] =	wrdreg $0xC0  }
0xab: {  	_ =	task [dreg:s6], $0x5FFFF  }
0xac: {  	[dreg:$0x1] =	wrdreg $0xFFFFFFFF  }
0xad: {  	[dreg:$0x0] =	wrdreg $0x60  }
0xae: {  	[dreg:$0x2] =	wrdreg s24  }
0xaf: {  	[dreg:$0x3] =	wrdreg $0xA  }
0xb0: {  	_ =	task.clear_ibuf [dreg:s6], $0x4FFFF;
	_ =	strace $0x90000046  }
0xb1: {  	s29 =	simm.s32 $0xA;
	_ =	strace $0x80000048  }
0xb2: {  	_ =	swait.ge [sflag:s29], $0x1  }
0xb3: {  	[sflag:s29] =	ssyncadd.s32 $0xFFFFFFFF  }
0xb4: {  	_ =	strace $0x90000048  }
0xb5: {  	_ =	sfence  }
0xb6: {  	s30 =	sld [smem:$0x0];
	_ =	sdelay $0x2  }
0xb7: {  	s31 =	sshll.u32 s1, $0xD;
	s1 =	sshrl.u32 s1, $0x2  }
0xb8: {  	s3 =	sand.u32 $0x4000, s31;
	s1 =	sadd.s32 s1, s30  }
0xb9: {  	s0 =	sor.u32 s3, s0;
	s1 =	sshll.u32 s1, $0x11  }
0xba: {  	s0 =	sor.u32 s1, s0  }
0xbb: {  	s0 =	sadd.s32 $0x8F2B, s0  }
0xbc: {  	[sflag:s0] =	ssyncadd.remote.s32 $0x1  }
0xbd: {  	_ =	sfence.sel $0xFFFF  }
0xbe: {  	[dreg:$0x0] =	wrdreg $0xFFFFFFFF;
	(pc) =	sbr.abs _section_cstart, $3  }
0xbf: {  	[dreg:$0x1] =	wrdreg $0xFFFFFFFF  }
0xc0: {  	_ =	task.clear_ibuf [dreg:s6], $0x2FFFF;
	_ =	strace $0x9FFFFFFF  }
0xc1: {  	(tm) =	ssettm $0x7FFFFFFF  }
tec
execute0_lowered:
.L_overlay_start_1:
0x0: {  	(tag) =	ssettag $0x1  }
0x1: {  	s0 =	srdreg.scid  }
0x2: {  	s12 =	stileid.u32;
	s3 =	rddreg [dreg:$0x0]  }
0x3: {  	s2 =	simm.s32 $0x0;
	s29 =	simm.s32 $0x15E00;
	s30 =	simm.s32 $0x4E80  }
0x4: {  	s31 =	simm.s32 $0x1;
	s28 =	simm.s32 $0x5;
	s21 =	smul.u32 $0x9C400, s12  }
0x5: {  	s0 =	sand.u32 $0x1, s0;
	[smem:$0x7FF] =	sst s2;
	s25 =	smul.u32 $0x13880, s12  }
0x6: {  	s14 =	sadd.s32 $0x16600, s3;
	s1 =	sshll.u32 s0, $0x4;
	s19 =	smul.u32 $0x9C4000, s0  }
0x7: {  	s8 =	ssub.s32 $0x2, s0;
	s0 =	smul.u32 $0x138800, s0;
	s1 =	sor.u32 s12, s1  }
0x8: {  	s5 =	sadd.s32 $0x3E200, s3;
	s10 =	sadd.s32 $0x6F200, s3;
	s4 =	smul.u32 $0x1388, s1  }
0x9: {  	_ =	strace $0x80000047;
	s11 =	sshrl.u32 s8, $0x1;
	s7 =	smul.u32 $0x4E2, s1  }
0xa: {  	[dreg:$0x3] =	wrdreg s14;
	s9 =	smul.u32 $0x9C400, s1;
	s8 =	ssub.s32 s8, s11  }
0xb: {  	s1 =	smul.u32 $0x13880, s1;
	s23 =	sadd.s32 s21, s19;
	s26 =	sadd.s32 s0, s10  }
0xc: {  	s21 =	simm.s32 $0x9;
	s22 =	smax.u32 s8, $0x1;
	s8 =	simm.s32 $0x0  }
0xd: {  	s4 =	sshrl.u32 s4, $0x3;
	s7 =	sadd.s32 s7, s3;
	s9 =	sshrl.u32 s9, $0x3  }
0xe: {  	[dreg:$0xb] =	wrdreg s22;
	s1 =	sadd.s32 $0x12800, s1;
	s22 =	simm.s32 $0x80  }
0xf: {  	s6 =	sadd.s32 s4, s3;
	s4 =	sadd.s32 $0x17000, s3;
	s3 =	sadd.s32 $0x2E0200, s3  }
0x10: {  	s16 =	sadd.s32 $0x13000, s9;
	s7 =	sadd.s32 $0x65400, s7;
	s18 =	sadd.s32 $0x13800, s9  }
0x11: {  	s9 =	sadd.s32 $0x12000, s9;
	s15 =	sadd.s32 $0x11600, s6;
	[dreg:$0x6] =	wrdreg s7  }
0x12: {  	s6 =	sadd.s32 $0xC600, s6;
	s17 =	sadd.s32 s10, s16;
	[dreg:$0x4] =	wrdreg s15  }
0x13: {  	s20 =	sadd.s32 s10, s18;
	s14 =	sadd.s32 s10, s9;
	[dreg:$0x5] =	wrdreg s6  }
0x14: {  	s0 =	sadd.s32 s0, s3;
	s7 =	simm.s32 $0x8;
	[dreg:$0x7] =	wrdreg s17  }
0x15: {  	s6 =	sadd.s32 s3, s16;
	[dreg:$0x9] =	wrdreg s20;
	s15 =	sadd.s32 s3, s9  }
0x16: {  	s16 =	sadd.s32 s10, s1;
	s17 =	sadd.s32 s3, s1;
	s1 =	sadd.s32 s25, s26  }
0x17: {  	s0 =	sadd.s32 s25, s0;
	s26 =	simm.s32 $0xDE00;
	s25 =	simm.s32 $0x4  }
0x18: {  	[dreg:$0x8] =	wrdreg s6;
	s6 =	sadd.s32 s3, s18;
	s19 =	sadd.s32 $0x800, s1  }
0x19: {  	s20 =	sadd.s32 $0x800, s0;
	s1 =	simm.s32 $0x3;
	s0 =	simm.s32 $0x2  }
0x1a: {  	[dreg:$0xa] =	wrdreg s6;
	s6 =	sshrl.u32 s23, $0x3;
	s23 =	simm.s32 $0x9E00  }
0x1b: {  	v0 =	vlaneseq.u32;
	s24 =	sadd.s32 s6, s3;
	s18 =	sadd.s32 s6, s10;
	s3 =	simm.s32 $0x7  }
0x1c: {  	v0 =	vmul.u32 $0x2, v0;
	s6 =	simm.s32 $0x6;
	[dreg:$0x2] =	wrdreg s24;
	s24 =	simm.s32 $0x11E00  }
.LBB2_1:
0x1d: {  	s9 =	simm.s32 $0x7600;
	s10 =	rddreg [dreg:$0x4]  }
0x1e: {  	[tilespmem:s9], [sflag:$0x9] =	stream.linear.gather [hbm4b:s10+s2], $0x1388, $0x38;
	[tilespmem:$0x19E00] =	vst v63  }
0x1f: {  	_ =	swait.ge [sflag:s21], $0x1388  }
0x20: {  	[sflag:s21] =	ssyncset.done $0x0  }
0x21: {  	s10 =	simm.s32 $0x8A00;
	s11 =	rddreg [dreg:$0x5];
	[sflag:s21] =	ssyncadd.s32 $0xFFFFEC78  }
0x22: {  	[tilespmem:s10], [sflag:$0x9] =	stream.linear.gather [hbm4b:s11+s2], $0x1388, $0x38;
	[tilespmem:$0x19E00] =	vst v63  }
0x23: {  	_ =	swait.ge [sflag:s21], $0x1388  }
0x24: {  	[sflag:s21] =	ssyncset.done $0x0  }
0x25: {  	[sflag:s21] =	ssyncadd.s32 $0xFFFFEC78  }
0x26: {  	[tilespmem:s23], [sflag:$0x1] =	stream.indirect.gather [hbm4b:s4+s22], $0x80, s9, s22, $0xb8;
	[tilespmem:$0x19E00] =	vst v63  }
0x27: {  	_ = 	snop  }
0x28: {  	[tilespmem:s24], [sflag:$0x3] =	stream.indirect.gather [hbm4b:s5+s22], $0x80, s10, s22, $0xb8;
	[tilespmem:$0x19E00] =	vst v63  }
0x29: {  	s13 =	simm.s32 $0x7680  }
0x2a: {  	[tilespmem:s26], [sflag:$0x2] =	stream.indirect.gather [hbm4b:s4+s22], $0x80, s13, s22, $0xb8;
	[tilespmem:$0x19E00] =	vst v63  }
0x2b: {  	s12 =	simm.s32 $0x8A80  }
0x2c: {  	[tilespmem:s29], [sflag:$0x4] =	stream.indirect.gather [hbm4b:s5+s22], $0x80, s12, s22, $0xb8;
	[tilespmem:$0x19E00] =	vst v63  }
0x2d: {  	s13 =	rddreg [dreg:$0x3]  }
0x2e: {  	[tilespmem:s2], [sflag:$0x9] =	stream.linear.gather [hbm4b:s13+s2], $0x4E80, $0x38;
	[tilespmem:$0x19E00] =	vst v63  }
0x2f: {  	_ =	swait.ge [sflag:s21], $0x4E80  }
0x30: {  	[sflag:s21] =	ssyncset.done $0x0  }
0x31: {  	[sflag:s21] =	ssyncadd.s32 $0xFFFFB180  }
0x32: {  	v1 =	vld [tilespmem:s9+$0x0]  }
0x33: {  	v2 =	vld [tilespmem:s10+$0x0];
	_ =	sdelay $0x3  }
0x34: {  	v1 =	vshll.u32 v1, $0x1  }
0x35: {  	v2 =	vshll.u32 v2, $0x1;
	_ =	sdelay $0x1  }
0x36: {  	v3 =	vor.u32 $0x1, v1  }
0x37: {  	v4 =	vor.u32 $0x1, v2  }
0x38: {  	v1 =	vld.idx.msk [tilespmem:v1+s2+$0x0], $0xffff  }
0x39: {  	v2 =	vld.idx.msk [tilespmem:v2+s2+$0x0], $0xffff;
	_ =	sdelay $0x1  }
0x3a: {  	v5 =	vmov s2;
	v3 =	vld.idx.msk [tilespmem:v3+s2+$0x0], $0xffff  }
0x3b: {  	v5 =	vshll.u32 v5, $0x1;
	v4 =	vld.idx.msk [tilespmem:v4+s2+$0x0], $0xffff  }
0x3c: {  	v5 =	vor.u32 v0, v5  }
0x3d: {  	v6 =	vsub.f32 v1, v2;
	v1 =	vor.u32 $0x1, v5;
	_ =	sdelay $0x2  }
0x3e: {  	v2 =	vsub.f32 v3, v4  }
0x3f: {  	s11 =	simm.s32 $0x10;
	[tilespmem:v5+s30+$0x0] =	vst.idx.msk $0xffff, v6  }
.LBB2_2:
0x40: {  	p0 =	sne.s32 s11, $0x1370;
	[tilespmem:v1+s30+$0x0] =	vst.idx.msk $0xffff, v2;
	s9 =	sadd.s32 $0x10, s9;
	s10 =	sadd.s32 $0x10, s10  }
0x41: {  	s12 =	smov.u32 s11;
	s11 =	sadd.s32 $0x10, s11;
	v1 =	vld [tilespmem:s9+$0x0];
	_ =	sdelay $0x1  }
0x42: {  	v2 =	vld [tilespmem:s10+$0x0];
	_ =	sdelay $0x2  }
0x43: {  	v1 =	vshll.u32 v1, $0x1  }
0x44: {  	v3 =	vor.u32 $0x1, v1  }
0x45: {  	v2 =	vshll.u32 v2, $0x1  }
0x46: {  	v4 =	vor.u32 $0x1, v2;
	_ =	sdelay $0x1  }
0x47: {  	v5 =	vld.idx.msk [tilespmem:v1+s2+$0x0], $0xffff  }
0x48: {  	v3 =	vld.idx.msk [tilespmem:v3+s2+$0x0], $0xffff  }
0x49: {  	v2 =	vld.idx.msk [tilespmem:v2+s2+$0x0], $0xffff  }
0x4a: {  	v1 =	vmov s12;
	v4 =	vld.idx.msk [tilespmem:v4+s2+$0x0], $0xffff  }
0x4b: {  	v1 =	vshll.u32 v1, $0x1  }
0x4c: {  	v6 =	vor.u32 v0, v1  }
.Ltmp0:
0x4d: {  	v1 =	vor.u32 $0x1, v6;
	(pc) =	sbr.rel @p0 .LBB2_2-.Ltmp0, $4  }
0x4e: {  	_ = 	snop  }
0x4f: {  	v5 =	vsub.f32 v5, v2  }
0x50: {  	v2 =	vsub.f32 v3, v4  }
0x51: {  	[tilespmem:v6+s30+$0x0] =	vst.idx.msk $0xffff, v5  }
0x52: {  	_ =	sdelay $0x3  }
0x53: {  	[tilespmem:v1+s30+$0x0] =	vst.idx.msk $0xffff, v2;
	s9 =	simm.s32 $0x0;
	s10 =	rddreg [dreg:$0x6]  }
0x54: {  	[hbm4b:s10+s9] =	stream.linear.scatter [tilespmem:s30], [sflag:$0x9], $0x2710, $0x38;
	[tilespmem:$0x19E00] =	vst v63  }
0x55: {  	_ =	swait.ge [sflag:s21], $0x2710  }
0x56: {  	[sflag:s21] =	ssyncset.done $0x0  }
0x57: {  	[sflag:s21] =	ssyncadd.s32 $0xFFFFD8F0  }
0x58: {  	_ =	swait.ge [sflag:s31], $0x4000  }
0x59: {  	[sflag:s31] =	ssyncset.done $0x0  }
0x5a: {  	s11 =	sadd.s32 $0x0, s18;
	[sflag:s31] =	ssyncadd.s32 $0xFFFFC000  }
0x5b: {  	[hbm4b:s11+s2] =	stream.linear.scatter [tilespmem:s23], [sflag:$0x5], $0x4000, $0x38;
	[tilespmem:$0x19E00] =	vst v63  }
0x5c: {  	_ =	swait.ge [sflag:s1], $0x4000  }
0x5d: {  	s12 =	rddreg [dreg:$0x2];
	[sflag:s1] =	ssyncset.done $0x0  }
0x5e: {  	[sflag:s1] =	ssyncadd.s32 $0xFFFFC000;
	s9 =	sadd.s32 $0x0, s12  }
0x5f: {  	[hbm4b:s9+s2] =	stream.linear.scatter [tilespmem:s24], [sflag:$0x7], $0x4000, $0x38;
	[tilespmem:$0x19E00] =	vst v63  }
0x60: {  	_ =	swait.ge [sflag:s0], $0x4000  }
0x61: {  	[sflag:s0] =	ssyncset.done $0x0  }
0x62: {  	s13 =	sadd.s32 $0x0, s19;
	[sflag:s0] =	ssyncadd.s32 $0xFFFFC000  }
0x63: {  	[hbm4b:s13+s2] =	stream.linear.scatter [tilespmem:s26], [sflag:$0x6], $0x4000, $0x38;
	[tilespmem:$0x19E00] =	vst v63  }
0x64: {  	_ =	swait.ge [sflag:s25], $0x4000  }
0x65: {  	[sflag:s25] =	ssyncset.done $0x0  }
0x66: {  	s10 =	sadd.s32 $0x0, s20;
	[sflag:s25] =	ssyncadd.s32 $0xFFFFC000  }
0x67: {  	[hbm4b:s10+s2] =	stream.linear.scatter [tilespmem:s29], [sflag:$0x8], $0x4000, $0x38;
	[tilespmem:$0x19E00] =	vst v63  }
0x68: {  	_ =	swait.ge [sflag:s28], $0x4000  }
0x69: {  	[sflag:s28] =	ssyncset.done $0x0  }
0x6a: {  	s11 =	simm.s32 $0x7700;
	[sflag:s28] =	ssyncadd.s32 $0xFFFFC000  }
0x6b: {  	[tilespmem:s23], [sflag:$0x1] =	stream.indirect.gather [hbm4b:s4+s22], $0x80, s11, s22, $0xb8;
	[tilespmem:$0x19E00] =	vst v63  }
0x6c: {  	_ =	swait.ge [sflag:s3], $0x4000  }
0x6d: {  	[sflag:s3] =	ssyncset.done $0x0  }
0x6e: {  	s12 =	simm.s32 $0x8B00;
	[sflag:s3] =	ssyncadd.s32 $0xFFFFC000  }
0x6f: {  	[tilespmem:s24], [sflag:$0x3] =	stream.indirect.gather [hbm4b:s5+s22], $0x80, s12, s22, $0xb8;
	[tilespmem:$0x19E00] =	vst v63  }
0x70: {  	_ =	swait.ge [sflag:s6], $0x4000  }
0x71: {  	[sflag:s6] =	ssyncset.done $0x0  }
0x72: {  	s13 =	simm.s32 $0x7780;
	[sflag:s6] =	ssyncadd.s32 $0xFFFFC000  }
0x73: {  	[tilespmem:s26], [sflag:$0x2] =	stream.indirect.gather [hbm4b:s4+s22], $0x80, s13, s22, $0xb8;
	[tilespmem:$0x19E00] =	vst v63  }
0x74: {  	_ =	swait.ge [sflag:s7], $0x4000  }
0x75: {  	s9 =	simm.s32 $0x1000;
	s10 =	simm.s32 $0x7800;
	[sflag:s7] =	ssyncset.done $0x0  }
0x76: {  	s11 =	simm.s32 $0x8C00;
	s12 =	simm.s32 $0x8B80;
	[sflag:s7] =	ssyncadd.s32 $0xFFFFC000  }
.LBB2_4:
0x77: {  	[tilespmem:s29], [sflag:$0x4] =	stream.indirect.gather [hbm4b:s5+s22], $0x80, s12, s22, $0xb8;
	[tilespmem:$0x19E00] =	vst v63  }
0x78: {  	_ =	swait.ge [sflag:s31], $0x4000  }
0x79: {  	s12 =	smov.u32 s9;
	[sflag:s31] =	ssyncset.done $0x0  }
0x7a: {  	s13 =	sadd.s32 s12, s18;
	[sflag:s31] =	ssyncadd.s32 $0xFFFFC000  }
0x7b: {  	[hbm4b:s13+s2] =	stream.linear.scatter [tilespmem:s23], [sflag:$0x5], $0x4000, $0x38;
	[tilespmem:$0x19E00] =	vst v63  }
0x7c: {  	_ =	swait.ge [sflag:s1], $0x4000  }
0x7d: {  	s13 =	rddreg [dreg:$0x2];
	[sflag:s1] =	ssyncset.done $0x0  }
0x7e: {  	[sflag:s1] =	ssyncadd.s32 $0xFFFFC000;
	s13 =	sadd.s32 s12, s13  }
0x7f: {  	[hbm4b:s13+s2] =	stream.linear.scatter [tilespmem:s24], [sflag:$0x7], $0x4000, $0x38;
	[tilespmem:$0x19E00] =	vst v63  }
0x80: {  	_ =	swait.ge [sflag:s0], $0x4000  }
0x81: {  	[sflag:s0] =	ssyncset.done $0x0  }
0x82: {  	s13 =	sadd.s32 s12, s19;
	[sflag:s0] =	ssyncadd.s32 $0xFFFFC000  }
0x83: {  	[hbm4b:s13+s2] =	stream.linear.scatter [tilespmem:s26], [sflag:$0x6], $0x4000, $0x38;
	[tilespmem:$0x19E00] =	vst v63  }
0x84: {  	_ =	swait.ge [sflag:s25], $0x4000  }
0x85: {  	[sflag:s25] =	ssyncset.done $0x0  }
0x86: {  	s12 =	sadd.s32 s12, s20;
	[sflag:s25] =	ssyncadd.s32 $0xFFFFC000  }
0x87: {  	[hbm4b:s12+s2] =	stream.linear.scatter [tilespmem:s29], [sflag:$0x8], $0x4000, $0x38;
	[tilespmem:$0x19E00] =	vst v63  }
0x88: {  	_ =	swait.ge [sflag:s28], $0x4000  }
0x89: {  	[sflag:s28] =	ssyncset.done $0x0  }
0x8a: {  	[sflag:s28] =	ssyncadd.s32 $0xFFFFC000  }
0x8b: {  	[tilespmem:s23], [sflag:$0x1] =	stream.indirect.gather [hbm4b:s4+s22], $0x80, s10, s22, $0xb8;
	[tilespmem:$0x19E00] =	vst v63  }
0x8c: {  	_ =	swait.ge [sflag:s3], $0x4000  }
0x8d: {  	[sflag:s3] =	ssyncset.done $0x0  }
0x8e: {  	[sflag:s3] =	ssyncadd.s32 $0xFFFFC000  }
0x8f: {  	[tilespmem:s24], [sflag:$0x3] =	stream.indirect.gather [hbm4b:s5+s22], $0x80, s11, s22, $0xb8;
	[tilespmem:$0x19E00] =	vst v63  }
0x90: {  	_ =	swait.ge [sflag:s6], $0x4000  }
0x91: {  	p0 =	sne.s32 s9, $0x11000;
	[sflag:s6] =	ssyncset.done $0x0  }
.Ltmp1:
0x92: {  	s13 =	sadd.s32 $0x80, s10;
	[sflag:s6] =	ssyncadd.s32 $0xFFFFC000;
	(pc) =	sbr.rel @p0 .LBB2_4-.Ltmp1, $4  }
0x93: {  	[tilespmem:s26], [sflag:$0x2] =	stream.indirect.gather [hbm4b:s4+s22], $0x80, s13, s22, $0xb8;
	[tilespmem:$0x19E00] =	vst v63  }
0x94: {  	_ =	swait.ge [sflag:s7], $0x4000  }
0x95: {  	s9 =	sadd.s32 $0x1000, s9;
	s12 =	sadd.s32 $0x80, s11;
	[sflag:s7] =	ssyncset.done $0x0  }
0x96: {  	s10 =	sadd.s32 $0x100, s10;
	s11 =	sadd.s32 $0x100, s11;
	[sflag:s7] =	ssyncadd.s32 $0xFFFFC000  }
0x97: {  	[tilespmem:s29], [sflag:$0x4] =	stream.indirect.gather [hbm4b:s5+s22], $0x80, s12, s22, $0xb8;
	[tilespmem:$0x19E00] =	vst v63  }
0x98: {  	_ =	swait.ge [sflag:s31], $0x4000  }
0x99: {  	[sflag:s31] =	ssyncset.done $0x0  }
0x9a: {  	[sflag:s31] =	ssyncadd.s32 $0xFFFFC000  }
0x9b: {  	[hbm4b:s14+s2] =	stream.linear.scatter [tilespmem:s23], [sflag:$0x5], $0x4000, $0x38;
	[tilespmem:$0x19E00] =	vst v63  }
0x9c: {  	_ =	swait.ge [sflag:s1], $0x4000  }
0x9d: {  	[sflag:s1] =	ssyncset.done $0x0  }
0x9e: {  	[sflag:s1] =	ssyncadd.s32 $0xFFFFC000  }
0x9f: {  	[hbm4b:s15+s2] =	stream.linear.scatter [tilespmem:s24], [sflag:$0x7], $0x4000, $0x38;
	[tilespmem:$0x19E00] =	vst v63  }
0xa0: {  	_ =	swait.ge [sflag:s0], $0x4000  }
0xa1: {  	[sflag:s0] =	ssyncset.done $0x0  }
0xa2: {  	[sflag:s0] =	ssyncadd.s32 $0xFFFFC000  }
0xa3: {  	[hbm4b:s16+s2] =	stream.linear.scatter [tilespmem:s26], [sflag:$0x6], $0x4000, $0x38;
	[tilespmem:$0x19E00] =	vst v63  }
0xa4: {  	_ =	swait.ge [sflag:s25], $0x4000  }
0xa5: {  	[sflag:s25] =	ssyncset.done $0x0  }
0xa6: {  	[sflag:s25] =	ssyncadd.s32 $0xFFFFC000  }
0xa7: {  	[hbm4b:s17+s2] =	stream.linear.scatter [tilespmem:s29], [sflag:$0x8], $0x4000, $0x38;
	[tilespmem:$0x19E00] =	vst v63  }
0xa8: {  	_ =	swait.ge [sflag:s28], $0x4000  }
0xa9: {  	[sflag:s28] =	ssyncset.done $0x0  }
0xaa: {  	s9 =	simm.s32 $0x8900;
	[sflag:s28] =	ssyncadd.s32 $0xFFFFC000  }
0xab: {  	[tilespmem:s23], [sflag:$0x1] =	stream.indirect.gather [hbm4b:s4+s22], $0x80, s9, s22, $0xb8;
	[tilespmem:$0x19E00] =	vst v63  }
0xac: {  	_ =	swait.ge [sflag:s3], $0x4000  }
0xad: {  	[sflag:s3] =	ssyncset.done $0x0  }
0xae: {  	s10 =	simm.s32 $0x9D00;
	[sflag:s3] =	ssyncadd.s32 $0xFFFFC000  }
0xaf: {  	[tilespmem:s24], [sflag:$0x3] =	stream.indirect.gather [hbm4b:s5+s22], $0x80, s10, s22, $0xb8;
	[tilespmem:$0x19E00] =	vst v63  }
0xb0: {  	_ =	swait.ge [sflag:s31], $0x4000  }
0xb1: {  	[sflag:s31] =	ssyncset.done $0x0  }
0xb2: {  	s11 =	rddreg [dreg:$0x7];
	[sflag:s31] =	ssyncadd.s32 $0xFFFFC000  }
0xb3: {  	[hbm4b:s11+s2] =	stream.linear.scatter [tilespmem:s23], [sflag:$0x5], $0x4000, $0x38;
	[tilespmem:$0x19E00] =	vst v63  }
0xb4: {  	_ =	swait.ge [sflag:s1], $0x4000  }
0xb5: {  	[sflag:s1] =	ssyncset.done $0x0  }
0xb6: {  	s12 =	rddreg [dreg:$0x8];
	[sflag:s1] =	ssyncadd.s32 $0xFFFFC000  }
0xb7: {  	[hbm4b:s12+s2] =	stream.linear.scatter [tilespmem:s24], [sflag:$0x7], $0x4000, $0x38;
	[tilespmem:$0x19E00] =	vst v63  }
0xb8: {  	_ =	swait.ge [sflag:s28], $0x4000  }
0xb9: {  	[sflag:s28] =	ssyncset.done $0x0  }
0xba: {  	[sflag:s28] =	ssyncadd.s32 $0xFFFFC000  }
0xbb: {  	_ =	swait.ge [sflag:s3], $0x4000  }
0xbc: {  	[sflag:s3] =	ssyncset.done $0x0  }
0xbd: {  	[sflag:s3] =	ssyncadd.s32 $0xFFFFC000  }
0xbe: {  	_ =	swait.ge [sflag:s6], $0x4000  }
0xbf: {  	[sflag:s6] =	ssyncset.done $0x0  }
0xc0: {  	[sflag:s6] =	ssyncadd.s32 $0xFFFFC000  }
0xc1: {  	_ =	swait.ge [sflag:s7], $0x4000  }
0xc2: {  	[sflag:s7] =	ssyncset.done $0x0  }
0xc3: {  	s13 =	simm.s32 $0x8980;
	[sflag:s7] =	ssyncadd.s32 $0xFFFFC000  }
0xc4: {  	[tilespmem:s23], [sflag:$0x1] =	stream.indirect.gather [hbm4b:s4+s7], $0x80, s13, s7, $0xb8;
	[tilespmem:$0x19E00] =	vst v63  }
0xc5: {  	s10 =	simm.s32 $0x9D80  }
0xc6: {  	[tilespmem:s24], [sflag:$0x3] =	stream.indirect.gather [hbm4b:s5+s7], $0x80, s10, s7, $0xb8;
	[tilespmem:$0x19E00] =	vst v63  }
0xc7: {  	_ =	swait.ge [sflag:s31], $0x400  }
0xc8: {  	[sflag:s31] =	ssyncset.done $0x0  }
0xc9: {  	[sflag:s31] =	ssyncadd.s32 $0xFFFFFC00  }
0xca: {  	_ =	swait.ge [sflag:s1], $0x400  }
0xcb: {  	[sflag:s1] =	ssyncset.done $0x0  }
0xcc: {  	s11 =	rddreg [dreg:$0x9];
	[sflag:s1] =	ssyncadd.s32 $0xFFFFFC00  }
0xcd: {  	[hbm4b:s11+s2] =	stream.linear.scatter [tilespmem:s23], [sflag:$0x9], $0x400, $0x38;
	[tilespmem:$0x19E00] =	vst v63  }
0xce: {  	_ =	swait.ge [sflag:s21], $0x400  }
0xcf: {  	[sflag:s21] =	ssyncset.done $0x0  }
0xd0: {  	s12 =	rddreg [dreg:$0xa];
	[sflag:s21] =	ssyncadd.s32 $0xFFFFFC00  }
0xd1: {  	[hbm4b:s12+s2] =	stream.linear.scatter [tilespmem:s24], [sflag:$0x9], $0x400, $0x38;
	[tilespmem:$0x19E00] =	vst v63  }
0xd2: {  	_ =	swait.ge [sflag:s21], $0x400  }
0xd3: {  	s8 =	sadd.s32 $0x1, s8;
	s13 =	rddreg [dreg:$0xb]  }
0xd4: {  	p0 =	sne.s32 s8, s13  }
.Ltmp2:
0xd5: {  	_ = 	snop;
	(pc) =	sbr.rel @p0 .LBB2_1-.Ltmp2, $3  }
0xd6: {  	_ =	sdelay $0x1  }
0xd7: {  	[sflag:s21] =	ssyncset.done $0x0  }
0xd8: {  	[sflag:s21] =	ssyncadd.s32 $0xFFFFFC00  }
0xd9: {  	_ =	sfence.sel $0x180000  }
0xda: {  	[bflag:$0x0] =	sbarrier.arrive $0xFFFF  }
0xdb: {  	_ =	strace $0x90000047  }
0xdc: {  	s0 =	stileid.u32;
	[bflag:$0x2] =	sbarrier.arrive $0xFFFF  }
0xdd: {  	p0 =	sne.s32 s0, $0x0;
	s0 =	rddreg [dreg:$0x1]  }
0xde: {  	s0 =	sadd.s32 @!p0 $0x100000, s0  }
0xdf: {  	[sflag:s0] =	ssyncadd.tile.s32 @!p0 $0x1;
	_ =	shalt  }
.Lfunc_end2:
_tile_overlayer_lowered:
.L_overlay_start_2:
0xe0: {  	(tag) =	ssettag $0x2  }
0xe1: {  	s0 =	rddreg [dreg:$0x0];
	s2 =	stileid.u32  }
0xe2: {  	s1 =	rddreg [dreg:$0x1];
	p0 =	sne.s32 s2, $0x0  }
0xe3: {  	s3 =	rddreg [dreg:$0x2];
	[bflag:$0x3] =	sbarrier.arrive $0xFFFF;
	s2 =	simm.s32 @!p0 $0x1C09  }
0xe4: {  	[timem:s3], [sflag:s2] =	dma.local @!p0 [hbm:s0], s1  }
0xe5: {  	s0 =	simm.s32 @!p0 $0x9  }
0xe6: {  	_ =	swait.ge @!p0 [sflag:s0], s1  }
0xe7: {  	s1 =	ssub.s32 @!p0 $0x0, s1;
	[sflag:s0] =	ssyncset.done @!p0 $0x0  }
0xe8: {  	[sflag:s0] =	ssyncadd.s32 @!p0 s1  }
0xe9: {  	[bflag:$0x3] =	sbarrier.arrive $0xFFFF  }
0xea: {  	_ =	shalt  }

// kernel: kernel.24.cloned.1.call-start
scs
__scs_entry_jumppad:
0x0: {  	(pc) =	sbr.rel $0x88, $3  }
0x1: {  	(tag) =	ssettag $0x0;
	lr =	simm.s32 $0x1  }
0x2: {  	[smem:$0x3F6E] =	sst lr;
	_ =	strace $0xD0000000  }
0x3: {  	_ = 	snop  }
0x4: {  	_ = 	snop  }
0x5: {  	_ = 	snop  }
0x6: {  	_ = 	snop  }
0x7: {  	_ = 	snop  }
__scs_overlays_trampoline_lowered:
0x8: {  	[smem:$0x3F7D] =	sst s0  }
0x9: {  	[smem:$0x3F7E] =	sst s1  }
0xa: {  	[smem:$0x3F7F] =	sst s2  }
0xb: {  	[smem:$0x3F80] =	sst s3  }
0xc: {  	[smem:$0x3F81] =	sst s4  }
0xd: {  	[smem:$0x3F82] =	sst s5  }
0xe: {  	[smem:$0x3F83] =	sst s6  }
0xf: {  	[smem:$0x3F84] =	sst s7  }
0x10: {  	[smem:$0x3F85] =	sst s8  }
0x11: {  	[smem:$0x3F86] =	sst s9;
	s0 =	simm.s32 @!p0 $0x0  }
0x12: {  	s1 =	sld [smem:$0x3F6C];
	s0 =	simm.s32 @p0 $0x1  }
0x13: {  	[smem:$0x3F87] =	sst s0;
	s0 =	simm.s32 @!p1 $0x0  }
0x14: {  	s2 =	sld [smem:$0x3F6B];
	s0 =	simm.s32 @p1 $0x1  }
0x15: {  	[smem:$0x3F88] =	sst s0;
	s0 =	simm.s32 @!p2 $0x0  }
0x16: {  	s3 =	sld [smem:$0x3FDB];
	s0 =	simm.s32 @p2 $0x1  }
0x17: {  	s4 =	simm.s32 $0x1BF5;
	[smem:$0x3F8A] =	sst s0  }
0x18: {  	s0 =	sld [smem:$0x3F6D];
	_ =	swait.ge [sflag:s4], $0x0  }
0x19: {  	s7 =	sld [smem:$0x3F6E]  }
0x1a: {  	s8 =	sadd.s32 $0xFFFFE003, lr  }
0x1b: {  	s9 =	sadd.s32 $0xFFFFFEF7, lr;
	s5 =	simm.s32 $0xFFFFFFFF;
	p2 =	slt.u32 s8, $0xFFFFF086  }
0x1c: {  	p1 =	slt.u32 s9, $0xF7A;
	s5 =	simm.s32 @!p2 $0x0  }
0x1d: {  	s5 =	simm.s32 @p1 $0x1;
	p0 =	seq.s32 s7, s2  }
0x1e: {  	s7 =	smul.u32 @!p0 $0xF7A, s2;
	p2 =	seq.s32 @!p0 s5, $0x0  }
0x1f: {  	s9 =	smul.u32 $0xF7A, s1;
	s8 =	simm.s32 @!p0 $0x1BF5;
	p2 =	por !p2, p0  }
0x20: {  	[sflag:s8] =	ssyncset.s32 @!p0 $0xFFFFF086;
	s6 =	sadd.s32 @!p0 s3, s7;
	s7 =	simm.s32 @!p0 $0x108  }
0x21: {  	s3 =	sadd.s32 s3, s9;
	s6 =	sadd.s32 @!p0 $0x88, s6;
	s7 =	simm.s32 @p2 $0x1082  }
0x22: {  	[simem:s7], [sflag:s8] =	dma.local @!p0 [hbm:s6], $0xF7A  }
0x23: {  	s9 =	sor.u32 $0xD0000000, s2;
	s6 =	simm.s32 $0x108;
	_ =	swait.ge @!p0 [sflag:s8], $0x0  }
0x24: {  	s3 =	sadd.s32 $0x88, s3;
	s6 =	simm.s32 @!p1 $0x1082;
	[sflag:s4] =	ssyncset.s32 $0xFFFFF086  }
0x25: {  	[simem:s6], [sflag:s4] =	dma.local [hbm:s3], $0xF7A  }
0x26: {  	[smem:$0x3F6E] =	sst s1;
	(tag) =	ssettag s2;
	_ =	strace s9  }
0x27: {  	s1 =	sld [smem:$0x3F7E]  }
0x28: {  	s2 =	sld [smem:$0x3F7F]  }
0x29: {  	s4 =	sld [smem:$0x3F81]  }
0x2a: {  	p0 =	seq.s32 s5, $0x0;
	s5 =	sld [smem:$0x3F82]  }
0x2b: {  	s6 =	sld [smem:$0x3F83]  }
0x2c: {  	s7 =	sld [smem:$0x3F84]  }
0x2d: {  	s3 =	simm.s32 $0x108;
	s8 =	sld [smem:$0x3F85]  }
0x2e: {  	s3 =	simm.s32 @!p0 $0x1082;
	s9 =	sld [smem:$0x3F86]  }
0x2f: {  	lr =	sadd.s32 s0, s3;
	s0 =	sld [smem:$0x3F7D]  }
0x30: {  	s3 =	sld [smem:$0x3F80]  }
0x31: {  	[smem:$0x3F89] =	sst s10  }
0x32: {  	s10 =	sld [smem:$0x3F87];
	_ =	sdelay $0x3  }
0x33: {  	p0 =	seq.s32 s10, $0x1;
	s10 =	sld [smem:$0x3F89];
	_ =	sdelay $0x3  }
0x34: {  	[smem:$0x3F89] =	sst s10  }
0x35: {  	s10 =	sld [smem:$0x3F88];
	_ =	sdelay $0x3  }
0x36: {  	p1 =	seq.s32 s10, $0x1;
	s10 =	sld [smem:$0x3F89];
	_ =	sdelay $0x3  }
0x37: {  	[smem:$0x3F89] =	sst s10  }
0x38: {  	s10 =	sld [smem:$0x3F8A]  }
0x39: {  	_ = 	snop;
	(pc) =	sbr.ind lr, $3  }
0x3a: {  	_ = 	snop  }
0x3b: {  	_ = 	snop  }
0x3c: {  	p2 =	seq.s32 s10, $0x1;
	s10 =	sld [smem:$0x3F89]  }
0x3d: {  	_ =	shalt  }
0x3e: {  	_ =	shalt  }
0x3f: {  	_ =	shalt  }
0x40: {  	_ =	shalt  }
0x41: {  	_ =	shalt  }
0x42: {  	_ =	shalt  }
0x43: {  	_ =	shalt  }
0x44: {  	_ =	shalt  }
0x45: {  	_ =	shalt  }
0x46: {  	_ =	shalt  }
0x47: {  	_ =	shalt  }
0x48: {  	_ =	shalt  }
0x49: {  	_ =	shalt  }
0x4a: {  	_ =	shalt  }
0x4b: {  	_ =	shalt  }
0x4c: {  	_ =	shalt  }
0x4d: {  	_ =	shalt  }
0x4e: {  	_ =	shalt  }
0x4f: {  	_ =	shalt  }
0x50: {  	_ =	shalt  }
0x51: {  	_ =	shalt  }
0x52: {  	_ =	shalt  }
0x53: {  	_ =	shalt  }
0x54: {  	_ =	shalt  }
0x55: {  	_ =	shalt  }
0x56: {  	_ =	shalt  }
0x57: {  	_ =	shalt  }
0x58: {  	_ =	shalt  }
0x59: {  	_ =	shalt  }
0x5a: {  	_ =	shalt  }
0x5b: {  	_ =	shalt  }
0x5c: {  	_ =	shalt  }
0x5d: {  	_ =	shalt  }
0x5e: {  	_ =	shalt  }
0x5f: {  	_ =	shalt  }
0x60: {  	_ =	shalt  }
0x61: {  	_ =	shalt  }
0x62: {  	_ =	shalt  }
0x63: {  	_ =	shalt  }
0x64: {  	_ =	shalt  }
0x65: {  	_ =	shalt  }
0x66: {  	_ =	shalt  }
0x67: {  	_ =	shalt  }
0x68: {  	_ =	shalt  }
0x69: {  	_ =	shalt  }
0x6a: {  	_ =	shalt  }
0x6b: {  	_ =	shalt  }
0x6c: {  	_ =	shalt  }
0x6d: {  	_ =	shalt  }
0x6e: {  	_ =	shalt  }
0x6f: {  	_ =	shalt  }
0x70: {  	_ =	shalt  }
0x71: {  	_ =	shalt  }
0x72: {  	_ =	shalt  }
0x73: {  	_ =	shalt  }
0x74: {  	_ =	shalt  }
0x75: {  	_ =	shalt  }
0x76: {  	_ =	shalt  }
0x77: {  	_ =	shalt  }
0x78: {  	_ =	shalt  }
0x79: {  	_ =	shalt  }
0x7a: {  	_ =	shalt  }
0x7b: {  	_ =	shalt  }
0x7c: {  	_ =	shalt  }
0x7d: {  	_ =	shalt  }
0x7e: {  	_ =	shalt  }
0x7f: {  	_ =	shalt  }
0x80: {  	_ =	shalt  }
0x81: {  	_ =	shalt  }
0x82: {  	_ =	shalt  }
0x83: {  	_ =	shalt  }
0x84: {  	_ =	shalt  }
0x85: {  	_ =	shalt  }
0x86: {  	_ =	shalt  }
0x87: {  	_ =	shalt  }
.Lfunc_end0:
.L_simem_size_0:
called_computation.2_lowered:
.L_overlay_start_0:
0x88: {  	s2 =	sld [smem:$0x3FD9]  }
0x89: {  	s3 =	sld [smem:$0x3FFE];
	_ =	sdelay $0x1  }
0x8a: {  	s1 =	srdreg.scid  }
0x8b: {  	s0 =	sand.u32 $0x1, s1  }
0x8c: {  	s17 =	sshll.u32 s0, $0xA;
	s2 =	sadd.s32 s3, s2  }
0x8d: {  	s2 =	sadd.s32 s2, s17  }
0x8e: {  	[smem:$0x3F95] =	sst s2  }
0x8f: {  	_ = 	snop  }
0x90: {  	(tm) =	ssettm $0x1  }
0x91: {  	s18 =	sld [smem:$0x3FFB];
	_ =	sdelay $0x3  }
0x92: {  	_ =	strace s18  }
0x93: {  	s2 =	sld [smem:$0x3FFC];
	_ =	sdelay $0x3  }
0x94: {  	_ =	strace s2  }
0x95: {  	s2 =	sld [smem:$0x3FFD];
	_ =	sdelay $0x3  }
0x96: {  	_ =	strace s2  }
0x97: {  	_ =	strace $0x8FFFFFFF  }
0x98: {  	s19 =	sld [smem:$0x3FDB];
	_ =	sdelay $0x1  }
0x99: {  	s20 =	simm.s32 $_scs_section_size  }
0x9a: {  	s4 =	simm.s32 $_size__tile_overlayer_lowered;
	s5 =	simm.s32 $_tile_overlayer_lowered  }
0x9b: {  	s6 =	simm.s32 $0x1BFF;
	s21 =	sshll.u32 s5, $0x1;
	s3 =	sadd.s32 s20, s19  }
0x9c: {  	s22 =	simm.s32 $0x0;
	s4 =	sshll.u32 s4, $0x1;
	s5 =	sadd.s32 s21, s3  }
0x9d: {  	[timem:s22], [sflag:s6] =	dma.local [hbm:s5], s4  }
0x9e: {  	_ =	swait.ge [sflag:s6], s4  }
0x9f: {  	s4 =	ssub.s32 $0x0, s4;
	[sflag:s6] =	ssyncset.done $0x0  }
0xa0: {  	[sflag:s6] =	ssyncadd.s32 s4;
	_ =	sdelay $0x1  }
0xa1: {  	s23 =	simm.s32 $0x1B8B  }
0xa2: {  	_ =	swait.ge [sflag:s23], $0x1  }
0xa3: {  	[sflag:s23] =	ssyncset.done $0x0  }
0xa4: {  	[sflag:s23] =	ssyncadd.s32 $0xFFFFFFFF  }
0xa5: {  	s4 =	sld [smem:$0x0]  }
0xa6: {  	s5 =	sand.u32 $0xFFFFFFFE, s1  }
0xa7: {  	p0 =	sne.s32 s1, s5  }
0xa8: {  	s5 =	sshll.u32 @p0 s5, $0xE  }
0xa9: {  	s5 =	sadd.s32 @p0 $0x11B8D, s5;
	s6 =	sshll.u32 @p0 s4, $0x11  }
0xaa: {  	s5 =	sor.u32 @p0 s6, s5  }
0xab: {  	[sflag:s5] =	ssyncadd.remote.s32 @p0 $0x1;
	_ =	sdelay $0x1  }
0xac: {  	s5 =	simm.s32 @p0 $0x1B8D  }
0xad: {  	_ =	swait.eq @p0 [sflag:s5], $0x1  }
0xae: {  	[sflag:s5] =	ssyncadd.s32 @p0 $0xFFFFFFFF  }
0xaf: {  	s6 =	sshll.u32 @!p0 s1, $0xE  }
0xb0: {  	s6 =	sor.u32 @!p0 $0x4000, s6;
	s5 =	simm.s32 @!p0 $0x1B8D  }
0xb1: {  	s4 =	sshll.u32 @!p0 s4, $0x11;
	s6 =	sadd.s32 @!p0 $0x11B8D, s6;
	_ =	swait.eq @!p0 [sflag:s5], $0x1  }
0xb2: {  	s4 =	sor.u32 @!p0 s4, s6;
	[sflag:s5] =	ssyncadd.s32 @!p0 $0xFFFFFFFF  }
0xb3: {  	s25 =	simm.s32 $0x1B8E;
	s24 =	sld [smem:$0x3FFE];
	[sflag:s4] =	ssyncadd.remote.s32 @!p0 $0x1  }
0xb4: {  	s26 =	simm.s32 $execute0_lowered;
	[smem:$0x3FD2] =	sst s25  }
0xb5: {  	s5 =	sshll.u32 s26, $0x1;
	_ =	strace $0x8000004F;
	[dreg:$0x1] =	wrdreg $0xFFFFFFFF  }
0xb6: {  	s28 =	simm.s32 $_size_execute0_lowered;
	s3 =	sadd.s32 s3, s5;
	[dreg:$0x0] =	wrdreg $0x0  }
0xb7: {  	s5 =	sshll.u32 s28, $0x1;
	[dreg:$0x2] =	wrdreg s3  }
0xb8: {  	[dreg:$0x3] =	wrdreg s5  }
0xb9: {  	[dreg:$0x4] =	wrdreg $0xC0  }
0xba: {  	_ =	task [dreg:s22], $0x5FFFF  }
0xbb: {  	[dreg:$0x1] =	wrdreg $0xFFFFFFFF  }
0xbc: {  	[dreg:$0x0] =	wrdreg $0x60  }
0xbd: {  	[dreg:$0x2] =	wrdreg s24  }
0xbe: {  	[dreg:$0x3] =	wrdreg $0x68000  }
0xbf: {  	[dreg:$0x4] =	wrdreg $0x9  }
0xc0: {  	_ =	task.clear_ibuf [dreg:s22], $0x5FFFF;
	_ =	strace $0x9000004F  }
0xc1: {  	s29 =	simm.s32 $0x9;
	_ =	strace $0x80000051  }
0xc2: {  	_ =	swait.ge [sflag:s29], $0x1  }
0xc3: {  	[sflag:s29] =	ssyncadd.s32 $0xFFFFFFFF  }
0xc4: {  	_ =	strace $0x90000051  }
0xc5: {  	_ =	sfence  }
0xc6: {  	s30 =	sld [smem:$0x0];
	_ =	sdelay $0x2  }
0xc7: {  	s31 =	sshll.u32 s1, $0xD;
	s1 =	sshrl.u32 s1, $0x2  }
0xc8: {  	s4 =	sand.u32 $0x4000, s31;
	s1 =	sadd.s32 s1, s30  }
0xc9: {  	s0 =	sor.u32 s4, s0;
	s1 =	sshll.u32 s1, $0x11  }
0xca: {  	s0 =	sor.u32 s1, s0  }
0xcb: {  	s0 =	sadd.s32 $0x8F2B, s0  }
0xcc: {  	[sflag:s0] =	ssyncadd.remote.s32 $0x1  }
0xcd: {  	_ =	sfence.sel $0xFFFF  }
0xce: {  	[dreg:$0x0] =	wrdreg $0xFFFFFFFF;
	(pc) =	sbr.abs _section_cstart, $3  }
0xcf: {  	[dreg:$0x1] =	wrdreg $0xFFFFFFFF  }
0xd0: {  	_ =	task.clear_ibuf [dreg:s22], $0x2FFFF;
	_ =	strace $0x9FFFFFFF  }
0xd1: {  	(tm) =	ssettm $0x7FFFFFFF  }
tec
execute0_lowered:
.L_overlay_start_1:
0x0: {  	(tag) =	ssettag $0x1  }
0x1: {  	s4 =	rddreg [dreg:$0x0];
	s0 =	srdreg.scid  }
0x2: {  	s2 =	rddreg [dreg:$0x1];
	s1 =	stileid.u32  }
0x3: {  	s3 =	simm.s32 $0x0;
	s16 =	simm.s32 $0x28;
	s17 =	simm.s32 $0x2  }
0x4: {  	s18 =	simm.s32 $0x3E00;
	s19 =	simm.s32 $0x0;
	s7 =	smul.u32 $0x14000, s1  }
0x5: {  	s5 =	sand.u32 $0x1, s0;
	s0 =	rddreg [dreg:$0x2];
	s12 =	smul.u32 $0x50000, s1  }
0x6: {  	[smem:$0x7FF] =	sst s3;
	s11 =	sadd.s32 $0xF39000, s4;
	s15 =	smul.u32 $0x13880, s1  }
0x7: {  	s30 =	sshll.u32 s1, $0x6;
	s6 =	sshll.u32 s5, $0x4;
	s9 =	smul.u32 $0x140000, s5  }
0x8: {  	_ =	strace $0x80000050;
	s25 =	ssub.s32 $0x2, s5;
	s29 =	smul.u32 $0x138800, s5  }
0x9: {  	s6 =	sor.u32 s1, s6;
	s10 =	sshrl.u32 s7, $0x3;
	s26 =	sshrl.u32 s25, $0x1  }
0xa: {  	s28 =	sshrl.u32 s12, $0x2;
	s8 =	sshll.u32 s6, $0xB;
	s10 =	sadd.s32 s10, s4  }
0xb: {  	s7 =	sadd.s32 s7, s9;
	s6 =	smul.u32 $0x13880, s6;
	s9 =	ssub.s32 s25, s26  }
0xc: {  	s14 =	sadd.s32 s28, s2;
	s31 =	sadd.s32 s29, s11;
	s8 =	sadd.s32 s8, s4  }
0xd: {  	s7 =	sshrl.u32 s7, $0x3;
	s5 =	sadd.s32 $0x65400, s10;
	s10 =	sadd.s32 s15, s31  }
0xe: {  	s9 =	smax.u32 s9, $0x1;
	s12 =	sshrl.u32 s14, $0x3;
	s14 =	simm.s32 $0x5400  }
0xf: {  	s15 =	simm.s32 $0x1;
	s13 =	sadd.s32 s7, s4;
	s4 =	sadd.s32 s11, s6  }
0x10: {  	s6 =	sor.u32 $0x1C03, s30;
	s7 =	sadd.s32 $0xDD400, s8;
	s10 =	sadd.s32 $0x280, s10  }
0x11: {  	s11 =	simm.s32 $0x4000;
	s8 =	sadd.s32 $0x35E400, s13;
	s13 =	simm.s32 $0x3  }
.LBB2_1:
0x12: {  	[tilespmem:s11], [sflag:$0x1] =	stream.linear.gather [hbm4b:s4+s3], $0x1400, $0x38;
	[tilespmem:$0x1A800] =	vst v63  }
0x13: {  	[spmem:s12], [sflag:s6] =	dma.local [hbm:s5], $0x2800  }
0x14: {  	_ =	swait.ge [sflag:s13], $0x2800  }
0x15: {  	[sflag:s13] =	ssyncset.done $0x0  }
0x16: {  	[sflag:s13] =	ssyncadd.s32 $0xFFFFD800  }
0x17: {  	[tilespmem:s3], [sflag:$0x3] =	stream.linear.gather [hbm4b:s7+s3], $0x3E80, $0x38;
	[tilespmem:$0x1A800] =	vst v63  }
0x18: {  	_ =	swait.ge [sflag:s13], $0x3E80  }
0x19: {  	[sflag:s13] =	ssyncset.done $0x0  }
0x1a: {  	[sflag:s13] =	ssyncadd.s32 $0xFFFFC180  }
0x1b: {  	[bflag:$0x0] =	sbarrier.arrive $0xFFFF  }
0x1c: {  	[tilespmem:s14], [sflag:$0x2] =	stream.linear.gather [hbm4b:s10+s3], $0x1400, $0x38;
	[tilespmem:$0x1A800] =	vst v63  }
0x1d: {  	_ =	swait.ge [sflag:s15], $0x1400  }
0x1e: {  	[sflag:s15] =	ssyncset.done $0x0  }
0x1f: {  	s20 =	simm.s32 $0x0;
	[sflag:s15] =	ssyncadd.s32 $0xFFFFEC00  }
0x20: {  	[spmem:s2] =	stream.indirect.scatter.add.f32 [tilespmem:s11], [sflag:$0x3], $0x80, s20, s16, $0xb8;
	[tilespmem:$0x1A800] =	vst v63  }
0x21: {  	_ =	swait.ge [sflag:s13], $0x1400  }
0x22: {  	[sflag:s13] =	ssyncset.done $0x0  }
0x23: {  	s30 =	sadd.s32 $0x280, s10;
	[sflag:s13] =	ssyncadd.s32 $0xFFFFEC00  }
0x24: {  	[tilespmem:s11], [sflag:$0x1] =	stream.linear.gather [hbm4b:s30+s3], $0x1400, $0x38;
	[tilespmem:$0x1A800] =	vst v63  }
0x25: {  	_ =	swait.ge [sflag:s17], $0x1400  }
0x26: {  	[sflag:s17] =	ssyncset.done $0x0  }
0x27: {  	s31 =	simm.s32 $0x80;
	[sflag:s17] =	ssyncadd.s32 $0xFFFFEC00  }
0x28: {  	[spmem:s2] =	stream.indirect.scatter.add.f32 [tilespmem:s14], [sflag:$0x3], $0x80, s31, s16, $0xb8;
	[tilespmem:$0x1A800] =	vst v63  }
0x29: {  	_ =	swait.ge [sflag:s13], $0x1400  }
0x2a: {  	s21 =	smov.u32 s10;
	s20 =	simm.s32 $0x400;
	[sflag:s13] =	ssyncset.done $0x0  }
.LBB2_2:
0x2b: {  	p0 =	sne.s32 s20, $0xF400;
	[sflag:s13] =	ssyncadd.s32 $0xFFFFEC00;
	s21 =	sadd.s32 $0x500, s21  }
0x2c: {  	[tilespmem:s14], [sflag:$0x2] =	stream.linear.gather [hbm4b:s21+s3], $0x1400, $0x38;
	[tilespmem:$0x1A800] =	vst v63  }
0x2d: {  	s22 =	smov.u32 s20;
	s20 =	sadd.s32 $0x400, s20;
	_ =	swait.ge [sflag:s15], $0x1400  }
0x2e: {  	[sflag:s15] =	ssyncset.done $0x0  }
0x2f: {  	s22 =	sshra.s32 s22, $0x2;
	[sflag:s15] =	ssyncadd.s32 $0xFFFFEC00  }
0x30: {  	[spmem:s2] =	stream.indirect.scatter.add.f32 [tilespmem:s11], [sflag:$0x3], $0x80, s22, s16, $0xb8;
	[tilespmem:$0x1A800] =	vst v63  }
0x31: {  	_ =	swait.ge [sflag:s13], $0x1400  }
0x32: {  	[sflag:s13] =	ssyncset.done $0x0  }
0x33: {  	s23 =	sadd.s32 $0x280, s21;
	[sflag:s13] =	ssyncadd.s32 $0xFFFFEC00  }
0x34: {  	[tilespmem:s11], [sflag:$0x1] =	stream.linear.gather [hbm4b:s23+s3], $0x1400, $0x38;
	[tilespmem:$0x1A800] =	vst v63  }
0x35: {  	_ =	swait.ge [sflag:s17], $0x1400  }
.Ltmp0:
0x36: {  	[sflag:s17] =	ssyncset.done $0x0;
	(pc) =	sbr.rel @p0 .LBB2_2-.Ltmp0, $4  }
0x37: {  	s22 =	sadd.s32 $0x80, s22;
	[sflag:s17] =	ssyncadd.s32 $0xFFFFEC00  }
0x38: {  	[spmem:s2] =	stream.indirect.scatter.add.f32 [tilespmem:s14], [sflag:$0x3], $0x80, s22, s16, $0xb8;
	[tilespmem:$0x1A800] =	vst v63  }
0x39: {  	_ =	swait.ge [sflag:s13], $0x1400  }
0x3a: {  	[sflag:s13] =	ssyncset.done $0x0  }
0x3b: {  	[sflag:s13] =	ssyncadd.s32 $0xFFFFEC00  }
0x3c: {  	_ =	swait.ge [sflag:s15], $0x1400  }
0x3d: {  	[sflag:s15] =	ssyncset.done $0x0  }
0x3e: {  	[sflag:s15] =	ssyncadd.s32 $0xFFFFEC00  }
0x3f: {  	[spmem:s2] =	stream.indirect.scatter.add.f32 [tilespmem:s11], [sflag:$0x3], $0x80, s18, s16, $0xb8;
	[tilespmem:$0x1A800] =	vst v63  }
0x40: {  	_ =	swait.ge [sflag:s13], $0x1400  }
0x41: {  	s19 =	sadd.s32 $0x1, s19;
	[sflag:s13] =	ssyncset.done $0x0  }
0x42: {  	p0 =	sne.s32 s19, s9;
	[sflag:s13] =	ssyncadd.s32 $0xFFFFEC00  }
.Ltmp1:
0x43: {  	[bflag:$0x0] =	sbarrier.arrive $0xFFFF;
	(pc) =	sbr.rel @p0 .LBB2_1-.Ltmp1, $4  }
0x44: {  	[hbm:s8], [sflag:s6] =	dma.local [spmem:s12], $0x2800  }
0x45: {  	_ =	swait.ge [sflag:s13], $0x2800  }
0x46: {  	[sflag:s13] =	ssyncset.done $0x0  }
0x47: {  	[sflag:s13] =	ssyncadd.s32 $0xFFFFD800  }
0x48: {  	_ =	sfence.sel $0x180000  }
0x49: {  	[bflag:$0x0] =	sbarrier.arrive $0xFFFF  }
0x4a: {  	p0 =	sne.s32 s1, $0x0;
	_ =	strace $0x90000050  }
0x4b: {  	s0 =	sadd.s32 @!p0 $0x100000, s0;
	[bflag:$0x2] =	sbarrier.arrive $0xFFFF  }
0x4c: {  	[sflag:s0] =	ssyncadd.tile.s32 @!p0 $0x1;
	_ =	shalt  }
.Lfunc_end2:
_tile_overlayer_lowered:
.L_overlay_start_2:
0x4d: {  	(tag) =	ssettag $0x2  }
0x4e: {  	s0 =	rddreg [dreg:$0x0];
	s2 =	stileid.u32  }
0x4f: {  	s1 =	rddreg [dreg:$0x1];
	p0 =	sne.s32 s2, $0x0  }
0x50: {  	s3 =	rddreg [dreg:$0x2];
	[bflag:$0x3] =	sbarrier.arrive $0xFFFF;
	s2 =	simm.s32 @!p0 $0x1C03  }
0x51: {  	[timem:s3], [sflag:s2] =	dma.local @!p0 [hbm:s0], s1  }
0x52: {  	s0 =	simm.s32 @!p0 $0x3  }
0x53: {  	_ =	swait.ge @!p0 [sflag:s0], s1  }
0x54: {  	s1 =	ssub.s32 @!p0 $0x0, s1;
	[sflag:s0] =	ssyncset.done @!p0 $0x0  }
0x55: {  	[sflag:s0] =	ssyncadd.s32 @!p0 s1  }
0x56: {  	[bflag:$0x3] =	sbarrier.arrive $0xFFFF  }
0x57: {  	_ =	shalt  }

// kernel: kernel.27.cloned.1.call-start
scs
__scs_entry_jumppad:
0x0: {  	(pc) =	sbr.rel $0x88, $3  }
0x1: {  	(tag) =	ssettag $0x0;
	lr =	simm.s32 $0x1  }
0x2: {  	[smem:$0x3F6E] =	sst lr;
	_ =	strace $0xD0000000  }
0x3: {  	_ = 	snop  }
0x4: {  	_ = 	snop  }
0x5: {  	_ = 	snop  }
0x6: {  	_ = 	snop  }
0x7: {  	_ = 	snop  }
__scs_overlays_trampoline_lowered:
0x8: {  	[smem:$0x3F7D] =	sst s0  }
0x9: {  	[smem:$0x3F7E] =	sst s1  }
0xa: {  	[smem:$0x3F7F] =	sst s2  }
0xb: {  	[smem:$0x3F80] =	sst s3  }
0xc: {  	[smem:$0x3F81] =	sst s4  }
0xd: {  	[smem:$0x3F82] =	sst s5  }
0xe: {  	[smem:$0x3F83] =	sst s6  }
0xf: {  	[smem:$0x3F84] =	sst s7  }
0x10: {  	[smem:$0x3F85] =	sst s8  }
0x11: {  	[smem:$0x3F86] =	sst s9;
	s0 =	simm.s32 @!p0 $0x0  }
0x12: {  	s1 =	sld [smem:$0x3F6C];
	s0 =	simm.s32 @p0 $0x1  }
0x13: {  	[smem:$0x3F87] =	sst s0;
	s0 =	simm.s32 @!p1 $0x0  }
0x14: {  	s2 =	sld [smem:$0x3F6B];
	s0 =	simm.s32 @p1 $0x1  }
0x15: {  	[smem:$0x3F88] =	sst s0;
	s0 =	simm.s32 @!p2 $0x0  }
0x16: {  	s3 =	sld [smem:$0x3FDB];
	s0 =	simm.s32 @p2 $0x1  }
0x17: {  	s4 =	simm.s32 $0x1BF5;
	[smem:$0x3F8A] =	sst s0  }
0x18: {  	s0 =	sld [smem:$0x3F6D];
	_ =	swait.ge [sflag:s4], $0x0  }
0x19: {  	s7 =	sld [smem:$0x3F6E]  }
0x1a: {  	s8 =	sadd.s32 $0xFFFFE003, lr  }
0x1b: {  	s9 =	sadd.s32 $0xFFFFFEF7, lr;
	s5 =	simm.s32 $0xFFFFFFFF;
	p2 =	slt.u32 s8, $0xFFFFF086  }
0x1c: {  	p1 =	slt.u32 s9, $0xF7A;
	s5 =	simm.s32 @!p2 $0x0  }
0x1d: {  	s5 =	simm.s32 @p1 $0x1;
	p0 =	seq.s32 s7, s2  }
0x1e: {  	s7 =	smul.u32 @!p0 $0xF7A, s2;
	p2 =	seq.s32 @!p0 s5, $0x0  }
0x1f: {  	s9 =	smul.u32 $0xF7A, s1;
	s8 =	simm.s32 @!p0 $0x1BF5;
	p2 =	por !p2, p0  }
0x20: {  	[sflag:s8] =	ssyncset.s32 @!p0 $0xFFFFF086;
	s6 =	sadd.s32 @!p0 s3, s7;
	s7 =	simm.s32 @!p0 $0x108  }
0x21: {  	s3 =	sadd.s32 s3, s9;
	s6 =	sadd.s32 @!p0 $0x88, s6;
	s7 =	simm.s32 @p2 $0x1082  }
0x22: {  	[simem:s7], [sflag:s8] =	dma.local @!p0 [hbm:s6], $0xF7A  }
0x23: {  	s9 =	sor.u32 $0xD0000000, s2;
	s6 =	simm.s32 $0x108;
	_ =	swait.ge @!p0 [sflag:s8], $0x0  }
0x24: {  	s3 =	sadd.s32 $0x88, s3;
	s6 =	simm.s32 @!p1 $0x1082;
	[sflag:s4] =	ssyncset.s32 $0xFFFFF086  }
0x25: {  	[simem:s6], [sflag:s4] =	dma.local [hbm:s3], $0xF7A  }
0x26: {  	[smem:$0x3F6E] =	sst s1;
	(tag) =	ssettag s2;
	_ =	strace s9  }
0x27: {  	s1 =	sld [smem:$0x3F7E]  }
0x28: {  	s2 =	sld [smem:$0x3F7F]  }
0x29: {  	s4 =	sld [smem:$0x3F81]  }
0x2a: {  	p0 =	seq.s32 s5, $0x0;
	s5 =	sld [smem:$0x3F82]  }
0x2b: {  	s6 =	sld [smem:$0x3F83]  }
0x2c: {  	s7 =	sld [smem:$0x3F84]  }
0x2d: {  	s3 =	simm.s32 $0x108;
	s8 =	sld [smem:$0x3F85]  }
0x2e: {  	s3 =	simm.s32 @!p0 $0x1082;
	s9 =	sld [smem:$0x3F86]  }
0x2f: {  	lr =	sadd.s32 s0, s3;
	s0 =	sld [smem:$0x3F7D]  }
0x30: {  	s3 =	sld [smem:$0x3F80]  }
0x31: {  	[smem:$0x3F89] =	sst s10  }
0x32: {  	s10 =	sld [smem:$0x3F87];
	_ =	sdelay $0x3  }
0x33: {  	p0 =	seq.s32 s10, $0x1;
	s10 =	sld [smem:$0x3F89];
	_ =	sdelay $0x3  }
0x34: {  	[smem:$0x3F89] =	sst s10  }
0x35: {  	s10 =	sld [smem:$0x3F88];
	_ =	sdelay $0x3  }
0x36: {  	p1 =	seq.s32 s10, $0x1;
	s10 =	sld [smem:$0x3F89];
	_ =	sdelay $0x3  }
0x37: {  	[smem:$0x3F89] =	sst s10  }
0x38: {  	s10 =	sld [smem:$0x3F8A]  }
0x39: {  	_ = 	snop;
	(pc) =	sbr.ind lr, $3  }
0x3a: {  	_ = 	snop  }
0x3b: {  	_ = 	snop  }
0x3c: {  	p2 =	seq.s32 s10, $0x1;
	s10 =	sld [smem:$0x3F89]  }
0x3d: {  	_ =	shalt  }
0x3e: {  	_ =	shalt  }
0x3f: {  	_ =	shalt  }
0x40: {  	_ =	shalt  }
0x41: {  	_ =	shalt  }
0x42: {  	_ =	shalt  }
0x43: {  	_ =	shalt  }
0x44: {  	_ =	shalt  }
0x45: {  	_ =	shalt  }
0x46: {  	_ =	shalt  }
0x47: {  	_ =	shalt  }
0x48: {  	_ =	shalt  }
0x49: {  	_ =	shalt  }
0x4a: {  	_ =	shalt  }
0x4b: {  	_ =	shalt  }
0x4c: {  	_ =	shalt  }
0x4d: {  	_ =	shalt  }
0x4e: {  	_ =	shalt  }
0x4f: {  	_ =	shalt  }
0x50: {  	_ =	shalt  }
0x51: {  	_ =	shalt  }
0x52: {  	_ =	shalt  }
0x53: {  	_ =	shalt  }
0x54: {  	_ =	shalt  }
0x55: {  	_ =	shalt  }
0x56: {  	_ =	shalt  }
0x57: {  	_ =	shalt  }
0x58: {  	_ =	shalt  }
0x59: {  	_ =	shalt  }
0x5a: {  	_ =	shalt  }
0x5b: {  	_ =	shalt  }
0x5c: {  	_ =	shalt  }
0x5d: {  	_ =	shalt  }
0x5e: {  	_ =	shalt  }
0x5f: {  	_ =	shalt  }
0x60: {  	_ =	shalt  }
0x61: {  	_ =	shalt  }
0x62: {  	_ =	shalt  }
0x63: {  	_ =	shalt  }
0x64: {  	_ =	shalt  }
0x65: {  	_ =	shalt  }
0x66: {  	_ =	shalt  }
0x67: {  	_ =	shalt  }
0x68: {  	_ =	shalt  }
0x69: {  	_ =	shalt  }
0x6a: {  	_ =	shalt  }
0x6b: {  	_ =	shalt  }
0x6c: {  	_ =	shalt  }
0x6d: {  	_ =	shalt  }
0x6e: {  	_ =	shalt  }
0x6f: {  	_ =	shalt  }
0x70: {  	_ =	shalt  }
0x71: {  	_ =	shalt  }
0x72: {  	_ =	shalt  }
0x73: {  	_ =	shalt  }
0x74: {  	_ =	shalt  }
0x75: {  	_ =	shalt  }
0x76: {  	_ =	shalt  }
0x77: {  	_ =	shalt  }
0x78: {  	_ =	shalt  }
0x79: {  	_ =	shalt  }
0x7a: {  	_ =	shalt  }
0x7b: {  	_ =	shalt  }
0x7c: {  	_ =	shalt  }
0x7d: {  	_ =	shalt  }
0x7e: {  	_ =	shalt  }
0x7f: {  	_ =	shalt  }
0x80: {  	_ =	shalt  }
0x81: {  	_ =	shalt  }
0x82: {  	_ =	shalt  }
0x83: {  	_ =	shalt  }
0x84: {  	_ =	shalt  }
0x85: {  	_ =	shalt  }
0x86: {  	_ =	shalt  }
0x87: {  	_ =	shalt  }
.Lfunc_end0:
.L_simem_size_0:
called_computation.3_lowered:
.L_overlay_start_0:
0x88: {  	s2 =	sld [smem:$0x3FD9]  }
0x89: {  	s3 =	sld [smem:$0x3FFE];
	_ =	sdelay $0x1  }
0x8a: {  	s1 =	srdreg.scid  }
0x8b: {  	s0 =	sand.u32 $0x1, s1  }
0x8c: {  	s17 =	sshll.u32 s0, $0xA;
	s2 =	sadd.s32 s3, s2  }
0x8d: {  	s2 =	sadd.s32 s2, s17  }
0x8e: {  	[smem:$0x3F95] =	sst s2  }
0x8f: {  	_ = 	snop  }
0x90: {  	(tm) =	ssettm $0x1  }
0x91: {  	s18 =	sld [smem:$0x3FFB];
	_ =	sdelay $0x3  }
0x92: {  	_ =	strace s18  }
0x93: {  	s2 =	sld [smem:$0x3FFC];
	_ =	sdelay $0x3  }
0x94: {  	_ =	strace s2  }
0x95: {  	s2 =	sld [smem:$0x3FFD];
	_ =	sdelay $0x3  }
0x96: {  	_ =	strace s2  }
0x97: {  	_ =	strace $0x8FFFFFFF  }
0x98: {  	s19 =	sld [smem:$0x3FDB];
	_ =	sdelay $0x1  }
0x99: {  	s20 =	simm.s32 $_scs_section_size  }
0x9a: {  	s4 =	simm.s32 $_size__tile_overlayer_lowered;
	s5 =	simm.s32 $_tile_overlayer_lowered  }
0x9b: {  	s6 =	simm.s32 $0x1BFF;
	s21 =	sshll.u32 s5, $0x1;
	s3 =	sadd.s32 s20, s19  }
0x9c: {  	s22 =	simm.s32 $0x0;
	s4 =	sshll.u32 s4, $0x1;
	s5 =	sadd.s32 s21, s3  }
0x9d: {  	[timem:s22], [sflag:s6] =	dma.local [hbm:s5], s4  }
0x9e: {  	_ =	swait.ge [sflag:s6], s4  }
0x9f: {  	s4 =	ssub.s32 $0x0, s4;
	[sflag:s6] =	ssyncset.done $0x0  }
0xa0: {  	[sflag:s6] =	ssyncadd.s32 s4;
	_ =	sdelay $0x1  }
0xa1: {  	s23 =	simm.s32 $0x1B8B  }
0xa2: {  	_ =	swait.ge [sflag:s23], $0x1  }
0xa3: {  	[sflag:s23] =	ssyncset.done $0x0  }
0xa4: {  	[sflag:s23] =	ssyncadd.s32 $0xFFFFFFFF  }
0xa5: {  	s4 =	sld [smem:$0x0]  }
0xa6: {  	s5 =	sand.u32 $0xFFFFFFFE, s1  }
0xa7: {  	p0 =	sne.s32 s1, s5  }
0xa8: {  	s5 =	sshll.u32 @p0 s5, $0xE  }
0xa9: {  	s5 =	sadd.s32 @p0 $0x11B8D, s5;
	s6 =	sshll.u32 @p0 s4, $0x11  }
0xaa: {  	s5 =	sor.u32 @p0 s6, s5  }
0xab: {  	[sflag:s5] =	ssyncadd.remote.s32 @p0 $0x1;
	_ =	sdelay $0x1  }
0xac: {  	s5 =	simm.s32 @p0 $0x1B8D  }
0xad: {  	_ =	swait.eq @p0 [sflag:s5], $0x1  }
0xae: {  	[sflag:s5] =	ssyncadd.s32 @p0 $0xFFFFFFFF  }
0xaf: {  	s6 =	sshll.u32 @!p0 s1, $0xE  }
0xb0: {  	s6 =	sor.u32 @!p0 $0x4000, s6;
	s5 =	simm.s32 @!p0 $0x1B8D  }
0xb1: {  	s4 =	sshll.u32 @!p0 s4, $0x11;
	s6 =	sadd.s32 @!p0 $0x11B8D, s6;
	_ =	swait.eq @!p0 [sflag:s5], $0x1  }
0xb2: {  	s4 =	sor.u32 @!p0 s4, s6;
	[sflag:s5] =	ssyncadd.s32 @!p0 $0xFFFFFFFF  }
0xb3: {  	s25 =	simm.s32 $0x1B8E;
	s24 =	sld [smem:$0x3FFE];
	[sflag:s4] =	ssyncadd.remote.s32 @!p0 $0x1  }
0xb4: {  	s26 =	simm.s32 $execute0_lowered;
	[smem:$0x3FD2] =	sst s25  }
0xb5: {  	s5 =	sshll.u32 s26, $0x1;
	_ =	strace $0x8000004C;
	[dreg:$0x1] =	wrdreg $0xFFFFFFFF  }
0xb6: {  	s28 =	simm.s32 $_size_execute0_lowered;
	s3 =	sadd.s32 s3, s5;
	[dreg:$0x0] =	wrdreg $0x0  }
0xb7: {  	s5 =	sshll.u32 s28, $0x1;
	[dreg:$0x2] =	wrdreg s3  }
0xb8: {  	[dreg:$0x3] =	wrdreg s5  }
0xb9: {  	[dreg:$0x4] =	wrdreg $0xC0  }
0xba: {  	_ =	task [dreg:s22], $0x5FFFF  }
0xbb: {  	[dreg:$0x1] =	wrdreg $0xFFFFFFFF  }
0xbc: {  	[dreg:$0x0] =	wrdreg $0x60  }
0xbd: {  	[dreg:$0x2] =	wrdreg s24  }
0xbe: {  	[dreg:$0x3] =	wrdreg $0x68000  }
0xbf: {  	[dreg:$0x4] =	wrdreg $0xA  }
0xc0: {  	_ =	task.clear_ibuf [dreg:s22], $0x5FFFF;
	_ =	strace $0x9000004C  }
0xc1: {  	s29 =	simm.s32 $0xA;
	_ =	strace $0x8000004E  }
0xc2: {  	_ =	swait.ge [sflag:s29], $0x1  }
0xc3: {  	[sflag:s29] =	ssyncadd.s32 $0xFFFFFFFF  }
0xc4: {  	_ =	strace $0x9000004E  }
0xc5: {  	_ =	sfence  }
0xc6: {  	s30 =	sld [smem:$0x0];
	_ =	sdelay $0x2  }
0xc7: {  	s31 =	sshll.u32 s1, $0xD;
	s1 =	sshrl.u32 s1, $0x2  }
0xc8: {  	s4 =	sand.u32 $0x4000, s31;
	s1 =	sadd.s32 s1, s30  }
0xc9: {  	s0 =	sor.u32 s4, s0;
	s1 =	sshll.u32 s1, $0x11  }
0xca: {  	s0 =	sor.u32 s1, s0  }
0xcb: {  	s0 =	sadd.s32 $0x8F2B, s0  }
0xcc: {  	[sflag:s0] =	ssyncadd.remote.s32 $0x1  }
0xcd: {  	_ =	sfence.sel $0xFFFF  }
0xce: {  	[dreg:$0x0] =	wrdreg $0xFFFFFFFF;
	(pc) =	sbr.abs _section_cstart, $3  }
0xcf: {  	[dreg:$0x1] =	wrdreg $0xFFFFFFFF  }
0xd0: {  	_ =	task.clear_ibuf [dreg:s22], $0x2FFFF;
	_ =	strace $0x9FFFFFFF  }
0xd1: {  	(tm) =	ssettm $0x7FFFFFFF  }
tec
execute0_lowered:
.L_overlay_start_1:
0x0: {  	(tag) =	ssettag $0x1  }
0x1: {  	s4 =	rddreg [dreg:$0x0];
	s0 =	srdreg.scid  }
0x2: {  	s2 =	rddreg [dreg:$0x1];
	s1 =	stileid.u32  }
0x3: {  	s3 =	simm.s32 $0x0;
	s16 =	simm.s32 $0x28;
	s17 =	simm.s32 $0x2  }
0x4: {  	s18 =	simm.s32 $0x3E00;
	s19 =	simm.s32 $0x0;
	s7 =	smul.u32 $0x14000, s1  }
0x5: {  	s5 =	sand.u32 $0x1, s0;
	s0 =	rddreg [dreg:$0x2];
	s12 =	smul.u32 $0x50000, s1  }
0x6: {  	[smem:$0x7FF] =	sst s3;
	s11 =	sadd.s32 $0xCC8000, s4;
	s15 =	smul.u32 $0x13880, s1  }
0x7: {  	s30 =	sshll.u32 s1, $0x6;
	s6 =	sshll.u32 s5, $0x4;
	s9 =	smul.u32 $0x140000, s5  }
0x8: {  	_ =	strace $0x8000004D;
	s25 =	ssub.s32 $0x2, s5;
	s29 =	smul.u32 $0x138800, s5  }
0x9: {  	s6 =	sor.u32 s1, s6;
	s10 =	sshrl.u32 s7, $0x3;
	s26 =	sshrl.u32 s25, $0x1  }
0xa: {  	s28 =	sshrl.u32 s12, $0x2;
	s8 =	sshll.u32 s6, $0xB;
	s10 =	sadd.s32 s10, s4  }
0xb: {  	s7 =	sadd.s32 s7, s9;
	s6 =	smul.u32 $0x13880, s6;
	s9 =	ssub.s32 s25, s26  }
0xc: {  	s14 =	sadd.s32 s28, s2;
	s31 =	sadd.s32 s29, s11;
	s8 =	sadd.s32 s8, s4  }
0xd: {  	s7 =	sshrl.u32 s7, $0x3;
	s5 =	sadd.s32 $0x65400, s10;
	s10 =	sadd.s32 s15, s31  }
0xe: {  	s9 =	smax.u32 s9, $0x1;
	s12 =	sshrl.u32 s14, $0x3;
	s14 =	simm.s32 $0x5400  }
0xf: {  	s15 =	simm.s32 $0x1;
	s13 =	sadd.s32 s7, s4;
	s4 =	sadd.s32 s11, s6  }
0x10: {  	s6 =	sor.u32 $0x1C03, s30;
	s7 =	sadd.s32 $0xA47000, s8;
	s10 =	sadd.s32 $0x280, s10  }
0x11: {  	s11 =	simm.s32 $0x4000;
	s8 =	sadd.s32 $0x8D400, s13;
	s13 =	simm.s32 $0x3  }
.LBB2_1:
0x12: {  	[tilespmem:s11], [sflag:$0x1] =	stream.linear.gather [hbm4b:s4+s3], $0x1400, $0x38;
	[tilespmem:$0x1A800] =	vst v63  }
0x13: {  	[spmem:s12], [sflag:s6] =	dma.local [hbm:s5], $0x2800  }
0x14: {  	_ =	swait.ge [sflag:s13], $0x2800  }
0x15: {  	[sflag:s13] =	ssyncset.done $0x0  }
0x16: {  	[sflag:s13] =	ssyncadd.s32 $0xFFFFD800  }
0x17: {  	[tilespmem:s3], [sflag:$0x3] =	stream.linear.gather [hbm4b:s7+s3], $0x3E80, $0x38;
	[tilespmem:$0x1A800] =	vst v63  }
0x18: {  	_ =	swait.ge [sflag:s13], $0x3E80  }
0x19: {  	[sflag:s13] =	ssyncset.done $0x0  }
0x1a: {  	[sflag:s13] =	ssyncadd.s32 $0xFFFFC180  }
0x1b: {  	[bflag:$0x0] =	sbarrier.arrive $0xFFFF  }
0x1c: {  	[tilespmem:s14], [sflag:$0x2] =	stream.linear.gather [hbm4b:s10+s3], $0x1400, $0x38;
	[tilespmem:$0x1A800] =	vst v63  }
0x1d: {  	_ =	swait.ge [sflag:s15], $0x1400  }
0x1e: {  	[sflag:s15] =	ssyncset.done $0x0  }
0x1f: {  	s20 =	simm.s32 $0x0;
	[sflag:s15] =	ssyncadd.s32 $0xFFFFEC00  }
0x20: {  	[spmem:s2] =	stream.indirect.scatter.add.f32 [tilespmem:s11], [sflag:$0x3], $0x80, s20, s16, $0xb8;
	[tilespmem:$0x1A800] =	vst v63  }
0x21: {  	_ =	swait.ge [sflag:s13], $0x1400  }
0x22: {  	[sflag:s13] =	ssyncset.done $0x0  }
0x23: {  	s30 =	sadd.s32 $0x280, s10;
	[sflag:s13] =	ssyncadd.s32 $0xFFFFEC00  }
0x24: {  	[tilespmem:s11], [sflag:$0x1] =	stream.linear.gather [hbm4b:s30+s3], $0x1400, $0x38;
	[tilespmem:$0x1A800] =	vst v63  }
0x25: {  	_ =	swait.ge [sflag:s17], $0x1400  }
0x26: {  	[sflag:s17] =	ssyncset.done $0x0  }
0x27: {  	s31 =	simm.s32 $0x80;
	[sflag:s17] =	ssyncadd.s32 $0xFFFFEC00  }
0x28: {  	[spmem:s2] =	stream.indirect.scatter.add.f32 [tilespmem:s14], [sflag:$0x3], $0x80, s31, s16, $0xb8;
	[tilespmem:$0x1A800] =	vst v63  }
0x29: {  	_ =	swait.ge [sflag:s13], $0x1400  }
0x2a: {  	s21 =	smov.u32 s10;
	s20 =	simm.s32 $0x400;
	[sflag:s13] =	ssyncset.done $0x0  }
.LBB2_2:
0x2b: {  	p0 =	sne.s32 s20, $0xF400;
	[sflag:s13] =	ssyncadd.s32 $0xFFFFEC00;
	s21 =	sadd.s32 $0x500, s21  }
0x2c: {  	[tilespmem:s14], [sflag:$0x2] =	stream.linear.gather [hbm4b:s21+s3], $0x1400, $0x38;
	[tilespmem:$0x1A800] =	vst v63  }
0x2d: {  	s22 =	smov.u32 s20;
	s20 =	sadd.s32 $0x400, s20;
	_ =	swait.ge [sflag:s15], $0x1400  }
0x2e: {  	[sflag:s15] =	ssyncset.done $0x0  }
0x2f: {  	s22 =	sshra.s32 s22, $0x2;
	[sflag:s15] =	ssyncadd.s32 $0xFFFFEC00  }
0x30: {  	[spmem:s2] =	stream.indirect.scatter.add.f32 [tilespmem:s11], [sflag:$0x3], $0x80, s22, s16, $0xb8;
	[tilespmem:$0x1A800] =	vst v63  }
0x31: {  	_ =	swait.ge [sflag:s13], $0x1400  }
0x32: {  	[sflag:s13] =	ssyncset.done $0x0  }
0x33: {  	s23 =	sadd.s32 $0x280, s21;
	[sflag:s13] =	ssyncadd.s32 $0xFFFFEC00  }
0x34: {  	[tilespmem:s11], [sflag:$0x1] =	stream.linear.gather [hbm4b:s23+s3], $0x1400, $0x38;
	[tilespmem:$0x1A800] =	vst v63  }
0x35: {  	_ =	swait.ge [sflag:s17], $0x1400  }
.Ltmp0:
0x36: {  	[sflag:s17] =	ssyncset.done $0x0;
	(pc) =	sbr.rel @p0 .LBB2_2-.Ltmp0, $4  }
0x37: {  	s22 =	sadd.s32 $0x80, s22;
	[sflag:s17] =	ssyncadd.s32 $0xFFFFEC00  }
0x38: {  	[spmem:s2] =	stream.indirect.scatter.add.f32 [tilespmem:s14], [sflag:$0x3], $0x80, s22, s16, $0xb8;
	[tilespmem:$0x1A800] =	vst v63  }
0x39: {  	_ =	swait.ge [sflag:s13], $0x1400  }
0x3a: {  	[sflag:s13] =	ssyncset.done $0x0  }
0x3b: {  	[sflag:s13] =	ssyncadd.s32 $0xFFFFEC00  }
0x3c: {  	_ =	swait.ge [sflag:s15], $0x1400  }
0x3d: {  	[sflag:s15] =	ssyncset.done $0x0  }
0x3e: {  	[sflag:s15] =	ssyncadd.s32 $0xFFFFEC00  }
0x3f: {  	[spmem:s2] =	stream.indirect.scatter.add.f32 [tilespmem:s11], [sflag:$0x3], $0x80, s18, s16, $0xb8;
	[tilespmem:$0x1A800] =	vst v63  }
0x40: {  	_ =	swait.ge [sflag:s13], $0x1400  }
0x41: {  	s19 =	sadd.s32 $0x1, s19;
	[sflag:s13] =	ssyncset.done $0x0  }
0x42: {  	p0 =	sne.s32 s19, s9;
	[sflag:s13] =	ssyncadd.s32 $0xFFFFEC00  }
.Ltmp1:
0x43: {  	[bflag:$0x0] =	sbarrier.arrive $0xFFFF;
	(pc) =	sbr.rel @p0 .LBB2_1-.Ltmp1, $4  }
0x44: {  	[hbm:s8], [sflag:s6] =	dma.local [spmem:s12], $0x2800  }
0x45: {  	_ =	swait.ge [sflag:s13], $0x2800  }
0x46: {  	[sflag:s13] =	ssyncset.done $0x0  }
0x47: {  	[sflag:s13] =	ssyncadd.s32 $0xFFFFD800  }
0x48: {  	_ =	sfence.sel $0x180000  }
0x49: {  	[bflag:$0x0] =	sbarrier.arrive $0xFFFF  }
0x4a: {  	p0 =	sne.s32 s1, $0x0;
	_ =	strace $0x9000004D  }
0x4b: {  	s0 =	sadd.s32 @!p0 $0x100000, s0;
	[bflag:$0x2] =	sbarrier.arrive $0xFFFF  }
0x4c: {  	[sflag:s0] =	ssyncadd.tile.s32 @!p0 $0x1;
	_ =	shalt  }
.Lfunc_end2:
_tile_overlayer_lowered:
.L_overlay_start_2:
0x4d: {  	(tag) =	ssettag $0x2  }
0x4e: {  	s0 =	rddreg [dreg:$0x0];
	s2 =	stileid.u32  }
0x4f: {  	s1 =	rddreg [dreg:$0x1];
	p0 =	sne.s32 s2, $0x0  }
0x50: {  	s3 =	rddreg [dreg:$0x2];
	[bflag:$0x3] =	sbarrier.arrive $0xFFFF;
	s2 =	simm.s32 @!p0 $0x1C03  }
0x51: {  	[timem:s3], [sflag:s2] =	dma.local @!p0 [hbm:s0], s1  }
0x52: {  	s0 =	simm.s32 @!p0 $0x3  }
0x53: {  	_ =	swait.ge @!p0 [sflag:s0], s1  }
0x54: {  	s1 =	ssub.s32 @!p0 $0x0, s1;
	[sflag:s0] =	ssyncset.done @!p0 $0x0  }
0x55: {  	[sflag:s0] =	ssyncadd.s32 @!p0 s1  }
0x56: {  	[bflag:$0x3] =	sbarrier.arrive $0xFFFF  }
0x57: {  	_ =	shalt  }

// kernel: kernel.30.cloned.1.call-start
scs
__scs_entry_jumppad:
0x0: {  	(pc) =	sbr.rel $0x88, $3  }
0x1: {  	(tag) =	ssettag $0x0;
	lr =	simm.s32 $0x1  }
0x2: {  	[smem:$0x3F6E] =	sst lr;
	_ =	strace $0xD0000000  }
0x3: {  	_ = 	snop  }
0x4: {  	_ = 	snop  }
0x5: {  	_ = 	snop  }
0x6: {  	_ = 	snop  }
0x7: {  	_ = 	snop  }
__scs_overlays_trampoline_lowered:
0x8: {  	[smem:$0x3F7D] =	sst s0  }
0x9: {  	[smem:$0x3F7E] =	sst s1  }
0xa: {  	[smem:$0x3F7F] =	sst s2  }
0xb: {  	[smem:$0x3F80] =	sst s3  }
0xc: {  	[smem:$0x3F81] =	sst s4  }
0xd: {  	[smem:$0x3F82] =	sst s5  }
0xe: {  	[smem:$0x3F83] =	sst s6  }
0xf: {  	[smem:$0x3F84] =	sst s7  }
0x10: {  	[smem:$0x3F85] =	sst s8  }
0x11: {  	[smem:$0x3F86] =	sst s9;
	s0 =	simm.s32 @!p0 $0x0  }
0x12: {  	s1 =	sld [smem:$0x3F6C];
	s0 =	simm.s32 @p0 $0x1  }
0x13: {  	[smem:$0x3F87] =	sst s0;
	s0 =	simm.s32 @!p1 $0x0  }
0x14: {  	s2 =	sld [smem:$0x3F6B];
	s0 =	simm.s32 @p1 $0x1  }
0x15: {  	[smem:$0x3F88] =	sst s0;
	s0 =	simm.s32 @!p2 $0x0  }
0x16: {  	s3 =	sld [smem:$0x3FDB];
	s0 =	simm.s32 @p2 $0x1  }
0x17: {  	s4 =	simm.s32 $0x1BF5;
	[smem:$0x3F8A] =	sst s0  }
0x18: {  	s0 =	sld [smem:$0x3F6D];
	_ =	swait.ge [sflag:s4], $0x0  }
0x19: {  	s7 =	sld [smem:$0x3F6E]  }
0x1a: {  	s8 =	sadd.s32 $0xFFFFE003, lr  }
0x1b: {  	s9 =	sadd.s32 $0xFFFFFEF7, lr;
	s5 =	simm.s32 $0xFFFFFFFF;
	p2 =	slt.u32 s8, $0xFFFFF086  }
0x1c: {  	p1 =	slt.u32 s9, $0xF7A;
	s5 =	simm.s32 @!p2 $0x0  }
0x1d: {  	s5 =	simm.s32 @p1 $0x1;
	p0 =	seq.s32 s7, s2  }
0x1e: {  	s7 =	smul.u32 @!p0 $0xF7A, s2;
	p2 =	seq.s32 @!p0 s5, $0x0  }
0x1f: {  	s9 =	smul.u32 $0xF7A, s1;
	s8 =	simm.s32 @!p0 $0x1BF5;
	p2 =	por !p2, p0  }
0x20: {  	[sflag:s8] =	ssyncset.s32 @!p0 $0xFFFFF086;
	s6 =	sadd.s32 @!p0 s3, s7;
	s7 =	simm.s32 @!p0 $0x108  }
0x21: {  	s3 =	sadd.s32 s3, s9;
	s6 =	sadd.s32 @!p0 $0x88, s6;
	s7 =	simm.s32 @p2 $0x1082  }
0x22: {  	[simem:s7], [sflag:s8] =	dma.local @!p0 [hbm:s6], $0xF7A  }
0x23: {  	s9 =	sor.u32 $0xD0000000, s2;
	s6 =	simm.s32 $0x108;
	_ =	swait.ge @!p0 [sflag:s8], $0x0  }
0x24: {  	s3 =	sadd.s32 $0x88, s3;
	s6 =	simm.s32 @!p1 $0x1082;
	[sflag:s4] =	ssyncset.s32 $0xFFFFF086  }
0x25: {  	[simem:s6], [sflag:s4] =	dma.local [hbm:s3], $0xF7A  }
0x26: {  	[smem:$0x3F6E] =	sst s1;
	(tag) =	ssettag s2;
	_ =	strace s9  }
0x27: {  	s1 =	sld [smem:$0x3F7E]  }
0x28: {  	s2 =	sld [smem:$0x3F7F]  }
0x29: {  	s4 =	sld [smem:$0x3F81]  }
0x2a: {  	p0 =	seq.s32 s5, $0x0;
	s5 =	sld [smem:$0x3F82]  }
0x2b: {  	s6 =	sld [smem:$0x3F83]  }
0x2c: {  	s7 =	sld [smem:$0x3F84]  }
0x2d: {  	s3 =	simm.s32 $0x108;
	s8 =	sld [smem:$0x3F85]  }
0x2e: {  	s3 =	simm.s32 @!p0 $0x1082;
	s9 =	sld [smem:$0x3F86]  }
0x2f: {  	lr =	sadd.s32 s0, s3;
	s0 =	sld [smem:$0x3F7D]  }
0x30: {  	s3 =	sld [smem:$0x3F80]  }
0x31: {  	[smem:$0x3F89] =	sst s10  }
0x32: {  	s10 =	sld [smem:$0x3F87];
	_ =	sdelay $0x3  }
0x33: {  	p0 =	seq.s32 s10, $0x1;
	s10 =	sld [smem:$0x3F89];
	_ =	sdelay $0x3  }
0x34: {  	[smem:$0x3F89] =	sst s10  }
0x35: {  	s10 =	sld [smem:$0x3F88];
	_ =	sdelay $0x3  }
0x36: {  	p1 =	seq.s32 s10, $0x1;
	s10 =	sld [smem:$0x3F89];
	_ =	sdelay $0x3  }
0x37: {  	[smem:$0x3F89] =	sst s10  }
0x38: {  	s10 =	sld [smem:$0x3F8A]  }
0x39: {  	_ = 	snop;
	(pc) =	sbr.ind lr, $3  }
0x3a: {  	_ = 	snop  }
0x3b: {  	_ = 	snop  }
0x3c: {  	p2 =	seq.s32 s10, $0x1;
	s10 =	sld [smem:$0x3F89]  }
0x3d: {  	_ =	shalt  }
0x3e: {  	_ =	shalt  }
0x3f: {  	_ =	shalt  }
0x40: {  	_ =	shalt  }
0x41: {  	_ =	shalt  }
0x42: {  	_ =	shalt  }
0x43: {  	_ =	shalt  }
0x44: {  	_ =	shalt  }
0x45: {  	_ =	shalt  }
0x46: {  	_ =	shalt  }
0x47: {  	_ =	shalt  }
0x48: {  	_ =	shalt  }
0x49: {  	_ =	shalt  }
0x4a: {  	_ =	shalt  }
0x4b: {  	_ =	shalt  }
0x4c: {  	_ =	shalt  }
0x4d: {  	_ =	shalt  }
0x4e: {  	_ =	shalt  }
0x4f: {  	_ =	shalt  }
0x50: {  	_ =	shalt  }
0x51: {  	_ =	shalt  }
0x52: {  	_ =	shalt  }
0x53: {  	_ =	shalt  }
0x54: {  	_ =	shalt  }
0x55: {  	_ =	shalt  }
0x56: {  	_ =	shalt  }
0x57: {  	_ =	shalt  }
0x58: {  	_ =	shalt  }
0x59: {  	_ =	shalt  }
0x5a: {  	_ =	shalt  }
0x5b: {  	_ =	shalt  }
0x5c: {  	_ =	shalt  }
0x5d: {  	_ =	shalt  }
0x5e: {  	_ =	shalt  }
0x5f: {  	_ =	shalt  }
0x60: {  	_ =	shalt  }
0x61: {  	_ =	shalt  }
0x62: {  	_ =	shalt  }
0x63: {  	_ =	shalt  }
0x64: {  	_ =	shalt  }
0x65: {  	_ =	shalt  }
0x66: {  	_ =	shalt  }
0x67: {  	_ =	shalt  }
0x68: {  	_ =	shalt  }
0x69: {  	_ =	shalt  }
0x6a: {  	_ =	shalt  }
0x6b: {  	_ =	shalt  }
0x6c: {  	_ =	shalt  }
0x6d: {  	_ =	shalt  }
0x6e: {  	_ =	shalt  }
0x6f: {  	_ =	shalt  }
0x70: {  	_ =	shalt  }
0x71: {  	_ =	shalt  }
0x72: {  	_ =	shalt  }
0x73: {  	_ =	shalt  }
0x74: {  	_ =	shalt  }
0x75: {  	_ =	shalt  }
0x76: {  	_ =	shalt  }
0x77: {  	_ =	shalt  }
0x78: {  	_ =	shalt  }
0x79: {  	_ =	shalt  }
0x7a: {  	_ =	shalt  }
0x7b: {  	_ =	shalt  }
0x7c: {  	_ =	shalt  }
0x7d: {  	_ =	shalt  }
0x7e: {  	_ =	shalt  }
0x7f: {  	_ =	shalt  }
0x80: {  	_ =	shalt  }
0x81: {  	_ =	shalt  }
0x82: {  	_ =	shalt  }
0x83: {  	_ =	shalt  }
0x84: {  	_ =	shalt  }
0x85: {  	_ =	shalt  }
0x86: {  	_ =	shalt  }
0x87: {  	_ =	shalt  }
.Lfunc_end0:
.L_simem_size_0:
called_computation.4_lowered:
.L_overlay_start_0:
0x88: {  	s2 =	sld [smem:$0x3FD9]  }
0x89: {  	s3 =	sld [smem:$0x3FFE];
	_ =	sdelay $0x1  }
0x8a: {  	s1 =	srdreg.scid  }
0x8b: {  	s0 =	sand.u32 $0x1, s1  }
0x8c: {  	s17 =	sshll.u32 s0, $0xA;
	s2 =	sadd.s32 s3, s2  }
0x8d: {  	s2 =	sadd.s32 s2, s17  }
0x8e: {  	[smem:$0x3F95] =	sst s2  }
0x8f: {  	_ = 	snop  }
0x90: {  	(tm) =	ssettm $0x1  }
0x91: {  	s18 =	sld [smem:$0x3FFB];
	_ =	sdelay $0x3  }
0x92: {  	_ =	strace s18  }
0x93: {  	s2 =	sld [smem:$0x3FFC];
	_ =	sdelay $0x3  }
0x94: {  	_ =	strace s2  }
0x95: {  	s2 =	sld [smem:$0x3FFD];
	_ =	sdelay $0x3  }
0x96: {  	_ =	strace s2  }
0x97: {  	_ =	strace $0x8FFFFFFF  }
0x98: {  	s19 =	sld [smem:$0x3FDB];
	_ =	sdelay $0x1  }
0x99: {  	s20 =	simm.s32 $_scs_section_size  }
0x9a: {  	s4 =	simm.s32 $_size__tile_overlayer_lowered;
	s5 =	simm.s32 $_tile_overlayer_lowered  }
0x9b: {  	s6 =	simm.s32 $0x1BFF;
	s21 =	sshll.u32 s5, $0x1;
	s3 =	sadd.s32 s20, s19  }
0x9c: {  	s22 =	simm.s32 $0x0;
	s4 =	sshll.u32 s4, $0x1;
	s5 =	sadd.s32 s21, s3  }
0x9d: {  	[timem:s22], [sflag:s6] =	dma.local [hbm:s5], s4  }
0x9e: {  	_ =	swait.ge [sflag:s6], s4  }
0x9f: {  	s4 =	ssub.s32 $0x0, s4;
	[sflag:s6] =	ssyncset.done $0x0  }
0xa0: {  	[sflag:s6] =	ssyncadd.s32 s4;
	_ =	sdelay $0x1  }
0xa1: {  	s23 =	simm.s32 $0x1B8B  }
0xa2: {  	_ =	swait.ge [sflag:s23], $0x1  }
0xa3: {  	[sflag:s23] =	ssyncset.done $0x0  }
0xa4: {  	[sflag:s23] =	ssyncadd.s32 $0xFFFFFFFF  }
0xa5: {  	s4 =	sld [smem:$0x0]  }
0xa6: {  	s5 =	sand.u32 $0xFFFFFFFE, s1  }
0xa7: {  	p0 =	sne.s32 s1, s5  }
0xa8: {  	s5 =	sshll.u32 @p0 s5, $0xE  }
0xa9: {  	s5 =	sadd.s32 @p0 $0x11B8D, s5;
	s6 =	sshll.u32 @p0 s4, $0x11  }
0xaa: {  	s5 =	sor.u32 @p0 s6, s5  }
0xab: {  	[sflag:s5] =	ssyncadd.remote.s32 @p0 $0x1;
	_ =	sdelay $0x1  }
0xac: {  	s5 =	simm.s32 @p0 $0x1B8D  }
0xad: {  	_ =	swait.eq @p0 [sflag:s5], $0x1  }
0xae: {  	[sflag:s5] =	ssyncadd.s32 @p0 $0xFFFFFFFF  }
0xaf: {  	s6 =	sshll.u32 @!p0 s1, $0xE  }
0xb0: {  	s6 =	sor.u32 @!p0 $0x4000, s6;
	s5 =	simm.s32 @!p0 $0x1B8D  }
0xb1: {  	s4 =	sshll.u32 @!p0 s4, $0x11;
	s6 =	sadd.s32 @!p0 $0x11B8D, s6;
	_ =	swait.eq @!p0 [sflag:s5], $0x1  }
0xb2: {  	s4 =	sor.u32 @!p0 s4, s6;
	[sflag:s5] =	ssyncadd.s32 @!p0 $0xFFFFFFFF  }
0xb3: {  	s25 =	simm.s32 $0x1B8E;
	s24 =	sld [smem:$0x3FFE];
	[sflag:s4] =	ssyncadd.remote.s32 @!p0 $0x1  }
0xb4: {  	s26 =	simm.s32 $execute0_lowered;
	[smem:$0x3FD2] =	sst s25  }
0xb5: {  	s5 =	sshll.u32 s26, $0x1;
	_ =	strace $0x80000055;
	[dreg:$0x1] =	wrdreg $0xFFFFFFFF  }
0xb6: {  	s28 =	simm.s32 $_size_execute0_lowered;
	s3 =	sadd.s32 s3, s5;
	[dreg:$0x0] =	wrdreg $0x0  }
0xb7: {  	s5 =	sshll.u32 s28, $0x1;
	[dreg:$0x2] =	wrdreg s3  }
0xb8: {  	[dreg:$0x3] =	wrdreg s5  }
0xb9: {  	[dreg:$0x4] =	wrdreg $0xC0  }
0xba: {  	_ =	task [dreg:s22], $0x5FFFF  }
0xbb: {  	[dreg:$0x1] =	wrdreg $0xFFFFFFFF  }
0xbc: {  	[dreg:$0x0] =	wrdreg $0x60  }
0xbd: {  	[dreg:$0x2] =	wrdreg s24  }
0xbe: {  	[dreg:$0x3] =	wrdreg $0x9  }
0xbf: {  	_ =	task.clear_ibuf [dreg:s22], $0x4FFFF;
	_ =	strace $0x90000055  }
0xc0: {  	s29 =	simm.s32 $0x9;
	_ =	strace $0x80000057  }
0xc1: {  	_ =	swait.ge [sflag:s29], $0x1  }
0xc2: {  	[sflag:s29] =	ssyncadd.s32 $0xFFFFFFFF  }
0xc3: {  	_ =	strace $0x90000057  }
0xc4: {  	_ =	sfence  }
0xc5: {  	s30 =	sld [smem:$0x0];
	_ =	sdelay $0x2  }
0xc6: {  	s31 =	sshll.u32 s1, $0xD;
	s1 =	sshrl.u32 s1, $0x2  }
0xc7: {  	s4 =	sand.u32 $0x4000, s31;
	s1 =	sadd.s32 s1, s30  }
0xc8: {  	s0 =	sor.u32 s4, s0;
	s1 =	sshll.u32 s1, $0x11  }
0xc9: {  	s0 =	sor.u32 s1, s0  }
0xca: {  	s0 =	sadd.s32 $0x8F2B, s0  }
0xcb: {  	[sflag:s0] =	ssyncadd.remote.s32 $0x1  }
0xcc: {  	_ =	sfence.sel $0xFFFF  }
0xcd: {  	[dreg:$0x0] =	wrdreg $0xFFFFFFFF;
	(pc) =	sbr.abs _section_cstart, $3  }
0xce: {  	[dreg:$0x1] =	wrdreg $0xFFFFFFFF  }
0xcf: {  	_ =	task.clear_ibuf [dreg:s22], $0x2FFFF;
	_ =	strace $0x9FFFFFFF  }
0xd0: {  	(tm) =	ssettm $0x7FFFFFFF  }
0xd1: {  	_ =	shalt  }
tec
execute0_lowered:
.L_overlay_start_1:
0x0: {  	(tag) =	ssettag $0x1  }
0x1: {  	s0 =	srdreg.scid  }
0x2: {  	s11 =	stileid.u32;
	s5 =	rddreg [dreg:$0x0]  }
0x3: {  	s2 =	simm.s32 $0x0;
	s28 =	simm.s32 $0x1;
	s29 =	simm.s32 $0x3  }
0x4: {  	s30 =	simm.s32 $0x2;
	s31 =	simm.s32 $0x4;
	s21 =	smul.u32 $0x9C400, s11  }
0x5: {  	s0 =	sand.u32 $0x1, s0;
	[smem:$0x7FF] =	sst s2;
	s23 =	smul.u32 $0x13880, s11  }
0x6: {  	s4 =	sadd.s32 $0x8D400, s5;
	s1 =	sshll.u32 s0, $0x4;
	s20 =	smul.u32 $0x9C4000, s0  }
0x7: {  	s8 =	ssub.s32 $0x2, s0;
	s0 =	smul.u32 $0x138800, s0;
	s1 =	sor.u32 s11, s1  }
0x8: {  	s9 =	sadd.s32 $0xCC8000, s5;
	s10 =	sshrl.u32 s8, $0x1;
	s3 =	smul.u32 $0x1388, s1  }
0x9: {  	_ =	strace $0x80000056;
	s7 =	smul.u32 $0x9C400, s1;
	s8 =	ssub.s32 s8, s10  }
0xa: {  	s1 =	smul.u32 $0x13880, s1;
	s25 =	sadd.s32 s0, s9;
	s8 =	smax.u32 s8, $0x1  }
0xb: {  	s26 =	sadd.s32 s23, s25;
	s25 =	simm.s32 $0x6;
	s3 =	sshrl.u32 s3, $0x3  }
0xc: {  	s7 =	sshrl.u32 s7, $0x3;
	[dreg:$0x9] =	wrdreg s8;
	s1 =	sadd.s32 $0x12800, s1  }
0xd: {  	s6 =	sadd.s32 s3, s5;
	s3 =	sadd.s32 $0x3D800, s5;
	s5 =	sadd.s32 $0xF39000, s5  }
0xe: {  	s15 =	sadd.s32 $0x13000, s7;
	s18 =	sadd.s32 $0x13800, s7;
	s12 =	sadd.s32 $0x556200, s6  }
0xf: {  	s7 =	sadd.s32 $0x12000, s7;
	s6 =	sadd.s32 $0x551200, s6;
	[dreg:$0x3] =	wrdreg s12  }
0x10: {  	s14 =	sadd.s32 s9, s1;
	s16 =	sadd.s32 s9, s15;
	[dreg:$0x4] =	wrdreg s6  }
0x11: {  	s17 =	sadd.s32 s5, s15;
	s19 =	sadd.s32 s9, s18;
	[dreg:$0x5] =	wrdreg s16  }
0x12: {  	s13 =	sadd.s32 s5, s7;
	s15 =	sadd.s32 s5, s1;
	[dreg:$0x6] =	wrdreg s17  }
0x13: {  	s0 =	sadd.s32 s0, s5;
	s1 =	simm.s32 $0x5;
	[dreg:$0x7] =	wrdreg s19  }
0x14: {  	s6 =	sadd.s32 s5, s18;
	s12 =	sadd.s32 s9, s7;
	s0 =	sadd.s32 s23, s0  }
0x15: {  	s17 =	sadd.s32 $0x800, s26;
	s19 =	simm.s32 $0x9;
	s23 =	simm.s32 $0xA800  }
0x16: {  	s26 =	simm.s32 $0xE800;
	[dreg:$0x8] =	wrdreg s6;
	s6 =	sadd.s32 s21, s20  }
0x17: {  	s18 =	sadd.s32 $0x800, s0;
	s20 =	simm.s32 $0x1400;
	s21 =	simm.s32 $0x80  }
0x18: {  	s0 =	simm.s32 $0x7;
	s22 =	sshrl.u32 s6, $0x3;
	s6 =	simm.s32 $0x0  }
0x19: {  	s24 =	sadd.s32 s22, s5;
	s16 =	sadd.s32 s22, s9;
	s22 =	simm.s32 $0x2800  }
0x1a: {  	s5 =	simm.s32 $0x8;
	[dreg:$0x2] =	wrdreg s24;
	s24 =	simm.s32 $0x6800  }
.LBB2_1:
0x1b: {  	s7 =	rddreg [dreg:$0x3]  }
0x1c: {  	[tilespmem:s2], [sflag:$0x9] =	stream.linear.gather [hbm4b:s7+s2], $0x1388, $0x38;
	[tilespmem:$0x12800] =	vst v63  }
0x1d: {  	_ =	swait.ge [sflag:s19], $0x1388  }
0x1e: {  	[sflag:s19] =	ssyncset.done $0x0  }
0x1f: {  	s11 =	rddreg [dreg:$0x4];
	[sflag:s19] =	ssyncadd.s32 $0xFFFFEC78  }
0x20: {  	[tilespmem:s20], [sflag:$0x9] =	stream.linear.gather [hbm4b:s11+s2], $0x1388, $0x38;
	[tilespmem:$0x12800] =	vst v63  }
0x21: {  	_ =	swait.ge [sflag:s19], $0x1388  }
0x22: {  	[sflag:s19] =	ssyncset.done $0x0  }
0x23: {  	[sflag:s19] =	ssyncadd.s32 $0xFFFFEC78  }
0x24: {  	[tilespmem:s22], [sflag:$0x1] =	stream.indirect.gather [hbm4b:s3+s21], $0x80, s2, s21, $0xb8;
	[tilespmem:$0x12800] =	vst v63  }
0x25: {  	_ = 	snop  }
0x26: {  	[tilespmem:s23], [sflag:$0x3] =	stream.indirect.gather [hbm4b:s4+s21], $0x80, s20, s21, $0xb8;
	[tilespmem:$0x12800] =	vst v63  }
0x27: {  	_ = 	snop  }
0x28: {  	[tilespmem:s24], [sflag:$0x2] =	stream.indirect.gather [hbm4b:s3+s21], $0x80, s21, s21, $0xb8;
	[tilespmem:$0x12800] =	vst v63  }
0x29: {  	s8 =	simm.s32 $0x1480  }
0x2a: {  	[tilespmem:s26], [sflag:$0x4] =	stream.indirect.gather [hbm4b:s4+s21], $0x80, s8, s21, $0xb8;
	[tilespmem:$0x12800] =	vst v63  }
0x2b: {  	_ =	swait.ge [sflag:s28], $0x4000  }
0x2c: {  	[sflag:s28] =	ssyncset.done $0x0  }
0x2d: {  	s9 =	sadd.s32 $0x0, s16;
	[sflag:s28] =	ssyncadd.s32 $0xFFFFC000  }
0x2e: {  	[hbm4b:s9+s2] =	stream.linear.scatter [tilespmem:s22], [sflag:$0x5], $0x4000, $0x38;
	[tilespmem:$0x12800] =	vst v63  }
0x2f: {  	_ =	swait.ge [sflag:s29], $0x4000  }
0x30: {  	s10 =	rddreg [dreg:$0x2];
	[sflag:s29] =	ssyncset.done $0x0  }
0x31: {  	[sflag:s29] =	ssyncadd.s32 $0xFFFFC000;
	s7 =	sadd.s32 $0x0, s10  }
0x32: {  	[hbm4b:s7+s2] =	stream.linear.scatter [tilespmem:s23], [sflag:$0x7], $0x4000, $0x38;
	[tilespmem:$0x12800] =	vst v63  }
0x33: {  	_ =	swait.ge [sflag:s30], $0x4000  }
0x34: {  	[sflag:s30] =	ssyncset.done $0x0  }
0x35: {  	s11 =	sadd.s32 $0x0, s17;
	[sflag:s30] =	ssyncadd.s32 $0xFFFFC000  }
0x36: {  	[hbm4b:s11+s2] =	stream.linear.scatter [tilespmem:s24], [sflag:$0x6], $0x4000, $0x38;
	[tilespmem:$0x12800] =	vst v63  }
0x37: {  	_ =	swait.ge [sflag:s31], $0x4000  }
0x38: {  	[sflag:s31] =	ssyncset.done $0x0  }
0x39: {  	s8 =	sadd.s32 $0x0, s18;
	[sflag:s31] =	ssyncadd.s32 $0xFFFFC000  }
0x3a: {  	[hbm4b:s8+s2] =	stream.linear.scatter [tilespmem:s26], [sflag:$0x8], $0x4000, $0x38;
	[tilespmem:$0x12800] =	vst v63  }
0x3b: {  	_ =	swait.ge [sflag:s1], $0x4000  }
0x3c: {  	[sflag:s1] =	ssyncset.done $0x0  }
0x3d: {  	s9 =	simm.s32 $0x100;
	[sflag:s1] =	ssyncadd.s32 $0xFFFFC000  }
0x3e: {  	[tilespmem:s22], [sflag:$0x1] =	stream.indirect.gather [hbm4b:s3+s21], $0x80, s9, s21, $0xb8;
	[tilespmem:$0x12800] =	vst v63  }
0x3f: {  	_ =	swait.ge [sflag:s0], $0x4000  }
0x40: {  	[sflag:s0] =	ssyncset.done $0x0  }
0x41: {  	s10 =	simm.s32 $0x1500;
	[sflag:s0] =	ssyncadd.s32 $0xFFFFC000  }
0x42: {  	[tilespmem:s23], [sflag:$0x3] =	stream.indirect.gather [hbm4b:s4+s21], $0x80, s10, s21, $0xb8;
	[tilespmem:$0x12800] =	vst v63  }
0x43: {  	_ =	swait.ge [sflag:s25], $0x4000  }
0x44: {  	[sflag:s25] =	ssyncset.done $0x0  }
0x45: {  	s11 =	simm.s32 $0x180;
	[sflag:s25] =	ssyncadd.s32 $0xFFFFC000  }
0x46: {  	[tilespmem:s24], [sflag:$0x2] =	stream.indirect.gather [hbm4b:s3+s21], $0x80, s11, s21, $0xb8;
	[tilespmem:$0x12800] =	vst v63  }
0x47: {  	_ =	swait.ge [sflag:s5], $0x4000  }
0x48: {  	s7 =	simm.s32 $0x1000;
	s8 =	simm.s32 $0x200;
	[sflag:s5] =	ssyncset.done $0x0  }
0x49: {  	s9 =	simm.s32 $0x1600;
	s10 =	simm.s32 $0x1580;
	[sflag:s5] =	ssyncadd.s32 $0xFFFFC000  }
.LBB2_2:
0x4a: {  	[tilespmem:s26], [sflag:$0x4] =	stream.indirect.gather [hbm4b:s4+s21], $0x80, s10, s21, $0xb8;
	[tilespmem:$0x12800] =	vst v63  }
0x4b: {  	_ =	swait.ge [sflag:s28], $0x4000  }
0x4c: {  	s10 =	smov.u32 s7;
	[sflag:s28] =	ssyncset.done $0x0  }
0x4d: {  	s11 =	sadd.s32 s10, s16;
	[sflag:s28] =	ssyncadd.s32 $0xFFFFC000  }
0x4e: {  	[hbm4b:s11+s2] =	stream.linear.scatter [tilespmem:s22], [sflag:$0x5], $0x4000, $0x38;
	[tilespmem:$0x12800] =	vst v63  }
0x4f: {  	_ =	swait.ge [sflag:s29], $0x4000  }
0x50: {  	s11 =	rddreg [dreg:$0x2];
	[sflag:s29] =	ssyncset.done $0x0  }
0x51: {  	[sflag:s29] =	ssyncadd.s32 $0xFFFFC000;
	s11 =	sadd.s32 s10, s11  }
0x52: {  	[hbm4b:s11+s2] =	stream.linear.scatter [tilespmem:s23], [sflag:$0x7], $0x4000, $0x38;
	[tilespmem:$0x12800] =	vst v63  }
0x53: {  	_ =	swait.ge [sflag:s30], $0x4000  }
0x54: {  	[sflag:s30] =	ssyncset.done $0x0  }
0x55: {  	s11 =	sadd.s32 s10, s17;
	[sflag:s30] =	ssyncadd.s32 $0xFFFFC000  }
0x56: {  	[hbm4b:s11+s2] =	stream.linear.scatter [tilespmem:s24], [sflag:$0x6], $0x4000, $0x38;
	[tilespmem:$0x12800] =	vst v63  }
0x57: {  	_ =	swait.ge [sflag:s31], $0x4000  }
0x58: {  	[sflag:s31] =	ssyncset.done $0x0  }
0x59: {  	s10 =	sadd.s32 s10, s18;
	[sflag:s31] =	ssyncadd.s32 $0xFFFFC000  }
0x5a: {  	[hbm4b:s10+s2] =	stream.linear.scatter [tilespmem:s26], [sflag:$0x8], $0x4000, $0x38;
	[tilespmem:$0x12800] =	vst v63  }
0x5b: {  	_ =	swait.ge [sflag:s1], $0x4000  }
0x5c: {  	[sflag:s1] =	ssyncset.done $0x0  }
0x5d: {  	[sflag:s1] =	ssyncadd.s32 $0xFFFFC000  }
0x5e: {  	[tilespmem:s22], [sflag:$0x1] =	stream.indirect.gather [hbm4b:s3+s21], $0x80, s8, s21, $0xb8;
	[tilespmem:$0x12800] =	vst v63  }
0x5f: {  	_ =	swait.ge [sflag:s0], $0x4000  }
0x60: {  	[sflag:s0] =	ssyncset.done $0x0  }
0x61: {  	[sflag:s0] =	ssyncadd.s32 $0xFFFFC000  }
0x62: {  	[tilespmem:s23], [sflag:$0x3] =	stream.indirect.gather [hbm4b:s4+s21], $0x80, s9, s21, $0xb8;
	[tilespmem:$0x12800] =	vst v63  }
0x63: {  	_ =	swait.ge [sflag:s25], $0x4000  }
0x64: {  	p0 =	sne.s32 s7, $0x11000;
	[sflag:s25] =	ssyncset.done $0x0  }
.Ltmp0:
0x65: {  	s11 =	sadd.s32 $0x80, s8;
	[sflag:s25] =	ssyncadd.s32 $0xFFFFC000;
	(pc) =	sbr.rel @p0 .LBB2_2-.Ltmp0, $4  }
0x66: {  	[tilespmem:s24], [sflag:$0x2] =	stream.indirect.gather [hbm4b:s3+s21], $0x80, s11, s21, $0xb8;
	[tilespmem:$0x12800] =	vst v63  }
0x67: {  	_ =	swait.ge [sflag:s5], $0x4000  }
0x68: {  	s7 =	sadd.s32 $0x1000, s7;
	s10 =	sadd.s32 $0x80, s9;
	[sflag:s5] =	ssyncset.done $0x0  }
0x69: {  	s8 =	sadd.s32 $0x100, s8;
	s9 =	sadd.s32 $0x100, s9;
	[sflag:s5] =	ssyncadd.s32 $0xFFFFC000  }
0x6a: {  	[tilespmem:s26], [sflag:$0x4] =	stream.indirect.gather [hbm4b:s4+s21], $0x80, s10, s21, $0xb8;
	[tilespmem:$0x12800] =	vst v63  }
0x6b: {  	_ =	swait.ge [sflag:s28], $0x4000  }
0x6c: {  	[sflag:s28] =	ssyncset.done $0x0  }
0x6d: {  	[sflag:s28] =	ssyncadd.s32 $0xFFFFC000  }
0x6e: {  	[hbm4b:s12+s2] =	stream.linear.scatter [tilespmem:s22], [sflag:$0x5], $0x4000, $0x38;
	[tilespmem:$0x12800] =	vst v63  }
0x6f: {  	_ =	swait.ge [sflag:s29], $0x4000  }
0x70: {  	[sflag:s29] =	ssyncset.done $0x0  }
0x71: {  	[sflag:s29] =	ssyncadd.s32 $0xFFFFC000  }
0x72: {  	[hbm4b:s13+s2] =	stream.linear.scatter [tilespmem:s23], [sflag:$0x7], $0x4000, $0x38;
	[tilespmem:$0x12800] =	vst v63  }
0x73: {  	_ =	swait.ge [sflag:s30], $0x4000  }
0x74: {  	[sflag:s30] =	ssyncset.done $0x0  }
0x75: {  	[sflag:s30] =	ssyncadd.s32 $0xFFFFC000  }
0x76: {  	[hbm4b:s14+s2] =	stream.linear.scatter [tilespmem:s24], [sflag:$0x6], $0x4000, $0x38;
	[tilespmem:$0x12800] =	vst v63  }
0x77: {  	_ =	swait.ge [sflag:s31], $0x4000  }
0x78: {  	[sflag:s31] =	ssyncset.done $0x0  }
0x79: {  	[sflag:s31] =	ssyncadd.s32 $0xFFFFC000  }
0x7a: {  	[hbm4b:s15+s2] =	stream.linear.scatter [tilespmem:s26], [sflag:$0x8], $0x4000, $0x38;
	[tilespmem:$0x12800] =	vst v63  }
0x7b: {  	_ =	swait.ge [sflag:s1], $0x4000  }
0x7c: {  	[sflag:s1] =	ssyncset.done $0x0  }
0x7d: {  	s7 =	simm.s32 $0x1300;
	[sflag:s1] =	ssyncadd.s32 $0xFFFFC000  }
0x7e: {  	[tilespmem:s22], [sflag:$0x1] =	stream.indirect.gather [hbm4b:s3+s21], $0x80, s7, s21, $0xb8;
	[tilespmem:$0x12800] =	vst v63  }
0x7f: {  	_ =	swait.ge [sflag:s0], $0x4000  }
0x80: {  	[sflag:s0] =	ssyncset.done $0x0  }
0x81: {  	s8 =	simm.s32 $0x2700;
	[sflag:s0] =	ssyncadd.s32 $0xFFFFC000  }
0x82: {  	[tilespmem:s23], [sflag:$0x3] =	stream.indirect.gather [hbm4b:s4+s21], $0x80, s8, s21, $0xb8;
	[tilespmem:$0x12800] =	vst v63  }
0x83: {  	_ =	swait.ge [sflag:s28], $0x4000  }
0x84: {  	[sflag:s28] =	ssyncset.done $0x0  }
0x85: {  	s9 =	rddreg [dreg:$0x5];
	[sflag:s28] =	ssyncadd.s32 $0xFFFFC000  }
0x86: {  	[hbm4b:s9+s2] =	stream.linear.scatter [tilespmem:s22], [sflag:$0x5], $0x4000, $0x38;
	[tilespmem:$0x12800] =	vst v63  }
0x87: {  	_ =	swait.ge [sflag:s29], $0x4000  }
0x88: {  	[sflag:s29] =	ssyncset.done $0x0  }
0x89: {  	s10 =	rddreg [dreg:$0x6];
	[sflag:s29] =	ssyncadd.s32 $0xFFFFC000  }
0x8a: {  	[hbm4b:s10+s2] =	stream.linear.scatter [tilespmem:s23], [sflag:$0x7], $0x4000, $0x38;
	[tilespmem:$0x12800] =	vst v63  }
0x8b: {  	_ =	swait.ge [sflag:s1], $0x4000  }
0x8c: {  	[sflag:s1] =	ssyncset.done $0x0  }
0x8d: {  	[sflag:s1] =	ssyncadd.s32 $0xFFFFC000  }
0x8e: {  	_ =	swait.ge [sflag:s0], $0x4000  }
0x8f: {  	[sflag:s0] =	ssyncset.done $0x0  }
0x90: {  	[sflag:s0] =	ssyncadd.s32 $0xFFFFC000  }
0x91: {  	_ =	swait.ge [sflag:s25], $0x4000  }
0x92: {  	[sflag:s25] =	ssyncset.done $0x0  }
0x93: {  	[sflag:s25] =	ssyncadd.s32 $0xFFFFC000  }
0x94: {  	_ =	swait.ge [sflag:s5], $0x4000  }
0x95: {  	[sflag:s5] =	ssyncset.done $0x0  }
0x96: {  	s11 =	simm.s32 $0x1380;
	[sflag:s5] =	ssyncadd.s32 $0xFFFFC000  }
0x97: {  	[tilespmem:s22], [sflag:$0x1] =	stream.indirect.gather [hbm4b:s3+s5], $0x80, s11, s5, $0xb8;
	[tilespmem:$0x12800] =	vst v63  }
0x98: {  	s8 =	simm.s32 $0x2780  }
0x99: {  	[tilespmem:s23], [sflag:$0x3] =	stream.indirect.gather [hbm4b:s4+s5], $0x80, s8, s5, $0xb8;
	[tilespmem:$0x12800] =	vst v63  }
0x9a: {  	_ =	swait.ge [sflag:s28], $0x400  }
0x9b: {  	[sflag:s28] =	ssyncset.done $0x0  }
0x9c: {  	[sflag:s28] =	ssyncadd.s32 $0xFFFFFC00  }
0x9d: {  	_ =	swait.ge [sflag:s29], $0x400  }
0x9e: {  	[sflag:s29] =	ssyncset.done $0x0  }
0x9f: {  	s9 =	rddreg [dreg:$0x7];
	[sflag:s29] =	ssyncadd.s32 $0xFFFFFC00  }
0xa0: {  	[hbm4b:s9+s2] =	stream.linear.scatter [tilespmem:s22], [sflag:$0x9], $0x400, $0x38;
	[tilespmem:$0x12800] =	vst v63  }
0xa1: {  	_ =	swait.ge [sflag:s19], $0x400  }
0xa2: {  	[sflag:s19] =	ssyncset.done $0x0  }
0xa3: {  	s10 =	rddreg [dreg:$0x8];
	[sflag:s19] =	ssyncadd.s32 $0xFFFFFC00  }
0xa4: {  	[hbm4b:s10+s2] =	stream.linear.scatter [tilespmem:s23], [sflag:$0x9], $0x400, $0x38;
	[tilespmem:$0x12800] =	vst v63  }
0xa5: {  	_ =	swait.ge [sflag:s19], $0x400  }
0xa6: {  	s6 =	sadd.s32 $0x1, s6;
	s11 =	rddreg [dreg:$0x9]  }
0xa7: {  	p0 =	sne.s32 s6, s11  }
.Ltmp1:
0xa8: {  	_ = 	snop;
	(pc) =	sbr.rel @p0 .LBB2_1-.Ltmp1, $3  }
0xa9: {  	_ =	sdelay $0x1  }
0xaa: {  	[sflag:s19] =	ssyncset.done $0x0  }
0xab: {  	[sflag:s19] =	ssyncadd.s32 $0xFFFFFC00  }
0xac: {  	_ =	sfence.sel $0x180000  }
0xad: {  	[bflag:$0x0] =	sbarrier.arrive $0xFFFF  }
0xae: {  	_ =	strace $0x90000056  }
0xaf: {  	s0 =	stileid.u32;
	[bflag:$0x2] =	sbarrier.arrive $0xFFFF  }
0xb0: {  	p0 =	sne.s32 s0, $0x0;
	s0 =	rddreg [dreg:$0x1]  }
0xb1: {  	s0 =	sadd.s32 @!p0 $0x100000, s0  }
0xb2: {  	[sflag:s0] =	ssyncadd.tile.s32 @!p0 $0x1;
	_ =	shalt  }
.Lfunc_end2:
_tile_overlayer_lowered:
.L_overlay_start_2:
0xb3: {  	(tag) =	ssettag $0x2  }
0xb4: {  	s0 =	rddreg [dreg:$0x0];
	s2 =	stileid.u32  }
0xb5: {  	s1 =	rddreg [dreg:$0x1];
	p0 =	sne.s32 s2, $0x0  }
0xb6: {  	s3 =	rddreg [dreg:$0x2];
	[bflag:$0x3] =	sbarrier.arrive $0xFFFF;
	s2 =	simm.s32 @!p0 $0x1C09  }
0xb7: {  	[timem:s3], [sflag:s2] =	dma.local @!p0 [hbm:s0], s1  }
0xb8: {  	s0 =	simm.s32 @!p0 $0x9  }
0xb9: {  	_ =	swait.ge @!p0 [sflag:s0], s1  }
0xba: {  	s1 =	ssub.s32 @!p0 $0x0, s1;
	[sflag:s0] =	ssyncset.done @!p0 $0x0  }
0xbb: {  	[sflag:s0] =	ssyncadd.s32 @!p0 s1  }
0xbc: {  	[bflag:$0x3] =	sbarrier.arrive $0xFFFF  }
0xbd: {  	_ =	shalt  }

// kernel: kernel.33.cloned.1.call-start
scs
__scs_entry_jumppad:
0x0: {  	(pc) =	sbr.rel $0x88, $3  }
0x1: {  	(tag) =	ssettag $0x0;
	lr =	simm.s32 $0x1  }
0x2: {  	[smem:$0x3F6E] =	sst lr;
	_ =	strace $0xD0000000  }
0x3: {  	_ = 	snop  }
0x4: {  	_ = 	snop  }
0x5: {  	_ = 	snop  }
0x6: {  	_ = 	snop  }
0x7: {  	_ = 	snop  }
__scs_overlays_trampoline_lowered:
0x8: {  	[smem:$0x3F7D] =	sst s0  }
0x9: {  	[smem:$0x3F7E] =	sst s1  }
0xa: {  	[smem:$0x3F7F] =	sst s2  }
0xb: {  	[smem:$0x3F80] =	sst s3  }
0xc: {  	[smem:$0x3F81] =	sst s4  }
0xd: {  	[smem:$0x3F82] =	sst s5  }
0xe: {  	[smem:$0x3F83] =	sst s6  }
0xf: {  	[smem:$0x3F84] =	sst s7  }
0x10: {  	[smem:$0x3F85] =	sst s8  }
0x11: {  	[smem:$0x3F86] =	sst s9;
	s0 =	simm.s32 @!p0 $0x0  }
0x12: {  	s1 =	sld [smem:$0x3F6C];
	s0 =	simm.s32 @p0 $0x1  }
0x13: {  	[smem:$0x3F87] =	sst s0;
	s0 =	simm.s32 @!p1 $0x0  }
0x14: {  	s2 =	sld [smem:$0x3F6B];
	s0 =	simm.s32 @p1 $0x1  }
0x15: {  	[smem:$0x3F88] =	sst s0;
	s0 =	simm.s32 @!p2 $0x0  }
0x16: {  	s3 =	sld [smem:$0x3FDB];
	s0 =	simm.s32 @p2 $0x1  }
0x17: {  	s4 =	simm.s32 $0x1BF5;
	[smem:$0x3F8A] =	sst s0  }
0x18: {  	s0 =	sld [smem:$0x3F6D];
	_ =	swait.ge [sflag:s4], $0x0  }
0x19: {  	s7 =	sld [smem:$0x3F6E]  }
0x1a: {  	s8 =	sadd.s32 $0xFFFFE003, lr  }
0x1b: {  	s9 =	sadd.s32 $0xFFFFFEF7, lr;
	s5 =	simm.s32 $0xFFFFFFFF;
	p2 =	slt.u32 s8, $0xFFFFF086  }
0x1c: {  	p1 =	slt.u32 s9, $0xF7A;
	s5 =	simm.s32 @!p2 $0x0  }
0x1d: {  	s5 =	simm.s32 @p1 $0x1;
	p0 =	seq.s32 s7, s2  }
0x1e: {  	s7 =	smul.u32 @!p0 $0xF7A, s2;
	p2 =	seq.s32 @!p0 s5, $0x0  }
0x1f: {  	s9 =	smul.u32 $0xF7A, s1;
	s8 =	simm.s32 @!p0 $0x1BF5;
	p2 =	por !p2, p0  }
0x20: {  	[sflag:s8] =	ssyncset.s32 @!p0 $0xFFFFF086;
	s6 =	sadd.s32 @!p0 s3, s7;
	s7 =	simm.s32 @!p0 $0x108  }
0x21: {  	s3 =	sadd.s32 s3, s9;
	s6 =	sadd.s32 @!p0 $0x88, s6;
	s7 =	simm.s32 @p2 $0x1082  }
0x22: {  	[simem:s7], [sflag:s8] =	dma.local @!p0 [hbm:s6], $0xF7A  }
0x23: {  	s9 =	sor.u32 $0xD0000000, s2;
	s6 =	simm.s32 $0x108;
	_ =	swait.ge @!p0 [sflag:s8], $0x0  }
0x24: {  	s3 =	sadd.s32 $0x88, s3;
	s6 =	simm.s32 @!p1 $0x1082;
	[sflag:s4] =	ssyncset.s32 $0xFFFFF086  }
0x25: {  	[simem:s6], [sflag:s4] =	dma.local [hbm:s3], $0xF7A  }
0x26: {  	[smem:$0x3F6E] =	sst s1;
	(tag) =	ssettag s2;
	_ =	strace s9  }
0x27: {  	s1 =	sld [smem:$0x3F7E]  }
0x28: {  	s2 =	sld [smem:$0x3F7F]  }
0x29: {  	s4 =	sld [smem:$0x3F81]  }
0x2a: {  	p0 =	seq.s32 s5, $0x0;
	s5 =	sld [smem:$0x3F82]  }
0x2b: {  	s6 =	sld [smem:$0x3F83]  }
0x2c: {  	s7 =	sld [smem:$0x3F84]  }
0x2d: {  	s3 =	simm.s32 $0x108;
	s8 =	sld [smem:$0x3F85]  }
0x2e: {  	s3 =	simm.s32 @!p0 $0x1082;
	s9 =	sld [smem:$0x3F86]  }
0x2f: {  	lr =	sadd.s32 s0, s3;
	s0 =	sld [smem:$0x3F7D]  }
0x30: {  	s3 =	sld [smem:$0x3F80]  }
0x31: {  	[smem:$0x3F89] =	sst s10  }
0x32: {  	s10 =	sld [smem:$0x3F87];
	_ =	sdelay $0x3  }
0x33: {  	p0 =	seq.s32 s10, $0x1;
	s10 =	sld [smem:$0x3F89];
	_ =	sdelay $0x3  }
0x34: {  	[smem:$0x3F89] =	sst s10  }
0x35: {  	s10 =	sld [smem:$0x3F88];
	_ =	sdelay $0x3  }
0x36: {  	p1 =	seq.s32 s10, $0x1;
	s10 =	sld [smem:$0x3F89];
	_ =	sdelay $0x3  }
0x37: {  	[smem:$0x3F89] =	sst s10  }
0x38: {  	s10 =	sld [smem:$0x3F8A]  }
0x39: {  	_ = 	snop;
	(pc) =	sbr.ind lr, $3  }
0x3a: {  	_ = 	snop  }
0x3b: {  	_ = 	snop  }
0x3c: {  	p2 =	seq.s32 s10, $0x1;
	s10 =	sld [smem:$0x3F89]  }
0x3d: {  	_ =	shalt  }
0x3e: {  	_ =	shalt  }
0x3f: {  	_ =	shalt  }
0x40: {  	_ =	shalt  }
0x41: {  	_ =	shalt  }
0x42: {  	_ =	shalt  }
0x43: {  	_ =	shalt  }
0x44: {  	_ =	shalt  }
0x45: {  	_ =	shalt  }
0x46: {  	_ =	shalt  }
0x47: {  	_ =	shalt  }
0x48: {  	_ =	shalt  }
0x49: {  	_ =	shalt  }
0x4a: {  	_ =	shalt  }
0x4b: {  	_ =	shalt  }
0x4c: {  	_ =	shalt  }
0x4d: {  	_ =	shalt  }
0x4e: {  	_ =	shalt  }
0x4f: {  	_ =	shalt  }
0x50: {  	_ =	shalt  }
0x51: {  	_ =	shalt  }
0x52: {  	_ =	shalt  }
0x53: {  	_ =	shalt  }
0x54: {  	_ =	shalt  }
0x55: {  	_ =	shalt  }
0x56: {  	_ =	shalt  }
0x57: {  	_ =	shalt  }
0x58: {  	_ =	shalt  }
0x59: {  	_ =	shalt  }
0x5a: {  	_ =	shalt  }
0x5b: {  	_ =	shalt  }
0x5c: {  	_ =	shalt  }
0x5d: {  	_ =	shalt  }
0x5e: {  	_ =	shalt  }
0x5f: {  	_ =	shalt  }
0x60: {  	_ =	shalt  }
0x61: {  	_ =	shalt  }
0x62: {  	_ =	shalt  }
0x63: {  	_ =	shalt  }
0x64: {  	_ =	shalt  }
0x65: {  	_ =	shalt  }
0x66: {  	_ =	shalt  }
0x67: {  	_ =	shalt  }
0x68: {  	_ =	shalt  }
0x69: {  	_ =	shalt  }
0x6a: {  	_ =	shalt  }
0x6b: {  	_ =	shalt  }
0x6c: {  	_ =	shalt  }
0x6d: {  	_ =	shalt  }
0x6e: {  	_ =	shalt  }
0x6f: {  	_ =	shalt  }
0x70: {  	_ =	shalt  }
0x71: {  	_ =	shalt  }
0x72: {  	_ =	shalt  }
0x73: {  	_ =	shalt  }
0x74: {  	_ =	shalt  }
0x75: {  	_ =	shalt  }
0x76: {  	_ =	shalt  }
0x77: {  	_ =	shalt  }
0x78: {  	_ =	shalt  }
0x79: {  	_ =	shalt  }
0x7a: {  	_ =	shalt  }
0x7b: {  	_ =	shalt  }
0x7c: {  	_ =	shalt  }
0x7d: {  	_ =	shalt  }
0x7e: {  	_ =	shalt  }
0x7f: {  	_ =	shalt  }
0x80: {  	_ =	shalt  }
0x81: {  	_ =	shalt  }
0x82: {  	_ =	shalt  }
0x83: {  	_ =	shalt  }
0x84: {  	_ =	shalt  }
0x85: {  	_ =	shalt  }
0x86: {  	_ =	shalt  }
0x87: {  	_ =	shalt  }
.Lfunc_end0:
.L_simem_size_0:
called_computation.5_lowered:
.L_overlay_start_0:
0x88: {  	s2 =	sld [smem:$0x3FD9]  }
0x89: {  	s3 =	sld [smem:$0x3FFE];
	_ =	sdelay $0x1  }
0x8a: {  	s1 =	srdreg.scid  }
0x8b: {  	s0 =	sand.u32 $0x1, s1  }
0x8c: {  	s16 =	sshll.u32 s0, $0xA;
	s2 =	sadd.s32 s3, s2  }
0x8d: {  	s2 =	sadd.s32 s2, s16  }
0x8e: {  	[smem:$0x3F95] =	sst s2  }
0x8f: {  	_ = 	snop  }
0x90: {  	(tm) =	ssettm $0x1  }
0x91: {  	s17 =	sld [smem:$0x3FFB];
	_ =	sdelay $0x3  }
0x92: {  	_ =	strace s17  }
0x93: {  	s2 =	sld [smem:$0x3FFC];
	_ =	sdelay $0x3  }
0x94: {  	_ =	strace s2  }
0x95: {  	s2 =	sld [smem:$0x3FFD];
	_ =	sdelay $0x3  }
0x96: {  	_ =	strace s2  }
0x97: {  	_ =	strace $0x8FFFFFFF  }
0x98: {  	s18 =	sld [smem:$0x3FDB];
	_ =	sdelay $0x1  }
0x99: {  	s19 =	simm.s32 $_scs_section_size  }
0x9a: {  	s4 =	simm.s32 $_size__tile_overlayer_lowered;
	s5 =	simm.s32 $_tile_overlayer_lowered  }
0x9b: {  	s22 =	simm.s32 $0x1BFF;
	s21 =	sshll.u32 s5, $0x1;
	s2 =	sadd.s32 s19, s18  }
0x9c: {  	s6 =	simm.s32 $0x0;
	s20 =	sshll.u32 s4, $0x1;
	s4 =	sadd.s32 s21, s2  }
0x9d: {  	[timem:s6], [sflag:s22] =	dma.local [hbm:s4], s20  }
0x9e: {  	_ =	swait.ge [sflag:s22], s20  }
0x9f: {  	s3 =	ssub.s32 $0x0, s20;
	[sflag:s22] =	ssyncset.done $0x0  }
0xa0: {  	[sflag:s22] =	ssyncadd.s32 s3;
	_ =	sdelay $0x1  }
0xa1: {  	s23 =	simm.s32 $0x1B8B  }
0xa2: {  	_ =	swait.ge [sflag:s23], $0x1  }
0xa3: {  	[sflag:s23] =	ssyncset.done $0x0  }
0xa4: {  	s25 =	simm.s32 $0x1B8E;
	s24 =	sld [smem:$0x3FFE];
	[sflag:s23] =	ssyncadd.s32 $0xFFFFFFFF  }
0xa5: {  	s26 =	simm.s32 $execute0_lowered;
	[smem:$0x3FD2] =	sst s25  }
0xa6: {  	s4 =	sshll.u32 s26, $0x1;
	_ =	strace $0x80000052;
	[dreg:$0x1] =	wrdreg $0xFFFFFFFF  }
0xa7: {  	s28 =	simm.s32 $_size_execute0_lowered;
	s2 =	sadd.s32 s2, s4;
	[dreg:$0x0] =	wrdreg $0x0  }
0xa8: {  	s4 =	sshll.u32 s28, $0x1;
	[dreg:$0x2] =	wrdreg s2  }
0xa9: {  	[dreg:$0x3] =	wrdreg s4  }
0xaa: {  	[dreg:$0x4] =	wrdreg $0xC0  }
0xab: {  	_ =	task [dreg:s6], $0x5FFFF  }
0xac: {  	[dreg:$0x1] =	wrdreg $0xFFFFFFFF  }
0xad: {  	[dreg:$0x0] =	wrdreg $0x60  }
0xae: {  	[dreg:$0x2] =	wrdreg s24  }
0xaf: {  	[dreg:$0x3] =	wrdreg $0xA  }
0xb0: {  	_ =	task.clear_ibuf [dreg:s6], $0x4FFFF;
	_ =	strace $0x90000052  }
0xb1: {  	s29 =	simm.s32 $0xA;
	_ =	strace $0x80000054  }
0xb2: {  	_ =	swait.ge [sflag:s29], $0x1  }
0xb3: {  	[sflag:s29] =	ssyncadd.s32 $0xFFFFFFFF  }
0xb4: {  	_ =	strace $0x90000054  }
0xb5: {  	_ =	sfence  }
0xb6: {  	s30 =	sld [smem:$0x0];
	_ =	sdelay $0x2  }
0xb7: {  	s31 =	sshll.u32 s1, $0xD;
	s1 =	sshrl.u32 s1, $0x2  }
0xb8: {  	s3 =	sand.u32 $0x4000, s31;
	s1 =	sadd.s32 s1, s30  }
0xb9: {  	s0 =	sor.u32 s3, s0;
	s1 =	sshll.u32 s1, $0x11  }
0xba: {  	s0 =	sor.u32 s1, s0  }
0xbb: {  	s0 =	sadd.s32 $0x8F2B, s0  }
0xbc: {  	[sflag:s0] =	ssyncadd.remote.s32 $0x1  }
0xbd: {  	_ =	sfence.sel $0xFFFF  }
0xbe: {  	[dreg:$0x0] =	wrdreg $0xFFFFFFFF;
	(pc) =	sbr.abs _section_cstart, $3  }
0xbf: {  	[dreg:$0x1] =	wrdreg $0xFFFFFFFF  }
0xc0: {  	_ =	task.clear_ibuf [dreg:s6], $0x2FFFF;
	_ =	strace $0x9FFFFFFF  }
0xc1: {  	(tm) =	ssettm $0x7FFFFFFF  }
tec
execute0_lowered:
.L_overlay_start_1:
0x0: {  	(tag) =	ssettag $0x1  }
0x1: {  	s0 =	srdreg.scid  }
0x2: {  	s11 =	stileid.u32;
	s5 =	rddreg [dreg:$0x0]  }
0x3: {  	s2 =	simm.s32 $0x0;
	s28 =	simm.s32 $0x1;
	s29 =	simm.s32 $0x3  }
0x4: {  	s30 =	simm.s32 $0x2;
	s31 =	simm.s32 $0x4;
	s21 =	smul.u32 $0x9C400, s11  }
0x5: {  	s0 =	sand.u32 $0x1, s0;
	[smem:$0x7FF] =	sst s2;
	s23 =	smul.u32 $0x13880, s11  }
0x6: {  	s4 =	sadd.s32 $0x8D400, s5;
	s1 =	sshll.u32 s0, $0x4;
	s20 =	smul.u32 $0x9C4000, s0  }
0x7: {  	s8 =	ssub.s32 $0x2, s0;
	s0 =	smul.u32 $0x138800, s0;
	s1 =	sor.u32 s11, s1  }
0x8: {  	s9 =	sadd.s32 $0x55B200, s5;
	s10 =	sshrl.u32 s8, $0x1;
	s3 =	smul.u32 $0x1388, s1  }
0x9: {  	_ =	strace $0x80000053;
	s7 =	smul.u32 $0x9C400, s1;
	s8 =	ssub.s32 s8, s10  }
0xa: {  	s1 =	smul.u32 $0x13880, s1;
	s25 =	sadd.s32 s0, s9;
	s8 =	smax.u32 s8, $0x1  }
0xb: {  	s26 =	sadd.s32 s23, s25;
	s25 =	simm.s32 $0x6;
	s3 =	sshrl.u32 s3, $0x3  }
0xc: {  	s7 =	sshrl.u32 s7, $0x3;
	[dreg:$0x9] =	wrdreg s8;
	s1 =	sadd.s32 $0x12800, s1  }
0xd: {  	s6 =	sadd.s32 s3, s5;
	s3 =	sadd.s32 $0x3D800, s5;
	s5 =	sadd.s32 $0x7CC200, s5  }
0xe: {  	s15 =	sadd.s32 $0x13000, s7;
	s18 =	sadd.s32 $0x13800, s7;
	s12 =	sadd.s32 $0x11600, s6  }
0xf: {  	s7 =	sadd.s32 $0x12000, s7;
	s6 =	sadd.s32 $0xC600, s6;
	[dreg:$0x3] =	wrdreg s12  }
0x10: {  	s14 =	sadd.s32 s9, s1;
	s16 =	sadd.s32 s9, s15;
	[dreg:$0x4] =	wrdreg s6  }
0x11: {  	s17 =	sadd.s32 s5, s15;
	s19 =	sadd.s32 s9, s18;
	[dreg:$0x5] =	wrdreg s16  }
0x12: {  	s13 =	sadd.s32 s5, s7;
	s15 =	sadd.s32 s5, s1;
	[dreg:$0x6] =	wrdreg s17  }
0x13: {  	s0 =	sadd.s32 s0, s5;
	s1 =	simm.s32 $0x5;
	[dreg:$0x7] =	wrdreg s19  }
0x14: {  	s6 =	sadd.s32 s5, s18;
	s12 =	sadd.s32 s9, s7;
	s0 =	sadd.s32 s23, s0  }
0x15: {  	s17 =	sadd.s32 $0x800, s26;
	s19 =	simm.s32 $0x9;
	s23 =	simm.s32 $0xA800  }
0x16: {  	s26 =	simm.s32 $0xE800;
	[dreg:$0x8] =	wrdreg s6;
	s6 =	sadd.s32 s21, s20  }
0x17: {  	s18 =	sadd.s32 $0x800, s0;
	s20 =	simm.s32 $0x1400;
	s21 =	simm.s32 $0x80  }
0x18: {  	s0 =	simm.s32 $0x7;
	s22 =	sshrl.u32 s6, $0x3;
	s6 =	simm.s32 $0x0  }
0x19: {  	s24 =	sadd.s32 s22, s5;
	s16 =	sadd.s32 s22, s9;
	s22 =	simm.s32 $0x2800  }
0x1a: {  	s5 =	simm.s32 $0x8;
	[dreg:$0x2] =	wrdreg s24;
	s24 =	simm.s32 $0x6800  }
.LBB2_1:
0x1b: {  	s7 =	rddreg [dreg:$0x3]  }
0x1c: {  	[tilespmem:s2], [sflag:$0x9] =	stream.linear.gather [hbm4b:s7+s2], $0x1388, $0x38;
	[tilespmem:$0x12800] =	vst v63  }
0x1d: {  	_ =	swait.ge [sflag:s19], $0x1388  }
0x1e: {  	[sflag:s19] =	ssyncset.done $0x0  }
0x1f: {  	s11 =	rddreg [dreg:$0x4];
	[sflag:s19] =	ssyncadd.s32 $0xFFFFEC78  }
0x20: {  	[tilespmem:s20], [sflag:$0x9] =	stream.linear.gather [hbm4b:s11+s2], $0x1388, $0x38;
	[tilespmem:$0x12800] =	vst v63  }
0x21: {  	_ =	swait.ge [sflag:s19], $0x1388  }
0x22: {  	[sflag:s19] =	ssyncset.done $0x0  }
0x23: {  	[sflag:s19] =	ssyncadd.s32 $0xFFFFEC78  }
0x24: {  	[tilespmem:s22], [sflag:$0x1] =	stream.indirect.gather [hbm4b:s3+s21], $0x80, s2, s21, $0xb8;
	[tilespmem:$0x12800] =	vst v63  }
0x25: {  	_ = 	snop  }
0x26: {  	[tilespmem:s23], [sflag:$0x3] =	stream.indirect.gather [hbm4b:s4+s21], $0x80, s20, s21, $0xb8;
	[tilespmem:$0x12800] =	vst v63  }
0x27: {  	_ = 	snop  }
0x28: {  	[tilespmem:s24], [sflag:$0x2] =	stream.indirect.gather [hbm4b:s3+s21], $0x80, s21, s21, $0xb8;
	[tilespmem:$0x12800] =	vst v63  }
0x29: {  	s8 =	simm.s32 $0x1480  }
0x2a: {  	[tilespmem:s26], [sflag:$0x4] =	stream.indirect.gather [hbm4b:s4+s21], $0x80, s8, s21, $0xb8;
	[tilespmem:$0x12800] =	vst v63  }
0x2b: {  	_ =	swait.ge [sflag:s28], $0x4000  }
0x2c: {  	[sflag:s28] =	ssyncset.done $0x0  }
0x2d: {  	s9 =	sadd.s32 $0x0, s16;
	[sflag:s28] =	ssyncadd.s32 $0xFFFFC000  }
0x2e: {  	[hbm4b:s9+s2] =	stream.linear.scatter [tilespmem:s22], [sflag:$0x5], $0x4000, $0x38;
	[tilespmem:$0x12800] =	vst v63  }
0x2f: {  	_ =	swait.ge [sflag:s29], $0x4000  }
0x30: {  	s10 =	rddreg [dreg:$0x2];
	[sflag:s29] =	ssyncset.done $0x0  }
0x31: {  	[sflag:s29] =	ssyncadd.s32 $0xFFFFC000;
	s7 =	sadd.s32 $0x0, s10  }
0x32: {  	[hbm4b:s7+s2] =	stream.linear.scatter [tilespmem:s23], [sflag:$0x7], $0x4000, $0x38;
	[tilespmem:$0x12800] =	vst v63  }
0x33: {  	_ =	swait.ge [sflag:s30], $0x4000  }
0x34: {  	[sflag:s30] =	ssyncset.done $0x0  }
0x35: {  	s11 =	sadd.s32 $0x0, s17;
	[sflag:s30] =	ssyncadd.s32 $0xFFFFC000  }
0x36: {  	[hbm4b:s11+s2] =	stream.linear.scatter [tilespmem:s24], [sflag:$0x6], $0x4000, $0x38;
	[tilespmem:$0x12800] =	vst v63  }
0x37: {  	_ =	swait.ge [sflag:s31], $0x4000  }
0x38: {  	[sflag:s31] =	ssyncset.done $0x0  }
0x39: {  	s8 =	sadd.s32 $0x0, s18;
	[sflag:s31] =	ssyncadd.s32 $0xFFFFC000  }
0x3a: {  	[hbm4b:s8+s2] =	stream.linear.scatter [tilespmem:s26], [sflag:$0x8], $0x4000, $0x38;
	[tilespmem:$0x12800] =	vst v63  }
0x3b: {  	_ =	swait.ge [sflag:s1], $0x4000  }
0x3c: {  	[sflag:s1] =	ssyncset.done $0x0  }
0x3d: {  	s9 =	simm.s32 $0x100;
	[sflag:s1] =	ssyncadd.s32 $0xFFFFC000  }
0x3e: {  	[tilespmem:s22], [sflag:$0x1] =	stream.indirect.gather [hbm4b:s3+s21], $0x80, s9, s21, $0xb8;
	[tilespmem:$0x12800] =	vst v63  }
0x3f: {  	_ =	swait.ge [sflag:s0], $0x4000  }
0x40: {  	[sflag:s0] =	ssyncset.done $0x0  }
0x41: {  	s10 =	simm.s32 $0x1500;
	[sflag:s0] =	ssyncadd.s32 $0xFFFFC000  }
0x42: {  	[tilespmem:s23], [sflag:$0x3] =	stream.indirect.gather [hbm4b:s4+s21], $0x80, s10, s21, $0xb8;
	[tilespmem:$0x12800] =	vst v63  }
0x43: {  	_ =	swait.ge [sflag:s25], $0x4000  }
0x44: {  	[sflag:s25] =	ssyncset.done $0x0  }
0x45: {  	s11 =	simm.s32 $0x180;
	[sflag:s25] =	ssyncadd.s32 $0xFFFFC000  }
0x46: {  	[tilespmem:s24], [sflag:$0x2] =	stream.indirect.gather [hbm4b:s3+s21], $0x80, s11, s21, $0xb8;
	[tilespmem:$0x12800] =	vst v63  }
0x47: {  	_ =	swait.ge [sflag:s5], $0x4000  }
0x48: {  	s7 =	simm.s32 $0x1000;
	s8 =	simm.s32 $0x200;
	[sflag:s5] =	ssyncset.done $0x0  }
0x49: {  	s9 =	simm.s32 $0x1600;
	s10 =	simm.s32 $0x1580;
	[sflag:s5] =	ssyncadd.s32 $0xFFFFC000  }
.LBB2_2:
0x4a: {  	[tilespmem:s26], [sflag:$0x4] =	stream.indirect.gather [hbm4b:s4+s21], $0x80, s10, s21, $0xb8;
	[tilespmem:$0x12800] =	vst v63  }
0x4b: {  	_ =	swait.ge [sflag:s28], $0x4000  }
0x4c: {  	s10 =	smov.u32 s7;
	[sflag:s28] =	ssyncset.done $0x0  }
0x4d: {  	s11 =	sadd.s32 s10, s16;
	[sflag:s28] =	ssyncadd.s32 $0xFFFFC000  }
0x4e: {  	[hbm4b:s11+s2] =	stream.linear.scatter [tilespmem:s22], [sflag:$0x5], $0x4000, $0x38;
	[tilespmem:$0x12800] =	vst v63  }
0x4f: {  	_ =	swait.ge [sflag:s29], $0x4000  }
0x50: {  	s11 =	rddreg [dreg:$0x2];
	[sflag:s29] =	ssyncset.done $0x0  }
0x51: {  	[sflag:s29] =	ssyncadd.s32 $0xFFFFC000;
	s11 =	sadd.s32 s10, s11  }
0x52: {  	[hbm4b:s11+s2] =	stream.linear.scatter [tilespmem:s23], [sflag:$0x7], $0x4000, $0x38;
	[tilespmem:$0x12800] =	vst v63  }
0x53: {  	_ =	swait.ge [sflag:s30], $0x4000  }
0x54: {  	[sflag:s30] =	ssyncset.done $0x0  }
0x55: {  	s11 =	sadd.s32 s10, s17;
	[sflag:s30] =	ssyncadd.s32 $0xFFFFC000  }
0x56: {  	[hbm4b:s11+s2] =	stream.linear.scatter [tilespmem:s24], [sflag:$0x6], $0x4000, $0x38;
	[tilespmem:$0x12800] =	vst v63  }
0x57: {  	_ =	swait.ge [sflag:s31], $0x4000  }
0x58: {  	[sflag:s31] =	ssyncset.done $0x0  }
0x59: {  	s10 =	sadd.s32 s10, s18;
	[sflag:s31] =	ssyncadd.s32 $0xFFFFC000  }
0x5a: {  	[hbm4b:s10+s2] =	stream.linear.scatter [tilespmem:s26], [sflag:$0x8], $0x4000, $0x38;
	[tilespmem:$0x12800] =	vst v63  }
0x5b: {  	_ =	swait.ge [sflag:s1], $0x4000  }
0x5c: {  	[sflag:s1] =	ssyncset.done $0x0  }
0x5d: {  	[sflag:s1] =	ssyncadd.s32 $0xFFFFC000  }
0x5e: {  	[tilespmem:s22], [sflag:$0x1] =	stream.indirect.gather [hbm4b:s3+s21], $0x80, s8, s21, $0xb8;
	[tilespmem:$0x12800] =	vst v63  }
0x5f: {  	_ =	swait.ge [sflag:s0], $0x4000  }
0x60: {  	[sflag:s0] =	ssyncset.done $0x0  }
0x61: {  	[sflag:s0] =	ssyncadd.s32 $0xFFFFC000  }
0x62: {  	[tilespmem:s23], [sflag:$0x3] =	stream.indirect.gather [hbm4b:s4+s21], $0x80, s9, s21, $0xb8;
	[tilespmem:$0x12800] =	vst v63  }
0x63: {  	_ =	swait.ge [sflag:s25], $0x4000  }
0x64: {  	p0 =	sne.s32 s7, $0x11000;
	[sflag:s25] =	ssyncset.done $0x0  }
.Ltmp0:
0x65: {  	s11 =	sadd.s32 $0x80, s8;
	[sflag:s25] =	ssyncadd.s32 $0xFFFFC000;
	(pc) =	sbr.rel @p0 .LBB2_2-.Ltmp0, $4  }
0x66: {  	[tilespmem:s24], [sflag:$0x2] =	stream.indirect.gather [hbm4b:s3+s21], $0x80, s11, s21, $0xb8;
	[tilespmem:$0x12800] =	vst v63  }
0x67: {  	_ =	swait.ge [sflag:s5], $0x4000  }
0x68: {  	s7 =	sadd.s32 $0x1000, s7;
	s10 =	sadd.s32 $0x80, s9;
	[sflag:s5] =	ssyncset.done $0x0  }
0x69: {  	s8 =	sadd.s32 $0x100, s8;
	s9 =	sadd.s32 $0x100, s9;
	[sflag:s5] =	ssyncadd.s32 $0xFFFFC000  }
0x6a: {  	[tilespmem:s26], [sflag:$0x4] =	stream.indirect.gather [hbm4b:s4+s21], $0x80, s10, s21, $0xb8;
	[tilespmem:$0x12800] =	vst v63  }
0x6b: {  	_ =	swait.ge [sflag:s28], $0x4000  }
0x6c: {  	[sflag:s28] =	ssyncset.done $0x0  }
0x6d: {  	[sflag:s28] =	ssyncadd.s32 $0xFFFFC000  }
0x6e: {  	[hbm4b:s12+s2] =	stream.linear.scatter [tilespmem:s22], [sflag:$0x5], $0x4000, $0x38;
	[tilespmem:$0x12800] =	vst v63  }
0x6f: {  	_ =	swait.ge [sflag:s29], $0x4000  }
0x70: {  	[sflag:s29] =	ssyncset.done $0x0  }
0x71: {  	[sflag:s29] =	ssyncadd.s32 $0xFFFFC000  }
0x72: {  	[hbm4b:s13+s2] =	stream.linear.scatter [tilespmem:s23], [sflag:$0x7], $0x4000, $0x38;
	[tilespmem:$0x12800] =	vst v63  }
0x73: {  	_ =	swait.ge [sflag:s30], $0x4000  }
0x74: {  	[sflag:s30] =	ssyncset.done $0x0  }
0x75: {  	[sflag:s30] =	ssyncadd.s32 $0xFFFFC000  }
0x76: {  	[hbm4b:s14+s2] =	stream.linear.scatter [tilespmem:s24], [sflag:$0x6], $0x4000, $0x38;
	[tilespmem:$0x12800] =	vst v63  }
0x77: {  	_ =	swait.ge [sflag:s31], $0x4000  }
0x78: {  	[sflag:s31] =	ssyncset.done $0x0  }
0x79: {  	[sflag:s31] =	ssyncadd.s32 $0xFFFFC000  }
0x7a: {  	[hbm4b:s15+s2] =	stream.linear.scatter [tilespmem:s26], [sflag:$0x8], $0x4000, $0x38;
	[tilespmem:$0x12800] =	vst v63  }
0x7b: {  	_ =	swait.ge [sflag:s1], $0x4000  }
0x7c: {  	[sflag:s1] =	ssyncset.done $0x0  }
0x7d: {  	s7 =	simm.s32 $0x1300;
	[sflag:s1] =	ssyncadd.s32 $0xFFFFC000  }
0x7e: {  	[tilespmem:s22], [sflag:$0x1] =	stream.indirect.gather [hbm4b:s3+s21], $0x80, s7, s21, $0xb8;
	[tilespmem:$0x12800] =	vst v63  }
0x7f: {  	_ =	swait.ge [sflag:s0], $0x4000  }
0x80: {  	[sflag:s0] =	ssyncset.done $0x0  }
0x81: {  	s8 =	simm.s32 $0x2700;
	[sflag:s0] =	ssyncadd.s32 $0xFFFFC000  }
0x82: {  	[tilespmem:s23], [sflag:$0x3] =	stream.indirect.gather [hbm4b:s4+s21], $0x80, s8, s21, $0xb8;
	[tilespmem:$0x12800] =	vst v63  }
0x83: {  	_ =	swait.ge [sflag:s28], $0x4000  }
0x84: {  	[sflag:s28] =	ssyncset.done $0x0  }
0x85: {  	s9 =	rddreg [dreg:$0x5];
	[sflag:s28] =	ssyncadd.s32 $0xFFFFC000  }
0x86: {  	[hbm4b:s9+s2] =	stream.linear.scatter [tilespmem:s22], [sflag:$0x5], $0x4000, $0x38;
	[tilespmem:$0x12800] =	vst v63  }
0x87: {  	_ =	swait.ge [sflag:s29], $0x4000  }
0x88: {  	[sflag:s29] =	ssyncset.done $0x0  }
0x89: {  	s10 =	rddreg [dreg:$0x6];
	[sflag:s29] =	ssyncadd.s32 $0xFFFFC000  }
0x8a: {  	[hbm4b:s10+s2] =	stream.linear.scatter [tilespmem:s23], [sflag:$0x7], $0x4000, $0x38;
	[tilespmem:$0x12800] =	vst v63  }
0x8b: {  	_ =	swait.ge [sflag:s1], $0x4000  }
0x8c: {  	[sflag:s1] =	ssyncset.done $0x0  }
0x8d: {  	[sflag:s1] =	ssyncadd.s32 $0xFFFFC000  }
0x8e: {  	_ =	swait.ge [sflag:s0], $0x4000  }
0x8f: {  	[sflag:s0] =	ssyncset.done $0x0  }
0x90: {  	[sflag:s0] =	ssyncadd.s32 $0xFFFFC000  }
0x91: {  	_ =	swait.ge [sflag:s25], $0x4000  }
0x92: {  	[sflag:s25] =	ssyncset.done $0x0  }
0x93: {  	[sflag:s25] =	ssyncadd.s32 $0xFFFFC000  }
0x94: {  	_ =	swait.ge [sflag:s5], $0x4000  }
0x95: {  	[sflag:s5] =	ssyncset.done $0x0  }
0x96: {  	s11 =	simm.s32 $0x1380;
	[sflag:s5] =	ssyncadd.s32 $0xFFFFC000  }
0x97: {  	[tilespmem:s22], [sflag:$0x1] =	stream.indirect.gather [hbm4b:s3+s5], $0x80, s11, s5, $0xb8;
	[tilespmem:$0x12800] =	vst v63  }
0x98: {  	s8 =	simm.s32 $0x2780  }
0x99: {  	[tilespmem:s23], [sflag:$0x3] =	stream.indirect.gather [hbm4b:s4+s5], $0x80, s8, s5, $0xb8;
	[tilespmem:$0x12800] =	vst v63  }
0x9a: {  	_ =	swait.ge [sflag:s28], $0x400  }
0x9b: {  	[sflag:s28] =	ssyncset.done $0x0  }
0x9c: {  	[sflag:s28] =	ssyncadd.s32 $0xFFFFFC00  }
0x9d: {  	_ =	swait.ge [sflag:s29], $0x400  }
0x9e: {  	[sflag:s29] =	ssyncset.done $0x0  }
0x9f: {  	s9 =	rddreg [dreg:$0x7];
	[sflag:s29] =	ssyncadd.s32 $0xFFFFFC00  }
0xa0: {  	[hbm4b:s9+s2] =	stream.linear.scatter [tilespmem:s22], [sflag:$0x9], $0x400, $0x38;
	[tilespmem:$0x12800] =	vst v63  }
0xa1: {  	_ =	swait.ge [sflag:s19], $0x400  }
0xa2: {  	[sflag:s19] =	ssyncset.done $0x0  }
0xa3: {  	s10 =	rddreg [dreg:$0x8];
	[sflag:s19] =	ssyncadd.s32 $0xFFFFFC00  }
0xa4: {  	[hbm4b:s10+s2] =	stream.linear.scatter [tilespmem:s23], [sflag:$0x9], $0x400, $0x38;
	[tilespmem:$0x12800] =	vst v63  }
0xa5: {  	_ =	swait.ge [sflag:s19], $0x400  }
0xa6: {  	s6 =	sadd.s32 $0x1, s6;
	s11 =	rddreg [dreg:$0x9]  }
0xa7: {  	p0 =	sne.s32 s6, s11  }
.Ltmp1:
0xa8: {  	_ = 	snop;
	(pc) =	sbr.rel @p0 .LBB2_1-.Ltmp1, $3  }
0xa9: {  	_ =	sdelay $0x1  }
0xaa: {  	[sflag:s19] =	ssyncset.done $0x0  }
0xab: {  	[sflag:s19] =	ssyncadd.s32 $0xFFFFFC00  }
0xac: {  	_ =	sfence.sel $0x180000  }
0xad: {  	[bflag:$0x0] =	sbarrier.arrive $0xFFFF  }
0xae: {  	_ =	strace $0x90000053  }
0xaf: {  	s0 =	stileid.u32;
	[bflag:$0x2] =	sbarrier.arrive $0xFFFF  }
0xb0: {  	p0 =	sne.s32 s0, $0x0;
	s0 =	rddreg [dreg:$0x1]  }
0xb1: {  	s0 =	sadd.s32 @!p0 $0x100000, s0  }
0xb2: {  	[sflag:s0] =	ssyncadd.tile.s32 @!p0 $0x1;
	_ =	shalt  }
.Lfunc_end2:
_tile_overlayer_lowered:
.L_overlay_start_2:
0xb3: {  	(tag) =	ssettag $0x2  }
0xb4: {  	s0 =	rddreg [dreg:$0x0];
	s2 =	stileid.u32  }
0xb5: {  	s1 =	rddreg [dreg:$0x1];
	p0 =	sne.s32 s2, $0x0  }
0xb6: {  	s3 =	rddreg [dreg:$0x2];
	[bflag:$0x3] =	sbarrier.arrive $0xFFFF;
	s2 =	simm.s32 @!p0 $0x1C09  }
0xb7: {  	[timem:s3], [sflag:s2] =	dma.local @!p0 [hbm:s0], s1  }
0xb8: {  	s0 =	simm.s32 @!p0 $0x9  }
0xb9: {  	_ =	swait.ge @!p0 [sflag:s0], s1  }
0xba: {  	s1 =	ssub.s32 @!p0 $0x0, s1;
	[sflag:s0] =	ssyncset.done @!p0 $0x0  }
0xbb: {  	[sflag:s0] =	ssyncadd.s32 @!p0 s1  }
0xbc: {  	[bflag:$0x3] =	sbarrier.arrive $0xFFFF  }
0xbd: {  	_ =	shalt  }

// kernel: kernel.36.cloned.1.call-start
scs
__scs_entry_jumppad:
0x0: {  	(pc) =	sbr.rel $0x88, $3  }
0x1: {  	(tag) =	ssettag $0x0;
	lr =	simm.s32 $0x1  }
0x2: {  	[smem:$0x3F6E] =	sst lr;
	_ =	strace $0xD0000000  }
0x3: {  	_ = 	snop  }
0x4: {  	_ = 	snop  }
0x5: {  	_ = 	snop  }
0x6: {  	_ = 	snop  }
0x7: {  	_ = 	snop  }
__scs_overlays_trampoline_lowered:
0x8: {  	[smem:$0x3F7D] =	sst s0  }
0x9: {  	[smem:$0x3F7E] =	sst s1  }
0xa: {  	[smem:$0x3F7F] =	sst s2  }
0xb: {  	[smem:$0x3F80] =	sst s3  }
0xc: {  	[smem:$0x3F81] =	sst s4  }
0xd: {  	[smem:$0x3F82] =	sst s5  }
0xe: {  	[smem:$0x3F83] =	sst s6  }
0xf: {  	[smem:$0x3F84] =	sst s7  }
0x10: {  	[smem:$0x3F85] =	sst s8  }
0x11: {  	[smem:$0x3F86] =	sst s9;
	s0 =	simm.s32 @!p0 $0x0  }
0x12: {  	s1 =	sld [smem:$0x3F6C];
	s0 =	simm.s32 @p0 $0x1  }
0x13: {  	[smem:$0x3F87] =	sst s0;
	s0 =	simm.s32 @!p1 $0x0  }
0x14: {  	s2 =	sld [smem:$0x3F6B];
	s0 =	simm.s32 @p1 $0x1  }
0x15: {  	[smem:$0x3F88] =	sst s0;
	s0 =	simm.s32 @!p2 $0x0  }
0x16: {  	s3 =	sld [smem:$0x3FDB];
	s0 =	simm.s32 @p2 $0x1  }
0x17: {  	s4 =	simm.s32 $0x1BF5;
	[smem:$0x3F8A] =	sst s0  }
0x18: {  	s0 =	sld [smem:$0x3F6D];
	_ =	swait.ge [sflag:s4], $0x0  }
0x19: {  	s7 =	sld [smem:$0x3F6E]  }
0x1a: {  	s8 =	sadd.s32 $0xFFFFE003, lr  }
0x1b: {  	s9 =	sadd.s32 $0xFFFFFEF7, lr;
	s5 =	simm.s32 $0xFFFFFFFF;
	p2 =	slt.u32 s8, $0xFFFFF086  }
0x1c: {  	p1 =	slt.u32 s9, $0xF7A;
	s5 =	simm.s32 @!p2 $0x0  }
0x1d: {  	s5 =	simm.s32 @p1 $0x1;
	p0 =	seq.s32 s7, s2  }
0x1e: {  	s7 =	smul.u32 @!p0 $0xF7A, s2;
	p2 =	seq.s32 @!p0 s5, $0x0  }
0x1f: {  	s9 =	smul.u32 $0xF7A, s1;
	s8 =	simm.s32 @!p0 $0x1BF5;
	p2 =	por !p2, p0  }
0x20: {  	[sflag:s8] =	ssyncset.s32 @!p0 $0xFFFFF086;
	s6 =	sadd.s32 @!p0 s3, s7;
	s7 =	simm.s32 @!p0 $0x108  }
0x21: {  	s3 =	sadd.s32 s3, s9;
	s6 =	sadd.s32 @!p0 $0x88, s6;
	s7 =	simm.s32 @p2 $0x1082  }
0x22: {  	[simem:s7], [sflag:s8] =	dma.local @!p0 [hbm:s6], $0xF7A  }
0x23: {  	s9 =	sor.u32 $0xD0000000, s2;
	s6 =	simm.s32 $0x108;
	_ =	swait.ge @!p0 [sflag:s8], $0x0  }
0x24: {  	s3 =	sadd.s32 $0x88, s3;
	s6 =	simm.s32 @!p1 $0x1082;
	[sflag:s4] =	ssyncset.s32 $0xFFFFF086  }
0x25: {  	[simem:s6], [sflag:s4] =	dma.local [hbm:s3], $0xF7A  }
0x26: {  	[smem:$0x3F6E] =	sst s1;
	(tag) =	ssettag s2;
	_ =	strace s9  }
0x27: {  	s1 =	sld [smem:$0x3F7E]  }
0x28: {  	s2 =	sld [smem:$0x3F7F]  }
0x29: {  	s4 =	sld [smem:$0x3F81]  }
0x2a: {  	p0 =	seq.s32 s5, $0x0;
	s5 =	sld [smem:$0x3F82]  }
0x2b: {  	s6 =	sld [smem:$0x3F83]  }
0x2c: {  	s7 =	sld [smem:$0x3F84]  }
0x2d: {  	s3 =	simm.s32 $0x108;
	s8 =	sld [smem:$0x3F85]  }
0x2e: {  	s3 =	simm.s32 @!p0 $0x1082;
	s9 =	sld [smem:$0x3F86]  }
0x2f: {  	lr =	sadd.s32 s0, s3;
	s0 =	sld [smem:$0x3F7D]  }
0x30: {  	s3 =	sld [smem:$0x3F80]  }
0x31: {  	[smem:$0x3F89] =	sst s10  }
0x32: {  	s10 =	sld [smem:$0x3F87];
	_ =	sdelay $0x3  }
0x33: {  	p0 =	seq.s32 s10, $0x1;
	s10 =	sld [smem:$0x3F89];
	_ =	sdelay $0x3  }
0x34: {  	[smem:$0x3F89] =	sst s10  }
0x35: {  	s10 =	sld [smem:$0x3F88];
	_ =	sdelay $0x3  }
0x36: {  	p1 =	seq.s32 s10, $0x1;
	s10 =	sld [smem:$0x3F89];
	_ =	sdelay $0x3  }
0x37: {  	[smem:$0x3F89] =	sst s10  }
0x38: {  	s10 =	sld [smem:$0x3F8A]  }
0x39: {  	_ = 	snop;
	(pc) =	sbr.ind lr, $3  }
0x3a: {  	_ = 	snop  }
0x3b: {  	_ = 	snop  }
0x3c: {  	p2 =	seq.s32 s10, $0x1;
	s10 =	sld [smem:$0x3F89]  }
0x3d: {  	_ =	shalt  }
0x3e: {  	_ =	shalt  }
0x3f: {  	_ =	shalt  }
0x40: {  	_ =	shalt  }
0x41: {  	_ =	shalt  }
0x42: {  	_ =	shalt  }
0x43: {  	_ =	shalt  }
0x44: {  	_ =	shalt  }
0x45: {  	_ =	shalt  }
0x46: {  	_ =	shalt  }
0x47: {  	_ =	shalt  }
0x48: {  	_ =	shalt  }
0x49: {  	_ =	shalt  }
0x4a: {  	_ =	shalt  }
0x4b: {  	_ =	shalt  }
0x4c: {  	_ =	shalt  }
0x4d: {  	_ =	shalt  }
0x4e: {  	_ =	shalt  }
0x4f: {  	_ =	shalt  }
0x50: {  	_ =	shalt  }
0x51: {  	_ =	shalt  }
0x52: {  	_ =	shalt  }
0x53: {  	_ =	shalt  }
0x54: {  	_ =	shalt  }
0x55: {  	_ =	shalt  }
0x56: {  	_ =	shalt  }
0x57: {  	_ =	shalt  }
0x58: {  	_ =	shalt  }
0x59: {  	_ =	shalt  }
0x5a: {  	_ =	shalt  }
0x5b: {  	_ =	shalt  }
0x5c: {  	_ =	shalt  }
0x5d: {  	_ =	shalt  }
0x5e: {  	_ =	shalt  }
0x5f: {  	_ =	shalt  }
0x60: {  	_ =	shalt  }
0x61: {  	_ =	shalt  }
0x62: {  	_ =	shalt  }
0x63: {  	_ =	shalt  }
0x64: {  	_ =	shalt  }
0x65: {  	_ =	shalt  }
0x66: {  	_ =	shalt  }
0x67: {  	_ =	shalt  }
0x68: {  	_ =	shalt  }
0x69: {  	_ =	shalt  }
0x6a: {  	_ =	shalt  }
0x6b: {  	_ =	shalt  }
0x6c: {  	_ =	shalt  }
0x6d: {  	_ =	shalt  }
0x6e: {  	_ =	shalt  }
0x6f: {  	_ =	shalt  }
0x70: {  	_ =	shalt  }
0x71: {  	_ =	shalt  }
0x72: {  	_ =	shalt  }
0x73: {  	_ =	shalt  }
0x74: {  	_ =	shalt  }
0x75: {  	_ =	shalt  }
0x76: {  	_ =	shalt  }
0x77: {  	_ =	shalt  }
0x78: {  	_ =	shalt  }
0x79: {  	_ =	shalt  }
0x7a: {  	_ =	shalt  }
0x7b: {  	_ =	shalt  }
0x7c: {  	_ =	shalt  }
0x7d: {  	_ =	shalt  }
0x7e: {  	_ =	shalt  }
0x7f: {  	_ =	shalt  }
0x80: {  	_ =	shalt  }
0x81: {  	_ =	shalt  }
0x82: {  	_ =	shalt  }
0x83: {  	_ =	shalt  }
0x84: {  	_ =	shalt  }
0x85: {  	_ =	shalt  }
0x86: {  	_ =	shalt  }
0x87: {  	_ =	shalt  }
.Lfunc_end0:
.L_simem_size_0:
called_computation.6_lowered:
.L_overlay_start_0:
0x88: {  	s2 =	sld [smem:$0x3FD9]  }
0x89: {  	s3 =	sld [smem:$0x3FFE];
	_ =	sdelay $0x1  }
0x8a: {  	s1 =	srdreg.scid  }
0x8b: {  	s0 =	sand.u32 $0x1, s1  }
0x8c: {  	s17 =	sshll.u32 s0, $0xA;
	s2 =	sadd.s32 s3, s2  }
0x8d: {  	s2 =	sadd.s32 s2, s17  }
0x8e: {  	[smem:$0x3F95] =	sst s2  }
0x8f: {  	_ = 	snop  }
0x90: {  	(tm) =	ssettm $0x1  }
0x91: {  	s18 =	sld [smem:$0x3FFB];
	_ =	sdelay $0x3  }
0x92: {  	_ =	strace s18  }
0x93: {  	s2 =	sld [smem:$0x3FFC];
	_ =	sdelay $0x3  }
0x94: {  	_ =	strace s2  }
0x95: {  	s2 =	sld [smem:$0x3FFD];
	_ =	sdelay $0x3  }
0x96: {  	_ =	strace s2  }
0x97: {  	_ =	strace $0x8FFFFFFF  }
0x98: {  	s19 =	sld [smem:$0x3FDB];
	_ =	sdelay $0x1  }
0x99: {  	s20 =	simm.s32 $_scs_section_size  }
0x9a: {  	s4 =	simm.s32 $_size__tile_overlayer_lowered;
	s5 =	simm.s32 $_tile_overlayer_lowered  }
0x9b: {  	s6 =	simm.s32 $0x1BFF;
	s21 =	sshll.u32 s5, $0x1;
	s3 =	sadd.s32 s20, s19  }
0x9c: {  	s22 =	simm.s32 $0x0;
	s4 =	sshll.u32 s4, $0x1;
	s5 =	sadd.s32 s21, s3  }
0x9d: {  	[timem:s22], [sflag:s6] =	dma.local [hbm:s5], s4  }
0x9e: {  	_ =	swait.ge [sflag:s6], s4  }
0x9f: {  	s4 =	ssub.s32 $0x0, s4;
	[sflag:s6] =	ssyncset.done $0x0  }
0xa0: {  	[sflag:s6] =	ssyncadd.s32 s4;
	_ =	sdelay $0x1  }
0xa1: {  	s23 =	simm.s32 $0x1B8B  }
0xa2: {  	_ =	swait.ge [sflag:s23], $0x1  }
0xa3: {  	[sflag:s23] =	ssyncset.done $0x0  }
0xa4: {  	[sflag:s23] =	ssyncadd.s32 $0xFFFFFFFF  }
0xa5: {  	s4 =	sld [smem:$0x0]  }
0xa6: {  	s5 =	sand.u32 $0xFFFFFFFE, s1  }
0xa7: {  	p0 =	sne.s32 s1, s5  }
0xa8: {  	s5 =	sshll.u32 @p0 s5, $0xE  }
0xa9: {  	s5 =	sadd.s32 @p0 $0x11B8D, s5;
	s6 =	sshll.u32 @p0 s4, $0x11  }
0xaa: {  	s5 =	sor.u32 @p0 s6, s5  }
0xab: {  	[sflag:s5] =	ssyncadd.remote.s32 @p0 $0x1;
	_ =	sdelay $0x1  }
0xac: {  	s5 =	simm.s32 @p0 $0x1B8D  }
0xad: {  	_ =	swait.eq @p0 [sflag:s5], $0x1  }
0xae: {  	[sflag:s5] =	ssyncadd.s32 @p0 $0xFFFFFFFF  }
0xaf: {  	s6 =	sshll.u32 @!p0 s1, $0xE  }
0xb0: {  	s6 =	sor.u32 @!p0 $0x4000, s6;
	s5 =	simm.s32 @!p0 $0x1B8D  }
0xb1: {  	s4 =	sshll.u32 @!p0 s4, $0x11;
	s6 =	sadd.s32 @!p0 $0x11B8D, s6;
	_ =	swait.eq @!p0 [sflag:s5], $0x1  }
0xb2: {  	s4 =	sor.u32 @!p0 s4, s6;
	[sflag:s5] =	ssyncadd.s32 @!p0 $0xFFFFFFFF  }
0xb3: {  	s25 =	simm.s32 $0x1B8E;
	s24 =	sld [smem:$0x3FFE];
	[sflag:s4] =	ssyncadd.remote.s32 @!p0 $0x1  }
0xb4: {  	s26 =	simm.s32 $execute0_lowered;
	[smem:$0x3FD2] =	sst s25  }
0xb5: {  	s5 =	sshll.u32 s26, $0x1;
	_ =	strace $0x8000005B;
	[dreg:$0x1] =	wrdreg $0xFFFFFFFF  }
0xb6: {  	s28 =	simm.s32 $_size_execute0_lowered;
	s3 =	sadd.s32 s3, s5;
	[dreg:$0x0] =	wrdreg $0x0  }
0xb7: {  	s5 =	sshll.u32 s28, $0x1;
	[dreg:$0x2] =	wrdreg s3  }
0xb8: {  	[dreg:$0x3] =	wrdreg s5  }
0xb9: {  	[dreg:$0x4] =	wrdreg $0xC0  }
0xba: {  	_ =	task [dreg:s22], $0x5FFFF  }
0xbb: {  	[dreg:$0x1] =	wrdreg $0xFFFFFFFF  }
0xbc: {  	[dreg:$0x0] =	wrdreg $0x60  }
0xbd: {  	[dreg:$0x2] =	wrdreg s24  }
0xbe: {  	[dreg:$0x3] =	wrdreg $0x68000  }
0xbf: {  	[dreg:$0x4] =	wrdreg $0x9  }
0xc0: {  	_ =	task.clear_ibuf [dreg:s22], $0x5FFFF;
	_ =	strace $0x9000005B  }
0xc1: {  	s29 =	simm.s32 $0x9;
	_ =	strace $0x8000005D  }
0xc2: {  	_ =	swait.ge [sflag:s29], $0x1  }
0xc3: {  	[sflag:s29] =	ssyncadd.s32 $0xFFFFFFFF  }
0xc4: {  	_ =	strace $0x9000005D  }
0xc5: {  	_ =	sfence  }
0xc6: {  	s30 =	sld [smem:$0x0];
	_ =	sdelay $0x2  }
0xc7: {  	s31 =	sshll.u32 s1, $0xD;
	s1 =	sshrl.u32 s1, $0x2  }
0xc8: {  	s4 =	sand.u32 $0x4000, s31;
	s1 =	sadd.s32 s1, s30  }
0xc9: {  	s0 =	sor.u32 s4, s0;
	s1 =	sshll.u32 s1, $0x11  }
0xca: {  	s0 =	sor.u32 s1, s0  }
0xcb: {  	s0 =	sadd.s32 $0x8F2B, s0  }
0xcc: {  	[sflag:s0] =	ssyncadd.remote.s32 $0x1  }
0xcd: {  	_ =	sfence.sel $0xFFFF  }
0xce: {  	[dreg:$0x0] =	wrdreg $0xFFFFFFFF;
	(pc) =	sbr.abs _section_cstart, $3  }
0xcf: {  	[dreg:$0x1] =	wrdreg $0xFFFFFFFF  }
0xd0: {  	_ =	task.clear_ibuf [dreg:s22], $0x2FFFF;
	_ =	strace $0x9FFFFFFF  }
0xd1: {  	(tm) =	ssettm $0x7FFFFFFF  }
tec
execute0_lowered:
.L_overlay_start_1:
0x0: {  	(tag) =	ssettag $0x1  }
0x1: {  	s4 =	rddreg [dreg:$0x0];
	s0 =	srdreg.scid  }
0x2: {  	s2 =	rddreg [dreg:$0x1];
	s1 =	stileid.u32  }
0x3: {  	s3 =	simm.s32 $0x0;
	s16 =	simm.s32 $0x28;
	s17 =	simm.s32 $0x2  }
0x4: {  	s18 =	simm.s32 $0x3E00;
	s19 =	simm.s32 $0x0;
	s7 =	smul.u32 $0x14000, s1  }
0x5: {  	s5 =	sand.u32 $0x1, s0;
	s0 =	rddreg [dreg:$0x2];
	s12 =	smul.u32 $0x50000, s1  }
0x6: {  	[smem:$0x7FF] =	sst s3;
	s11 =	sadd.s32 $0xA57000, s4;
	s15 =	smul.u32 $0x13880, s1  }
0x7: {  	s30 =	sshll.u32 s1, $0x6;
	s6 =	sshll.u32 s5, $0x4;
	s9 =	smul.u32 $0x140000, s5  }
0x8: {  	_ =	strace $0x8000005C;
	s25 =	ssub.s32 $0x2, s5;
	s29 =	smul.u32 $0x138800, s5  }
0x9: {  	s6 =	sor.u32 s1, s6;
	s10 =	sshrl.u32 s7, $0x3;
	s26 =	sshrl.u32 s25, $0x1  }
0xa: {  	s28 =	sshrl.u32 s12, $0x2;
	s8 =	sshll.u32 s6, $0xB;
	s10 =	sadd.s32 s10, s4  }
0xb: {  	s7 =	sadd.s32 s7, s9;
	s6 =	smul.u32 $0x13880, s6;
	s9 =	ssub.s32 s25, s26  }
0xc: {  	s14 =	sadd.s32 s28, s2;
	s31 =	sadd.s32 s29, s11;
	s8 =	sadd.s32 s8, s4  }
0xd: {  	s7 =	sshrl.u32 s7, $0x3;
	s5 =	sadd.s32 $0x65400, s10;
	s10 =	sadd.s32 s15, s31  }
0xe: {  	s9 =	smax.u32 s9, $0x1;
	s12 =	sshrl.u32 s14, $0x3;
	s14 =	simm.s32 $0x5400  }
0xf: {  	s15 =	simm.s32 $0x1;
	s13 =	sadd.s32 s7, s4;
	s4 =	sadd.s32 s11, s6  }
0x10: {  	s6 =	sor.u32 $0x1C03, s30;
	s7 =	sadd.s32 $0xDD400, s8;
	s10 =	sadd.s32 $0x280, s10  }
0x11: {  	s11 =	simm.s32 $0x4000;
	s8 =	sadd.s32 $0x8D400, s13;
	s13 =	simm.s32 $0x3  }
.LBB2_1:
0x12: {  	[tilespmem:s11], [sflag:$0x1] =	stream.linear.gather [hbm4b:s4+s3], $0x1400, $0x38;
	[tilespmem:$0x1A800] =	vst v63  }
0x13: {  	[spmem:s12], [sflag:s6] =	dma.local [hbm:s5], $0x2800  }
0x14: {  	_ =	swait.ge [sflag:s13], $0x2800  }
0x15: {  	[sflag:s13] =	ssyncset.done $0x0  }
0x16: {  	[sflag:s13] =	ssyncadd.s32 $0xFFFFD800  }
0x17: {  	[tilespmem:s3], [sflag:$0x3] =	stream.linear.gather [hbm4b:s7+s3], $0x3E80, $0x38;
	[tilespmem:$0x1A800] =	vst v63  }
0x18: {  	_ =	swait.ge [sflag:s13], $0x3E80  }
0x19: {  	[sflag:s13] =	ssyncset.done $0x0  }
0x1a: {  	[sflag:s13] =	ssyncadd.s32 $0xFFFFC180  }
0x1b: {  	[bflag:$0x0] =	sbarrier.arrive $0xFFFF  }
0x1c: {  	[tilespmem:s14], [sflag:$0x2] =	stream.linear.gather [hbm4b:s10+s3], $0x1400, $0x38;
	[tilespmem:$0x1A800] =	vst v63  }
0x1d: {  	_ =	swait.ge [sflag:s15], $0x1400  }
0x1e: {  	[sflag:s15] =	ssyncset.done $0x0  }
0x1f: {  	s20 =	simm.s32 $0x0;
	[sflag:s15] =	ssyncadd.s32 $0xFFFFEC00  }
0x20: {  	[spmem:s2] =	stream.indirect.scatter.add.f32 [tilespmem:s11], [sflag:$0x3], $0x80, s20, s16, $0xb8;
	[tilespmem:$0x1A800] =	vst v63  }
0x21: {  	_ =	swait.ge [sflag:s13], $0x1400  }
0x22: {  	[sflag:s13] =	ssyncset.done $0x0  }
0x23: {  	s30 =	sadd.s32 $0x280, s10;
	[sflag:s13] =	ssyncadd.s32 $0xFFFFEC00  }
0x24: {  	[tilespmem:s11], [sflag:$0x1] =	stream.linear.gather [hbm4b:s30+s3], $0x1400, $0x38;
	[tilespmem:$0x1A800] =	vst v63  }
0x25: {  	_ =	swait.ge [sflag:s17], $0x1400  }
0x26: {  	[sflag:s17] =	ssyncset.done $0x0  }
0x27: {  	s31 =	simm.s32 $0x80;
	[sflag:s17] =	ssyncadd.s32 $0xFFFFEC00  }
0x28: {  	[spmem:s2] =	stream.indirect.scatter.add.f32 [tilespmem:s14], [sflag:$0x3], $0x80, s31, s16, $0xb8;
	[tilespmem:$0x1A800] =	vst v63  }
0x29: {  	_ =	swait.ge [sflag:s13], $0x1400  }
0x2a: {  	s21 =	smov.u32 s10;
	s20 =	simm.s32 $0x400;
	[sflag:s13] =	ssyncset.done $0x0  }
.LBB2_2:
0x2b: {  	p0 =	sne.s32 s20, $0xF400;
	[sflag:s13] =	ssyncadd.s32 $0xFFFFEC00;
	s21 =	sadd.s32 $0x500, s21  }
0x2c: {  	[tilespmem:s14], [sflag:$0x2] =	stream.linear.gather [hbm4b:s21+s3], $0x1400, $0x38;
	[tilespmem:$0x1A800] =	vst v63  }
0x2d: {  	s22 =	smov.u32 s20;
	s20 =	sadd.s32 $0x400, s20;
	_ =	swait.ge [sflag:s15], $0x1400  }
0x2e: {  	[sflag:s15] =	ssyncset.done $0x0  }
0x2f: {  	s22 =	sshra.s32 s22, $0x2;
	[sflag:s15] =	ssyncadd.s32 $0xFFFFEC00  }
0x30: {  	[spmem:s2] =	stream.indirect.scatter.add.f32 [tilespmem:s11], [sflag:$0x3], $0x80, s22, s16, $0xb8;
	[tilespmem:$0x1A800] =	vst v63  }
0x31: {  	_ =	swait.ge [sflag:s13], $0x1400  }
0x32: {  	[sflag:s13] =	ssyncset.done $0x0  }
0x33: {  	s23 =	sadd.s32 $0x280, s21;
	[sflag:s13] =	ssyncadd.s32 $0xFFFFEC00  }
0x34: {  	[tilespmem:s11], [sflag:$0x1] =	stream.linear.gather [hbm4b:s23+s3], $0x1400, $0x38;
	[tilespmem:$0x1A800] =	vst v63  }
0x35: {  	_ =	swait.ge [sflag:s17], $0x1400  }
.Ltmp0:
0x36: {  	[sflag:s17] =	ssyncset.done $0x0;
	(pc) =	sbr.rel @p0 .LBB2_2-.Ltmp0, $4  }
0x37: {  	s22 =	sadd.s32 $0x80, s22;
	[sflag:s17] =	ssyncadd.s32 $0xFFFFEC00  }
0x38: {  	[spmem:s2] =	stream.indirect.scatter.add.f32 [tilespmem:s14], [sflag:$0x3], $0x80, s22, s16, $0xb8;
	[tilespmem:$0x1A800] =	vst v63  }
0x39: {  	_ =	swait.ge [sflag:s13], $0x1400  }
0x3a: {  	[sflag:s13] =	ssyncset.done $0x0  }
0x3b: {  	[sflag:s13] =	ssyncadd.s32 $0xFFFFEC00  }
0x3c: {  	_ =	swait.ge [sflag:s15], $0x1400  }
0x3d: {  	[sflag:s15] =	ssyncset.done $0x0  }
0x3e: {  	[sflag:s15] =	ssyncadd.s32 $0xFFFFEC00  }
0x3f: {  	[spmem:s2] =	stream.indirect.scatter.add.f32 [tilespmem:s11], [sflag:$0x3], $0x80, s18, s16, $0xb8;
	[tilespmem:$0x1A800] =	vst v63  }
0x40: {  	_ =	swait.ge [sflag:s13], $0x1400  }
0x41: {  	s19 =	sadd.s32 $0x1, s19;
	[sflag:s13] =	ssyncset.done $0x0  }
0x42: {  	p0 =	sne.s32 s19, s9;
	[sflag:s13] =	ssyncadd.s32 $0xFFFFEC00  }
.Ltmp1:
0x43: {  	[bflag:$0x0] =	sbarrier.arrive $0xFFFF;
	(pc) =	sbr.rel @p0 .LBB2_1-.Ltmp1, $4  }
0x44: {  	[hbm:s8], [sflag:s6] =	dma.local [spmem:s12], $0x2800  }
0x45: {  	_ =	swait.ge [sflag:s13], $0x2800  }
0x46: {  	[sflag:s13] =	ssyncset.done $0x0  }
0x47: {  	[sflag:s13] =	ssyncadd.s32 $0xFFFFD800  }
0x48: {  	_ =	sfence.sel $0x180000  }
0x49: {  	[bflag:$0x0] =	sbarrier.arrive $0xFFFF  }
0x4a: {  	p0 =	sne.s32 s1, $0x0;
	_ =	strace $0x9000005C  }
0x4b: {  	s0 =	sadd.s32 @!p0 $0x100000, s0;
	[bflag:$0x2] =	sbarrier.arrive $0xFFFF  }
0x4c: {  	[sflag:s0] =	ssyncadd.tile.s32 @!p0 $0x1;
	_ =	shalt  }
.Lfunc_end2:
_tile_overlayer_lowered:
.L_overlay_start_2:
0x4d: {  	(tag) =	ssettag $0x2  }
0x4e: {  	s0 =	rddreg [dreg:$0x0];
	s2 =	stileid.u32  }
0x4f: {  	s1 =	rddreg [dreg:$0x1];
	p0 =	sne.s32 s2, $0x0  }
0x50: {  	s3 =	rddreg [dreg:$0x2];
	[bflag:$0x3] =	sbarrier.arrive $0xFFFF;
	s2 =	simm.s32 @!p0 $0x1C03  }
0x51: {  	[timem:s3], [sflag:s2] =	dma.local @!p0 [hbm:s0], s1  }
0x52: {  	s0 =	simm.s32 @!p0 $0x3  }
0x53: {  	_ =	swait.ge @!p0 [sflag:s0], s1  }
0x54: {  	s1 =	ssub.s32 @!p0 $0x0, s1;
	[sflag:s0] =	ssyncset.done @!p0 $0x0  }
0x55: {  	[sflag:s0] =	ssyncadd.s32 @!p0 s1  }
0x56: {  	[bflag:$0x3] =	sbarrier.arrive $0xFFFF  }
0x57: {  	_ =	shalt  }

// kernel: kernel.39.cloned.1.call-start
scs
__scs_entry_jumppad:
0x0: {  	(pc) =	sbr.rel $0x88, $3  }
0x1: {  	(tag) =	ssettag $0x0;
	lr =	simm.s32 $0x1  }
0x2: {  	[smem:$0x3F6E] =	sst lr;
	_ =	strace $0xD0000000  }
0x3: {  	_ = 	snop  }
0x4: {  	_ = 	snop  }
0x5: {  	_ = 	snop  }
0x6: {  	_ = 	snop  }
0x7: {  	_ = 	snop  }
__scs_overlays_trampoline_lowered:
0x8: {  	[smem:$0x3F7D] =	sst s0  }
0x9: {  	[smem:$0x3F7E] =	sst s1  }
0xa: {  	[smem:$0x3F7F] =	sst s2  }
0xb: {  	[smem:$0x3F80] =	sst s3  }
0xc: {  	[smem:$0x3F81] =	sst s4  }
0xd: {  	[smem:$0x3F82] =	sst s5  }
0xe: {  	[smem:$0x3F83] =	sst s6  }
0xf: {  	[smem:$0x3F84] =	sst s7  }
0x10: {  	[smem:$0x3F85] =	sst s8  }
0x11: {  	[smem:$0x3F86] =	sst s9;
	s0 =	simm.s32 @!p0 $0x0  }
0x12: {  	s1 =	sld [smem:$0x3F6C];
	s0 =	simm.s32 @p0 $0x1  }
0x13: {  	[smem:$0x3F87] =	sst s0;
	s0 =	simm.s32 @!p1 $0x0  }
0x14: {  	s2 =	sld [smem:$0x3F6B];
	s0 =	simm.s32 @p1 $0x1  }
0x15: {  	[smem:$0x3F88] =	sst s0;
	s0 =	simm.s32 @!p2 $0x0  }
0x16: {  	s3 =	sld [smem:$0x3FDB];
	s0 =	simm.s32 @p2 $0x1  }
0x17: {  	s4 =	simm.s32 $0x1BF5;
	[smem:$0x3F8A] =	sst s0  }
0x18: {  	s0 =	sld [smem:$0x3F6D];
	_ =	swait.ge [sflag:s4], $0x0  }
0x19: {  	s7 =	sld [smem:$0x3F6E]  }
0x1a: {  	s8 =	sadd.s32 $0xFFFFE003, lr  }
0x1b: {  	s9 =	sadd.s32 $0xFFFFFEF7, lr;
	s5 =	simm.s32 $0xFFFFFFFF;
	p2 =	slt.u32 s8, $0xFFFFF086  }
0x1c: {  	p1 =	slt.u32 s9, $0xF7A;
	s5 =	simm.s32 @!p2 $0x0  }
0x1d: {  	s5 =	simm.s32 @p1 $0x1;
	p0 =	seq.s32 s7, s2  }
0x1e: {  	s7 =	smul.u32 @!p0 $0xF7A, s2;
	p2 =	seq.s32 @!p0 s5, $0x0  }
0x1f: {  	s9 =	smul.u32 $0xF7A, s1;
	s8 =	simm.s32 @!p0 $0x1BF5;
	p2 =	por !p2, p0  }
0x20: {  	[sflag:s8] =	ssyncset.s32 @!p0 $0xFFFFF086;
	s6 =	sadd.s32 @!p0 s3, s7;
	s7 =	simm.s32 @!p0 $0x108  }
0x21: {  	s3 =	sadd.s32 s3, s9;
	s6 =	sadd.s32 @!p0 $0x88, s6;
	s7 =	simm.s32 @p2 $0x1082  }
0x22: {  	[simem:s7], [sflag:s8] =	dma.local @!p0 [hbm:s6], $0xF7A  }
0x23: {  	s9 =	sor.u32 $0xD0000000, s2;
	s6 =	simm.s32 $0x108;
	_ =	swait.ge @!p0 [sflag:s8], $0x0  }
0x24: {  	s3 =	sadd.s32 $0x88, s3;
	s6 =	simm.s32 @!p1 $0x1082;
	[sflag:s4] =	ssyncset.s32 $0xFFFFF086  }
0x25: {  	[simem:s6], [sflag:s4] =	dma.local [hbm:s3], $0xF7A  }
0x26: {  	[smem:$0x3F6E] =	sst s1;
	(tag) =	ssettag s2;
	_ =	strace s9  }
0x27: {  	s1 =	sld [smem:$0x3F7E]  }
0x28: {  	s2 =	sld [smem:$0x3F7F]  }
0x29: {  	s4 =	sld [smem:$0x3F81]  }
0x2a: {  	p0 =	seq.s32 s5, $0x0;
	s5 =	sld [smem:$0x3F82]  }
0x2b: {  	s6 =	sld [smem:$0x3F83]  }
0x2c: {  	s7 =	sld [smem:$0x3F84]  }
0x2d: {  	s3 =	simm.s32 $0x108;
	s8 =	sld [smem:$0x3F85]  }
0x2e: {  	s3 =	simm.s32 @!p0 $0x1082;
	s9 =	sld [smem:$0x3F86]  }
0x2f: {  	lr =	sadd.s32 s0, s3;
	s0 =	sld [smem:$0x3F7D]  }
0x30: {  	s3 =	sld [smem:$0x3F80]  }
0x31: {  	[smem:$0x3F89] =	sst s10  }
0x32: {  	s10 =	sld [smem:$0x3F87];
	_ =	sdelay $0x3  }
0x33: {  	p0 =	seq.s32 s10, $0x1;
	s10 =	sld [smem:$0x3F89];
	_ =	sdelay $0x3  }
0x34: {  	[smem:$0x3F89] =	sst s10  }
0x35: {  	s10 =	sld [smem:$0x3F88];
	_ =	sdelay $0x3  }
0x36: {  	p1 =	seq.s32 s10, $0x1;
	s10 =	sld [smem:$0x3F89];
	_ =	sdelay $0x3  }
0x37: {  	[smem:$0x3F89] =	sst s10  }
0x38: {  	s10 =	sld [smem:$0x3F8A]  }
0x39: {  	_ = 	snop;
	(pc) =	sbr.ind lr, $3  }
0x3a: {  	_ = 	snop  }
0x3b: {  	_ = 	snop  }
0x3c: {  	p2 =	seq.s32 s10, $0x1;
	s10 =	sld [smem:$0x3F89]  }
0x3d: {  	_ =	shalt  }
0x3e: {  	_ =	shalt  }
0x3f: {  	_ =	shalt  }
0x40: {  	_ =	shalt  }
0x41: {  	_ =	shalt  }
0x42: {  	_ =	shalt  }
0x43: {  	_ =	shalt  }
0x44: {  	_ =	shalt  }
0x45: {  	_ =	shalt  }
0x46: {  	_ =	shalt  }
0x47: {  	_ =	shalt  }
0x48: {  	_ =	shalt  }
0x49: {  	_ =	shalt  }
0x4a: {  	_ =	shalt  }
0x4b: {  	_ =	shalt  }
0x4c: {  	_ =	shalt  }
0x4d: {  	_ =	shalt  }
0x4e: {  	_ =	shalt  }
0x4f: {  	_ =	shalt  }
0x50: {  	_ =	shalt  }
0x51: {  	_ =	shalt  }
0x52: {  	_ =	shalt  }
0x53: {  	_ =	shalt  }
0x54: {  	_ =	shalt  }
0x55: {  	_ =	shalt  }
0x56: {  	_ =	shalt  }
0x57: {  	_ =	shalt  }
0x58: {  	_ =	shalt  }
0x59: {  	_ =	shalt  }
0x5a: {  	_ =	shalt  }
0x5b: {  	_ =	shalt  }
0x5c: {  	_ =	shalt  }
0x5d: {  	_ =	shalt  }
0x5e: {  	_ =	shalt  }
0x5f: {  	_ =	shalt  }
0x60: {  	_ =	shalt  }
0x61: {  	_ =	shalt  }
0x62: {  	_ =	shalt  }
0x63: {  	_ =	shalt  }
0x64: {  	_ =	shalt  }
0x65: {  	_ =	shalt  }
0x66: {  	_ =	shalt  }
0x67: {  	_ =	shalt  }
0x68: {  	_ =	shalt  }
0x69: {  	_ =	shalt  }
0x6a: {  	_ =	shalt  }
0x6b: {  	_ =	shalt  }
0x6c: {  	_ =	shalt  }
0x6d: {  	_ =	shalt  }
0x6e: {  	_ =	shalt  }
0x6f: {  	_ =	shalt  }
0x70: {  	_ =	shalt  }
0x71: {  	_ =	shalt  }
0x72: {  	_ =	shalt  }
0x73: {  	_ =	shalt  }
0x74: {  	_ =	shalt  }
0x75: {  	_ =	shalt  }
0x76: {  	_ =	shalt  }
0x77: {  	_ =	shalt  }
0x78: {  	_ =	shalt  }
0x79: {  	_ =	shalt  }
0x7a: {  	_ =	shalt  }
0x7b: {  	_ =	shalt  }
0x7c: {  	_ =	shalt  }
0x7d: {  	_ =	shalt  }
0x7e: {  	_ =	shalt  }
0x7f: {  	_ =	shalt  }
0x80: {  	_ =	shalt  }
0x81: {  	_ =	shalt  }
0x82: {  	_ =	shalt  }
0x83: {  	_ =	shalt  }
0x84: {  	_ =	shalt  }
0x85: {  	_ =	shalt  }
0x86: {  	_ =	shalt  }
0x87: {  	_ =	shalt  }
.Lfunc_end0:
.L_simem_size_0:
called_computation.7_lowered:
.L_overlay_start_0:
0x88: {  	s2 =	sld [smem:$0x3FD9]  }
0x89: {  	s3 =	sld [smem:$0x3FFE];
	_ =	sdelay $0x1  }
0x8a: {  	s1 =	srdreg.scid  }
0x8b: {  	s0 =	sand.u32 $0x1, s1  }
0x8c: {  	s17 =	sshll.u32 s0, $0xA;
	s2 =	sadd.s32 s3, s2  }
0x8d: {  	s2 =	sadd.s32 s2, s17  }
0x8e: {  	[smem:$0x3F95] =	sst s2  }
0x8f: {  	_ = 	snop  }
0x90: {  	(tm) =	ssettm $0x1  }
0x91: {  	s18 =	sld [smem:$0x3FFB];
	_ =	sdelay $0x3  }
0x92: {  	_ =	strace s18  }
0x93: {  	s2 =	sld [smem:$0x3FFC];
	_ =	sdelay $0x3  }
0x94: {  	_ =	strace s2  }
0x95: {  	s2 =	sld [smem:$0x3FFD];
	_ =	sdelay $0x3  }
0x96: {  	_ =	strace s2  }
0x97: {  	_ =	strace $0x8FFFFFFF  }
0x98: {  	s19 =	sld [smem:$0x3FDB];
	_ =	sdelay $0x1  }
0x99: {  	s20 =	simm.s32 $_scs_section_size  }
0x9a: {  	s4 =	simm.s32 $_size__tile_overlayer_lowered;
	s5 =	simm.s32 $_tile_overlayer_lowered  }
0x9b: {  	s6 =	simm.s32 $0x1BFF;
	s21 =	sshll.u32 s5, $0x1;
	s3 =	sadd.s32 s20, s19  }
0x9c: {  	s22 =	simm.s32 $0x0;
	s4 =	sshll.u32 s4, $0x1;
	s5 =	sadd.s32 s21, s3  }
0x9d: {  	[timem:s22], [sflag:s6] =	dma.local [hbm:s5], s4  }
0x9e: {  	_ =	swait.ge [sflag:s6], s4  }
0x9f: {  	s4 =	ssub.s32 $0x0, s4;
	[sflag:s6] =	ssyncset.done $0x0  }
0xa0: {  	[sflag:s6] =	ssyncadd.s32 s4;
	_ =	sdelay $0x1  }
0xa1: {  	s23 =	simm.s32 $0x1B8B  }
0xa2: {  	_ =	swait.ge [sflag:s23], $0x1  }
0xa3: {  	[sflag:s23] =	ssyncset.done $0x0  }
0xa4: {  	[sflag:s23] =	ssyncadd.s32 $0xFFFFFFFF  }
0xa5: {  	s4 =	sld [smem:$0x0]  }
0xa6: {  	s5 =	sand.u32 $0xFFFFFFFE, s1  }
0xa7: {  	p0 =	sne.s32 s1, s5  }
0xa8: {  	s5 =	sshll.u32 @p0 s5, $0xE  }
0xa9: {  	s5 =	sadd.s32 @p0 $0x11B8D, s5;
	s6 =	sshll.u32 @p0 s4, $0x11  }
0xaa: {  	s5 =	sor.u32 @p0 s6, s5  }
0xab: {  	[sflag:s5] =	ssyncadd.remote.s32 @p0 $0x1;
	_ =	sdelay $0x1  }
0xac: {  	s5 =	simm.s32 @p0 $0x1B8D  }
0xad: {  	_ =	swait.eq @p0 [sflag:s5], $0x1  }
0xae: {  	[sflag:s5] =	ssyncadd.s32 @p0 $0xFFFFFFFF  }
0xaf: {  	s6 =	sshll.u32 @!p0 s1, $0xE  }
0xb0: {  	s6 =	sor.u32 @!p0 $0x4000, s6;
	s5 =	simm.s32 @!p0 $0x1B8D  }
0xb1: {  	s4 =	sshll.u32 @!p0 s4, $0x11;
	s6 =	sadd.s32 @!p0 $0x11B8D, s6;
	_ =	swait.eq @!p0 [sflag:s5], $0x1  }
0xb2: {  	s4 =	sor.u32 @!p0 s4, s6;
	[sflag:s5] =	ssyncadd.s32 @!p0 $0xFFFFFFFF  }
0xb3: {  	s25 =	simm.s32 $0x1B8E;
	s24 =	sld [smem:$0x3FFE];
	[sflag:s4] =	ssyncadd.remote.s32 @!p0 $0x1  }
0xb4: {  	s26 =	simm.s32 $execute0_lowered;
	[smem:$0x3FD2] =	sst s25  }
0xb5: {  	s5 =	sshll.u32 s26, $0x1;
	_ =	strace $0x80000058;
	[dreg:$0x1] =	wrdreg $0xFFFFFFFF  }
0xb6: {  	s28 =	simm.s32 $_size_execute0_lowered;
	s3 =	sadd.s32 s3, s5;
	[dreg:$0x0] =	wrdreg $0x0  }
0xb7: {  	s5 =	sshll.u32 s28, $0x1;
	[dreg:$0x2] =	wrdreg s3  }
0xb8: {  	[dreg:$0x3] =	wrdreg s5  }
0xb9: {  	[dreg:$0x4] =	wrdreg $0xC0  }
0xba: {  	_ =	task [dreg:s22], $0x5FFFF  }
0xbb: {  	[dreg:$0x1] =	wrdreg $0xFFFFFFFF  }
0xbc: {  	[dreg:$0x0] =	wrdreg $0x60  }
0xbd: {  	[dreg:$0x2] =	wrdreg s24  }
0xbe: {  	[dreg:$0x3] =	wrdreg $0x68000  }
0xbf: {  	[dreg:$0x4] =	wrdreg $0xA  }
0xc0: {  	_ =	task.clear_ibuf [dreg:s22], $0x5FFFF;
	_ =	strace $0x90000058  }
0xc1: {  	s29 =	simm.s32 $0xA;
	_ =	strace $0x8000005A  }
0xc2: {  	_ =	swait.ge [sflag:s29], $0x1  }
0xc3: {  	[sflag:s29] =	ssyncadd.s32 $0xFFFFFFFF  }
0xc4: {  	_ =	strace $0x9000005A  }
0xc5: {  	_ =	sfence  }
0xc6: {  	s30 =	sld [smem:$0x0];
	_ =	sdelay $0x2  }
0xc7: {  	s31 =	sshll.u32 s1, $0xD;
	s1 =	sshrl.u32 s1, $0x2  }
0xc8: {  	s4 =	sand.u32 $0x4000, s31;
	s1 =	sadd.s32 s1, s30  }
0xc9: {  	s0 =	sor.u32 s4, s0;
	s1 =	sshll.u32 s1, $0x11  }
0xca: {  	s0 =	sor.u32 s1, s0  }
0xcb: {  	s0 =	sadd.s32 $0x8F2B, s0  }
0xcc: {  	[sflag:s0] =	ssyncadd.remote.s32 $0x1  }
0xcd: {  	_ =	sfence.sel $0xFFFF  }
0xce: {  	[dreg:$0x0] =	wrdreg $0xFFFFFFFF;
	(pc) =	sbr.abs _section_cstart, $3  }
0xcf: {  	[dreg:$0x1] =	wrdreg $0xFFFFFFFF  }
0xd0: {  	_ =	task.clear_ibuf [dreg:s22], $0x2FFFF;
	_ =	strace $0x9FFFFFFF  }
0xd1: {  	(tm) =	ssettm $0x7FFFFFFF  }
tec
execute0_lowered:
.L_overlay_start_1:
0x0: {  	(tag) =	ssettag $0x1  }
0x1: {  	s4 =	rddreg [dreg:$0x0];
	s0 =	srdreg.scid  }
0x2: {  	s2 =	rddreg [dreg:$0x1];
	s1 =	stileid.u32  }
0x3: {  	s3 =	simm.s32 $0x0;
	s16 =	simm.s32 $0x28;
	s17 =	simm.s32 $0x2  }
0x4: {  	s18 =	simm.s32 $0x3E00;
	s19 =	simm.s32 $0x0;
	s7 =	smul.u32 $0x14000, s1  }
0x5: {  	s5 =	sand.u32 $0x1, s0;
	s0 =	rddreg [dreg:$0x2];
	s12 =	smul.u32 $0x50000, s1  }
0x6: {  	[smem:$0x7FF] =	sst s3;
	s11 =	sadd.s32 $0x11AA000, s4;
	s15 =	smul.u32 $0x13880, s1  }
0x7: {  	s30 =	sshll.u32 s1, $0x6;
	s6 =	sshll.u32 s5, $0x4;
	s9 =	smul.u32 $0x140000, s5  }
0x8: {  	_ =	strace $0x80000059;
	s25 =	ssub.s32 $0x2, s5;
	s29 =	smul.u32 $0x138800, s5  }
0x9: {  	s6 =	sor.u32 s1, s6;
	s10 =	sshrl.u32 s7, $0x3;
	s26 =	sshrl.u32 s25, $0x1  }
0xa: {  	s28 =	sshrl.u32 s12, $0x2;
	s8 =	sshll.u32 s6, $0xB;
	s10 =	sadd.s32 s10, s4  }
0xb: {  	s7 =	sadd.s32 s7, s9;
	s6 =	smul.u32 $0x13880, s6;
	s9 =	ssub.s32 s25, s26  }
0xc: {  	s14 =	sadd.s32 s28, s2;
	s31 =	sadd.s32 s29, s11;
	s8 =	sadd.s32 s8, s4  }
0xd: {  	s7 =	sshrl.u32 s7, $0x3;
	s5 =	sadd.s32 $0x65400, s10;
	s10 =	sadd.s32 s15, s31  }
0xe: {  	s9 =	smax.u32 s9, $0x1;
	s12 =	sshrl.u32 s14, $0x3;
	s14 =	simm.s32 $0x5400  }
0xf: {  	s15 =	simm.s32 $0x1;
	s13 =	sadd.s32 s7, s4;
	s4 =	sadd.s32 s11, s6  }
0x10: {  	s6 =	sor.u32 $0x1C03, s30;
	s7 =	sadd.s32 $0xA47000, s8;
	s10 =	sadd.s32 $0x280, s10  }
0x11: {  	s11 =	simm.s32 $0x4000;
	s8 =	sadd.s32 $0x35E400, s13;
	s13 =	simm.s32 $0x3  }
.LBB2_1:
0x12: {  	[tilespmem:s11], [sflag:$0x1] =	stream.linear.gather [hbm4b:s4+s3], $0x1400, $0x38;
	[tilespmem:$0x1A800] =	vst v63  }
0x13: {  	[spmem:s12], [sflag:s6] =	dma.local [hbm:s5], $0x2800  }
0x14: {  	_ =	swait.ge [sflag:s13], $0x2800  }
0x15: {  	[sflag:s13] =	ssyncset.done $0x0  }
0x16: {  	[sflag:s13] =	ssyncadd.s32 $0xFFFFD800  }
0x17: {  	[tilespmem:s3], [sflag:$0x3] =	stream.linear.gather [hbm4b:s7+s3], $0x3E80, $0x38;
	[tilespmem:$0x1A800] =	vst v63  }
0x18: {  	_ =	swait.ge [sflag:s13], $0x3E80  }
0x19: {  	[sflag:s13] =	ssyncset.done $0x0  }
0x1a: {  	[sflag:s13] =	ssyncadd.s32 $0xFFFFC180  }
0x1b: {  	[bflag:$0x0] =	sbarrier.arrive $0xFFFF  }
0x1c: {  	[tilespmem:s14], [sflag:$0x2] =	stream.linear.gather [hbm4b:s10+s3], $0x1400, $0x38;
	[tilespmem:$0x1A800] =	vst v63  }
0x1d: {  	_ =	swait.ge [sflag:s15], $0x1400  }
0x1e: {  	[sflag:s15] =	ssyncset.done $0x0  }
0x1f: {  	s20 =	simm.s32 $0x0;
	[sflag:s15] =	ssyncadd.s32 $0xFFFFEC00  }
0x20: {  	[spmem:s2] =	stream.indirect.scatter.add.f32 [tilespmem:s11], [sflag:$0x3], $0x80, s20, s16, $0xb8;
	[tilespmem:$0x1A800] =	vst v63  }
0x21: {  	_ =	swait.ge [sflag:s13], $0x1400  }
0x22: {  	[sflag:s13] =	ssyncset.done $0x0  }
0x23: {  	s30 =	sadd.s32 $0x280, s10;
	[sflag:s13] =	ssyncadd.s32 $0xFFFFEC00  }
0x24: {  	[tilespmem:s11], [sflag:$0x1] =	stream.linear.gather [hbm4b:s30+s3], $0x1400, $0x38;
	[tilespmem:$0x1A800] =	vst v63  }
0x25: {  	_ =	swait.ge [sflag:s17], $0x1400  }
0x26: {  	[sflag:s17] =	ssyncset.done $0x0  }
0x27: {  	s31 =	simm.s32 $0x80;
	[sflag:s17] =	ssyncadd.s32 $0xFFFFEC00  }
0x28: {  	[spmem:s2] =	stream.indirect.scatter.add.f32 [tilespmem:s14], [sflag:$0x3], $0x80, s31, s16, $0xb8;
	[tilespmem:$0x1A800] =	vst v63  }
0x29: {  	_ =	swait.ge [sflag:s13], $0x1400  }
0x2a: {  	s21 =	smov.u32 s10;
	s20 =	simm.s32 $0x400;
	[sflag:s13] =	ssyncset.done $0x0  }
.LBB2_2:
0x2b: {  	p0 =	sne.s32 s20, $0xF400;
	[sflag:s13] =	ssyncadd.s32 $0xFFFFEC00;
	s21 =	sadd.s32 $0x500, s21  }
0x2c: {  	[tilespmem:s14], [sflag:$0x2] =	stream.linear.gather [hbm4b:s21+s3], $0x1400, $0x38;
	[tilespmem:$0x1A800] =	vst v63  }
0x2d: {  	s22 =	smov.u32 s20;
	s20 =	sadd.s32 $0x400, s20;
	_ =	swait.ge [sflag:s15], $0x1400  }
0x2e: {  	[sflag:s15] =	ssyncset.done $0x0  }
0x2f: {  	s22 =	sshra.s32 s22, $0x2;
	[sflag:s15] =	ssyncadd.s32 $0xFFFFEC00  }
0x30: {  	[spmem:s2] =	stream.indirect.scatter.add.f32 [tilespmem:s11], [sflag:$0x3], $0x80, s22, s16, $0xb8;
	[tilespmem:$0x1A800] =	vst v63  }
0x31: {  	_ =	swait.ge [sflag:s13], $0x1400  }
0x32: {  	[sflag:s13] =	ssyncset.done $0x0  }
0x33: {  	s23 =	sadd.s32 $0x280, s21;
	[sflag:s13] =	ssyncadd.s32 $0xFFFFEC00  }
0x34: {  	[tilespmem:s11], [sflag:$0x1] =	stream.linear.gather [hbm4b:s23+s3], $0x1400, $0x38;
	[tilespmem:$0x1A800] =	vst v63  }
0x35: {  	_ =	swait.ge [sflag:s17], $0x1400  }
.Ltmp0:
0x36: {  	[sflag:s17] =	ssyncset.done $0x0;
	(pc) =	sbr.rel @p0 .LBB2_2-.Ltmp0, $4  }
0x37: {  	s22 =	sadd.s32 $0x80, s22;
	[sflag:s17] =	ssyncadd.s32 $0xFFFFEC00  }
0x38: {  	[spmem:s2] =	stream.indirect.scatter.add.f32 [tilespmem:s14], [sflag:$0x3], $0x80, s22, s16, $0xb8;
	[tilespmem:$0x1A800] =	vst v63  }
0x39: {  	_ =	swait.ge [sflag:s13], $0x1400  }
0x3a: {  	[sflag:s13] =	ssyncset.done $0x0  }
0x3b: {  	[sflag:s13] =	ssyncadd.s32 $0xFFFFEC00  }
0x3c: {  	_ =	swait.ge [sflag:s15], $0x1400  }
0x3d: {  	[sflag:s15] =	ssyncset.done $0x0  }
0x3e: {  	[sflag:s15] =	ssyncadd.s32 $0xFFFFEC00  }
0x3f: {  	[spmem:s2] =	stream.indirect.scatter.add.f32 [tilespmem:s11], [sflag:$0x3], $0x80, s18, s16, $0xb8;
	[tilespmem:$0x1A800] =	vst v63  }
0x40: {  	_ =	swait.ge [sflag:s13], $0x1400  }
0x41: {  	s19 =	sadd.s32 $0x1, s19;
	[sflag:s13] =	ssyncset.done $0x0  }
0x42: {  	p0 =	sne.s32 s19, s9;
	[sflag:s13] =	ssyncadd.s32 $0xFFFFEC00  }
.Ltmp1:
0x43: {  	[bflag:$0x0] =	sbarrier.arrive $0xFFFF;
	(pc) =	sbr.rel @p0 .LBB2_1-.Ltmp1, $4  }
0x44: {  	[hbm:s8], [sflag:s6] =	dma.local [spmem:s12], $0x2800  }
0x45: {  	_ =	swait.ge [sflag:s13], $0x2800  }
0x46: {  	[sflag:s13] =	ssyncset.done $0x0  }
0x47: {  	[sflag:s13] =	ssyncadd.s32 $0xFFFFD800  }
0x48: {  	_ =	sfence.sel $0x180000  }
0x49: {  	[bflag:$0x0] =	sbarrier.arrive $0xFFFF  }
0x4a: {  	p0 =	sne.s32 s1, $0x0;
	_ =	strace $0x90000059  }
0x4b: {  	s0 =	sadd.s32 @!p0 $0x100000, s0;
	[bflag:$0x2] =	sbarrier.arrive $0xFFFF  }
0x4c: {  	[sflag:s0] =	ssyncadd.tile.s32 @!p0 $0x1;
	_ =	shalt  }
.Lfunc_end2:
_tile_overlayer_lowered:
.L_overlay_start_2:
0x4d: {  	(tag) =	ssettag $0x2  }
0x4e: {  	s0 =	rddreg [dreg:$0x0];
	s2 =	stileid.u32  }
0x4f: {  	s1 =	rddreg [dreg:$0x1];
	p0 =	sne.s32 s2, $0x0  }
0x50: {  	s3 =	rddreg [dreg:$0x2];
	[bflag:$0x3] =	sbarrier.arrive $0xFFFF;
	s2 =	simm.s32 @!p0 $0x1C03  }
0x51: {  	[timem:s3], [sflag:s2] =	dma.local @!p0 [hbm:s0], s1  }
0x52: {  	s0 =	simm.s32 @!p0 $0x3  }
0x53: {  	_ =	swait.ge @!p0 [sflag:s0], s1  }
0x54: {  	s1 =	ssub.s32 @!p0 $0x0, s1;
	[sflag:s0] =	ssyncset.done @!p0 $0x0  }
0x55: {  	[sflag:s0] =	ssyncadd.s32 @!p0 s1  }
0x56: {  	[bflag:$0x3] =	sbarrier.arrive $0xFFFF  }
0x57: {  	_ =	shalt  }

</sc_bundles>
